<compile_context>
chip_gen: v7x
topology: tpu7x:2x2x1
jax: 0.10.2.dev20260603
libtpu: 0.0.44.dev20260713+nightly
codegen_flags: <defaults>
</compile_context>

<pallas_src>
import jax
import jax.numpy as jnp
from jax import lax
from jax.experimental import pallas as pl
from jax.experimental.pallas import tpu as pltpu
from jax.experimental.pallas import tpu_sc as plsc

B = 4
H = W = 192
C = 96
HW = H * W
P = (2 * H) * (2 * W)
CB = 2
NBLK = C // CB
NC = 2
NS = 16
LANES = 16
NQ = NS // CB
POSQ = HW // NQ
NELEM = POSQ
SLAB = CB * P
SLICE = SLAB // NS
NTASK = B * NBLK
TPC = NTASK // NC


def _body(mask_hbm, upd_hbm, out_hbm,
          mbuf0, mbuf1, ubuf0, ubuf1, midx0, midx1, zbuf, accA, accB,
          msem, usem, ssem, dsemA, dsemB, zsemA, zsemB):
  cid = lax.axis_index("c")
  sid = lax.axis_index("s")
  kch = lax.bitwise_and(sid, CB - 1)
  q = lax.shift_right_logical(sid, 1)
  kd = lax.shift_right_logical(sid, 3)
  rd = lax.bitwise_and(sid, NQ - 1) * SLICE

  zeros16 = jnp.zeros((LANES,), jnp.float32)

  def zfill(i, _):
    zbuf[pl.ds(i * LANES, LANES)] = zeros16
    return 0
  lax.fori_loop(0, SLICE // LANES, zfill, 0)

  def zero_start(acc, zsem):
    pltpu.async_copy(zbuf, acc.at[pl.ds(sid * SLICE, SLICE)], zsem)

  def zero_wait(acc, zsem):
    pltpu.make_async_copy(
        zbuf, acc.at[pl.ds(sid * SLICE, SLICE)], zsem
    ).wait()

  def src_slices(t):
    task_id = t * NC + cid
    b = task_id // NBLK
    c = (task_id % NBLK) * CB + kch
    pos0 = q * POSQ
    return b, c, pos0

  def start_in(t, mb, ub):
    b, c, pos0 = src_slices(t)
    pltpu.async_copy(mask_hbm.at[b, c, pl.ds(pos0, POSQ)], mb, msem)
    pltpu.async_copy(upd_hbm.at[b, c, pl.ds(pos0, POSQ)], ub, usem)

  def wait_in(t, mb, ub):
    b, c, pos0 = src_slices(t)
    pltpu.make_async_copy(
        mask_hbm.at[b, c, pl.ds(pos0, POSQ)], mb, msem
    ).wait()
    pltpu.make_async_copy(
        upd_hbm.at[b, c, pl.ds(pos0, POSQ)], ub, usem
    ).wait()

  cvec = jnp.full((LANES,), C, jnp.int32)

  def compute_idx(mb, mx):
    for k in range(CB):
      @pl.when(kch == k)
      def _(k=k):
        kvec = jnp.full((LANES,), k * P, jnp.int32)

        def compute(i, _):
          m = mb[pl.ds(i * LANES, LANES)]
          mx[pl.ds(i * LANES, LANES)] = lax.div(m, cvec) + kvec
          return 0
        lax.fori_loop(0, NELEM // LANES, compute, 0)

  def drain_ref(t):
    task_id = t * NC + cid
    b = task_id // NBLK
    c0 = (task_id % NBLK) * CB
    return out_hbm.at[b, c0 + kd, pl.ds(rd, SLICE)]

  def drain_start(t, acc, dsem):
    pltpu.async_copy(acc.at[pl.ds(sid * SLICE, SLICE)], drain_ref(t), dsem)

  def drain_wait(t, acc, dsem):
    pltpu.make_async_copy(
        acc.at[pl.ds(sid * SLICE, SLICE)], drain_ref(t), dsem
    ).wait()

  zero_start(accA, zsemA)
  zero_start(accB, zsemB)
  start_in(0, mbuf0, ubuf0)
  wait_in(0, mbuf0, ubuf0)
  compute_idx(mbuf0, midx0)
  start_in(1, mbuf1, ubuf1)

  def step(t, cur, nxt):
    mb_c, ub_c, mx_c, acc_c, dsem_c, zsem_c = cur
    mb_n, ub_n, mx_n, acc_n, dsem_n, zsem_n = nxt

    zero_wait(acc_c, zsem_c)
    plsc.subcore_barrier()

    pltpu.async_copy(ub_c, acc_c.at[mx_c], ssem, add=True)
    tn = lax.min(t + 1, TPC - 1)
    wait_in(tn, mb_n, ub_n)
    compute_idx(mb_n, mx_n)
    pltpu.make_async_copy(ub_c, acc_c.at[mx_c], ssem).wait()
    plsc.subcore_barrier()

    drain_start(t, acc_c, dsem_c)

    @pl.when(t > 0)
    def _():
      drain_wait(t - 1, acc_n, dsem_n)
      zero_start(acc_n, zsem_n)

    start_in(lax.min(t + 2, TPC - 1), mb_c, ub_c)
    return 0

  bufs0 = (mbuf0, ubuf0, midx0, accA, dsemA, zsemA)
  bufs1 = (mbuf1, ubuf1, midx1, accB, dsemB, zsemB)

  def task(t, _):
    even = lax.bitwise_and(t, 1) == 0

    @pl.when(even)
    def _():
      step(t, bufs0, bufs1)

    @pl.when(~even)
    def _():
      step(t, bufs1, bufs0)

    return 0

  lax.fori_loop(0, TPC, task, 0)

  drain_wait(TPC - 1, accB, dsemB)
  zero_wait(accA, zsemA)
  wait_in(TPC - 1, mbuf1, ubuf1)


@jax.jit
def kernel(updates, mask):
  mask_t = jnp.transpose(mask.astype(jnp.int32).reshape(B, HW, C), (0, 2, 1))
  upd_t = jnp.transpose(updates.reshape(B, HW, C), (0, 2, 1))
  mesh = plsc.VectorSubcoreMesh(
      core_axis_name="c", subcore_axis_name="s", num_cores=NC, num_subcores=NS
  )
  out_t = pl.kernel(
      _body,
      out_type=jax.ShapeDtypeStruct((B, C, P), jnp.float32),
      mesh=mesh,
      scratch_types=[
          pltpu.VMEM((NELEM,), jnp.int32),
          pltpu.VMEM((NELEM,), jnp.int32),
          pltpu.VMEM((NELEM,), jnp.float32),
          pltpu.VMEM((NELEM,), jnp.float32),
          pltpu.VMEM((NELEM,), jnp.int32),
          pltpu.VMEM((NELEM,), jnp.int32),
          pltpu.VMEM((SLICE,), jnp.float32),
          pltpu.VMEM_SHARED((SLAB,), jnp.float32),
          pltpu.VMEM_SHARED((SLAB,), jnp.float32),
          pltpu.SemaphoreType.DMA,
          pltpu.SemaphoreType.DMA,
          pltpu.SemaphoreType.DMA,
          pltpu.SemaphoreType.DMA,
          pltpu.SemaphoreType.DMA,
          pltpu.SemaphoreType.DMA,
          pltpu.SemaphoreType.DMA,
      ],
  )(mask_t, upd_t)
  return jnp.transpose(out_t, (0, 2, 1)).reshape(B, 2 * H, 2 * W, C)

# --- scband reference (transcript-rebuilt; emitter-appended) ---
"""Pipeline reference for scband-max-unpooling2-d-1082331758744 (READ-ONLY COPY).

The authoritative reference and input builder live on the scoring server;
editing this copy changes nothing except your own understanding.
"""

import jax, jax.numpy as jnp
import numpy as np

SIZE = (2, 2)

def setup_inputs(seed: int = 0) -> dict:
    key = jax.random.key(seed)
    k1, k2 = jax.random.split(key)
    B, H, W, C = 4, 192, 192, 96
    Ho, Wo = H * SIZE[0], W * SIZE[1]
    updates = jax.random.normal(k1, (B, H, W, C), dtype=jnp.float32)
    # mask mimics tf.nn.max_pool_with_argmax (include_batch_in_index=False):
    # values encode flattened (y*Wo + x)*C + f positions in the unpooled output.
    mask = jax.random.randint(k2, (B, H, W, C), 0, Ho * Wo * C, dtype=jnp.int64)
    return {"updates": updates, "mask": mask}

def reference(updates, mask):
    # Faithful JAX translation of MaxUnpooling2D.call
    mask = mask.astype(jnp.int32)
    B, H, W, C = updates.shape
    Ho, Wo = H * SIZE[0], W * SIZE[1]
    output_shape = (B, Ho, Wo, C)
    one_like_mask = jnp.ones_like(mask, dtype=jnp.int32)
    batch_range = jnp.arange(B, dtype=jnp.int32).reshape(B, 1, 1, 1)
    b = one_like_mask * batch_range
    y = mask // (Wo * C)
    x = (mask // C) % Wo
    feature_range = jnp.arange(C, dtype=jnp.int32)
    f = one_like_mask * feature_range
    updates_size = updates.size
    b_f = b.reshape(updates_size)
    y_f = y.reshape(updates_size)
    x_f = x.reshape(updates_size)
    f_f = f.reshape(updates_size)
    values = updates.reshape(updates_size)
    # tf.scatter_nd sums duplicate indices; emulate with zeros().at[...].add
    ret = jnp.zeros(output_shape, dtype=updates.dtype).at[b_f, y_f, x_f, f_f].add(values)
    return ret

if __name__ == "__main__":
    import jax
    _d = setup_inputs()
    print(jax.jit(kernel)(*tuple(_d.values())))

</pallas_src>

<mosaic_0001>
#map = affine_map<(d0, d1) -> (0, 0, 0)>
module attributes {stable_mosaic.version = 14 : i64} {
  func.func @_body(%arg0: i32, %arg1: i32, %arg2: memref<4x96x36864xi32, #tpu.memory_space<hbm>>, %arg3: memref<4x96x36864xf32, #tpu.memory_space<hbm>>, %arg4: memref<4x96x147456xf32, #tpu.memory_space<hbm>>, %arg5: memref<4608xi32, #tpu.memory_space<vmem>>, %arg6: memref<4608xi32, #tpu.memory_space<vmem>>, %arg7: memref<4608xf32, #tpu.memory_space<vmem>>, %arg8: memref<4608xf32, #tpu.memory_space<vmem>>, %arg9: memref<4608xi32, #tpu.memory_space<vmem>>, %arg10: memref<4608xi32, #tpu.memory_space<vmem>>, %arg11: memref<18432xf32, #tpu.memory_space<vmem>>, %arg12: memref<294912xf32, #tpu.memory_space<vmem_shared>>, %arg13: memref<294912xf32, #tpu.memory_space<vmem_shared>>, %arg14: memref<!tpu.dma_semaphore, #tpu.memory_space<semaphore_mem>>, %arg15: memref<!tpu.dma_semaphore, #tpu.memory_space<semaphore_mem>>, %arg16: memref<!tpu.dma_semaphore, #tpu.memory_space<semaphore_mem>>, %arg17: memref<!tpu.dma_semaphore, #tpu.memory_space<semaphore_mem>>, %arg18: memref<!tpu.dma_semaphore, #tpu.memory_space<semaphore_mem>>, %arg19: memref<!tpu.dma_semaphore, #tpu.memory_space<semaphore_mem>>, %arg20: memref<!tpu.dma_semaphore, #tpu.memory_space<semaphore_mem>>) attributes {dimension_semantics = [#tpu.dimension_semantics<core_parallel>, #tpu.dimension_semantics<subcore_parallel>], iteration_bounds = array<i64: 2, 16>, scalar_prefetch = 0 : i64, scratch_operands = 16 : i64, tpu.core_type = #tpu.core_type<sc_vector_subcore>, window_params = [{transform_indices = #map}, {transform_indices = #map}, {transform_indices = #map}]} {
    %and3A = arith.constant 1 : i32
    %and3A_0 = arith.andi %arg1, %and3A : i32
    %shift_right_logical3A = arith.constant 1 : i32
    %shift_right_logical3A_1 = arith.shrui %arg1, %shift_right_logical3A : i32
    %shift_right_logical3A_2 = arith.constant 3 : i32
    %shift_right_logical3A_3 = arith.shrui %arg1, %shift_right_logical3A_2 : i32
    %and3A_4 = arith.constant 7 : i32
    %and3A_5 = arith.andi %arg1, %and3A_4 : i32
    %mul3A = arith.constant 18432 : i32
    %mul3A_6 = arith.muli %and3A_5, %mul3A : i32
    %broadcast_in_dim3A = arith.constant 0.000000e+00 : f32
    %broadcast_in_dim3A_7 = vector.broadcast %broadcast_in_dim3A : f32 to vector<16xf32>
    %scan3A = arith.constant 0 : i32
    %scan3A_8 = arith.constant 0 : i32
    %scan3A_9 = arith.constant 1152 : i32
    %scan3A_10 = arith.addi %scan3A_8, %scan3A_9 : i32
    %scan3A_11 = arith.constant 1 : i32
    %scan3A_12 = scf.for %scan3A_301 = %scan3A_8 to %scan3A_10 step %scan3A_11 iter_args(%scan3A_302 = %scan3A) -> (i32)  : i32 {
      %mul3A_303 = arith.constant 16 : i32
      %mul3A_304 = arith.muli %scan3A_301, %mul3A_303 : i32
      %swap3A = arith.index_cast %mul3A_304 : i32 to index
      %swap3A_305 = tpu.vector_load %arg11[%swap3A] {strides = array<i32>} : memref<18432xf32, #tpu.memory_space<vmem>>, vector<16xf32>,
      %swap3A_306 = vector.shape_cast %swap3A_305 : vector<16xf32> to vector<16xf32>
      %swap3A_307 = vector.shape_cast %broadcast_in_dim3A_7 : vector<16xf32> to vector<16xf32>
      tpu.vector_store %arg11[%swap3A], %swap3A_307 {strides = array<i32>} : memref<18432xf32, #tpu.memory_space<vmem>>, vector<16xf32>,
      %scan3A_308 = arith.constant 0 : i32
      scf.yield %scan3A_308 : i32
    }
    %scan3A_13 = arith.constant 1152 : i32
    %broadcast_in_dim3A_14 = arith.constant 96 : i32
    %broadcast_in_dim3A_15 = vector.broadcast %broadcast_in_dim3A_14 : i32 to vector<16xi32>
    %mul3A_16 = arith.constant 18432 : i32
    %mul3A_17 = arith.muli %arg1, %mul3A_16 : i32
    %dma_start3A = tpu.memref_slice %arg12[%mul3A_17] : memref<294912xf32, #tpu.memory_space<vmem_shared>> -> memref<18432xf32, #tpu.memory_space<vmem_shared>>
    %dma_start3A_18 = tpu.memref_slice %arg12[%mul3A_17] : memref<294912xf32, #tpu.memory_space<vmem_shared>> -> memref<18432xf32, #tpu.memory_space<vmem_shared>>
    tpu.enqueue_dma source(%arg11 : memref<18432xf32, #tpu.memory_space<vmem>>) target(%dma_start3A_18 : memref<18432xf32, #tpu.memory_space<vmem_shared>>) target_semaphore(%arg19 : memref<!tpu.dma_semaphore, #tpu.memory_space<semaphore_mem>>)
    %mul3A_19 = arith.constant 18432 : i32
    %mul3A_20 = arith.muli %arg1, %mul3A_19 : i32
    %dma_start3A_21 = tpu.memref_slice %arg13[%mul3A_20] : memref<294912xf32, #tpu.memory_space<vmem_shared>> -> memref<18432xf32, #tpu.memory_space<vmem_shared>>
    %dma_start3A_22 = tpu.memref_slice %arg13[%mul3A_20] : memref<294912xf32, #tpu.memory_space<vmem_shared>> -> memref<18432xf32, #tpu.memory_space<vmem_shared>>
    tpu.enqueue_dma source(%arg11 : memref<18432xf32, #tpu.memory_space<vmem>>) target(%dma_start3A_22 : memref<18432xf32, #tpu.memory_space<vmem_shared>>) target_semaphore(%arg20 : memref<!tpu.dma_semaphore, #tpu.memory_space<semaphore_mem>>)
    %add3A = arith.constant 0 : i32
    %add3A_23 = arith.addi %add3A, %arg0 : i32
    %jit3A = arith.constant 48 : i32
    %div3A = arith.divsi %add3A_23, %jit3A : i32
    %sign3A = arith.constant 0 : i32
    %sign3A_24 = arith.cmpi sgt, %add3A_23, %sign3A : i32
    %sign3A_25 = arith.extui %sign3A_24 : i1 to i32
    %sign3A_26 = arith.constant 0 : i32
    %sign3A_27 = arith.cmpi slt, %add3A_23, %sign3A_26 : i32
    %sign3A_28 = arith.extui %sign3A_27 : i1 to i32
    %sign3A_29 = arith.subi %sign3A_25, %sign3A_28 : i32
    %sign3A_30 = arith.constant 0 : i32
    %sign3A_31 = arith.cmpi sgt, %jit3A, %sign3A_30 : i32
    %sign3A_32 = arith.extui %sign3A_31 : i1 to i32
    %sign3A_33 = arith.constant 0 : i32
    %sign3A_34 = arith.cmpi slt, %jit3A, %sign3A_33 : i32
    %sign3A_35 = arith.extui %sign3A_34 : i1 to i32
    %sign3A_36 = arith.subi %sign3A_32, %sign3A_35 : i32
    %ne3A = arith.cmpi ne, %sign3A_29, %sign3A_36 : i32
    %rem3A = arith.remsi %add3A_23, %jit3A : i32
    %ne3A_37 = arith.constant 0 : i32
    %ne3A_38 = arith.cmpi ne, %rem3A, %ne3A_37 : i32
    %and3A_39 = arith.andi %ne3A, %ne3A_38 : i1
    %sub3A = arith.constant 1 : i32
    %sub3A_40 = arith.subi %div3A, %sub3A : i32
    %select_n3A = arith.select %and3A_39, %sub3A_40, %div3A : i32
    %jit3A_41 = arith.constant 48 : i32
    %eq3A = arith.constant 0 : i32
    %eq3A_42 = arith.cmpi eq, %jit3A_41, %eq3A : i32
    %jit3A_43 = arith.constant 1 : i32
    %select_n3A_44 = arith.select %eq3A_42, %jit3A_43, %jit3A_41 : i32
    %rem3A_45 = arith.remsi %add3A_23, %select_n3A_44 : i32
    %ne3A_46 = arith.constant 0 : i32
    %ne3A_47 = arith.cmpi ne, %rem3A_45, %ne3A_46 : i32
    %lt3A = arith.constant 0 : i32
    %lt3A_48 = arith.cmpi slt, %rem3A_45, %lt3A : i32
    %lt3A_49 = arith.constant 0 : i32
    %lt3A_50 = arith.cmpi slt, %select_n3A_44, %lt3A_49 : i32
    %ne3A_51 = arith.xori %lt3A_48, %lt3A_50 : i1
    %and3A_52 = arith.andi %ne3A_51, %ne3A_47 : i1
    %add3A_53 = arith.addi %rem3A_45, %select_n3A_44 : i32
    %select_n3A_54 = arith.select %and3A_52, %add3A_53, %rem3A_45 : i32
    %mul3A_55 = arith.constant 2 : i32
    %mul3A_56 = arith.muli %select_n3A_54, %mul3A_55 : i32
    %add3A_57 = arith.addi %mul3A_56, %and3A_0 : i32
    %mul3A_58 = arith.constant 4608 : i32
    %mul3A_59 = arith.muli %shift_right_logical3A_1, %mul3A_58 : i32
    %dma_start3A_60 = tpu.memref_slice %arg2[%select_n3A, %add3A_57, %mul3A_59] : memref<4x96x36864xi32, #tpu.memory_space<hbm>> -> memref<1x1x4608xi32, #tpu.memory_space<hbm>>
    %dma_start3A_61 = tpu.memref_squeeze %dma_start3A_60 : memref<1x1x4608xi32, #tpu.memory_space<hbm>> -> memref<4608xi32, #tpu.memory_space<hbm>>
    %dma_start3A_62 = tpu.memref_slice %arg2[%select_n3A, %add3A_57, %mul3A_59] : memref<4x96x36864xi32, #tpu.memory_space<hbm>> -> memref<1x1x4608xi32, #tpu.memory_space<hbm>>
    %dma_start3A_63 = tpu.memref_squeeze %dma_start3A_62 : memref<1x1x4608xi32, #tpu.memory_space<hbm>> -> memref<4608xi32, #tpu.memory_space<hbm>>
    tpu.enqueue_dma source(%dma_start3A_63 : memref<4608xi32, #tpu.memory_space<hbm>>) target(%arg5 : memref<4608xi32, #tpu.memory_space<vmem>>) target_semaphore(%arg14 : memref<!tpu.dma_semaphore, #tpu.memory_space<semaphore_mem>>)
    %dma_start3A_64 = tpu.memref_slice %arg3[%select_n3A, %add3A_57, %mul3A_59] : memref<4x96x36864xf32, #tpu.memory_space<hbm>> -> memref<1x1x4608xf32, #tpu.memory_space<hbm>>
    %dma_start3A_65 = tpu.memref_squeeze %dma_start3A_64 : memref<1x1x4608xf32, #tpu.memory_space<hbm>> -> memref<4608xf32, #tpu.memory_space<hbm>>
    %dma_start3A_66 = tpu.memref_slice %arg3[%select_n3A, %add3A_57, %mul3A_59] : memref<4x96x36864xf32, #tpu.memory_space<hbm>> -> memref<1x1x4608xf32, #tpu.memory_space<hbm>>
    %dma_start3A_67 = tpu.memref_squeeze %dma_start3A_66 : memref<1x1x4608xf32, #tpu.memory_space<hbm>> -> memref<4608xf32, #tpu.memory_space<hbm>>
    tpu.enqueue_dma source(%dma_start3A_67 : memref<4608xf32, #tpu.memory_space<hbm>>) target(%arg7 : memref<4608xf32, #tpu.memory_space<vmem>>) target_semaphore(%arg15 : memref<!tpu.dma_semaphore, #tpu.memory_space<semaphore_mem>>)
    %add3A_68 = arith.constant 0 : i32
    %add3A_69 = arith.addi %add3A_68, %arg0 : i32
    %jit3A_70 = arith.constant 48 : i32
    %div3A_71 = arith.divsi %add3A_69, %jit3A_70 : i32
    %sign3A_72 = arith.constant 0 : i32
    %sign3A_73 = arith.cmpi sgt, %add3A_69, %sign3A_72 : i32
    %sign3A_74 = arith.extui %sign3A_73 : i1 to i32
    %sign3A_75 = arith.constant 0 : i32
    %sign3A_76 = arith.cmpi slt, %add3A_69, %sign3A_75 : i32
    %sign3A_77 = arith.extui %sign3A_76 : i1 to i32
    %sign3A_78 = arith.subi %sign3A_74, %sign3A_77 : i32
    %sign3A_79 = arith.constant 0 : i32
    %sign3A_80 = arith.cmpi sgt, %jit3A_70, %sign3A_79 : i32
    %sign3A_81 = arith.extui %sign3A_80 : i1 to i32
    %sign3A_82 = arith.constant 0 : i32
    %sign3A_83 = arith.cmpi slt, %jit3A_70, %sign3A_82 : i32
    %sign3A_84 = arith.extui %sign3A_83 : i1 to i32
    %sign3A_85 = arith.subi %sign3A_81, %sign3A_84 : i32
    %ne3A_86 = arith.cmpi ne, %sign3A_78, %sign3A_85 : i32
    %rem3A_87 = arith.remsi %add3A_69, %jit3A_70 : i32
    %ne3A_88 = arith.constant 0 : i32
    %ne3A_89 = arith.cmpi ne, %rem3A_87, %ne3A_88 : i32
    %and3A_90 = arith.andi %ne3A_86, %ne3A_89 : i1
    %sub3A_91 = arith.constant 1 : i32
    %sub3A_92 = arith.subi %div3A_71, %sub3A_91 : i32
    %select_n3A_93 = arith.select %and3A_90, %sub3A_92, %div3A_71 : i32
    %jit3A_94 = arith.constant 48 : i32
    %eq3A_95 = arith.constant 0 : i32
    %eq3A_96 = arith.cmpi eq, %jit3A_94, %eq3A_95 : i32
    %jit3A_97 = arith.constant 1 : i32
    %select_n3A_98 = arith.select %eq3A_96, %jit3A_97, %jit3A_94 : i32
    %rem3A_99 = arith.remsi %add3A_69, %select_n3A_98 : i32
    %ne3A_100 = arith.constant 0 : i32
    %ne3A_101 = arith.cmpi ne, %rem3A_99, %ne3A_100 : i32
    %lt3A_102 = arith.constant 0 : i32
    %lt3A_103 = arith.cmpi slt, %rem3A_99, %lt3A_102 : i32
    %lt3A_104 = arith.constant 0 : i32
    %lt3A_105 = arith.cmpi slt, %select_n3A_98, %lt3A_104 : i32
    %ne3A_106 = arith.xori %lt3A_103, %lt3A_105 : i1
    %and3A_107 = arith.andi %ne3A_106, %ne3A_101 : i1
    %add3A_108 = arith.addi %rem3A_99, %select_n3A_98 : i32
    %select_n3A_109 = arith.select %and3A_107, %add3A_108, %rem3A_99 : i32
    %mul3A_110 = arith.constant 2 : i32
    %mul3A_111 = arith.muli %select_n3A_109, %mul3A_110 : i32
    %add3A_112 = arith.addi %mul3A_111, %and3A_0 : i32
    %mul3A_113 = arith.constant 4608 : i32
    %mul3A_114 = arith.muli %shift_right_logical3A_1, %mul3A_113 : i32
    %dma_wait3A = tpu.memref_slice %arg2[%select_n3A_93, %add3A_112, %mul3A_114] : memref<4x96x36864xi32, #tpu.memory_space<hbm>> -> memref<1x1x4608xi32, #tpu.memory_space<hbm>>
    %dma_wait3A_115 = tpu.memref_squeeze %dma_wait3A : memref<1x1x4608xi32, #tpu.memory_space<hbm>> -> memref<4608xi32, #tpu.memory_space<hbm>>
    %dma_wait3A_116 = tpu.memref_slice %arg2[%select_n3A_93, %add3A_112, %mul3A_114] : memref<4x96x36864xi32, #tpu.memory_space<hbm>> -> memref<1x1x4608xi32, #tpu.memory_space<hbm>>
    %dma_wait3A_117 = tpu.memref_squeeze %dma_wait3A_116 : memref<1x1x4608xi32, #tpu.memory_space<hbm>> -> memref<4608xi32, #tpu.memory_space<hbm>>
    tpu.wait_dma2 semaphore(%arg14 : memref<!tpu.dma_semaphore, #tpu.memory_space<semaphore_mem>>) src(%dma_wait3A_117 : memref<4608xi32, #tpu.memory_space<hbm>>) dst(%arg5 : memref<4608xi32, #tpu.memory_space<vmem>>)
    %dma_wait3A_118 = tpu.memref_slice %arg3[%select_n3A_93, %add3A_112, %mul3A_114] : memref<4x96x36864xf32, #tpu.memory_space<hbm>> -> memref<1x1x4608xf32, #tpu.memory_space<hbm>>
    %dma_wait3A_119 = tpu.memref_squeeze %dma_wait3A_118 : memref<1x1x4608xf32, #tpu.memory_space<hbm>> -> memref<4608xf32, #tpu.memory_space<hbm>>
    %dma_wait3A_120 = tpu.memref_slice %arg3[%select_n3A_93, %add3A_112, %mul3A_114] : memref<4x96x36864xf32, #tpu.memory_space<hbm>> -> memref<1x1x4608xf32, #tpu.memory_space<hbm>>
    %dma_wait3A_121 = tpu.memref_squeeze %dma_wait3A_120 : memref<1x1x4608xf32, #tpu.memory_space<hbm>> -> memref<4608xf32, #tpu.memory_space<hbm>>
    tpu.wait_dma2 semaphore(%arg15 : memref<!tpu.dma_semaphore, #tpu.memory_space<semaphore_mem>>) src(%dma_wait3A_121 : memref<4608xf32, #tpu.memory_space<hbm>>) dst(%arg7 : memref<4608xf32, #tpu.memory_space<vmem>>)
    %eq3A_122 = arith.constant 0 : i32
    %eq3A_123 = arith.cmpi eq, %and3A_0, %eq3A_122 : i32
    %convert_element_type3A = arith.extui %eq3A_123 : i1 to i32
    %cond3A = arith.constant 0 : i32
    %cond3A_124 = arith.cmpi ne, %convert_element_type3A, %cond3A : i32
    scf.if %cond3A_124 {
      %broadcast_in_dim3A_301 = arith.constant 0 : i32
      %broadcast_in_dim3A_302 = vector.broadcast %broadcast_in_dim3A_301 : i32 to vector<16xi32>
      %scan3A_303 = arith.constant 0 : i32
      %scan3A_304 = arith.constant 0 : i32
      %scan3A_305 = arith.constant 288 : i32
      %scan3A_306 = arith.addi %scan3A_304, %scan3A_305 : i32
      %scan3A_307 = arith.constant 1 : i32
      %scan3A_308 = scf.for %scan3A_310 = %scan3A_304 to %scan3A_306 step %scan3A_307 iter_args(%scan3A_311 = %scan3A_303) -> (i32)  : i32 {
        %mul3A_312 = arith.constant 16 : i32
        %mul3A_313 = arith.muli %scan3A_310, %mul3A_312 : i32
        %get3A = arith.index_cast %mul3A_313 : i32 to index
        %get3A_314 = tpu.vector_load %arg5[%get3A] {strides = array<i32>} : memref<4608xi32, #tpu.memory_space<vmem>>, vector<16xi32>,
        %get3A_315 = vector.shape_cast %get3A_314 : vector<16xi32> to vector<16xi32>
        %div3A_316 = arith.divsi %get3A_315, %broadcast_in_dim3A_15 : vector<16xi32>
        %add3A_317 = arith.addi %div3A_316, %broadcast_in_dim3A_302 : vector<16xi32>
        %mul3A_318 = arith.constant 16 : i32
        %mul3A_319 = arith.muli %scan3A_310, %mul3A_318 : i32
        %swap3A = arith.index_cast %mul3A_319 : i32 to index
        %swap3A_320 = tpu.vector_load %arg9[%swap3A] {strides = array<i32>} : memref<4608xi32, #tpu.memory_space<vmem>>, vector<16xi32>,
        %swap3A_321 = vector.shape_cast %swap3A_320 : vector<16xi32> to vector<16xi32>
        %swap3A_322 = vector.shape_cast %add3A_317 : vector<16xi32> to vector<16xi32>
        tpu.vector_store %arg9[%swap3A], %swap3A_322 {strides = array<i32>} : memref<4608xi32, #tpu.memory_space<vmem>>, vector<16xi32>,
        %scan3A_323 = arith.constant 0 : i32
        scf.yield %scan3A_323 : i32
      }
      %scan3A_309 = arith.constant 288 : i32
    } else {
    }
    %eq3A_125 = arith.constant 1 : i32
    %eq3A_126 = arith.cmpi eq, %and3A_0, %eq3A_125 : i32
    %convert_element_type3A_127 = arith.extui %eq3A_126 : i1 to i32
    %cond3A_128 = arith.constant 0 : i32
    %cond3A_129 = arith.cmpi ne, %convert_element_type3A_127, %cond3A_128 : i32
    scf.if %cond3A_129 {
      %broadcast_in_dim3A_301 = arith.constant 147456 : i32
      %broadcast_in_dim3A_302 = vector.broadcast %broadcast_in_dim3A_301 : i32 to vector<16xi32>
      %scan3A_303 = arith.constant 0 : i32
      %scan3A_304 = arith.constant 0 : i32
      %scan3A_305 = arith.constant 288 : i32
      %scan3A_306 = arith.addi %scan3A_304, %scan3A_305 : i32
      %scan3A_307 = arith.constant 1 : i32
      %scan3A_308 = scf.for %scan3A_310 = %scan3A_304 to %scan3A_306 step %scan3A_307 iter_args(%scan3A_311 = %scan3A_303) -> (i32)  : i32 {
        %mul3A_312 = arith.constant 16 : i32
        %mul3A_313 = arith.muli %scan3A_310, %mul3A_312 : i32
        %get3A = arith.index_cast %mul3A_313 : i32 to index
        %get3A_314 = tpu.vector_load %arg5[%get3A] {strides = array<i32>} : memref<4608xi32, #tpu.memory_space<vmem>>, vector<16xi32>,
        %get3A_315 = vector.shape_cast %get3A_314 : vector<16xi32> to vector<16xi32>
        %div3A_316 = arith.divsi %get3A_315, %broadcast_in_dim3A_15 : vector<16xi32>
        %add3A_317 = arith.addi %div3A_316, %broadcast_in_dim3A_302 : vector<16xi32>
        %mul3A_318 = arith.constant 16 : i32
        %mul3A_319 = arith.muli %scan3A_310, %mul3A_318 : i32
        %swap3A = arith.index_cast %mul3A_319 : i32 to index
        %swap3A_320 = tpu.vector_load %arg9[%swap3A] {strides = array<i32>} : memref<4608xi32, #tpu.memory_space<vmem>>, vector<16xi32>,
        %swap3A_321 = vector.shape_cast %swap3A_320 : vector<16xi32> to vector<16xi32>
        %swap3A_322 = vector.shape_cast %add3A_317 : vector<16xi32> to vector<16xi32>
        tpu.vector_store %arg9[%swap3A], %swap3A_322 {strides = array<i32>} : memref<4608xi32, #tpu.memory_space<vmem>>, vector<16xi32>,
        %scan3A_323 = arith.constant 0 : i32
        scf.yield %scan3A_323 : i32
      }
      %scan3A_309 = arith.constant 288 : i32
    } else {
    }
    %add3A_130 = arith.constant 2 : i32
    %add3A_131 = arith.addi %add3A_130, %arg0 : i32
    %jit3A_132 = arith.constant 48 : i32
    %div3A_133 = arith.divsi %add3A_131, %jit3A_132 : i32
    %sign3A_134 = arith.constant 0 : i32
    %sign3A_135 = arith.cmpi sgt, %add3A_131, %sign3A_134 : i32
    %sign3A_136 = arith.extui %sign3A_135 : i1 to i32
    %sign3A_137 = arith.constant 0 : i32
    %sign3A_138 = arith.cmpi slt, %add3A_131, %sign3A_137 : i32
    %sign3A_139 = arith.extui %sign3A_138 : i1 to i32
    %sign3A_140 = arith.subi %sign3A_136, %sign3A_139 : i32
    %sign3A_141 = arith.constant 0 : i32
    %sign3A_142 = arith.cmpi sgt, %jit3A_132, %sign3A_141 : i32
    %sign3A_143 = arith.extui %sign3A_142 : i1 to i32
    %sign3A_144 = arith.constant 0 : i32
    %sign3A_145 = arith.cmpi slt, %jit3A_132, %sign3A_144 : i32
    %sign3A_146 = arith.extui %sign3A_145 : i1 to i32
    %sign3A_147 = arith.subi %sign3A_143, %sign3A_146 : i32
    %ne3A_148 = arith.cmpi ne, %sign3A_140, %sign3A_147 : i32
    %rem3A_149 = arith.remsi %add3A_131, %jit3A_132 : i32
    %ne3A_150 = arith.constant 0 : i32
    %ne3A_151 = arith.cmpi ne, %rem3A_149, %ne3A_150 : i32
    %and3A_152 = arith.andi %ne3A_148, %ne3A_151 : i1
    %sub3A_153 = arith.constant 1 : i32
    %sub3A_154 = arith.subi %div3A_133, %sub3A_153 : i32
    %select_n3A_155 = arith.select %and3A_152, %sub3A_154, %div3A_133 : i32
    %jit3A_156 = arith.constant 48 : i32
    %eq3A_157 = arith.constant 0 : i32
    %eq3A_158 = arith.cmpi eq, %jit3A_156, %eq3A_157 : i32
    %jit3A_159 = arith.constant 1 : i32
    %select_n3A_160 = arith.select %eq3A_158, %jit3A_159, %jit3A_156 : i32
    %rem3A_161 = arith.remsi %add3A_131, %select_n3A_160 : i32
    %ne3A_162 = arith.constant 0 : i32
    %ne3A_163 = arith.cmpi ne, %rem3A_161, %ne3A_162 : i32
    %lt3A_164 = arith.constant 0 : i32
    %lt3A_165 = arith.cmpi slt, %rem3A_161, %lt3A_164 : i32
    %lt3A_166 = arith.constant 0 : i32
    %lt3A_167 = arith.cmpi slt, %select_n3A_160, %lt3A_166 : i32
    %ne3A_168 = arith.xori %lt3A_165, %lt3A_167 : i1
    %and3A_169 = arith.andi %ne3A_168, %ne3A_163 : i1
    %add3A_170 = arith.addi %rem3A_161, %select_n3A_160 : i32
    %select_n3A_171 = arith.select %and3A_169, %add3A_170, %rem3A_161 : i32
    %mul3A_172 = arith.constant 2 : i32
    %mul3A_173 = arith.muli %select_n3A_171, %mul3A_172 : i32
    %add3A_174 = arith.addi %mul3A_173, %and3A_0 : i32
    %mul3A_175 = arith.constant 4608 : i32
    %mul3A_176 = arith.muli %shift_right_logical3A_1, %mul3A_175 : i32
    %dma_start3A_177 = tpu.memref_slice %arg2[%select_n3A_155, %add3A_174, %mul3A_176] : memref<4x96x36864xi32, #tpu.memory_space<hbm>> -> memref<1x1x4608xi32, #tpu.memory_space<hbm>>
    %dma_start3A_178 = tpu.memref_squeeze %dma_start3A_177 : memref<1x1x4608xi32, #tpu.memory_space<hbm>> -> memref<4608xi32, #tpu.memory_space<hbm>>
    %dma_start3A_179 = tpu.memref_slice %arg2[%select_n3A_155, %add3A_174, %mul3A_176] : memref<4x96x36864xi32, #tpu.memory_space<hbm>> -> memref<1x1x4608xi32, #tpu.memory_space<hbm>>
    %dma_start3A_180 = tpu.memref_squeeze %dma_start3A_179 : memref<1x1x4608xi32, #tpu.memory_space<hbm>> -> memref<4608xi32, #tpu.memory_space<hbm>>
    tpu.enqueue_dma source(%dma_start3A_180 : memref<4608xi32, #tpu.memory_space<hbm>>) target(%arg6 : memref<4608xi32, #tpu.memory_space<vmem>>) target_semaphore(%arg14 : memref<!tpu.dma_semaphore, #tpu.memory_space<semaphore_mem>>)
    %dma_start3A_181 = tpu.memref_slice %arg3[%select_n3A_155, %add3A_174, %mul3A_176] : memref<4x96x36864xf32, #tpu.memory_space<hbm>> -> memref<1x1x4608xf32, #tpu.memory_space<hbm>>
    %dma_start3A_182 = tpu.memref_squeeze %dma_start3A_181 : memref<1x1x4608xf32, #tpu.memory_space<hbm>> -> memref<4608xf32, #tpu.memory_space<hbm>>
    %dma_start3A_183 = tpu.memref_slice %arg3[%select_n3A_155, %add3A_174, %mul3A_176] : memref<4x96x36864xf32, #tpu.memory_space<hbm>> -> memref<1x1x4608xf32, #tpu.memory_space<hbm>>
    %dma_start3A_184 = tpu.memref_squeeze %dma_start3A_183 : memref<1x1x4608xf32, #tpu.memory_space<hbm>> -> memref<4608xf32, #tpu.memory_space<hbm>>
    tpu.enqueue_dma source(%dma_start3A_184 : memref<4608xf32, #tpu.memory_space<hbm>>) target(%arg8 : memref<4608xf32, #tpu.memory_space<vmem>>) target_semaphore(%arg15 : memref<!tpu.dma_semaphore, #tpu.memory_space<semaphore_mem>>)
    %scan3A_185 = arith.constant 0 : i32
    %scan3A_186 = arith.constant 0 : i32
    %scan3A_187 = arith.constant 96 : i32
    %scan3A_188 = arith.addi %scan3A_186, %scan3A_187 : i32
    %scan3A_189 = arith.constant 1 : i32
    %scan3A_190 = scf.for %scan3A_301 = %scan3A_186 to %scan3A_188 step %scan3A_189 iter_args(%scan3A_302 = %scan3A_185) -> (i32)  : i32 {
      %and3A_303 = arith.constant 1 : i32
      %and3A_304 = arith.andi %scan3A_301, %and3A_303 : i32
      %eq3A_305 = arith.constant 0 : i32
      %eq3A_306 = arith.cmpi eq, %and3A_304, %eq3A_305 : i32
      %convert_element_type3A_307 = arith.extui %eq3A_306 : i1 to i32
      %cond3A_308 = arith.constant 0 : i32
      %cond3A_309 = arith.cmpi ne, %convert_element_type3A_307, %cond3A_308 : i32
      scf.if %cond3A_309 {
        %mul3A_315 = arith.constant 18432 : i32
        %mul3A_316 = arith.muli %arg1, %mul3A_315 : i32
        %dma_wait3A_317 = tpu.memref_slice %arg12[%mul3A_316] : memref<294912xf32, #tpu.memory_space<vmem_shared>> -> memref<18432xf32, #tpu.memory_space<vmem_shared>>
        %dma_wait3A_318 = tpu.memref_slice %arg12[%mul3A_316] : memref<294912xf32, #tpu.memory_space<vmem_shared>> -> memref<18432xf32, #tpu.memory_space<vmem_shared>>
        tpu.wait_dma2 semaphore(%arg19 : memref<!tpu.dma_semaphore, #tpu.memory_space<semaphore_mem>>) src(%arg11 : memref<18432xf32, #tpu.memory_space<vmem>>) dst(%dma_wait3A_318 : memref<18432xf32, #tpu.memory_space<vmem_shared>>)
        %barrier3A = arith.constant 0 : index
        tpu.barrier barrier_id(%barrier3A)
        %dma_start3A_319 = arith.constant 0 : i32
        %dma_start3A_320 = tpu.memref_slice %arg12[%dma_start3A_319] : memref<294912xf32, #tpu.memory_space<vmem_shared>> -> memref<294912xf32, #tpu.memory_space<vmem_shared>>
        tpu.enqueue_indirect_dma source(%arg7 : memref<4608xf32, #tpu.memory_space<vmem>>) target(%dma_start3A_320 : memref<294912xf32, #tpu.memory_space<vmem_shared>>) offsets(%arg9 : memref<4608xi32, #tpu.memory_space<vmem>>) semaphore(%arg16 : memref<!tpu.dma_semaphore, #tpu.memory_space<semaphore_mem>>) {add = true}
        %add3A_321 = arith.constant 1 : i32
        %add3A_322 = arith.addi %scan3A_301, %add3A_321 : i32
        %min3A = arith.constant 95 : i32
        %min3A_323 = arith.minsi %add3A_322, %min3A : i32
        %mul3A_324 = arith.constant 2 : i32
        %mul3A_325 = arith.muli %min3A_323, %mul3A_324 : i32
        %add3A_326 = arith.addi %mul3A_325, %arg0 : i32
        %jit3A_327 = arith.constant 48 : i32
        %div3A_328 = arith.divsi %add3A_326, %jit3A_327 : i32
        %sign3A_329 = arith.constant 0 : i32
        %sign3A_330 = arith.cmpi sgt, %add3A_326, %sign3A_329 : i32
        %sign3A_331 = arith.extui %sign3A_330 : i1 to i32
        %sign3A_332 = arith.constant 0 : i32
        %sign3A_333 = arith.cmpi slt, %add3A_326, %sign3A_332 : i32
        %sign3A_334 = arith.extui %sign3A_333 : i1 to i32
        %sign3A_335 = arith.subi %sign3A_331, %sign3A_334 : i32
        %sign3A_336 = arith.constant 0 : i32
        %sign3A_337 = arith.cmpi sgt, %jit3A_327, %sign3A_336 : i32
        %sign3A_338 = arith.extui %sign3A_337 : i1 to i32
        %sign3A_339 = arith.constant 0 : i32
        %sign3A_340 = arith.cmpi slt, %jit3A_327, %sign3A_339 : i32
        %sign3A_341 = arith.extui %sign3A_340 : i1 to i32
        %sign3A_342 = arith.subi %sign3A_338, %sign3A_341 : i32
        %ne3A_343 = arith.cmpi ne, %sign3A_335, %sign3A_342 : i32
        %rem3A_344 = arith.remsi %add3A_326, %jit3A_327 : i32
        %ne3A_345 = arith.constant 0 : i32
        %ne3A_346 = arith.cmpi ne, %rem3A_344, %ne3A_345 : i32
        %and3A_347 = arith.andi %ne3A_343, %ne3A_346 : i1
        %sub3A_348 = arith.constant 1 : i32
        %sub3A_349 = arith.subi %div3A_328, %sub3A_348 : i32
        %select_n3A_350 = arith.select %and3A_347, %sub3A_349, %div3A_328 : i32
        %jit3A_351 = arith.constant 48 : i32
        %eq3A_352 = arith.constant 0 : i32
        %eq3A_353 = arith.cmpi eq, %jit3A_351, %eq3A_352 : i32
        %jit3A_354 = arith.constant 1 : i32
        %select_n3A_355 = arith.select %eq3A_353, %jit3A_354, %jit3A_351 : i32
        %rem3A_356 = arith.remsi %add3A_326, %select_n3A_355 : i32
        %ne3A_357 = arith.constant 0 : i32
        %ne3A_358 = arith.cmpi ne, %rem3A_356, %ne3A_357 : i32
        %lt3A_359 = arith.constant 0 : i32
        %lt3A_360 = arith.cmpi slt, %rem3A_356, %lt3A_359 : i32
        %lt3A_361 = arith.constant 0 : i32
        %lt3A_362 = arith.cmpi slt, %select_n3A_355, %lt3A_361 : i32
        %ne3A_363 = arith.xori %lt3A_360, %lt3A_362 : i1
        %and3A_364 = arith.andi %ne3A_363, %ne3A_358 : i1
        %add3A_365 = arith.addi %rem3A_356, %select_n3A_355 : i32
        %select_n3A_366 = arith.select %and3A_364, %add3A_365, %rem3A_356 : i32
        %mul3A_367 = arith.constant 2 : i32
        %mul3A_368 = arith.muli %select_n3A_366, %mul3A_367 : i32
        %add3A_369 = arith.addi %mul3A_368, %and3A_0 : i32
        %mul3A_370 = arith.constant 4608 : i32
        %mul3A_371 = arith.muli %shift_right_logical3A_1, %mul3A_370 : i32
        %dma_wait3A_372 = tpu.memref_slice %arg2[%select_n3A_350, %add3A_369, %mul3A_371] : memref<4x96x36864xi32, #tpu.memory_space<hbm>> -> memref<1x1x4608xi32, #tpu.memory_space<hbm>>
        %dma_wait3A_373 = tpu.memref_squeeze %dma_wait3A_372 : memref<1x1x4608xi32, #tpu.memory_space<hbm>> -> memref<4608xi32, #tpu.memory_space<hbm>>
        %dma_wait3A_374 = tpu.memref_slice %arg2[%select_n3A_350, %add3A_369, %mul3A_371] : memref<4x96x36864xi32, #tpu.memory_space<hbm>> -> memref<1x1x4608xi32, #tpu.memory_space<hbm>>
        %dma_wait3A_375 = tpu.memref_squeeze %dma_wait3A_374 : memref<1x1x4608xi32, #tpu.memory_space<hbm>> -> memref<4608xi32, #tpu.memory_space<hbm>>
        tpu.wait_dma2 semaphore(%arg14 : memref<!tpu.dma_semaphore, #tpu.memory_space<semaphore_mem>>) src(%dma_wait3A_375 : memref<4608xi32, #tpu.memory_space<hbm>>) dst(%arg6 : memref<4608xi32, #tpu.memory_space<vmem>>)
        %dma_wait3A_376 = tpu.memref_slice %arg3[%select_n3A_350, %add3A_369, %mul3A_371] : memref<4x96x36864xf32, #tpu.memory_space<hbm>> -> memref<1x1x4608xf32, #tpu.memory_space<hbm>>
        %dma_wait3A_377 = tpu.memref_squeeze %dma_wait3A_376 : memref<1x1x4608xf32, #tpu.memory_space<hbm>> -> memref<4608xf32, #tpu.memory_space<hbm>>
        %dma_wait3A_378 = tpu.memref_slice %arg3[%select_n3A_350, %add3A_369, %mul3A_371] : memref<4x96x36864xf32, #tpu.memory_space<hbm>> -> memref<1x1x4608xf32, #tpu.memory_space<hbm>>
        %dma_wait3A_379 = tpu.memref_squeeze %dma_wait3A_378 : memref<1x1x4608xf32, #tpu.memory_space<hbm>> -> memref<4608xf32, #tpu.memory_space<hbm>>
        tpu.wait_dma2 semaphore(%arg15 : memref<!tpu.dma_semaphore, #tpu.memory_space<semaphore_mem>>) src(%dma_wait3A_379 : memref<4608xf32, #tpu.memory_space<hbm>>) dst(%arg8 : memref<4608xf32, #tpu.memory_space<vmem>>)
        %eq3A_380 = arith.constant 0 : i32
        %eq3A_381 = arith.cmpi eq, %and3A_0, %eq3A_380 : i32
        %convert_element_type3A_382 = arith.extui %eq3A_381 : i1 to i32
        %cond3A_383 = arith.constant 0 : i32
        %cond3A_384 = arith.cmpi ne, %convert_element_type3A_382, %cond3A_383 : i32
        scf.if %cond3A_384 {
          %broadcast_in_dim3A_508 = arith.constant 0 : i32
          %broadcast_in_dim3A_509 = vector.broadcast %broadcast_in_dim3A_508 : i32 to vector<16xi32>
          %scan3A_510 = arith.constant 0 : i32
          %scan3A_511 = arith.constant 0 : i32
          %scan3A_512 = arith.constant 288 : i32
          %scan3A_513 = arith.addi %scan3A_511, %scan3A_512 : i32
          %scan3A_514 = arith.constant 1 : i32
          %scan3A_515 = scf.for %scan3A_517 = %scan3A_511 to %scan3A_513 step %scan3A_514 iter_args(%scan3A_518 = %scan3A_510) -> (i32)  : i32 {
            %mul3A_519 = arith.constant 16 : i32
            %mul3A_520 = arith.muli %scan3A_517, %mul3A_519 : i32
            %get3A = arith.index_cast %mul3A_520 : i32 to index
            %get3A_521 = tpu.vector_load %arg6[%get3A] {strides = array<i32>} : memref<4608xi32, #tpu.memory_space<vmem>>, vector<16xi32>,
            %get3A_522 = vector.shape_cast %get3A_521 : vector<16xi32> to vector<16xi32>
            %div3A_523 = arith.divsi %get3A_522, %broadcast_in_dim3A_15 : vector<16xi32>
            %add3A_524 = arith.addi %div3A_523, %broadcast_in_dim3A_509 : vector<16xi32>
            %mul3A_525 = arith.constant 16 : i32
            %mul3A_526 = arith.muli %scan3A_517, %mul3A_525 : i32
            %swap3A = arith.index_cast %mul3A_526 : i32 to index
            %swap3A_527 = tpu.vector_load %arg10[%swap3A] {strides = array<i32>} : memref<4608xi32, #tpu.memory_space<vmem>>, vector<16xi32>,
            %swap3A_528 = vector.shape_cast %swap3A_527 : vector<16xi32> to vector<16xi32>
            %swap3A_529 = vector.shape_cast %add3A_524 : vector<16xi32> to vector<16xi32>
            tpu.vector_store %arg10[%swap3A], %swap3A_529 {strides = array<i32>} : memref<4608xi32, #tpu.memory_space<vmem>>, vector<16xi32>,
            %scan3A_530 = arith.constant 0 : i32
            scf.yield %scan3A_530 : i32
          }
          %scan3A_516 = arith.constant 288 : i32
        } else {
        }
        %eq3A_385 = arith.constant 1 : i32
        %eq3A_386 = arith.cmpi eq, %and3A_0, %eq3A_385 : i32
        %convert_element_type3A_387 = arith.extui %eq3A_386 : i1 to i32
        %cond3A_388 = arith.constant 0 : i32
        %cond3A_389 = arith.cmpi ne, %convert_element_type3A_387, %cond3A_388 : i32
        scf.if %cond3A_389 {
          %broadcast_in_dim3A_508 = arith.constant 147456 : i32
          %broadcast_in_dim3A_509 = vector.broadcast %broadcast_in_dim3A_508 : i32 to vector<16xi32>
          %scan3A_510 = arith.constant 0 : i32
          %scan3A_511 = arith.constant 0 : i32
          %scan3A_512 = arith.constant 288 : i32
          %scan3A_513 = arith.addi %scan3A_511, %scan3A_512 : i32
          %scan3A_514 = arith.constant 1 : i32
          %scan3A_515 = scf.for %scan3A_517 = %scan3A_511 to %scan3A_513 step %scan3A_514 iter_args(%scan3A_518 = %scan3A_510) -> (i32)  : i32 {
            %mul3A_519 = arith.constant 16 : i32
            %mul3A_520 = arith.muli %scan3A_517, %mul3A_519 : i32
            %get3A = arith.index_cast %mul3A_520 : i32 to index
            %get3A_521 = tpu.vector_load %arg6[%get3A] {strides = array<i32>} : memref<4608xi32, #tpu.memory_space<vmem>>, vector<16xi32>,
            %get3A_522 = vector.shape_cast %get3A_521 : vector<16xi32> to vector<16xi32>
            %div3A_523 = arith.divsi %get3A_522, %broadcast_in_dim3A_15 : vector<16xi32>
            %add3A_524 = arith.addi %div3A_523, %broadcast_in_dim3A_509 : vector<16xi32>
            %mul3A_525 = arith.constant 16 : i32
            %mul3A_526 = arith.muli %scan3A_517, %mul3A_525 : i32
            %swap3A = arith.index_cast %mul3A_526 : i32 to index
            %swap3A_527 = tpu.vector_load %arg10[%swap3A] {strides = array<i32>} : memref<4608xi32, #tpu.memory_space<vmem>>, vector<16xi32>,
            %swap3A_528 = vector.shape_cast %swap3A_527 : vector<16xi32> to vector<16xi32>
            %swap3A_529 = vector.shape_cast %add3A_524 : vector<16xi32> to vector<16xi32>
            tpu.vector_store %arg10[%swap3A], %swap3A_529 {strides = array<i32>} : memref<4608xi32, #tpu.memory_space<vmem>>, vector<16xi32>,
            %scan3A_530 = arith.constant 0 : i32
            scf.yield %scan3A_530 : i32
          }
          %scan3A_516 = arith.constant 288 : i32
        } else {
        }
        %dma_wait3A_390 = arith.constant 0 : i32
        %dma_wait3A_391 = tpu.memref_slice %arg12[%dma_wait3A_390] : memref<294912xf32, #tpu.memory_space<vmem_shared>> -> memref<294912xf32, #tpu.memory_space<vmem_shared>>
        tpu.wait_indirect_dma semaphore(%arg16 : memref<!tpu.dma_semaphore, #tpu.memory_space<semaphore_mem>>) src(%arg7 : memref<4608xf32, #tpu.memory_space<vmem>>) dst(%dma_wait3A_391 : memref<294912xf32, #tpu.memory_space<vmem_shared>>)
        %barrier3A_392 = arith.constant 0 : index
        tpu.barrier barrier_id(%barrier3A_392)
        %mul3A_393 = arith.constant 18432 : i32
        %mul3A_394 = arith.muli %arg1, %mul3A_393 : i32
        %mul3A_395 = arith.constant 2 : i32
        %mul3A_396 = arith.muli %scan3A_301, %mul3A_395 : i32
        %add3A_397 = arith.addi %mul3A_396, %arg0 : i32
        %jit3A_398 = arith.constant 48 : i32
        %div3A_399 = arith.divsi %add3A_397, %jit3A_398 : i32
        %sign3A_400 = arith.constant 0 : i32
        %sign3A_401 = arith.cmpi sgt, %add3A_397, %sign3A_400 : i32
        %sign3A_402 = arith.extui %sign3A_401 : i1 to i32
        %sign3A_403 = arith.constant 0 : i32
        %sign3A_404 = arith.cmpi slt, %add3A_397, %sign3A_403 : i32
        %sign3A_405 = arith.extui %sign3A_404 : i1 to i32
        %sign3A_406 = arith.subi %sign3A_402, %sign3A_405 : i32
        %sign3A_407 = arith.constant 0 : i32
        %sign3A_408 = arith.cmpi sgt, %jit3A_398, %sign3A_407 : i32
        %sign3A_409 = arith.extui %sign3A_408 : i1 to i32
        %sign3A_410 = arith.constant 0 : i32
        %sign3A_411 = arith.cmpi slt, %jit3A_398, %sign3A_410 : i32
        %sign3A_412 = arith.extui %sign3A_411 : i1 to i32
        %sign3A_413 = arith.subi %sign3A_409, %sign3A_412 : i32
        %ne3A_414 = arith.cmpi ne, %sign3A_406, %sign3A_413 : i32
        %rem3A_415 = arith.remsi %add3A_397, %jit3A_398 : i32
        %ne3A_416 = arith.constant 0 : i32
        %ne3A_417 = arith.cmpi ne, %rem3A_415, %ne3A_416 : i32
        %and3A_418 = arith.andi %ne3A_414, %ne3A_417 : i1
        %sub3A_419 = arith.constant 1 : i32
        %sub3A_420 = arith.subi %div3A_399, %sub3A_419 : i32
        %select_n3A_421 = arith.select %and3A_418, %sub3A_420, %div3A_399 : i32
        %jit3A_422 = arith.constant 48 : i32
        %eq3A_423 = arith.constant 0 : i32
        %eq3A_424 = arith.cmpi eq, %jit3A_422, %eq3A_423 : i32
        %jit3A_425 = arith.constant 1 : i32
        %select_n3A_426 = arith.select %eq3A_424, %jit3A_425, %jit3A_422 : i32
        %rem3A_427 = arith.remsi %add3A_397, %select_n3A_426 : i32
        %ne3A_428 = arith.constant 0 : i32
        %ne3A_429 = arith.cmpi ne, %rem3A_427, %ne3A_428 : i32
        %lt3A_430 = arith.constant 0 : i32
        %lt3A_431 = arith.cmpi slt, %rem3A_427, %lt3A_430 : i32
        %lt3A_432 = arith.constant 0 : i32
        %lt3A_433 = arith.cmpi slt, %select_n3A_426, %lt3A_432 : i32
        %ne3A_434 = arith.xori %lt3A_431, %lt3A_433 : i1
        %and3A_435 = arith.andi %ne3A_434, %ne3A_429 : i1
        %add3A_436 = arith.addi %rem3A_427, %select_n3A_426 : i32
        %select_n3A_437 = arith.select %and3A_435, %add3A_436, %rem3A_427 : i32
        %mul3A_438 = arith.constant 2 : i32
        %mul3A_439 = arith.muli %select_n3A_437, %mul3A_438 : i32
        %add3A_440 = arith.addi %mul3A_439, %shift_right_logical3A_3 : i32
        %dma_start3A_441 = tpu.memref_slice %arg4[%select_n3A_421, %add3A_440, %mul3A_6] : memref<4x96x147456xf32, #tpu.memory_space<hbm>> -> memref<1x1x18432xf32, #tpu.memory_space<hbm>>
        %dma_start3A_442 = tpu.memref_squeeze %dma_start3A_441 : memref<1x1x18432xf32, #tpu.memory_space<hbm>> -> memref<18432xf32, #tpu.memory_space<hbm>>
        %dma_start3A_443 = tpu.memref_slice %arg12[%mul3A_394] : memref<294912xf32, #tpu.memory_space<vmem_shared>> -> memref<18432xf32, #tpu.memory_space<vmem_shared>>
        tpu.enqueue_dma source(%dma_start3A_443 : memref<18432xf32, #tpu.memory_space<vmem_shared>>) target(%dma_start3A_442 : memref<18432xf32, #tpu.memory_space<hbm>>) target_semaphore(%arg17 : memref<!tpu.dma_semaphore, #tpu.memory_space<semaphore_mem>>)
        %gt3A = arith.constant 0 : i32
        %gt3A_444 = arith.cmpi sgt, %scan3A_301, %gt3A : i32
        %convert_element_type3A_445 = arith.extui %gt3A_444 : i1 to i32
        %cond3A_446 = arith.constant 0 : i32
        %cond3A_447 = arith.cmpi ne, %convert_element_type3A_445, %cond3A_446 : i32
        scf.if %cond3A_447 {
          %sub3A_508 = arith.constant 1 : i32
          %sub3A_509 = arith.subi %scan3A_301, %sub3A_508 : i32
          %mul3A_510 = arith.constant 18432 : i32
          %mul3A_511 = arith.muli %arg1, %mul3A_510 : i32
          %mul3A_512 = arith.constant 2 : i32
          %mul3A_513 = arith.muli %sub3A_509, %mul3A_512 : i32
          %add3A_514 = arith.addi %mul3A_513, %arg0 : i32
          %jit3A_515 = arith.constant 48 : i32
          %div3A_516 = arith.divsi %add3A_514, %jit3A_515 : i32
          %sign3A_517 = arith.constant 0 : i32
          %sign3A_518 = arith.cmpi sgt, %add3A_514, %sign3A_517 : i32
          %sign3A_519 = arith.extui %sign3A_518 : i1 to i32
          %sign3A_520 = arith.constant 0 : i32
          %sign3A_521 = arith.cmpi slt, %add3A_514, %sign3A_520 : i32
          %sign3A_522 = arith.extui %sign3A_521 : i1 to i32
          %sign3A_523 = arith.subi %sign3A_519, %sign3A_522 : i32
          %sign3A_524 = arith.constant 0 : i32
          %sign3A_525 = arith.cmpi sgt, %jit3A_515, %sign3A_524 : i32
          %sign3A_526 = arith.extui %sign3A_525 : i1 to i32
          %sign3A_527 = arith.constant 0 : i32
          %sign3A_528 = arith.cmpi slt, %jit3A_515, %sign3A_527 : i32
          %sign3A_529 = arith.extui %sign3A_528 : i1 to i32
          %sign3A_530 = arith.subi %sign3A_526, %sign3A_529 : i32
          %ne3A_531 = arith.cmpi ne, %sign3A_523, %sign3A_530 : i32
          %rem3A_532 = arith.remsi %add3A_514, %jit3A_515 : i32
          %ne3A_533 = arith.constant 0 : i32
          %ne3A_534 = arith.cmpi ne, %rem3A_532, %ne3A_533 : i32
          %and3A_535 = arith.andi %ne3A_531, %ne3A_534 : i1
          %sub3A_536 = arith.constant 1 : i32
          %sub3A_537 = arith.subi %div3A_516, %sub3A_536 : i32
          %select_n3A_538 = arith.select %and3A_535, %sub3A_537, %div3A_516 : i32
          %jit3A_539 = arith.constant 48 : i32
          %eq3A_540 = arith.constant 0 : i32
          %eq3A_541 = arith.cmpi eq, %jit3A_539, %eq3A_540 : i32
          %jit3A_542 = arith.constant 1 : i32
          %select_n3A_543 = arith.select %eq3A_541, %jit3A_542, %jit3A_539 : i32
          %rem3A_544 = arith.remsi %add3A_514, %select_n3A_543 : i32
          %ne3A_545 = arith.constant 0 : i32
          %ne3A_546 = arith.cmpi ne, %rem3A_544, %ne3A_545 : i32
          %lt3A_547 = arith.constant 0 : i32
          %lt3A_548 = arith.cmpi slt, %rem3A_544, %lt3A_547 : i32
          %lt3A_549 = arith.constant 0 : i32
          %lt3A_550 = arith.cmpi slt, %select_n3A_543, %lt3A_549 : i32
          %ne3A_551 = arith.xori %lt3A_548, %lt3A_550 : i1
          %and3A_552 = arith.andi %ne3A_551, %ne3A_546 : i1
          %add3A_553 = arith.addi %rem3A_544, %select_n3A_543 : i32
          %select_n3A_554 = arith.select %and3A_552, %add3A_553, %rem3A_544 : i32
          %mul3A_555 = arith.constant 2 : i32
          %mul3A_556 = arith.muli %select_n3A_554, %mul3A_555 : i32
          %add3A_557 = arith.addi %mul3A_556, %shift_right_logical3A_3 : i32
          %dma_wait3A_558 = tpu.memref_slice %arg4[%select_n3A_538, %add3A_557, %mul3A_6] : memref<4x96x147456xf32, #tpu.memory_space<hbm>> -> memref<1x1x18432xf32, #tpu.memory_space<hbm>>
          %dma_wait3A_559 = tpu.memref_squeeze %dma_wait3A_558 : memref<1x1x18432xf32, #tpu.memory_space<hbm>> -> memref<18432xf32, #tpu.memory_space<hbm>>
          %dma_wait3A_560 = tpu.memref_slice %arg13[%mul3A_511] : memref<294912xf32, #tpu.memory_space<vmem_shared>> -> memref<18432xf32, #tpu.memory_space<vmem_shared>>
          tpu.wait_dma2 semaphore(%arg18 : memref<!tpu.dma_semaphore, #tpu.memory_space<semaphore_mem>>) src(%dma_wait3A_560 : memref<18432xf32, #tpu.memory_space<vmem_shared>>) dst(%dma_wait3A_559 : memref<18432xf32, #tpu.memory_space<hbm>>)
          %mul3A_561 = arith.constant 18432 : i32
          %mul3A_562 = arith.muli %arg1, %mul3A_561 : i32
          %dma_start3A_563 = tpu.memref_slice %arg13[%mul3A_562] : memref<294912xf32, #tpu.memory_space<vmem_shared>> -> memref<18432xf32, #tpu.memory_space<vmem_shared>>
          %dma_start3A_564 = tpu.memref_slice %arg13[%mul3A_562] : memref<294912xf32, #tpu.memory_space<vmem_shared>> -> memref<18432xf32, #tpu.memory_space<vmem_shared>>
          tpu.enqueue_dma source(%arg11 : memref<18432xf32, #tpu.memory_space<vmem>>) target(%dma_start3A_564 : memref<18432xf32, #tpu.memory_space<vmem_shared>>) target_semaphore(%arg20 : memref<!tpu.dma_semaphore, #tpu.memory_space<semaphore_mem>>)
        } else {
        }
        %add3A_448 = arith.constant 2 : i32
        %add3A_449 = arith.addi %scan3A_301, %add3A_448 : i32
        %min3A_450 = arith.constant 95 : i32
        %min3A_451 = arith.minsi %add3A_449, %min3A_450 : i32
        %mul3A_452 = arith.constant 2 : i32
        %mul3A_453 = arith.muli %min3A_451, %mul3A_452 : i32
        %add3A_454 = arith.addi %mul3A_453, %arg0 : i32
        %jit3A_455 = arith.constant 48 : i32
        %div3A_456 = arith.divsi %add3A_454, %jit3A_455 : i32
        %sign3A_457 = arith.constant 0 : i32
        %sign3A_458 = arith.cmpi sgt, %add3A_454, %sign3A_457 : i32
        %sign3A_459 = arith.extui %sign3A_458 : i1 to i32
        %sign3A_460 = arith.constant 0 : i32
        %sign3A_461 = arith.cmpi slt, %add3A_454, %sign3A_460 : i32
        %sign3A_462 = arith.extui %sign3A_461 : i1 to i32
        %sign3A_463 = arith.subi %sign3A_459, %sign3A_462 : i32
        %sign3A_464 = arith.constant 0 : i32
        %sign3A_465 = arith.cmpi sgt, %jit3A_455, %sign3A_464 : i32
        %sign3A_466 = arith.extui %sign3A_465 : i1 to i32
        %sign3A_467 = arith.constant 0 : i32
        %sign3A_468 = arith.cmpi slt, %jit3A_455, %sign3A_467 : i32
        %sign3A_469 = arith.extui %sign3A_468 : i1 to i32
        %sign3A_470 = arith.subi %sign3A_466, %sign3A_469 : i32
        %ne3A_471 = arith.cmpi ne, %sign3A_463, %sign3A_470 : i32
        %rem3A_472 = arith.remsi %add3A_454, %jit3A_455 : i32
        %ne3A_473 = arith.constant 0 : i32
        %ne3A_474 = arith.cmpi ne, %rem3A_472, %ne3A_473 : i32
        %and3A_475 = arith.andi %ne3A_471, %ne3A_474 : i1
        %sub3A_476 = arith.constant 1 : i32
        %sub3A_477 = arith.subi %div3A_456, %sub3A_476 : i32
        %select_n3A_478 = arith.select %and3A_475, %sub3A_477, %div3A_456 : i32
        %jit3A_479 = arith.constant 48 : i32
        %eq3A_480 = arith.constant 0 : i32
        %eq3A_481 = arith.cmpi eq, %jit3A_479, %eq3A_480 : i32
        %jit3A_482 = arith.constant 1 : i32
        %select_n3A_483 = arith.select %eq3A_481, %jit3A_482, %jit3A_479 : i32
        %rem3A_484 = arith.remsi %add3A_454, %select_n3A_483 : i32
        %ne3A_485 = arith.constant 0 : i32
        %ne3A_486 = arith.cmpi ne, %rem3A_484, %ne3A_485 : i32
        %lt3A_487 = arith.constant 0 : i32
        %lt3A_488 = arith.cmpi slt, %rem3A_484, %lt3A_487 : i32
        %lt3A_489 = arith.constant 0 : i32
        %lt3A_490 = arith.cmpi slt, %select_n3A_483, %lt3A_489 : i32
        %ne3A_491 = arith.xori %lt3A_488, %lt3A_490 : i1
        %and3A_492 = arith.andi %ne3A_491, %ne3A_486 : i1
        %add3A_493 = arith.addi %rem3A_484, %select_n3A_483 : i32
        %select_n3A_494 = arith.select %and3A_492, %add3A_493, %rem3A_484 : i32
        %mul3A_495 = arith.constant 2 : i32
        %mul3A_496 = arith.muli %select_n3A_494, %mul3A_495 : i32
        %add3A_497 = arith.addi %mul3A_496, %and3A_0 : i32
        %mul3A_498 = arith.constant 4608 : i32
        %mul3A_499 = arith.muli %shift_right_logical3A_1, %mul3A_498 : i32
        %dma_start3A_500 = tpu.memref_slice %arg2[%select_n3A_478, %add3A_497, %mul3A_499] : memref<4x96x36864xi32, #tpu.memory_space<hbm>> -> memref<1x1x4608xi32, #tpu.memory_space<hbm>>
        %dma_start3A_501 = tpu.memref_squeeze %dma_start3A_500 : memref<1x1x4608xi32, #tpu.memory_space<hbm>> -> memref<4608xi32, #tpu.memory_space<hbm>>
        %dma_start3A_502 = tpu.memref_slice %arg2[%select_n3A_478, %add3A_497, %mul3A_499] : memref<4x96x36864xi32, #tpu.memory_space<hbm>> -> memref<1x1x4608xi32, #tpu.memory_space<hbm>>
        %dma_start3A_503 = tpu.memref_squeeze %dma_start3A_502 : memref<1x1x4608xi32, #tpu.memory_space<hbm>> -> memref<4608xi32, #tpu.memory_space<hbm>>
        tpu.enqueue_dma source(%dma_start3A_503 : memref<4608xi32, #tpu.memory_space<hbm>>) target(%arg5 : memref<4608xi32, #tpu.memory_space<vmem>>) target_semaphore(%arg14 : memref<!tpu.dma_semaphore, #tpu.memory_space<semaphore_mem>>)
        %dma_start3A_504 = tpu.memref_slice %arg3[%select_n3A_478, %add3A_497, %mul3A_499] : memref<4x96x36864xf32, #tpu.memory_space<hbm>> -> memref<1x1x4608xf32, #tpu.memory_space<hbm>>
        %dma_start3A_505 = tpu.memref_squeeze %dma_start3A_504 : memref<1x1x4608xf32, #tpu.memory_space<hbm>> -> memref<4608xf32, #tpu.memory_space<hbm>>
        %dma_start3A_506 = tpu.memref_slice %arg3[%select_n3A_478, %add3A_497, %mul3A_499] : memref<4x96x36864xf32, #tpu.memory_space<hbm>> -> memref<1x1x4608xf32, #tpu.memory_space<hbm>>
        %dma_start3A_507 = tpu.memref_squeeze %dma_start3A_506 : memref<1x1x4608xf32, #tpu.memory_space<hbm>> -> memref<4608xf32, #tpu.memory_space<hbm>>
        tpu.enqueue_dma source(%dma_start3A_507 : memref<4608xf32, #tpu.memory_space<hbm>>) target(%arg7 : memref<4608xf32, #tpu.memory_space<vmem>>) target_semaphore(%arg15 : memref<!tpu.dma_semaphore, #tpu.memory_space<semaphore_mem>>)
      } else {
      }
      %not3A = arith.constant true
      %not3A_310 = arith.xori %eq3A_306, %not3A : i1
      %convert_element_type3A_311 = arith.extui %not3A_310 : i1 to i32
      %cond3A_312 = arith.constant 0 : i32
      %cond3A_313 = arith.cmpi ne, %convert_element_type3A_311, %cond3A_312 : i32
      scf.if %cond3A_313 {
        %mul3A_315 = arith.constant 18432 : i32
        %mul3A_316 = arith.muli %arg1, %mul3A_315 : i32
        %dma_wait3A_317 = tpu.memref_slice %arg13[%mul3A_316] : memref<294912xf32, #tpu.memory_space<vmem_shared>> -> memref<18432xf32, #tpu.memory_space<vmem_shared>>
        %dma_wait3A_318 = tpu.memref_slice %arg13[%mul3A_316] : memref<294912xf32, #tpu.memory_space<vmem_shared>> -> memref<18432xf32, #tpu.memory_space<vmem_shared>>
        tpu.wait_dma2 semaphore(%arg20 : memref<!tpu.dma_semaphore, #tpu.memory_space<semaphore_mem>>) src(%arg11 : memref<18432xf32, #tpu.memory_space<vmem>>) dst(%dma_wait3A_318 : memref<18432xf32, #tpu.memory_space<vmem_shared>>)
        %barrier3A = arith.constant 0 : index
        tpu.barrier barrier_id(%barrier3A)
        %dma_start3A_319 = arith.constant 0 : i32
        %dma_start3A_320 = tpu.memref_slice %arg13[%dma_start3A_319] : memref<294912xf32, #tpu.memory_space<vmem_shared>> -> memref<294912xf32, #tpu.memory_space<vmem_shared>>
        tpu.enqueue_indirect_dma source(%arg8 : memref<4608xf32, #tpu.memory_space<vmem>>) target(%dma_start3A_320 : memref<294912xf32, #tpu.memory_space<vmem_shared>>) offsets(%arg10 : memref<4608xi32, #tpu.memory_space<vmem>>) semaphore(%arg16 : memref<!tpu.dma_semaphore, #tpu.memory_space<semaphore_mem>>) {add = true}
        %add3A_321 = arith.constant 1 : i32
        %add3A_322 = arith.addi %scan3A_301, %add3A_321 : i32
        %min3A = arith.constant 95 : i32
        %min3A_323 = arith.minsi %add3A_322, %min3A : i32
        %mul3A_324 = arith.constant 2 : i32
        %mul3A_325 = arith.muli %min3A_323, %mul3A_324 : i32
        %add3A_326 = arith.addi %mul3A_325, %arg0 : i32
        %jit3A_327 = arith.constant 48 : i32
        %div3A_328 = arith.divsi %add3A_326, %jit3A_327 : i32
        %sign3A_329 = arith.constant 0 : i32
        %sign3A_330 = arith.cmpi sgt, %add3A_326, %sign3A_329 : i32
        %sign3A_331 = arith.extui %sign3A_330 : i1 to i32
        %sign3A_332 = arith.constant 0 : i32
        %sign3A_333 = arith.cmpi slt, %add3A_326, %sign3A_332 : i32
        %sign3A_334 = arith.extui %sign3A_333 : i1 to i32
        %sign3A_335 = arith.subi %sign3A_331, %sign3A_334 : i32
        %sign3A_336 = arith.constant 0 : i32
        %sign3A_337 = arith.cmpi sgt, %jit3A_327, %sign3A_336 : i32
        %sign3A_338 = arith.extui %sign3A_337 : i1 to i32
        %sign3A_339 = arith.constant 0 : i32
        %sign3A_340 = arith.cmpi slt, %jit3A_327, %sign3A_339 : i32
        %sign3A_341 = arith.extui %sign3A_340 : i1 to i32
        %sign3A_342 = arith.subi %sign3A_338, %sign3A_341 : i32
        %ne3A_343 = arith.cmpi ne, %sign3A_335, %sign3A_342 : i32
        %rem3A_344 = arith.remsi %add3A_326, %jit3A_327 : i32
        %ne3A_345 = arith.constant 0 : i32
        %ne3A_346 = arith.cmpi ne, %rem3A_344, %ne3A_345 : i32
        %and3A_347 = arith.andi %ne3A_343, %ne3A_346 : i1
        %sub3A_348 = arith.constant 1 : i32
        %sub3A_349 = arith.subi %div3A_328, %sub3A_348 : i32
        %select_n3A_350 = arith.select %and3A_347, %sub3A_349, %div3A_328 : i32
        %jit3A_351 = arith.constant 48 : i32
        %eq3A_352 = arith.constant 0 : i32
        %eq3A_353 = arith.cmpi eq, %jit3A_351, %eq3A_352 : i32
        %jit3A_354 = arith.constant 1 : i32
        %select_n3A_355 = arith.select %eq3A_353, %jit3A_354, %jit3A_351 : i32
        %rem3A_356 = arith.remsi %add3A_326, %select_n3A_355 : i32
        %ne3A_357 = arith.constant 0 : i32
        %ne3A_358 = arith.cmpi ne, %rem3A_356, %ne3A_357 : i32
        %lt3A_359 = arith.constant 0 : i32
        %lt3A_360 = arith.cmpi slt, %rem3A_356, %lt3A_359 : i32
        %lt3A_361 = arith.constant 0 : i32
        %lt3A_362 = arith.cmpi slt, %select_n3A_355, %lt3A_361 : i32
        %ne3A_363 = arith.xori %lt3A_360, %lt3A_362 : i1
        %and3A_364 = arith.andi %ne3A_363, %ne3A_358 : i1
        %add3A_365 = arith.addi %rem3A_356, %select_n3A_355 : i32
        %select_n3A_366 = arith.select %and3A_364, %add3A_365, %rem3A_356 : i32
        %mul3A_367 = arith.constant 2 : i32
        %mul3A_368 = arith.muli %select_n3A_366, %mul3A_367 : i32
        %add3A_369 = arith.addi %mul3A_368, %and3A_0 : i32
        %mul3A_370 = arith.constant 4608 : i32
        %mul3A_371 = arith.muli %shift_right_logical3A_1, %mul3A_370 : i32
        %dma_wait3A_372 = tpu.memref_slice %arg2[%select_n3A_350, %add3A_369, %mul3A_371] : memref<4x96x36864xi32, #tpu.memory_space<hbm>> -> memref<1x1x4608xi32, #tpu.memory_space<hbm>>
        %dma_wait3A_373 = tpu.memref_squeeze %dma_wait3A_372 : memref<1x1x4608xi32, #tpu.memory_space<hbm>> -> memref<4608xi32, #tpu.memory_space<hbm>>
        %dma_wait3A_374 = tpu.memref_slice %arg2[%select_n3A_350, %add3A_369, %mul3A_371] : memref<4x96x36864xi32, #tpu.memory_space<hbm>> -> memref<1x1x4608xi32, #tpu.memory_space<hbm>>
        %dma_wait3A_375 = tpu.memref_squeeze %dma_wait3A_374 : memref<1x1x4608xi32, #tpu.memory_space<hbm>> -> memref<4608xi32, #tpu.memory_space<hbm>>
        tpu.wait_dma2 semaphore(%arg14 : memref<!tpu.dma_semaphore, #tpu.memory_space<semaphore_mem>>) src(%dma_wait3A_375 : memref<4608xi32, #tpu.memory_space<hbm>>) dst(%arg5 : memref<4608xi32, #tpu.memory_space<vmem>>)
        %dma_wait3A_376 = tpu.memref_slice %arg3[%select_n3A_350, %add3A_369, %mul3A_371] : memref<4x96x36864xf32, #tpu.memory_space<hbm>> -> memref<1x1x4608xf32, #tpu.memory_space<hbm>>
        %dma_wait3A_377 = tpu.memref_squeeze %dma_wait3A_376 : memref<1x1x4608xf32, #tpu.memory_space<hbm>> -> memref<4608xf32, #tpu.memory_space<hbm>>
        %dma_wait3A_378 = tpu.memref_slice %arg3[%select_n3A_350, %add3A_369, %mul3A_371] : memref<4x96x36864xf32, #tpu.memory_space<hbm>> -> memref<1x1x4608xf32, #tpu.memory_space<hbm>>
        %dma_wait3A_379 = tpu.memref_squeeze %dma_wait3A_378 : memref<1x1x4608xf32, #tpu.memory_space<hbm>> -> memref<4608xf32, #tpu.memory_space<hbm>>
        tpu.wait_dma2 semaphore(%arg15 : memref<!tpu.dma_semaphore, #tpu.memory_space<semaphore_mem>>) src(%dma_wait3A_379 : memref<4608xf32, #tpu.memory_space<hbm>>) dst(%arg7 : memref<4608xf32, #tpu.memory_space<vmem>>)
        %eq3A_380 = arith.constant 0 : i32
        %eq3A_381 = arith.cmpi eq, %and3A_0, %eq3A_380 : i32
        %convert_element_type3A_382 = arith.extui %eq3A_381 : i1 to i32
        %cond3A_383 = arith.constant 0 : i32
        %cond3A_384 = arith.cmpi ne, %convert_element_type3A_382, %cond3A_383 : i32
        scf.if %cond3A_384 {
          %broadcast_in_dim3A_508 = arith.constant 0 : i32
          %broadcast_in_dim3A_509 = vector.broadcast %broadcast_in_dim3A_508 : i32 to vector<16xi32>
          %scan3A_510 = arith.constant 0 : i32
          %scan3A_511 = arith.constant 0 : i32
          %scan3A_512 = arith.constant 288 : i32
          %scan3A_513 = arith.addi %scan3A_511, %scan3A_512 : i32
          %scan3A_514 = arith.constant 1 : i32
          %scan3A_515 = scf.for %scan3A_517 = %scan3A_511 to %scan3A_513 step %scan3A_514 iter_args(%scan3A_518 = %scan3A_510) -> (i32)  : i32 {
            %mul3A_519 = arith.constant 16 : i32
            %mul3A_520 = arith.muli %scan3A_517, %mul3A_519 : i32
            %get3A = arith.index_cast %mul3A_520 : i32 to index
            %get3A_521 = tpu.vector_load %arg5[%get3A] {strides = array<i32>} : memref<4608xi32, #tpu.memory_space<vmem>>, vector<16xi32>,
            %get3A_522 = vector.shape_cast %get3A_521 : vector<16xi32> to vector<16xi32>
            %div3A_523 = arith.divsi %get3A_522, %broadcast_in_dim3A_15 : vector<16xi32>
            %add3A_524 = arith.addi %div3A_523, %broadcast_in_dim3A_509 : vector<16xi32>
            %mul3A_525 = arith.constant 16 : i32
            %mul3A_526 = arith.muli %scan3A_517, %mul3A_525 : i32
            %swap3A = arith.index_cast %mul3A_526 : i32 to index
            %swap3A_527 = tpu.vector_load %arg9[%swap3A] {strides = array<i32>} : memref<4608xi32, #tpu.memory_space<vmem>>, vector<16xi32>,
            %swap3A_528 = vector.shape_cast %swap3A_527 : vector<16xi32> to vector<16xi32>
            %swap3A_529 = vector.shape_cast %add3A_524 : vector<16xi32> to vector<16xi32>
            tpu.vector_store %arg9[%swap3A], %swap3A_529 {strides = array<i32>} : memref<4608xi32, #tpu.memory_space<vmem>>, vector<16xi32>,
            %scan3A_530 = arith.constant 0 : i32
            scf.yield %scan3A_530 : i32
          }
          %scan3A_516 = arith.constant 288 : i32
        } else {
        }
        %eq3A_385 = arith.constant 1 : i32
        %eq3A_386 = arith.cmpi eq, %and3A_0, %eq3A_385 : i32
        %convert_element_type3A_387 = arith.extui %eq3A_386 : i1 to i32
        %cond3A_388 = arith.constant 0 : i32
        %cond3A_389 = arith.cmpi ne, %convert_element_type3A_387, %cond3A_388 : i32
        scf.if %cond3A_389 {
          %broadcast_in_dim3A_508 = arith.constant 147456 : i32
          %broadcast_in_dim3A_509 = vector.broadcast %broadcast_in_dim3A_508 : i32 to vector<16xi32>
          %scan3A_510 = arith.constant 0 : i32
          %scan3A_511 = arith.constant 0 : i32
          %scan3A_512 = arith.constant 288 : i32
          %scan3A_513 = arith.addi %scan3A_511, %scan3A_512 : i32
          %scan3A_514 = arith.constant 1 : i32
          %scan3A_515 = scf.for %scan3A_517 = %scan3A_511 to %scan3A_513 step %scan3A_514 iter_args(%scan3A_518 = %scan3A_510) -> (i32)  : i32 {
            %mul3A_519 = arith.constant 16 : i32
            %mul3A_520 = arith.muli %scan3A_517, %mul3A_519 : i32
            %get3A = arith.index_cast %mul3A_520 : i32 to index
            %get3A_521 = tpu.vector_load %arg5[%get3A] {strides = array<i32>} : memref<4608xi32, #tpu.memory_space<vmem>>, vector<16xi32>,
            %get3A_522 = vector.shape_cast %get3A_521 : vector<16xi32> to vector<16xi32>
            %div3A_523 = arith.divsi %get3A_522, %broadcast_in_dim3A_15 : vector<16xi32>
            %add3A_524 = arith.addi %div3A_523, %broadcast_in_dim3A_509 : vector<16xi32>
            %mul3A_525 = arith.constant 16 : i32
            %mul3A_526 = arith.muli %scan3A_517, %mul3A_525 : i32
            %swap3A = arith.index_cast %mul3A_526 : i32 to index
            %swap3A_527 = tpu.vector_load %arg9[%swap3A] {strides = array<i32>} : memref<4608xi32, #tpu.memory_space<vmem>>, vector<16xi32>,
            %swap3A_528 = vector.shape_cast %swap3A_527 : vector<16xi32> to vector<16xi32>
            %swap3A_529 = vector.shape_cast %add3A_524 : vector<16xi32> to vector<16xi32>
            tpu.vector_store %arg9[%swap3A], %swap3A_529 {strides = array<i32>} : memref<4608xi32, #tpu.memory_space<vmem>>, vector<16xi32>,
            %scan3A_530 = arith.constant 0 : i32
            scf.yield %scan3A_530 : i32
          }
          %scan3A_516 = arith.constant 288 : i32
        } else {
        }
        %dma_wait3A_390 = arith.constant 0 : i32
        %dma_wait3A_391 = tpu.memref_slice %arg13[%dma_wait3A_390] : memref<294912xf32, #tpu.memory_space<vmem_shared>> -> memref<294912xf32, #tpu.memory_space<vmem_shared>>
        tpu.wait_indirect_dma semaphore(%arg16 : memref<!tpu.dma_semaphore, #tpu.memory_space<semaphore_mem>>) src(%arg8 : memref<4608xf32, #tpu.memory_space<vmem>>) dst(%dma_wait3A_391 : memref<294912xf32, #tpu.memory_space<vmem_shared>>)
        %barrier3A_392 = arith.constant 0 : index
        tpu.barrier barrier_id(%barrier3A_392)
        %mul3A_393 = arith.constant 18432 : i32
        %mul3A_394 = arith.muli %arg1, %mul3A_393 : i32
        %mul3A_395 = arith.constant 2 : i32
        %mul3A_396 = arith.muli %scan3A_301, %mul3A_395 : i32
        %add3A_397 = arith.addi %mul3A_396, %arg0 : i32
        %jit3A_398 = arith.constant 48 : i32
        %div3A_399 = arith.divsi %add3A_397, %jit3A_398 : i32
        %sign3A_400 = arith.constant 0 : i32
        %sign3A_401 = arith.cmpi sgt, %add3A_397, %sign3A_400 : i32
        %sign3A_402 = arith.extui %sign3A_401 : i1 to i32
        %sign3A_403 = arith.constant 0 : i32
        %sign3A_404 = arith.cmpi slt, %add3A_397, %sign3A_403 : i32
        %sign3A_405 = arith.extui %sign3A_404 : i1 to i32
        %sign3A_406 = arith.subi %sign3A_402, %sign3A_405 : i32
        %sign3A_407 = arith.constant 0 : i32
        %sign3A_408 = arith.cmpi sgt, %jit3A_398, %sign3A_407 : i32
        %sign3A_409 = arith.extui %sign3A_408 : i1 to i32
        %sign3A_410 = arith.constant 0 : i32
        %sign3A_411 = arith.cmpi slt, %jit3A_398, %sign3A_410 : i32
        %sign3A_412 = arith.extui %sign3A_411 : i1 to i32
        %sign3A_413 = arith.subi %sign3A_409, %sign3A_412 : i32
        %ne3A_414 = arith.cmpi ne, %sign3A_406, %sign3A_413 : i32
        %rem3A_415 = arith.remsi %add3A_397, %jit3A_398 : i32
        %ne3A_416 = arith.constant 0 : i32
        %ne3A_417 = arith.cmpi ne, %rem3A_415, %ne3A_416 : i32
        %and3A_418 = arith.andi %ne3A_414, %ne3A_417 : i1
        %sub3A_419 = arith.constant 1 : i32
        %sub3A_420 = arith.subi %div3A_399, %sub3A_419 : i32
        %select_n3A_421 = arith.select %and3A_418, %sub3A_420, %div3A_399 : i32
        %jit3A_422 = arith.constant 48 : i32
        %eq3A_423 = arith.constant 0 : i32
        %eq3A_424 = arith.cmpi eq, %jit3A_422, %eq3A_423 : i32
        %jit3A_425 = arith.constant 1 : i32
        %select_n3A_426 = arith.select %eq3A_424, %jit3A_425, %jit3A_422 : i32
        %rem3A_427 = arith.remsi %add3A_397, %select_n3A_426 : i32
        %ne3A_428 = arith.constant 0 : i32
        %ne3A_429 = arith.cmpi ne, %rem3A_427, %ne3A_428 : i32
        %lt3A_430 = arith.constant 0 : i32
        %lt3A_431 = arith.cmpi slt, %rem3A_427, %lt3A_430 : i32
        %lt3A_432 = arith.constant 0 : i32
        %lt3A_433 = arith.cmpi slt, %select_n3A_426, %lt3A_432 : i32
        %ne3A_434 = arith.xori %lt3A_431, %lt3A_433 : i1
        %and3A_435 = arith.andi %ne3A_434, %ne3A_429 : i1
        %add3A_436 = arith.addi %rem3A_427, %select_n3A_426 : i32
        %select_n3A_437 = arith.select %and3A_435, %add3A_436, %rem3A_427 : i32
        %mul3A_438 = arith.constant 2 : i32
        %mul3A_439 = arith.muli %select_n3A_437, %mul3A_438 : i32
        %add3A_440 = arith.addi %mul3A_439, %shift_right_logical3A_3 : i32
        %dma_start3A_441 = tpu.memref_slice %arg4[%select_n3A_421, %add3A_440, %mul3A_6] : memref<4x96x147456xf32, #tpu.memory_space<hbm>> -> memref<1x1x18432xf32, #tpu.memory_space<hbm>>
        %dma_start3A_442 = tpu.memref_squeeze %dma_start3A_441 : memref<1x1x18432xf32, #tpu.memory_space<hbm>> -> memref<18432xf32, #tpu.memory_space<hbm>>
        %dma_start3A_443 = tpu.memref_slice %arg13[%mul3A_394] : memref<294912xf32, #tpu.memory_space<vmem_shared>> -> memref<18432xf32, #tpu.memory_space<vmem_shared>>
        tpu.enqueue_dma source(%dma_start3A_443 : memref<18432xf32, #tpu.memory_space<vmem_shared>>) target(%dma_start3A_442 : memref<18432xf32, #tpu.memory_space<hbm>>) target_semaphore(%arg18 : memref<!tpu.dma_semaphore, #tpu.memory_space<semaphore_mem>>)
        %gt3A = arith.constant 0 : i32
        %gt3A_444 = arith.cmpi sgt, %scan3A_301, %gt3A : i32
        %convert_element_type3A_445 = arith.extui %gt3A_444 : i1 to i32
        %cond3A_446 = arith.constant 0 : i32
        %cond3A_447 = arith.cmpi ne, %convert_element_type3A_445, %cond3A_446 : i32
        scf.if %cond3A_447 {
          %sub3A_508 = arith.constant 1 : i32
          %sub3A_509 = arith.subi %scan3A_301, %sub3A_508 : i32
          %mul3A_510 = arith.constant 18432 : i32
          %mul3A_511 = arith.muli %arg1, %mul3A_510 : i32
          %mul3A_512 = arith.constant 2 : i32
          %mul3A_513 = arith.muli %sub3A_509, %mul3A_512 : i32
          %add3A_514 = arith.addi %mul3A_513, %arg0 : i32
          %jit3A_515 = arith.constant 48 : i32
          %div3A_516 = arith.divsi %add3A_514, %jit3A_515 : i32
          %sign3A_517 = arith.constant 0 : i32
          %sign3A_518 = arith.cmpi sgt, %add3A_514, %sign3A_517 : i32
          %sign3A_519 = arith.extui %sign3A_518 : i1 to i32
          %sign3A_520 = arith.constant 0 : i32
          %sign3A_521 = arith.cmpi slt, %add3A_514, %sign3A_520 : i32
          %sign3A_522 = arith.extui %sign3A_521 : i1 to i32
          %sign3A_523 = arith.subi %sign3A_519, %sign3A_522 : i32
          %sign3A_524 = arith.constant 0 : i32
          %sign3A_525 = arith.cmpi sgt, %jit3A_515, %sign3A_524 : i32
          %sign3A_526 = arith.extui %sign3A_525 : i1 to i32
          %sign3A_527 = arith.constant 0 : i32
          %sign3A_528 = arith.cmpi slt, %jit3A_515, %sign3A_527 : i32
          %sign3A_529 = arith.extui %sign3A_528 : i1 to i32
          %sign3A_530 = arith.subi %sign3A_526, %sign3A_529 : i32
          %ne3A_531 = arith.cmpi ne, %sign3A_523, %sign3A_530 : i32
          %rem3A_532 = arith.remsi %add3A_514, %jit3A_515 : i32
          %ne3A_533 = arith.constant 0 : i32
          %ne3A_534 = arith.cmpi ne, %rem3A_532, %ne3A_533 : i32
          %and3A_535 = arith.andi %ne3A_531, %ne3A_534 : i1
          %sub3A_536 = arith.constant 1 : i32
          %sub3A_537 = arith.subi %div3A_516, %sub3A_536 : i32
          %select_n3A_538 = arith.select %and3A_535, %sub3A_537, %div3A_516 : i32
          %jit3A_539 = arith.constant 48 : i32
          %eq3A_540 = arith.constant 0 : i32
          %eq3A_541 = arith.cmpi eq, %jit3A_539, %eq3A_540 : i32
          %jit3A_542 = arith.constant 1 : i32
          %select_n3A_543 = arith.select %eq3A_541, %jit3A_542, %jit3A_539 : i32
          %rem3A_544 = arith.remsi %add3A_514, %select_n3A_543 : i32
          %ne3A_545 = arith.constant 0 : i32
          %ne3A_546 = arith.cmpi ne, %rem3A_544, %ne3A_545 : i32
          %lt3A_547 = arith.constant 0 : i32
          %lt3A_548 = arith.cmpi slt, %rem3A_544, %lt3A_547 : i32
          %lt3A_549 = arith.constant 0 : i32
          %lt3A_550 = arith.cmpi slt, %select_n3A_543, %lt3A_549 : i32
          %ne3A_551 = arith.xori %lt3A_548, %lt3A_550 : i1
          %and3A_552 = arith.andi %ne3A_551, %ne3A_546 : i1
          %add3A_553 = arith.addi %rem3A_544, %select_n3A_543 : i32
          %select_n3A_554 = arith.select %and3A_552, %add3A_553, %rem3A_544 : i32
          %mul3A_555 = arith.constant 2 : i32
          %mul3A_556 = arith.muli %select_n3A_554, %mul3A_555 : i32
          %add3A_557 = arith.addi %mul3A_556, %shift_right_logical3A_3 : i32
          %dma_wait3A_558 = tpu.memref_slice %arg4[%select_n3A_538, %add3A_557, %mul3A_6] : memref<4x96x147456xf32, #tpu.memory_space<hbm>> -> memref<1x1x18432xf32, #tpu.memory_space<hbm>>
          %dma_wait3A_559 = tpu.memref_squeeze %dma_wait3A_558 : memref<1x1x18432xf32, #tpu.memory_space<hbm>> -> memref<18432xf32, #tpu.memory_space<hbm>>
          %dma_wait3A_560 = tpu.memref_slice %arg12[%mul3A_511] : memref<294912xf32, #tpu.memory_space<vmem_shared>> -> memref<18432xf32, #tpu.memory_space<vmem_shared>>
          tpu.wait_dma2 semaphore(%arg17 : memref<!tpu.dma_semaphore, #tpu.memory_space<semaphore_mem>>) src(%dma_wait3A_560 : memref<18432xf32, #tpu.memory_space<vmem_shared>>) dst(%dma_wait3A_559 : memref<18432xf32, #tpu.memory_space<hbm>>)
          %mul3A_561 = arith.constant 18432 : i32
          %mul3A_562 = arith.muli %arg1, %mul3A_561 : i32
          %dma_start3A_563 = tpu.memref_slice %arg12[%mul3A_562] : memref<294912xf32, #tpu.memory_space<vmem_shared>> -> memref<18432xf32, #tpu.memory_space<vmem_shared>>
          %dma_start3A_564 = tpu.memref_slice %arg12[%mul3A_562] : memref<294912xf32, #tpu.memory_space<vmem_shared>> -> memref<18432xf32, #tpu.memory_space<vmem_shared>>
          tpu.enqueue_dma source(%arg11 : memref<18432xf32, #tpu.memory_space<vmem>>) target(%dma_start3A_564 : memref<18432xf32, #tpu.memory_space<vmem_shared>>) target_semaphore(%arg19 : memref<!tpu.dma_semaphore, #tpu.memory_space<semaphore_mem>>)
        } else {
        }
        %add3A_448 = arith.constant 2 : i32
        %add3A_449 = arith.addi %scan3A_301, %add3A_448 : i32
        %min3A_450 = arith.constant 95 : i32
        %min3A_451 = arith.minsi %add3A_449, %min3A_450 : i32
        %mul3A_452 = arith.constant 2 : i32
        %mul3A_453 = arith.muli %min3A_451, %mul3A_452 : i32
        %add3A_454 = arith.addi %mul3A_453, %arg0 : i32
        %jit3A_455 = arith.constant 48 : i32
        %div3A_456 = arith.divsi %add3A_454, %jit3A_455 : i32
        %sign3A_457 = arith.constant 0 : i32
        %sign3A_458 = arith.cmpi sgt, %add3A_454, %sign3A_457 : i32
        %sign3A_459 = arith.extui %sign3A_458 : i1 to i32
        %sign3A_460 = arith.constant 0 : i32
        %sign3A_461 = arith.cmpi slt, %add3A_454, %sign3A_460 : i32
        %sign3A_462 = arith.extui %sign3A_461 : i1 to i32
        %sign3A_463 = arith.subi %sign3A_459, %sign3A_462 : i32
        %sign3A_464 = arith.constant 0 : i32
        %sign3A_465 = arith.cmpi sgt, %jit3A_455, %sign3A_464 : i32
        %sign3A_466 = arith.extui %sign3A_465 : i1 to i32
        %sign3A_467 = arith.constant 0 : i32
        %sign3A_468 = arith.cmpi slt, %jit3A_455, %sign3A_467 : i32
        %sign3A_469 = arith.extui %sign3A_468 : i1 to i32
        %sign3A_470 = arith.subi %sign3A_466, %sign3A_469 : i32
        %ne3A_471 = arith.cmpi ne, %sign3A_463, %sign3A_470 : i32
        %rem3A_472 = arith.remsi %add3A_454, %jit3A_455 : i32
        %ne3A_473 = arith.constant 0 : i32
        %ne3A_474 = arith.cmpi ne, %rem3A_472, %ne3A_473 : i32
        %and3A_475 = arith.andi %ne3A_471, %ne3A_474 : i1
        %sub3A_476 = arith.constant 1 : i32
        %sub3A_477 = arith.subi %div3A_456, %sub3A_476 : i32
        %select_n3A_478 = arith.select %and3A_475, %sub3A_477, %div3A_456 : i32
        %jit3A_479 = arith.constant 48 : i32
        %eq3A_480 = arith.constant 0 : i32
        %eq3A_481 = arith.cmpi eq, %jit3A_479, %eq3A_480 : i32
        %jit3A_482 = arith.constant 1 : i32
        %select_n3A_483 = arith.select %eq3A_481, %jit3A_482, %jit3A_479 : i32
        %rem3A_484 = arith.remsi %add3A_454, %select_n3A_483 : i32
        %ne3A_485 = arith.constant 0 : i32
        %ne3A_486 = arith.cmpi ne, %rem3A_484, %ne3A_485 : i32
        %lt3A_487 = arith.constant 0 : i32
        %lt3A_488 = arith.cmpi slt, %rem3A_484, %lt3A_487 : i32
        %lt3A_489 = arith.constant 0 : i32
        %lt3A_490 = arith.cmpi slt, %select_n3A_483, %lt3A_489 : i32
        %ne3A_491 = arith.xori %lt3A_488, %lt3A_490 : i1
        %and3A_492 = arith.andi %ne3A_491, %ne3A_486 : i1
        %add3A_493 = arith.addi %rem3A_484, %select_n3A_483 : i32
        %select_n3A_494 = arith.select %and3A_492, %add3A_493, %rem3A_484 : i32
        %mul3A_495 = arith.constant 2 : i32
        %mul3A_496 = arith.muli %select_n3A_494, %mul3A_495 : i32
        %add3A_497 = arith.addi %mul3A_496, %and3A_0 : i32
        %mul3A_498 = arith.constant 4608 : i32
        %mul3A_499 = arith.muli %shift_right_logical3A_1, %mul3A_498 : i32
        %dma_start3A_500 = tpu.memref_slice %arg2[%select_n3A_478, %add3A_497, %mul3A_499] : memref<4x96x36864xi32, #tpu.memory_space<hbm>> -> memref<1x1x4608xi32, #tpu.memory_space<hbm>>
        %dma_start3A_501 = tpu.memref_squeeze %dma_start3A_500 : memref<1x1x4608xi32, #tpu.memory_space<hbm>> -> memref<4608xi32, #tpu.memory_space<hbm>>
        %dma_start3A_502 = tpu.memref_slice %arg2[%select_n3A_478, %add3A_497, %mul3A_499] : memref<4x96x36864xi32, #tpu.memory_space<hbm>> -> memref<1x1x4608xi32, #tpu.memory_space<hbm>>
        %dma_start3A_503 = tpu.memref_squeeze %dma_start3A_502 : memref<1x1x4608xi32, #tpu.memory_space<hbm>> -> memref<4608xi32, #tpu.memory_space<hbm>>
        tpu.enqueue_dma source(%dma_start3A_503 : memref<4608xi32, #tpu.memory_space<hbm>>) target(%arg6 : memref<4608xi32, #tpu.memory_space<vmem>>) target_semaphore(%arg14 : memref<!tpu.dma_semaphore, #tpu.memory_space<semaphore_mem>>)
        %dma_start3A_504 = tpu.memref_slice %arg3[%select_n3A_478, %add3A_497, %mul3A_499] : memref<4x96x36864xf32, #tpu.memory_space<hbm>> -> memref<1x1x4608xf32, #tpu.memory_space<hbm>>
        %dma_start3A_505 = tpu.memref_squeeze %dma_start3A_504 : memref<1x1x4608xf32, #tpu.memory_space<hbm>> -> memref<4608xf32, #tpu.memory_space<hbm>>
        %dma_start3A_506 = tpu.memref_slice %arg3[%select_n3A_478, %add3A_497, %mul3A_499] : memref<4x96x36864xf32, #tpu.memory_space<hbm>> -> memref<1x1x4608xf32, #tpu.memory_space<hbm>>
        %dma_start3A_507 = tpu.memref_squeeze %dma_start3A_506 : memref<1x1x4608xf32, #tpu.memory_space<hbm>> -> memref<4608xf32, #tpu.memory_space<hbm>>
        tpu.enqueue_dma source(%dma_start3A_507 : memref<4608xf32, #tpu.memory_space<hbm>>) target(%arg8 : memref<4608xf32, #tpu.memory_space<vmem>>) target_semaphore(%arg15 : memref<!tpu.dma_semaphore, #tpu.memory_space<semaphore_mem>>)
      } else {
      }
      %scan3A_314 = arith.constant 0 : i32
      scf.yield %scan3A_314 : i32
    }
    %scan3A_191 = arith.constant 96 : i32
    %mul3A_192 = arith.constant 18432 : i32
    %mul3A_193 = arith.muli %arg1, %mul3A_192 : i32
    %add3A_194 = arith.constant 190 : i32
    %add3A_195 = arith.addi %add3A_194, %arg0 : i32
    %jit3A_196 = arith.constant 48 : i32
    %div3A_197 = arith.divsi %add3A_195, %jit3A_196 : i32
    %sign3A_198 = arith.constant 0 : i32
    %sign3A_199 = arith.cmpi sgt, %add3A_195, %sign3A_198 : i32
    %sign3A_200 = arith.extui %sign3A_199 : i1 to i32
    %sign3A_201 = arith.constant 0 : i32
    %sign3A_202 = arith.cmpi slt, %add3A_195, %sign3A_201 : i32
    %sign3A_203 = arith.extui %sign3A_202 : i1 to i32
    %sign3A_204 = arith.subi %sign3A_200, %sign3A_203 : i32
    %sign3A_205 = arith.constant 0 : i32
    %sign3A_206 = arith.cmpi sgt, %jit3A_196, %sign3A_205 : i32
    %sign3A_207 = arith.extui %sign3A_206 : i1 to i32
    %sign3A_208 = arith.constant 0 : i32
    %sign3A_209 = arith.cmpi slt, %jit3A_196, %sign3A_208 : i32
    %sign3A_210 = arith.extui %sign3A_209 : i1 to i32
    %sign3A_211 = arith.subi %sign3A_207, %sign3A_210 : i32
    %ne3A_212 = arith.cmpi ne, %sign3A_204, %sign3A_211 : i32
    %rem3A_213 = arith.remsi %add3A_195, %jit3A_196 : i32
    %ne3A_214 = arith.constant 0 : i32
    %ne3A_215 = arith.cmpi ne, %rem3A_213, %ne3A_214 : i32
    %and3A_216 = arith.andi %ne3A_212, %ne3A_215 : i1
    %sub3A_217 = arith.constant 1 : i32
    %sub3A_218 = arith.subi %div3A_197, %sub3A_217 : i32
    %select_n3A_219 = arith.select %and3A_216, %sub3A_218, %div3A_197 : i32
    %jit3A_220 = arith.constant 48 : i32
    %eq3A_221 = arith.constant 0 : i32
    %eq3A_222 = arith.cmpi eq, %jit3A_220, %eq3A_221 : i32
    %jit3A_223 = arith.constant 1 : i32
    %select_n3A_224 = arith.select %eq3A_222, %jit3A_223, %jit3A_220 : i32
    %rem3A_225 = arith.remsi %add3A_195, %select_n3A_224 : i32
    %ne3A_226 = arith.constant 0 : i32
    %ne3A_227 = arith.cmpi ne, %rem3A_225, %ne3A_226 : i32
    %lt3A_228 = arith.constant 0 : i32
    %lt3A_229 = arith.cmpi slt, %rem3A_225, %lt3A_228 : i32
    %lt3A_230 = arith.constant 0 : i32
    %lt3A_231 = arith.cmpi slt, %select_n3A_224, %lt3A_230 : i32
    %ne3A_232 = arith.xori %lt3A_229, %lt3A_231 : i1
    %and3A_233 = arith.andi %ne3A_232, %ne3A_227 : i1
    %add3A_234 = arith.addi %rem3A_225, %select_n3A_224 : i32
    %select_n3A_235 = arith.select %and3A_233, %add3A_234, %rem3A_225 : i32
    %mul3A_236 = arith.constant 2 : i32
    %mul3A_237 = arith.muli %select_n3A_235, %mul3A_236 : i32
    %add3A_238 = arith.addi %mul3A_237, %shift_right_logical3A_3 : i32
    %dma_wait3A_239 = tpu.memref_slice %arg4[%select_n3A_219, %add3A_238, %mul3A_6] : memref<4x96x147456xf32, #tpu.memory_space<hbm>> -> memref<1x1x18432xf32, #tpu.memory_space<hbm>>
    %dma_wait3A_240 = tpu.memref_squeeze %dma_wait3A_239 : memref<1x1x18432xf32, #tpu.memory_space<hbm>> -> memref<18432xf32, #tpu.memory_space<hbm>>
    %dma_wait3A_241 = tpu.memref_slice %arg13[%mul3A_193] : memref<294912xf32, #tpu.memory_space<vmem_shared>> -> memref<18432xf32, #tpu.memory_space<vmem_shared>>
    tpu.wait_dma2 semaphore(%arg18 : memref<!tpu.dma_semaphore, #tpu.memory_space<semaphore_mem>>) src(%dma_wait3A_241 : memref<18432xf32, #tpu.memory_space<vmem_shared>>) dst(%dma_wait3A_240 : memref<18432xf32, #tpu.memory_space<hbm>>)
    %mul3A_242 = arith.constant 18432 : i32
    %mul3A_243 = arith.muli %arg1, %mul3A_242 : i32
    %dma_wait3A_244 = tpu.memref_slice %arg12[%mul3A_243] : memref<294912xf32, #tpu.memory_space<vmem_shared>> -> memref<18432xf32, #tpu.memory_space<vmem_shared>>
    %dma_wait3A_245 = tpu.memref_slice %arg12[%mul3A_243] : memref<294912xf32, #tpu.memory_space<vmem_shared>> -> memref<18432xf32, #tpu.memory_space<vmem_shared>>
    tpu.wait_dma2 semaphore(%arg19 : memref<!tpu.dma_semaphore, #tpu.memory_space<semaphore_mem>>) src(%arg11 : memref<18432xf32, #tpu.memory_space<vmem>>) dst(%dma_wait3A_245 : memref<18432xf32, #tpu.memory_space<vmem_shared>>)
    %add3A_246 = arith.constant 190 : i32
    %add3A_247 = arith.addi %add3A_246, %arg0 : i32
    %jit3A_248 = arith.constant 48 : i32
    %div3A_249 = arith.divsi %add3A_247, %jit3A_248 : i32
    %sign3A_250 = arith.constant 0 : i32
    %sign3A_251 = arith.cmpi sgt, %add3A_247, %sign3A_250 : i32
    %sign3A_252 = arith.extui %sign3A_251 : i1 to i32
    %sign3A_253 = arith.constant 0 : i32
    %sign3A_254 = arith.cmpi slt, %add3A_247, %sign3A_253 : i32
    %sign3A_255 = arith.extui %sign3A_254 : i1 to i32
    %sign3A_256 = arith.subi %sign3A_252, %sign3A_255 : i32
    %sign3A_257 = arith.constant 0 : i32
    %sign3A_258 = arith.cmpi sgt, %jit3A_248, %sign3A_257 : i32
    %sign3A_259 = arith.extui %sign3A_258 : i1 to i32
    %sign3A_260 = arith.constant 0 : i32
    %sign3A_261 = arith.cmpi slt, %jit3A_248, %sign3A_260 : i32
    %sign3A_262 = arith.extui %sign3A_261 : i1 to i32
    %sign3A_263 = arith.subi %sign3A_259, %sign3A_262 : i32
    %ne3A_264 = arith.cmpi ne, %sign3A_256, %sign3A_263 : i32
    %rem3A_265 = arith.remsi %add3A_247, %jit3A_248 : i32
    %ne3A_266 = arith.constant 0 : i32
    %ne3A_267 = arith.cmpi ne, %rem3A_265, %ne3A_266 : i32
    %and3A_268 = arith.andi %ne3A_264, %ne3A_267 : i1
    %sub3A_269 = arith.constant 1 : i32
    %sub3A_270 = arith.subi %div3A_249, %sub3A_269 : i32
    %select_n3A_271 = arith.select %and3A_268, %sub3A_270, %div3A_249 : i32
    %jit3A_272 = arith.constant 48 : i32
    %eq3A_273 = arith.constant 0 : i32
    %eq3A_274 = arith.cmpi eq, %jit3A_272, %eq3A_273 : i32
    %jit3A_275 = arith.constant 1 : i32
    %select_n3A_276 = arith.select %eq3A_274, %jit3A_275, %jit3A_272 : i32
    %rem3A_277 = arith.remsi %add3A_247, %select_n3A_276 : i32
    %ne3A_278 = arith.constant 0 : i32
    %ne3A_279 = arith.cmpi ne, %rem3A_277, %ne3A_278 : i32
    %lt3A_280 = arith.constant 0 : i32
    %lt3A_281 = arith.cmpi slt, %rem3A_277, %lt3A_280 : i32
    %lt3A_282 = arith.constant 0 : i32
    %lt3A_283 = arith.cmpi slt, %select_n3A_276, %lt3A_282 : i32
    %ne3A_284 = arith.xori %lt3A_281, %lt3A_283 : i1
    %and3A_285 = arith.andi %ne3A_284, %ne3A_279 : i1
    %add3A_286 = arith.addi %rem3A_277, %select_n3A_276 : i32
    %select_n3A_287 = arith.select %and3A_285, %add3A_286, %rem3A_277 : i32
    %mul3A_288 = arith.constant 2 : i32
    %mul3A_289 = arith.muli %select_n3A_287, %mul3A_288 : i32
    %add3A_290 = arith.addi %mul3A_289, %and3A_0 : i32
    %mul3A_291 = arith.constant 4608 : i32
    %mul3A_292 = arith.muli %shift_right_logical3A_1, %mul3A_291 : i32
    %dma_wait3A_293 = tpu.memref_slice %arg2[%select_n3A_271, %add3A_290, %mul3A_292] : memref<4x96x36864xi32, #tpu.memory_space<hbm>> -> memref<1x1x4608xi32, #tpu.memory_space<hbm>>
    %dma_wait3A_294 = tpu.memref_squeeze %dma_wait3A_293 : memref<1x1x4608xi32, #tpu.memory_space<hbm>> -> memref<4608xi32, #tpu.memory_space<hbm>>
    %dma_wait3A_295 = tpu.memref_slice %arg2[%select_n3A_271, %add3A_290, %mul3A_292] : memref<4x96x36864xi32, #tpu.memory_space<hbm>> -> memref<1x1x4608xi32, #tpu.memory_space<hbm>>
    %dma_wait3A_296 = tpu.memref_squeeze %dma_wait3A_295 : memref<1x1x4608xi32, #tpu.memory_space<hbm>> -> memref<4608xi32, #tpu.memory_space<hbm>>
    tpu.wait_dma2 semaphore(%arg14 : memref<!tpu.dma_semaphore, #tpu.memory_space<semaphore_mem>>) src(%dma_wait3A_296 : memref<4608xi32, #tpu.memory_space<hbm>>) dst(%arg6 : memref<4608xi32, #tpu.memory_space<vmem>>)
    %dma_wait3A_297 = tpu.memref_slice %arg3[%select_n3A_271, %add3A_290, %mul3A_292] : memref<4x96x36864xf32, #tpu.memory_space<hbm>> -> memref<1x1x4608xf32, #tpu.memory_space<hbm>>
    %dma_wait3A_298 = tpu.memref_squeeze %dma_wait3A_297 : memref<1x1x4608xf32, #tpu.memory_space<hbm>> -> memref<4608xf32, #tpu.memory_space<hbm>>
    %dma_wait3A_299 = tpu.memref_slice %arg3[%select_n3A_271, %add3A_290, %mul3A_292] : memref<4x96x36864xf32, #tpu.memory_space<hbm>> -> memref<1x1x4608xf32, #tpu.memory_space<hbm>>
    %dma_wait3A_300 = tpu.memref_squeeze %dma_wait3A_299 : memref<1x1x4608xf32, #tpu.memory_space<hbm>> -> memref<4608xf32, #tpu.memory_space<hbm>>
    tpu.wait_dma2 semaphore(%arg15 : memref<!tpu.dma_semaphore, #tpu.memory_space<semaphore_mem>>) src(%dma_wait3A_300 : memref<4608xf32, #tpu.memory_space<hbm>>) dst(%arg8 : memref<4608xf32, #tpu.memory_space<vmem>>)
    return
  }
}

</mosaic_0001>

<sc_bundles>
// kernel: kernel.3.cloned.1.call-start
scs
__scs_entry_jumppad:
0x0: {  	(pc) =	sbr.rel $0x88, $3  }
0x1: {  	(tag) =	ssettag $0x0;
	lr =	simm.s32 $0x1  }
0x2: {  	[smem:$0x3F9F] =	sst lr;
	_ =	strace $0xD0000000  }
0x3: {  	_ = 	snop  }
0x4: {  	_ = 	snop  }
0x5: {  	_ = 	snop  }
0x6: {  	_ = 	snop  }
0x7: {  	_ = 	snop  }
__scs_overlays_trampoline_lowered:
0x8: {  	[smem:$0x3FAE] =	sst s0  }
0x9: {  	[smem:$0x3FAF] =	sst s1  }
0xa: {  	[smem:$0x3FB0] =	sst s2  }
0xb: {  	[smem:$0x3FB1] =	sst s3  }
0xc: {  	[smem:$0x3FB2] =	sst s4  }
0xd: {  	[smem:$0x3FB3] =	sst s5  }
0xe: {  	[smem:$0x3FB4] =	sst s6  }
0xf: {  	[smem:$0x3FB5] =	sst s7  }
0x10: {  	[smem:$0x3FB6] =	sst s8  }
0x11: {  	[smem:$0x3FB7] =	sst s9;
	s0 =	simm.s32 @!p0 $0x0  }
0x12: {  	s1 =	sld [smem:$0x3F9D];
	s0 =	simm.s32 @p0 $0x1  }
0x13: {  	[smem:$0x3FB8] =	sst s0;
	s0 =	simm.s32 @!p1 $0x0  }
0x14: {  	s2 =	sld [smem:$0x3F9C];
	s0 =	simm.s32 @p1 $0x1  }
0x15: {  	[smem:$0x3FB9] =	sst s0;
	s0 =	simm.s32 @!p2 $0x0  }
0x16: {  	s3 =	sld [smem:$0x3FDB];
	s0 =	simm.s32 @p2 $0x1  }
0x17: {  	s4 =	simm.s32 $0x1BF5;
	[smem:$0x3FBB] =	sst s0  }
0x18: {  	s0 =	sld [smem:$0x3F9E];
	_ =	swait.ge [sflag:s4], $0x0  }
0x19: {  	s7 =	sld [smem:$0x3F9F]  }
0x1a: {  	s8 =	sadd.s32 $0xFFFFE003, lr  }
0x1b: {  	s9 =	sadd.s32 $0xFFFFFEF7, lr;
	s5 =	simm.s32 $0xFFFFFFFF;
	p2 =	slt.u32 s8, $0xFFFFF086  }
0x1c: {  	p1 =	slt.u32 s9, $0xF7A;
	s5 =	simm.s32 @!p2 $0x0  }
0x1d: {  	s5 =	simm.s32 @p1 $0x1;
	p0 =	seq.s32 s7, s2  }
0x1e: {  	s7 =	smul.u32 @!p0 $0xF7A, s2;
	p2 =	seq.s32 @!p0 s5, $0x0  }
0x1f: {  	s9 =	smul.u32 $0xF7A, s1;
	s8 =	simm.s32 @!p0 $0x1BF5;
	p2 =	por !p2, p0  }
0x20: {  	[sflag:s8] =	ssyncset.s32 @!p0 $0xFFFFF086;
	s6 =	sadd.s32 @!p0 s3, s7;
	s7 =	simm.s32 @!p0 $0x108  }
0x21: {  	s3 =	sadd.s32 s3, s9;
	s6 =	sadd.s32 @!p0 $0x88, s6;
	s7 =	simm.s32 @p2 $0x1082  }
0x22: {  	[simem:s7], [sflag:s8] =	dma.local @!p0 [hbm:s6], $0xF7A  }
0x23: {  	s9 =	sor.u32 $0xD0000000, s2;
	s6 =	simm.s32 $0x108;
	_ =	swait.ge @!p0 [sflag:s8], $0x0  }
0x24: {  	s3 =	sadd.s32 $0x88, s3;
	s6 =	simm.s32 @!p1 $0x1082;
	[sflag:s4] =	ssyncset.s32 $0xFFFFF086  }
0x25: {  	[simem:s6], [sflag:s4] =	dma.local [hbm:s3], $0xF7A  }
0x26: {  	[smem:$0x3F9F] =	sst s1;
	(tag) =	ssettag s2;
	_ =	strace s9  }
0x27: {  	s1 =	sld [smem:$0x3FAF]  }
0x28: {  	s2 =	sld [smem:$0x3FB0]  }
0x29: {  	s4 =	sld [smem:$0x3FB2]  }
0x2a: {  	p0 =	seq.s32 s5, $0x0;
	s5 =	sld [smem:$0x3FB3]  }
0x2b: {  	s6 =	sld [smem:$0x3FB4]  }
0x2c: {  	s7 =	sld [smem:$0x3FB5]  }
0x2d: {  	s3 =	simm.s32 $0x108;
	s8 =	sld [smem:$0x3FB6]  }
0x2e: {  	s3 =	simm.s32 @!p0 $0x1082;
	s9 =	sld [smem:$0x3FB7]  }
0x2f: {  	lr =	sadd.s32 s0, s3;
	s0 =	sld [smem:$0x3FAE]  }
0x30: {  	s3 =	sld [smem:$0x3FB1]  }
0x31: {  	[smem:$0x3FBA] =	sst s10  }
0x32: {  	s10 =	sld [smem:$0x3FB8];
	_ =	sdelay $0x3  }
0x33: {  	p0 =	seq.s32 s10, $0x1;
	s10 =	sld [smem:$0x3FBA];
	_ =	sdelay $0x3  }
0x34: {  	[smem:$0x3FBA] =	sst s10  }
0x35: {  	s10 =	sld [smem:$0x3FB9];
	_ =	sdelay $0x3  }
0x36: {  	p1 =	seq.s32 s10, $0x1;
	s10 =	sld [smem:$0x3FBA];
	_ =	sdelay $0x3  }
0x37: {  	[smem:$0x3FBA] =	sst s10  }
0x38: {  	s10 =	sld [smem:$0x3FBB]  }
0x39: {  	_ = 	snop;
	(pc) =	sbr.ind lr, $3  }
0x3a: {  	_ = 	snop  }
0x3b: {  	_ = 	snop  }
0x3c: {  	p2 =	seq.s32 s10, $0x1;
	s10 =	sld [smem:$0x3FBA]  }
0x3d: {  	_ =	shalt  }
0x3e: {  	_ =	shalt  }
0x3f: {  	_ =	shalt  }
0x40: {  	_ =	shalt  }
0x41: {  	_ =	shalt  }
0x42: {  	_ =	shalt  }
0x43: {  	_ =	shalt  }
0x44: {  	_ =	shalt  }
0x45: {  	_ =	shalt  }
0x46: {  	_ =	shalt  }
0x47: {  	_ =	shalt  }
0x48: {  	_ =	shalt  }
0x49: {  	_ =	shalt  }
0x4a: {  	_ =	shalt  }
0x4b: {  	_ =	shalt  }
0x4c: {  	_ =	shalt  }
0x4d: {  	_ =	shalt  }
0x4e: {  	_ =	shalt  }
0x4f: {  	_ =	shalt  }
0x50: {  	_ =	shalt  }
0x51: {  	_ =	shalt  }
0x52: {  	_ =	shalt  }
0x53: {  	_ =	shalt  }
0x54: {  	_ =	shalt  }
0x55: {  	_ =	shalt  }
0x56: {  	_ =	shalt  }
0x57: {  	_ =	shalt  }
0x58: {  	_ =	shalt  }
0x59: {  	_ =	shalt  }
0x5a: {  	_ =	shalt  }
0x5b: {  	_ =	shalt  }
0x5c: {  	_ =	shalt  }
0x5d: {  	_ =	shalt  }
0x5e: {  	_ =	shalt  }
0x5f: {  	_ =	shalt  }
0x60: {  	_ =	shalt  }
0x61: {  	_ =	shalt  }
0x62: {  	_ =	shalt  }
0x63: {  	_ =	shalt  }
0x64: {  	_ =	shalt  }
0x65: {  	_ =	shalt  }
0x66: {  	_ =	shalt  }
0x67: {  	_ =	shalt  }
0x68: {  	_ =	shalt  }
0x69: {  	_ =	shalt  }
0x6a: {  	_ =	shalt  }
0x6b: {  	_ =	shalt  }
0x6c: {  	_ =	shalt  }
0x6d: {  	_ =	shalt  }
0x6e: {  	_ =	shalt  }
0x6f: {  	_ =	shalt  }
0x70: {  	_ =	shalt  }
0x71: {  	_ =	shalt  }
0x72: {  	_ =	shalt  }
0x73: {  	_ =	shalt  }
0x74: {  	_ =	shalt  }
0x75: {  	_ =	shalt  }
0x76: {  	_ =	shalt  }
0x77: {  	_ =	shalt  }
0x78: {  	_ =	shalt  }
0x79: {  	_ =	shalt  }
0x7a: {  	_ =	shalt  }
0x7b: {  	_ =	shalt  }
0x7c: {  	_ =	shalt  }
0x7d: {  	_ =	shalt  }
0x7e: {  	_ =	shalt  }
0x7f: {  	_ =	shalt  }
0x80: {  	_ =	shalt  }
0x81: {  	_ =	shalt  }
0x82: {  	_ =	shalt  }
0x83: {  	_ =	shalt  }
0x84: {  	_ =	shalt  }
0x85: {  	_ =	shalt  }
0x86: {  	_ =	shalt  }
0x87: {  	_ =	shalt  }
.Lfunc_end0:
.L_simem_size_0:
called_computation.3_lowered:
.L_overlay_start_0:
0x88: {  	s2 =	sld [smem:$0x3FD9]  }
0x89: {  	s3 =	sld [smem:$0x3FFE];
	_ =	sdelay $0x1  }
0x8a: {  	s1 =	srdreg.scid  }
0x8b: {  	s0 =	sand.u32 $0x1, s1  }
0x8c: {  	s17 =	sshll.u32 s0, $0xA;
	s2 =	sadd.s32 s3, s2  }
0x8d: {  	s2 =	sadd.s32 s2, s17  }
0x8e: {  	[smem:$0x3FC6] =	sst s2  }
0x8f: {  	_ = 	snop  }
0x90: {  	s2 =	sld [smem:$0x3FD0];
	(tm) =	ssettm $0x1  }
0x91: {  	s18 =	sld [smem:$0x3FFB];
	_ =	sdelay $0x3  }
0x92: {  	_ =	strace s18  }
0x93: {  	s3 =	sld [smem:$0x3FFC];
	_ =	sdelay $0x3  }
0x94: {  	_ =	strace s3  }
0x95: {  	s3 =	sld [smem:$0x3FFD];
	_ =	sdelay $0x3  }
0x96: {  	_ =	strace s3  }
0x97: {  	_ =	strace $0x8FFFFFFF  }
0x98: {  	s19 =	sld [smem:$0x3FDB];
	_ =	sdelay $0x1  }
0x99: {  	s4 =	simm.s32 $_scs_section_size  }
0x9a: {  	s5 =	simm.s32 $_size__tile_overlayer_lowered;
	s6 =	simm.s32 $_tile_overlayer_lowered  }
0x9b: {  	s22 =	simm.s32 $0x1BFF;
	s21 =	sshll.u32 s6, $0x1;
	s3 =	sadd.s32 s4, s19  }
0x9c: {  	s7 =	simm.s32 $0x0;
	s20 =	sshll.u32 s5, $0x1;
	s5 =	sadd.s32 s21, s3  }
0x9d: {  	[timem:s7], [sflag:s22] =	dma.local [hbm:s5], s20  }
0x9e: {  	_ =	swait.ge [sflag:s22], s20  }
0x9f: {  	s4 =	ssub.s32 $0x0, s20;
	[sflag:s22] =	ssyncset.done $0x0  }
0xa0: {  	[sflag:s22] =	ssyncadd.s32 s4;
	_ =	sdelay $0x1  }
0xa1: {  	s23 =	simm.s32 $0x1B8B  }
0xa2: {  	_ =	swait.ge [sflag:s23], $0x1  }
0xa3: {  	[sflag:s23] =	ssyncset.done $0x0  }
0xa4: {  	s25 =	simm.s32 $0x1B8E;
	s24 =	sld [smem:$0x3FFE];
	[sflag:s23] =	ssyncadd.s32 $0xFFFFFFFF  }
0xa5: {  	s26 =	simm.s32 $execute0_lowered;
	[smem:$0x3FD2] =	sst s25  }
0xa6: {  	s5 =	sshll.u32 s26, $0x1;
	_ =	strace $0x8000004C;
	[dreg:$0x1] =	wrdreg $0xFFFFFFFF  }
0xa7: {  	s28 =	simm.s32 $_size_execute0_lowered;
	s3 =	sadd.s32 s3, s5;
	[dreg:$0x0] =	wrdreg $0x0  }
0xa8: {  	s5 =	sshll.u32 s28, $0x1;
	[dreg:$0x2] =	wrdreg s3  }
0xa9: {  	[dreg:$0x3] =	wrdreg s5  }
0xaa: {  	[dreg:$0x4] =	wrdreg $0xC0  }
0xab: {  	_ =	task [dreg:s7], $0x5FFFF  }
0xac: {  	[dreg:$0x1] =	wrdreg $0xFFFFFFFF  }
0xad: {  	[dreg:$0x0] =	wrdreg $0x60  }
0xae: {  	[dreg:$0x2] =	wrdreg s2  }
0xaf: {  	[dreg:$0x3] =	wrdreg s24  }
0xb0: {  	[dreg:$0x4] =	wrdreg $0xB4000  }
0xb1: {  	[dreg:$0x5] =	wrdreg $0xFC000  }
0xb2: {  	[dreg:$0x6] =	wrdreg $0x9  }
0xb3: {  	_ =	task.clear_ibuf [dreg:s7], $0x7FFFF;
	_ =	strace $0x9000004C  }
0xb4: {  	s29 =	simm.s32 $0x9;
	_ =	strace $0x8000004E  }
0xb5: {  	_ =	swait.ge [sflag:s29], $0x1  }
0xb6: {  	[sflag:s29] =	ssyncadd.s32 $0xFFFFFFFF  }
0xb7: {  	_ =	strace $0x9000004E  }
0xb8: {  	_ =	sfence  }
0xb9: {  	s30 =	sld [smem:$0x0];
	_ =	sdelay $0x2  }
0xba: {  	s31 =	sshll.u32 s1, $0xD;
	s1 =	sshrl.u32 s1, $0x2  }
0xbb: {  	s3 =	sand.u32 $0x4000, s31;
	s1 =	sadd.s32 s1, s30  }
0xbc: {  	s0 =	sor.u32 s3, s0;
	s1 =	sshll.u32 s1, $0x11  }
0xbd: {  	s0 =	sor.u32 s1, s0  }
0xbe: {  	s0 =	sadd.s32 $0x8F2B, s0  }
0xbf: {  	[sflag:s0] =	ssyncadd.remote.s32 $0x1  }
0xc0: {  	_ =	sfence.sel $0xFFFF  }
0xc1: {  	[dreg:$0x0] =	wrdreg $0xFFFFFFFF;
	(pc) =	sbr.abs _section_cstart, $3  }
0xc2: {  	[dreg:$0x1] =	wrdreg $0xFFFFFFFF  }
0xc3: {  	_ =	task.clear_ibuf [dreg:s7], $0x2FFFF;
	_ =	strace $0x9FFFFFFF  }
0xc4: {  	(tm) =	ssettm $0x7FFFFFFF  }
0xc5: {  	_ =	shalt  }
tec
execute0_lowered:
.L_overlay_start_1:
0x0: {  	(tag) =	ssettag $0x1  }
0x1: {  	s5 =	rddreg [dreg:$0x0]  }
0x2: {  	s0 =	rddreg [dreg:$0x1]  }
0x3: {  	s6 =	rddreg [dreg:$0x2]  }
0x4: {  	s7 =	rddreg [dreg:$0x3];
	s1 =	simm.s32 $0x0;
	s17 =	srdreg.scid  }
0x5: {  	s2 =	simm.s32 $0x0;
	s8 =	stileid.u32;
	[dreg:$0xf] =	wrdreg s1  }
0x6: {  	[smem:$0x7FF] =	sst s2;
	s9 =	sadd.s32 $0x1000, s0;
	s0 =	sadd.s32 $0x1B1000, s0  }
0x7: {  	s18 =	sand.u32 $0x1, s17;
	s10 =	sand.u32 $0x1, s8;
	s20 =	sshrl.u32 s8, $0x1  }
0x8: {  	s4 =	smul.u32 $0x4800, s8;
	s23 =	sand.u32 $0x7, s8;
	s28 =	sshll.u32 s8, $0x4  }
0x9: {  	_ =	strace $0x8000004D;
	[dreg:$0x11] =	wrdreg s0;
	s19 =	ssub.s32 $0x2, s18  }
0xa: {  	s11 =	smul.u32 $0x9000, s20;
	[dreg:$0x12] =	wrdreg s18;
	s21 =	sshll.u32 s18, $0x8  }
0xb: {  	s22 =	sshll.u32 s10, $0x7;
	s2 =	smul.u32 $0x24000, s23;
	[dreg:$0x10] =	wrdreg s9  }
0xc: {  	[dreg:$0x13] =	wrdreg s10;
	s3 =	sshrl.u32 s19, $0x1;
	s1 =	sor.u32 s21, s22  }
0xd: {  	s24 =	sadd.s32 s4, s6;
	s25 =	sadd.s32 s4, s7;
	[dreg:$0x14] =	wrdreg s11  }
0xe: {  	v0 =	vimm.s32 $0xECA86420;
	s0 =	ssub.s32 s19, s3;
	[dreg:$0x15] =	wrdreg s24;
	s3 =	sand.u32 $0x80, s28  }
0xf: {  	vm0 =	vcmask $0xB08;
	vm1 =	vcmask $0x1310;
	vm2 =	vcmask $0x1B18;
	s1 =	sor.u32 s11, s1;
	[dreg:$0x16] =	wrdreg s25;
	s31 =	sor.u32 s3, s2  }
0x10: {  	vm3 =	vcmask $0x300;
	vm4 =	vcmask $0x2320;
	vm5 =	vcmask $0x2B28;
	s1 =	sshrl.u32 s1, $0x3;
	s0 =	smax.u32 s0, $0x1;
	[dreg:$0x1b] =	wrdreg s31  }
.Ltmp0:
0x11: {  	vm6 =	vcmask $0x3330;
	vm7 =	vcmask $0x3B38;
	v2 =	vlaneseq.u32;
	s26 =	sadd.s32 s5, s1;
	[dreg:$0x1c] =	wrdreg s0;
	(pc) =	sbr.rel .LBB2_1-.Ltmp0, $4  }
0x12: {  	vm8 =	vmmov $0xff;
	vm9 =	vcmask $0x704;
	vm10 =	vcmask $0xF0C;
	s29 =	sadd.s32 s9, s1;
	s1 =	sor.u32 $0x40, s1;
	[dreg:$0x17] =	wrdreg s26  }
0x13: {  	vm11 =	vcmask $0x1714;
	vm12 =	vcmask $0x1F1C;
	v1 =	vunpack.c.l.s4.s8 v0;
	[dreg:$0x18] =	wrdreg s29;
	s30 =	sadd.s32 s5, s1  }
0x14: {  	vm13 =	vcmask $0x2724;
	vm14 =	vcmask $0x2F2C;
	vm15 =	vcmask $0x3734;
	p0 =	sne.s32 s10, $0x0;
	s1 =	sadd.s32 s9, s1;
	[dreg:$0x19] =	wrdreg s30  }
0x15: {  	v0 =	vimm.f32 $0.0e+00;
	v2 =	vmul.u32 $0x2, v2;
	v1 =	vunpack.c.0.s8.s32 v1;
	s6 =	simm.s32 $0x80;
	s7 =	simm.s32 $0x1;
	[dreg:$0x1a] =	wrdreg s1  }
.LBB2_29:
0x16: {  	s0 =	simm.s32 $0x5  }
0x17: {  	_ =	swait.ge [sflag:s0], $0x900  }
0x18: {  	[sflag:s0] =	ssyncset.done $0x0  }
0x19: {  	s30 =	simm.s32 $0x6;
	[sflag:s0] =	ssyncadd.s32 $0xFFFFF700  }
0x1a: {  	_ =	swait.ge [sflag:s30], $0x4800  }
0x1b: {  	[sflag:s30] =	ssyncset.done $0x0  }
0x1c: {  	[sflag:s30] =	ssyncadd.s32 $0xFFFFB800  }
0x1d: {  	_ =	swait.ge [sflag:s7], $0x1200  }
0x1e: {  	[sflag:s7] =	ssyncset.done $0x0  }
0x1f: {  	s2 =	simm.s32 $0x2;
	[sflag:s7] =	ssyncadd.s32 $0xFFFFEE00  }
0x20: {  	_ =	swait.ge [sflag:s2], $0x1200  }
0x21: {  	s31 =	rddreg [dreg:$0xf]  }
0x22: {  	s1 =	rddreg [dreg:$0x1c];
	s0 =	sadd.s32 $0x1, s31  }
0x23: {  	p1 =	sne.s32 s0, s1  }
.Ltmp1:
0x24: {  	_ = 	snop;
	(pc) =	sbr.rel @!p1 .LBB2_30-.Ltmp1, $3  }
0x25: {  	_ =	sdelay $0x1  }
0x26: {  	[sflag:s2] =	ssyncset.done $0x0  }
0x27: {  	[sflag:s2] =	ssyncadd.s32 $0xFFFFEE00;
	[dreg:$0xf] =	wrdreg s0  }
.LBB2_1:
0x28: {  	s0 =	simm.s32 $0x40;
	s1 =	simm.s32 $0x0  }
.LBB2_2:
0x29: {  	p1 =	sne.s32 s0, $0x11FC0;
	[tilespmem:s1+$0x6C00] =	vst v0;
	s1 =	smov.u32 s0;
	s0 =	sadd.s32 $0x40, s0  }
.Ltmp2:
0x2a: {  	(pc) =	sbr.rel @p1 .LBB2_2-.Ltmp2, $2  }
0x2b: {  	_ =	sdelay $0x2  }
0x2c: {  	s1 =	sshra.s32 s1, $0x2  }
0x2d: {  	[tilespmem:s1+$0x6C00] =	vst v0;
	s0 =	rddreg [dreg:$0x15];
	s24 =	simm.s32 $0x6C00  }
0x2e: {  	[spmem:s0] =	stream.linear.scatter [tilespmem:s24], [sflag:$0x6], $0x4800, $0x38;
	[tilespmem:$0x14400] =	vst v63  }
0x2f: {  	s25 =	rddreg [dreg:$0x16]  }
0x30: {  	[spmem:s25] =	stream.linear.scatter [tilespmem:s24], [sflag:$0x7], $0x4800, $0x38;
	[tilespmem:$0x14400] =	vst v63  }
0x31: {  	s26 =	simm.s32 $0x0;
	s28 =	rddreg [dreg:$0x17];
	s2 =	simm.s32 $0x400  }
0x32: {  	[tilespmem:s26], [sflag:$0x1] =	stream.strided.gather [hbm4b:s28+s6], $0x1200, s2, s6, $0x38;
	[tilespmem:$0x14400] =	vst v63  }
0x33: {  	s29 =	rddreg [dreg:$0x18];
	s30 =	simm.s32 $0x2400  }
0x34: {  	[tilespmem:s30], [sflag:$0x2] =	stream.strided.gather [hbm4b:s29+s6], $0x1200, s2, s6, $0x38;
	[tilespmem:$0x14400] =	vst v63  }
0x35: {  	_ =	swait.ge [sflag:s7], $0x1200  }
.Ltmp3:
0x36: {  	[sflag:s7] =	ssyncset.done $0x0;
	(pc) =	sbr.rel @p0 .LBB2_7-.Ltmp3, $4  }
0x37: {  	s31 =	simm.s32 $0x2;
	[sflag:s7] =	ssyncadd.s32 $0xFFFFEE00  }
0x38: {  	_ =	swait.ge [sflag:s31], $0x1200  }
0x39: {  	[sflag:s31] =	ssyncset.done $0x0  }
0x3a: {  	[sflag:s31] =	ssyncadd.s32 $0xFFFFEE00  }
0x3b: {  	s16 =	simm.s32 $0x0  }
0x3c: {  	v3 =	vld [tilespmem:s16+$0x0];
	_ =	sdelay $0x4  }
0x3d: {  	(v2sf) =	vpush v3, $0xE  }
0x3e: {  	(v2sf) =	vpush v3, $0x1;
	_ =	sdelay $0x4  }
0x3f: {  	(v2sf) =	vpush v3, $0x0  }
0x40: {  	(v2sf) =	vpush v3, $0x7  }
0x41: {  	(v2sf) =	vpush v3, $0xD  }
0x42: {  	(v2sf) =	vpush v3, $0x3  }
0x43: {  	(v2sf) =	vpush v3, $0x2  }
0x44: {  	(v2sf) =	vpush v3, $0x8  }
0x45: {  	(v2sf) =	vpush v3, $0xC  }
0x46: {  	(v2sf) =	vpush v3, $0x4  }
0x47: {  	(v2sf) =	vpush v3, $0x9  }
0x48: {  	s0 =	spop (v2sf);
	(v2sf) =	vpush v3, $0xA  }
0x49: {  	s1 =	spop (v2sf);
	(v2sf) =	vpush v3, $0x5;
	_ =	sdelay $0x4  }
0x4a: {  	s4 =	spop (v2sf)  }
0x4b: {  	s2 =	sshra.s32 s0, $0x1F;
	s0 =	smulhi.u32 $0x2AAAAAAB, s0;
	s3 =	spop (v2sf)  }
0x4c: {  	s2 =	smul.u32 $0x2AAAAAAB, s2;
	s6 =	spop (v2sf)  }
0x4d: {  	s13 =	sshra.s32 s1, $0x1F;
	s24 =	smulhi.u32 $0x2AAAAAAB, s1;
	s8 =	spop (v2sf)  }
0x4e: {  	s13 =	smul.u32 $0x2AAAAAAB, s13;
	s9 =	sshra.s32 s6, $0x1F;
	s14 =	spop (v2sf)  }
0x4f: {  	s26 =	simm.s32 $0x80;
	s23 =	smul.u32 $0x2AAAAAAB, s9;
	s9 =	spop (v2sf)  }
0x50: {  	(v2sf) =	vpush v3, $0xF;
	s7 =	sshra.s32 s3, $0x1F;
	s12 =	smulhi.u32 $0x2AAAAAAB, s3;
	s20 =	spop (v2sf)  }
0x51: {  	s5 =	sshra.s32 s4, $0x1F;
	s25 =	smul.u32 $0x2AAAAAAB, s7;
	s10 =	spop (v2sf)  }
0x52: {  	s18 =	smulhi.u32 $0x2AAAAAAB, s4;
	s3 =	sadd.s32 s2, s0;
	s21 =	spop (v2sf)  }
0x53: {  	s5 =	smul.u32 $0x2AAAAAAB, s5;
	s4 =	sadd.s32 s25, s12;
	s25 =	spop (v2sf)  }
0x54: {  	s11 =	sshra.s32 s8, $0x1F;
	s7 =	smulhi.u32 $0x2AAAAAAB, s8;
	s8 =	spop (v2sf);
	(v2sf) =	vpush v3, $0xB  }
0x55: {  	s0 =	simm.s32 $0x10;
	s22 =	smulhi.u32 $0x2AAAAAAB, s6;
	s30 =	sadd.s32 s13, s24  }
0x56: {  	s19 =	sadd.s32 s5, s18;
	s18 =	sshra.s32 s3, $0x4;
	s13 =	smul.u32 $0x2AAAAAAB, s11  }
0x57: {  	s6 =	sshra.s32 s14, $0x1F;
	s31 =	smulhi.u32 $0x2AAAAAAB, s14;
	s11 =	sshra.s32 s19, $0x4  }
0x58: {  	s24 =	sshra.s32 s19, $0x1F;
	s14 =	sshrl.u32 s30, $0x1F;
	s17 =	sshra.s32 s9, $0x1F  }
0x59: {  	s22 =	sadd.s32 s23, s22;
	s28 =	sshra.s32 s4, $0x1F;
	s6 =	smul.u32 $0x2AAAAAAB, s6  }
0x5a: {  	s9 =	smulhi.u32 $0x2AAAAAAB, s9;
	s2 =	sshra.s32 s22, $0x4;
	s15 =	sshra.s32 s20, $0x1F;
	v4 =	vmov s28  }
0x5b: {  	s28 =	sshra.s32 s30, $0x1F;
	v4 =	vsel vm3, s11, v4;
	s5 =	sadd.s32 s6, s31;
	s6 =	smulhi.u32 $0x2AAAAAAB, s20  }
0x5c: {  	s1 =	sshra.s32 s21, $0x1F;
	s11 =	smulhi.u32 $0x2AAAAAAB, s21;
	v4 =	vsel vm9, s24, v4;
	s21 =	sshra.s32 s30, $0x4  }
0x5d: {  	s23 =	sshra.s32 s10, $0x1F;
	s24 =	smul.u32 $0x2AAAAAAB, s17;
	s30 =	sshra.s32 s5, $0x1F;
	v4 =	vsel vm0, s21, v4;
	(v2sf) =	vpush v3, $0x6  }
0x5e: {  	s17 =	smul.u32 $0x2AAAAAAB, s23;
	s31 =	sshra.s32 s5, $0x4;
	s29 =	sshrl.u32 s5, $0x1F;
	v4 =	vsel vm10, s28, v4;
	v3 =	vld [tilespmem:s0+$0x0]  }
0x5f: {  	s12 =	smul.u32 $0x2AAAAAAB, s1;
	s9 =	sadd.s32 s24, s9;
	v4 =	vsel vm1, s31, v4;
	s23 =	spop (v2sf)  }
0x60: {  	v4 =	vsel vm11, s30, v4;
	s20 =	sshra.s32 s25, $0x1F;
	s25 =	smulhi.u32 $0x2AAAAAAB, s25;
	s21 =	sshra.s32 s23, $0x1F  }
.LBB2_5:
0x61: {  	s24 =	smul.u32 $0x2AAAAAAB, s15;
	s28 =	sshrl.u32 s9, $0x1F;
	s5 =	smov.u32 s16  }
0x62: {  	s16 =	smov.u32 s0;
	s0 =	sadd.s32 s13, s7;
	s13 =	smulhi.u32 $0x2AAAAAAB, s8  }
0x63: {  	(v2sf) =	vpush v3, $0xE;
	s30 =	spop (v2sf);
	s1 =	smov.u32 s26;
	s7 =	smulhi.u32 $0x2AAAAAAB, s10  }
0x64: {  	s15 =	sshrl.u32 s22, $0x1F;
	s20 =	smul.u32 $0x2AAAAAAB, s20;
	(v2sf) =	vpush v3, $0x1;
	v5 =	vmov s28  }
0x65: {  	s11 =	sadd.s32 s12, s11;
	s23 =	smulhi.u32 $0x2AAAAAAB, s23;
	s10 =	sshra.s32 s0, $0x1F;
	(v2sf) =	vpush v3, $0x0  }
0x66: {  	s9 =	sshra.s32 s9, $0x4;
	s12 =	smulhi.u32 $0x2AAAAAAB, s30;
	s22 =	sshra.s32 s30, $0x1F;
	(v2sf) =	vpush v3, $0x7  }
0x67: {  	s28 =	sshra.s32 s8, $0x1F;
	s17 =	sadd.s32 s17, s7;
	s7 =	sshra.s32 s0, $0x4;
	(v2sf) =	vpush v3, $0xD  }
0x68: {  	s19 =	sshrl.u32 s19, $0x1F;
	s8 =	sshrl.u32 s3, $0x1F;
	v4 =	vsel vm2, s7, v4;
	s30 =	sshra.s32 s17, $0x1F;
	(v2sf) =	vpush v3, $0x3  }
0x69: {  	v6 =	vmov s19;
	s19 =	smul.u32 $0x2AAAAAAB, s28;
	s7 =	sshrl.u32 s0, $0x1F;
	s3 =	sshrl.u32 s17, $0x1F;
	v4 =	vsel vm12, s10, v4;
	(v2sf) =	vpush v3, $0x2  }
0x6a: {  	s6 =	sadd.s32 s24, s6;
	v6 =	vnsel vm3, $0x0, v6;
	s0 =	smul.u32 $0x2AAAAAAB, s21;
	s10 =	sadd.s32 s20, s25  }
0x6b: {  	v7 =	vmov s9;
	s9 =	sshra.s32 s17, $0x4;
	s17 =	sshrl.u32 s11, $0x1F;
	v6 =	vsel vm0, s14, v6;
	s20 =	smul.u32 $0x2AAAAAAB, s22  }
0x6c: {  	s11 =	sshra.s32 s11, $0x4;
	v5 =	vsel vm0, s17, v5;
	s17 =	sshra.s32 s6, $0x4;
	v4 =	vsel vm4, s9, v4;
	(v2sf) =	vpush v3, $0x8;
	s9 =	spop (v2sf)  }
0x6d: {  	s6 =	sshrl.u32 s6, $0x1F;
	v7 =	vsel vm0, s11, v7;
	s21 =	sadd.s32 s0, s23;
	v8 =	vmov s17;
	s12 =	sadd.s32 s20, s12;
	(v2sf) =	vpush v3, $0xC  }
0x6e: {  	s13 =	sadd.s32 s19, s13;
	s14 =	sshrl.u32 s10, $0x1F;
	s0 =	sshrl.u32 s4, $0x1F;
	v9 =	vmov s6;
	v4 =	vsel vm13, s30, v4;
	(v2sf) =	vpush v3, $0x4  }
0x6f: {  	s10 =	sshra.s32 s10, $0x4;
	s6 =	sshrl.u32 s13, $0x1F;
	v8 =	vsel vm0, s2, v8;
	s11 =	sshra.s32 s21, $0x4;
	v9 =	vsel vm0, s15, v9;
	(v2sf) =	vpush v3, $0x9  }
0x70: {  	v7 =	vsel vm1, s10, v7;
	s2 =	sshra.s32 s12, $0x4;
	s10 =	sshrl.u32 s12, $0x1F;
	v8 =	vsel vm1, s18, v8;
	v9 =	vsel vm1, s8, v9;
	s8 =	sshrl.u32 s21, $0x1F  }
0x71: {  	v7 =	vsel vm2, s2, v7;
	s2 =	sshra.s32 s4, $0x4;
	v8 =	vsel vm2, s11, v8;
	s11 =	sshra.s32 s13, $0x1F;
	s12 =	smulhi.u32 $0x2AAAAAAB, s9  }
0x72: {  	v6 =	vsel vm1, s29, v6;
	v5 =	vsel vm1, s14, v5;
	v9 =	vsel vm2, s8, v9;
	s8 =	sshra.s32 s13, $0x4;
	s9 =	sshra.s32 s9, $0x1F;
	s4 =	spop (v2sf)  }
0x73: {  	v6 =	vsel vm2, s7, v6;
	v5 =	vsel vm2, s10, v5;
	v7 =	vcombine.low v7, v8;
	s7 =	smul.u32 $0x2AAAAAAB, s9;
	s14 =	sshra.s32 s4, $0x1F;
	s15 =	spop (v2sf)  }
0x74: {  	v6 =	vsel vm4, s3, v6;
	v5 =	vcombine.low v5, v9;
	v4 =	vsel vm5, s8, v4;
	s10 =	smulhi.u32 $0x2AAAAAAB, s4;
	s4 =	spop (v2sf)  }
0x75: {  	v6 =	vsel vm5, s6, v6;
	s6 =	sadd.s32 s7, s12;
	s9 =	smul.u32 $0x2AAAAAAB, s14;
	s8 =	spop (v2sf)  }
0x76: {  	v4 =	vsel vm14, s11, v4;
	s7 =	sshra.s32 s6, $0x1F;
	s13 =	sshra.s32 s4, $0x1F;
	s11 =	sshra.s32 s8, $0x1F  }
0x77: {  	s14 =	spop (v2sf);
	(v2sf) =	vpush v3, $0xA;
	s3 =	sadd.s32 s9, s10;
	s19 =	smulhi.u32 $0x2AAAAAAB, s8  }
0x78: {  	s8 =	sshra.s32 s6, $0x4;
	s17 =	sshra.s32 s14, $0x1F;
	s18 =	spop (v2sf)  }
0x79: {  	s23 =	smul.u32 $0x2AAAAAAB, s13;
	s12 =	sshra.s32 s18, $0x1F;
	s20 =	spop (v2sf)  }
0x7a: {  	s6 =	sshrl.u32 s6, $0x1F;
	s10 =	smulhi.u32 $0x2AAAAAAB, s14;
	s9 =	sshra.s32 s20, $0x1F  }
0x7b: {  	p1 =	seq.s32 s26, $0x47C0;
	s14 =	sshra.s32 s15, $0x1F;
	v6 =	vsel vm6, s6, v6;
	s6 =	smulhi.u32 $0x2AAAAAAB, s15;
	(v2sf) =	vpush v3, $0x5  }
0x7c: {  	s24 =	sadd.s32 $0x40, s26;
	v7 =	vperm.xlane v7, v1;
	v4 =	vsel vm6, s8, v4;
	s17 =	smul.u32 $0x2AAAAAAB, s17;
	(v2sf) =	vpush v3, $0xF;
	s21 =	spop (v2sf)  }
0x7d: {  	v5 =	vperm.xlane v5, v1;
	v4 =	vsel vm15, s7, v4;
	v6 =	vsel vm7, s0, v6;
	s0 =	smul.u32 $0x2AAAAAAB, s11;
	s8 =	sshra.s32 s21, $0x1F;
	s25 =	spop (v2sf)  }
0x7e: {  	s13 =	smul.u32 $0x2AAAAAAB, s14;
	v4 =	vsel vm7, s2, v4;
	s22 =	sadd.s32 s17, s10;
	(v2sf) =	vpush v3, $0xB;
	s10 =	spop (v2sf)  }
0x7f: {  	s14 =	smulhi.u32 $0x2AAAAAAB, s4;
	v6 =	vperm.xlane v6, v2;
	v4 =	vperm.xlane v4, v2;
	s2 =	sshra.s32 s22, $0x4;
	s11 =	spop (v2sf)  }
0x80: {  	s7 =	smulhi.u32 $0x2AAAAAAB, s18;
	s4 =	sadd.s32 s0, s19;
	s15 =	sshra.s32 s25, $0x1F  }
0x81: {  	s26 =	sadd.s32 s13, s6;
	s13 =	smul.u32 $0x2AAAAAAB, s12;
	v5 =	vsel vm8, v6, v5;
	v4 =	vsel vm8, v4, v7;
	s17 =	sshra.s32 s10, $0x1F  }
0x82: {  	s6 =	smul.u32 $0x2AAAAAAB, s9;
	s0 =	sshra.s32 s4, $0x1F;
	v4 =	vadd.s32 v5, v4;
	s28 =	sshra.s32 s11, $0x1F  }
0x83: {  	s21 =	smulhi.u32 $0x2AAAAAAB, s21;
	v5 =	vmov s0;
	[tilespmem:s5+$0x4800] =	vst v4  }
0x84: {  	s18 =	sshra.s32 s3, $0x4;
	s19 =	sadd.s32 s23, s14;
	s5 =	smulhi.u32 $0x2AAAAAAB, s20  }
0x85: {  	s9 =	sshra.s32 s19, $0x1F;
	s0 =	sshra.s32 s19, $0x4;
	s11 =	smulhi.u32 $0x2AAAAAAB, s11  }
0x86: {  	s14 =	sshrl.u32 s26, $0x1F;
	s17 =	smul.u32 $0x2AAAAAAB, s17;
	v4 =	vsel vm3, s0, v5;
	s29 =	spop (v2sf)  }
0x87: {  	s0 =	sshra.s32 s1, $0x2;
	v4 =	vsel vm9, s9, v4;
	s1 =	sadd.s32 s6, s5;
	s6 =	smulhi.u32 $0x2AAAAAAB, s25;
	(v2sf) =	vpush v3, $0x6  }
.Ltmp4:
0x88: {  	s5 =	sshra.s32 s26, $0x4;
	s20 =	sshra.s32 s29, $0x1F;
	v3 =	vld [tilespmem:s0+$0x0];
	(pc) =	sbr.rel @!p1 .LBB2_5-.Ltmp4, $4  }
0x89: {  	s9 =	smul.u32 $0x2AAAAAAB, s8;
	v4 =	vsel vm0, s5, v4;
	s5 =	sshra.s32 s26, $0x1F;
	s26 =	sshra.s32 s1, $0x1F  }
0x8a: {  	s12 =	smul.u32 $0x2AAAAAAB, s28;
	v4 =	vsel vm10, s5, v4;
	s5 =	sshra.s32 s1, $0x4;
	s8 =	spop (v2sf)  }
0x8b: {  	s9 =	sadd.s32 s9, s21;
	s25 =	smulhi.u32 $0x2AAAAAAB, s29;
	v4 =	vsel vm1, s5, v4;
	s23 =	spop (v2sf)  }
0x8c: {  	s29 =	sshrl.u32 s1, $0x1F;
	v4 =	vsel vm11, s26, v4;
	s26 =	smov.u32 s24;
	s21 =	sshra.s32 s23, $0x1F  }
0x8d: {  	(v2sf) =	vpush v3, $0xE  }
0x8e: {  	(v2sf) =	vpush v3, $0x1  }
0x8f: {  	(v2sf) =	vpush v3, $0x0;
	_ =	sdelay $0x1  }
0x90: {  	(v2sf) =	vpush v3, $0x7  }
0x91: {  	s30 =	smul.u32 $0x2AAAAAAB, s15;
	(v2sf) =	vpush v3, $0xD  }
0x92: {  	s1 =	smulhi.u32 $0x2AAAAAAB, s10  }
0x93: {  	s26 =	smul.u32 $0x2AAAAAAB, s20  }
0x94: {  	s20 =	smulhi.u32 $0x2AAAAAAB, s23  }
0x95: {  	s5 =	spop (v2sf);
	s28 =	smul.u32 $0x2AAAAAAB, s21  }
0x96: {  	s31 =	smulhi.u32 $0x2AAAAAAB, s8;
	[smem:$0x7DF] =	sst s1  }
0x97: {  	s24 =	smulhi.u32 $0x2AAAAAAB, s5;
	[smem:$0x7E0] =	sst s26;
	(v2sf) =	vpush v3, $0x3  }
0x98: {  	s15 =	sshra.s32 s5, $0x1F;
	[smem:$0x7E1] =	sst s28;
	s26 =	spop (v2sf)  }
0x99: {  	s5 =	sshra.s32 s8, $0x1F;
	[smem:$0x7E3] =	sst s31;
	s10 =	smulhi.u32 $0x2AAAAAAB, s26  }
0x9a: {  	s8 =	smul.u32 $0x2AAAAAAB, s5;
	[smem:$0x7E2] =	sst s24  }
0x9b: {  	[smem:$0x7E5] =	sst s10;
	s28 =	spop (v2sf)  }
0x9c: {  	(v2sf) =	vpush v3, $0x2;
	s31 =	spop (v2sf);
	s21 =	smulhi.u32 $0x2AAAAAAB, s28;
	s28 =	sshra.s32 s28, $0x1F  }
0x9d: {  	s26 =	sshra.s32 s26, $0x1F;
	s10 =	spop (v2sf);
	s23 =	smul.u32 $0x2AAAAAAB, s28  }
0x9e: {  	[smem:$0x7E6] =	sst s21;
	s21 =	smul.u32 $0x2AAAAAAB, s26  }
0x9f: {  	(v2sf) =	vpush v3, $0x8;
	s5 =	spop (v2sf);
	[smem:$0x7E7] =	sst s23  }
0xa0: {  	s24 =	spop (v2sf);
	s23 =	smulhi.u32 $0x2AAAAAAB, s5  }
0xa1: {  	[smem:$0x7E4] =	sst s8;
	s5 =	sshra.s32 s5, $0x1F;
	s1 =	smulhi.u32 $0x2AAAAAAB, s24  }
0xa2: {  	s26 =	sshra.s32 s24, $0x1F;
	s24 =	smulhi.u32 $0x2AAAAAAB, s31;
	[smem:$0x7EA] =	sst s23  }
0xa3: {  	(v2sf) =	vpush v3, $0xC;
	s28 =	smul.u32 $0x2AAAAAAB, s26;
	s26 =	sshra.s32 s31, $0x1F;
	[smem:$0x7E8] =	sst s1  }
0xa4: {  	(v2sf) =	vpush v3, $0x4;
	s31 =	smulhi.u32 $0x2AAAAAAB, s10;
	s23 =	sadd.s32 s12, s11;
	[smem:$0x7EB] =	sst s24  }
0xa5: {  	(v2sf) =	vpush v3, $0x9;
	s24 =	smul.u32 $0x2AAAAAAB, s5;
	[smem:$0x7F3] =	sst s23  }
0xa6: {  	s1 =	sshra.s32 s10, $0x1F;
	s5 =	spop (v2sf);
	s23 =	sld [smem:$0x7E4]  }
0xa7: {  	[smem:$0x7E9] =	sst s28;
	s8 =	smul.u32 $0x2AAAAAAB, s1  }
0xa8: {  	s28 =	smul.u32 $0x2AAAAAAB, s26;
	[smem:$0x7EE] =	sst s31  }
0xa9: {  	s10 =	smulhi.u32 $0x2AAAAAAB, s5;
	[smem:$0x7ED] =	sst s8  }
0xaa: {  	s15 =	smul.u32 $0x2AAAAAAB, s15;
	[smem:$0x7EC] =	sst s28  }
0xab: {  	s8 =	sshra.s32 s5, $0x1F;
	[smem:$0x7F1] =	sst s10;
	s28 =	spop (v2sf)  }
0xac: {  	s13 =	sadd.s32 s13, s7;
	s10 =	sld [smem:$0x7DF];
	s26 =	smul.u32 $0x2AAAAAAB, s8  }
0xad: {  	s31 =	sshra.s32 s28, $0x1F;
	s7 =	smulhi.u32 $0x2AAAAAAB, s28;
	s28 =	sld [smem:$0x7E0]  }
0xae: {  	s8 =	spop (v2sf);
	[smem:$0x7F2] =	sst s26  }
0xaf: {  	s11 =	smul.u32 $0x2AAAAAAB, s31;
	s12 =	sshra.s32 s8, $0x1F;
	[smem:$0x7EF] =	sst s7  }
0xb0: {  	s31 =	smulhi.u32 $0x2AAAAAAB, s8;
	s17 =	sadd.s32 s17, s10;
	s10 =	sld [smem:$0x7E1]  }
0xb1: {  	[smem:$0x7F0] =	sst s11;
	s26 =	sadd.s32 s28, s25;
	s28 =	smul.u32 $0x2AAAAAAB, s12  }
0xb2: {  	(v2sf) =	vpush v3, $0xA;
	s11 =	sadd.s32 s30, s6;
	s12 =	sld [smem:$0x7E2];
	s5 =	spop (v2sf)  }
0xb3: {  	s6 =	sld [smem:$0x7E8];
	s7 =	spop (v2sf);
	s28 =	sadd.s32 s28, s31  }
0xb4: {  	s1 =	sshra.s32 s7, $0x1F;
	s8 =	spop (v2sf);
	[smem:$0x7F8] =	sst s28  }
0xb5: {  	s30 =	smul.u32 $0x2AAAAAAB, s1;
	s1 =	sadd.s32 s10, s20;
	s20 =	sadd.s32 s15, s12  }
0xb6: {  	s12 =	smulhi.u32 $0x2AAAAAAB, s8;
	s25 =	sshra.s32 s8, $0x1F;
	s8 =	sld [smem:$0x7E5]  }
0xb7: {  	s28 =	sld [smem:$0x7F1]  }
0xb8: {  	s10 =	sld [smem:$0x7E6]  }
0xb9: {  	s21 =	sadd.s32 s21, s8;
	s8 =	smul.u32 $0x2AAAAAAB, s25;
	s25 =	sld [smem:$0x7E7]  }
0xba: {  	s15 =	sld [smem:$0x7E3]  }
0xbb: {  	[smem:$0x7F4] =	sst s1  }
0xbc: {  	s8 =	sadd.s32 s8, s12;
	s1 =	sadd.s32 s25, s10;
	s25 =	sld [smem:$0x7E9]  }
0xbd: {  	s31 =	sshra.s32 s13, $0x4;
	s23 =	sadd.s32 s23, s15;
	[smem:$0x7FB] =	sst s8  }
0xbe: {  	s15 =	smulhi.u32 $0x2AAAAAAB, s5;
	s5 =	sshra.s32 s5, $0x1F;
	[smem:$0x7F9] =	sst s1  }
0xbf: {  	s10 =	smul.u32 $0x2AAAAAAB, s5;
	s5 =	sadd.s32 s25, s6;
	s6 =	sld [smem:$0x7EA]  }
0xc0: {  	v4 =	vsel vm2, s31, v4;
	s31 =	sshra.s32 s20, $0x4;
	s25 =	sld [smem:$0x7EC]  }
0xc1: {  	s12 =	sshrl.u32 s22, $0x1F;
	s1 =	spop (v2sf);
	[smem:$0x7F7] =	sst s5  }
0xc2: {  	s5 =	sadd.s32 s24, s6;
	s6 =	smulhi.u32 $0x2AAAAAAB, s1;
	s24 =	sld [smem:$0x7EB]  }
0xc3: {  	s1 =	sshra.s32 s1, $0x1F;
	[smem:$0x7F5] =	sst s5;
	s5 =	smulhi.u32 $0x2AAAAAAB, s7  }
0xc4: {  	s22 =	sshrl.u32 s13, $0x1F;
	s7 =	sld [smem:$0x7ED];
	s1 =	smul.u32 $0x2AAAAAAB, s1  }
0xc5: {  	s8 =	sshrl.u32 s9, $0x1F;
	s24 =	sadd.s32 s25, s24;
	s25 =	sld [smem:$0x7EE]  }
0xc6: {  	(v2sf) =	vpush v3, $0x5;
	s5 =	sadd.s32 s30, s5;
	s1 =	sadd.s32 s1, s6;
	s30 =	sadd.s32 s10, s15  }
0xc7: {  	(v2sf) =	vpush v3, $0xF;
	s10 =	sshra.s32 s9, $0x4;
	s15 =	sshrl.u32 s3, $0x1F;
	s6 =	sld [smem:$0x7F3]  }
0xc8: {  	s3 =	sshra.s32 s13, $0x1F;
	s13 =	sshrl.u32 s19, $0x1F;
	[smem:$0x7FA] =	sst s5  }
0xc9: {  	s19 =	sshra.s32 s17, $0x1F;
	s9 =	sshrl.u32 s17, $0x1F;
	[smem:$0x7FD] =	sst s1  }
0xca: {  	(v2sf) =	vpush v3, $0xB;
	s17 =	sshra.s32 s17, $0x4;
	[smem:$0x7FC] =	sst s30;
	s30 =	sshrl.u32 s26, $0x1F  }
0xcb: {  	s26 =	sshra.s32 s26, $0x4;
	v6 =	vmov s13;
	s13 =	sshrl.u32 s20, $0x1F;
	s20 =	sld [smem:$0x7F4]  }
0xcc: {  	(v2sf) =	vpush v3, $0x6;
	v4 =	vsel vm12, s3, v4;
	v7 =	vmov s10;
	s10 =	sshrl.u32 s4, $0x1F;
	s7 =	sadd.s32 s7, s25;
	s25 =	sld [smem:$0x7F0]  }
0xcd: {  	v5 =	vmov s8;
	s3 =	sshra.s32 s4, $0x4;
	v4 =	vsel vm4, s17, v4;
	v6 =	vnsel vm3, $0x0, v6;
	s1 =	sshrl.u32 s6, $0x1F;
	[smem:$0x7F6] =	sst s7  }
0xce: {  	s6 =	sshra.s32 s6, $0x4;
	v57 =	vsel vm0, s14, v6;
	v4 =	vsel vm13, s19, v4;
	s14 =	sshra.s32 s23, $0x4;
	s7 =	sld [smem:$0x7EF];
	v3 =	vsel vm0, s1, v5  }
0xcf: {  	s5 =	sshra.s32 s21, $0x4;
	s4 =	sshra.s32 s20, $0x4;
	v7 =	vsel vm0, s6, v7;
	v5 =	vsel vm1, s29, v57;
	v4 =	vsel vm5, s14, v4;
	s14 =	sld [smem:$0x7FA]  }
0xd0: {  	s17 =	sshrl.u32 s20, $0x1F;
	s1 =	sshra.s32 s23, $0x1F;
	v7 =	vsel vm1, s26, v7;
	s26 =	sld [smem:$0x7F5];
	v5 =	vsel vm2, s22, v5  }
0xd1: {  	s20 =	sshrl.u32 s23, $0x1F;
	v4 =	vsel vm14, s1, v4;
	v5 =	vsel vm4, s9, v5;
	s7 =	sadd.s32 s25, s7;
	s25 =	sld [smem:$0x7F2]  }
0xd2: {  	s19 =	sshra.s32 s21, $0x1F;
	v4 =	vsel vm6, s5, v4;
	v5 =	vsel vm5, s20, v5;
	s20 =	sld [smem:$0x7F8]  }
0xd3: {  	s8 =	sshra.s32 s24, $0x1F;
	v7 =	vsel vm2, s31, v7;
	v4 =	vsel vm15, s19, v4;
	s19 =	sld [smem:$0x7FB];
	s31 =	sshra.s32 s26, $0x1F  }
0xd4: {  	s28 =	sadd.s32 s25, s28;
	s25 =	sshra.s32 s11, $0x4;
	s11 =	sshrl.u32 s11, $0x1F  }
0xd5: {  	s6 =	sshrl.u32 s21, $0x1F;
	v9 =	vmov s31;
	s31 =	sld [smem:$0x7F7];
	v58 =	vmov s25;
	v8 =	vmov s11;
	s11 =	spop (v2sf)  }
0xd6: {  	s29 =	sshra.s32 s7, $0x4;
	s21 =	sshrl.u32 s20, $0x1F;
	v6 =	vsel vm0, s2, v58;
	v8 =	vsel vm0, s12, v8;
	s25 =	spop (v2sf)  }
0xd7: {  	v6 =	vsel vm1, s18, v6;
	v8 =	vsel vm1, s15, v8;
	s18 =	sshra.s32 s25, $0x1F;
	s15 =	smulhi.u32 $0x2AAAAAAB, s25;
	s25 =	sld [smem:$0x7F6]  }
0xd8: {  	s2 =	sshrl.u32 s24, $0x1F;
	s12 =	sshra.s32 s24, $0x4;
	s9 =	sshrl.u32 s31, $0x1F  }
0xd9: {  	v3 =	vsel vm1, s30, v3;
	s22 =	smulhi.u32 $0x2AAAAAAB, s11;
	s30 =	spop (v2sf);
	v8 =	vsel vm2, s17, v8;
	s17 =	sshra.s32 s7, $0x1F  }
0xda: {  	v6 =	vsel vm2, s4, v6;
	s4 =	sshrl.u32 s7, $0x1F;
	s18 =	smul.u32 $0x2AAAAAAB, s18;
	s23 =	sshra.s32 s25, $0x4  }
0xdb: {  	v3 =	vsel vm2, s13, v3;
	v5 =	vsel vm6, s6, v5;
	s7 =	sshra.s32 s31, $0x4;
	s13 =	smulhi.u32 $0x2AAAAAAB, s30;
	s24 =	sshra.s32 s25, $0x1F;
	v9 =	vsel vm3, s23, v9  }
0xdc: {  	v4 =	vsel vm7, s3, v4;
	v5 =	vsel vm7, s10, v5;
	s31 =	sshra.s32 s28, $0x4;
	s10 =	sadd.s32 s18, s15;
	s15 =	sshrl.u32 s25, $0x1F;
	v9 =	vsel vm9, s24, v9  }
0xdd: {  	v4 =	vperm.xlane v4, v2;
	v5 =	vperm.xlane v5, v2;
	s25 =	sshra.s32 s19, $0x4;
	s24 =	sshra.s32 s11, $0x1F;
	v9 =	vsel vm0, s12, v9;
	s12 =	sshra.s32 s30, $0x1F  }
0xde: {  	v6 =	vcombine.low v7, v6;
	v3 =	vcombine.low v3, v8;
	s30 =	sshra.s32 s28, $0x1F;
	s5 =	smul.u32 $0x2AAAAAAB, s24;
	s24 =	spop (v2sf);
	v9 =	vsel vm10, s8, v9  }
0xdf: {  	v10 =	vmov s21;
	v11 =	vmov s15;
	s8 =	sshra.s32 s20, $0x4;
	s12 =	smul.u32 $0x2AAAAAAB, s12;
	v9 =	vsel vm1, s29, v9;
	s29 =	sld [smem:$0x7F9]  }
0xe0: {  	v6 =	vperm.xlane v6, v1;
	v3 =	vperm.xlane v3, v1;
	v11 =	vnsel vm3, $0x0, v11;
	s20 =	sshrl.u32 s19, $0x1F;
	s5 =	sadd.s32 s5, s22;
	s22 =	sld [smem:$0x7FC]  }
0xe1: {  	v11 =	vsel vm0, s2, v11;
	s2 =	sshra.s32 s24, $0x1F;
	v12 =	vmov s8;
	v9 =	vsel vm11, s17, v9;
	s17 =	sshra.s32 s14, $0x4;
	s8 =	sadd.s32 s12, s13  }
0xe2: {  	v11 =	vsel vm1, s4, v11;
	v10 =	vsel vm0, s20, v10;
	s13 =	sshrl.u32 s28, $0x1F;
	v9 =	vsel vm2, s31, v9;
	s6 =	sshra.s32 s29, $0x4;
	s1 =	sshrl.u32 s29, $0x1F  }
0xe3: {  	v12 =	vsel vm0, s25, v12;
	v11 =	vsel vm2, s13, v11;
	v9 =	vsel vm12, s30, v9;
	s23 =	sshra.s32 s22, $0x4;
	s29 =	sshrl.u32 s22, $0x1F;
	s30 =	sld [smem:$0x7FD]  }
0xe4: {  	s21 =	sshra.s32 s14, $0x1F;
	s2 =	smul.u32 $0x2AAAAAAB, s2;
	v9 =	vsel vm4, s17, v9;
	v13 =	vmov s23;
	v14 =	vmov s29  }
0xe5: {  	s19 =	sshra.s32 s10, $0x4;
	s12 =	smulhi.u32 $0x2AAAAAAB, s24;
	s17 =	sshrl.u32 s14, $0x1F;
	v9 =	vsel vm13, s21, v9;
	v13 =	vsel vm0, s7, v13;
	v14 =	vsel vm0, s9, v14  }
0xe6: {  	s22 =	sshrl.u32 s5, $0x1F;
	s21 =	sshra.s32 s5, $0x4;
	v11 =	vsel vm4, s17, v11;
	s31 =	sshra.s32 s30, $0x4;
	v13 =	vsel vm1, s6, v13;
	v14 =	vsel vm1, s1, v14  }
0xe7: {  	s20 =	sshrl.u32 s10, $0x1F;
	s2 =	sadd.s32 s2, s12;
	s18 =	sshrl.u32 s30, $0x1F;
	v9 =	vsel vm5, s21, v9;
	v11 =	vsel vm5, s22, v11;
	v12 =	vsel vm1, s31, v12  }
0xe8: {  	s24 =	sshra.s32 s5, $0x1F;
	s15 =	sshra.s32 s8, $0x4;
	s28 =	sshrl.u32 s2, $0x1F;
	v10 =	vsel vm1, s18, v10;
	v13 =	vsel vm2, s19, v13;
	v14 =	vsel vm2, s20, v14  }
0xe9: {  	s23 =	sshrl.u32 s8, $0x1F;
	s25 =	sshra.s32 s2, $0x4;
	v9 =	vsel vm14, s24, v9;
	v60 =	vsel vm6, s28, v11;
	v12 =	vsel vm2, s15, v12  }
0xea: {  	s29 =	sshra.s32 s2, $0x1F;
	s30 =	sshrl.u32 s26, $0x1F;
	v10 =	vsel vm2, s23, v10;
	v59 =	vsel vm6, s25, v9;
	v61 =	vcombine.low v12, v13  }
0xeb: {  	s31 =	sshra.s32 s26, $0x4;
	v8 =	vsel vm7, s30, v60;
	v10 =	vcombine.low v10, v14;
	v7 =	vsel vm15, s29, v59  }
0xec: {  	v8 =	vperm.xlane v8, v2;
	v7 =	vsel vm7, s31, v7;
	v9 =	vperm.xlane v61, v1  }
.Ltmp5:
0xed: {  	v10 =	vperm.xlane v10, v1;
	v7 =	vperm.xlane v7, v2;
	(pc) =	sbr.rel .LBB2_10-.Ltmp5, $4  }
0xee: {  	v3 =	vsel vm8, v5, v3;
	v4 =	vsel vm8, v4, v6  }
0xef: {  	v3 =	vadd.s32 v3, v4;
	v62 =	vsel vm8, v8, v10;
	v63 =	vsel vm8, v7, v9  }
0xf0: {  	[tilespmem:s16+$0x4800] =	vst v3;
	v3 =	vadd.s32 v62, v63  }
0xf1: {  	[tilespmem:s0+$0x4800] =	vst v3  }
.LBB2_7:
0xf2: {  	s1 =	simm.s32 $0x0  }
0xf3: {  	v4 =	vld [tilespmem:s1+$0x0];
	_ =	sdelay $0x4  }
0xf4: {  	(v2sf) =	vpush v4, $0x2  }
0xf5: {  	(v2sf) =	vpush v4, $0x1;
	_ =	sdelay $0x1  }
0xf6: {  	(v2sf) =	vpush v4, $0x0  }
0xf7: {  	(v2sf) =	vpush v4, $0x7;
	_ =	sdelay $0x2  }
0xf8: {  	(v2sf) =	vpush v4, $0x3  }
0xf9: {  	(v2sf) =	vpush v4, $0x4  }
0xfa: {  	(v2sf) =	vpush v4, $0xC;
	_ =	sdelay $0x2  }
0xfb: {  	(v2sf) =	vpush v4, $0x9  }
0xfc: {  	(v2sf) =	vpush v4, $0xD;
	_ =	sdelay $0x1  }
0xfd: {  	s16 =	spop (v2sf)  }
0xfe: {  	(v2sf) =	vpush v4, $0x8;
	s17 =	spop (v2sf);
	s15 =	smulhi.u32 $0x2AAAAAAB, s16  }
0xff: {  	s2 =	sshra.s32 s17, $0x1F;
	s1 =	smulhi.u32 $0x2AAAAAAB, s17  }
0x100: {  	s4 =	spop (v2sf);
	s2 =	smul.u32 $0x2AAAAAAB, s2  }
0x101: {  	s0 =	simm.s32 $0x0;
	(v2sf) =	vpush v4, $0xE;
	s3 =	spop (v2sf);
	s21 =	smulhi.u32 $0x2AAAAAAB, s4  }
0x102: {  	(v2sf) =	vpush v4, $0x5;
	s4 =	sshra.s32 s4, $0x1F;
	s5 =	sshra.s32 s3, $0x1F;
	s3 =	smulhi.u32 $0x2AAAAAAB, s3  }
0x103: {  	s26 =	simm.s32 $0x80;
	[dreg:$0x5] =	wrdreg s0;
	(v2sf) =	vpush v4, $0xF;
	s4 =	smul.u32 $0x2AAAAAAB, s4  }
0x104: {  	s7 =	sshra.s32 s16, $0x1F;
	s6 =	spop (v2sf);
	s5 =	smul.u32 $0x2AAAAAAB, s5  }
0x105: {  	s8 =	spop (v2sf);
	s1 =	sadd.s32 s2, s1;
	s2 =	smul.u32 $0x2AAAAAAB, s7  }
0x106: {  	s9 =	sshra.s32 s6, $0x1F;
	s6 =	smulhi.u32 $0x2AAAAAAB, s6;
	s13 =	spop (v2sf)  }
0x107: {  	s17 =	sshra.s32 s8, $0x1F;
	s20 =	smul.u32 $0x2AAAAAAB, s9;
	s14 =	sshrl.u32 s1, $0x1F  }
0x108: {  	s28 =	sshra.s32 s1, $0x1F;
	s0 =	sadd.s32 s5, s3;
	s3 =	smulhi.u32 $0x2AAAAAAB, s8  }
0x109: {  	s11 =	sshra.s32 s13, $0x1F;
	s18 =	spop (v2sf);
	s13 =	smulhi.u32 $0x2AAAAAAB, s13  }
0x10a: {  	s30 =	sshra.s32 s1, $0x4;
	s17 =	smul.u32 $0x2AAAAAAB, s17;
	s9 =	spop (v2sf)  }
0x10b: {  	s12 =	sshra.s32 s18, $0x1F;
	s25 =	smulhi.u32 $0x2AAAAAAB, s18;
	s23 =	sshra.s32 s0, $0x1F  }
0x10c: {  	s16 =	sshrl.u32 s0, $0x1F;
	s18 =	smul.u32 $0x2AAAAAAB, s11;
	s0 =	sshra.s32 s0, $0x4  }
0x10d: {  	s29 =	sadd.s32 s20, s6;
	s22 =	spop (v2sf);
	[dreg:$0x8] =	wrdreg s16  }
0x10e: {  	s19 =	sshra.s32 s9, $0x1F;
	s24 =	smul.u32 $0x2AAAAAAB, s12;
	[dreg:$0xb] =	wrdreg s0  }
0x10f: {  	s0 =	sadd.s32 s4, s21;
	s4 =	simm.s32 $0x10;
	s9 =	smulhi.u32 $0x2AAAAAAB, s9  }
0x110: {  	s5 =	sshrl.u32 s29, $0x1F;
	s10 =	sshra.s32 s22, $0x1F;
	s16 =	spop (v2sf)  }
0x111: {  	s7 =	smulhi.u32 $0x2AAAAAAB, s22;
	s22 =	sadd.s32 s2, s15;
	s20 =	spop (v2sf)  }
0x112: {  	s13 =	sadd.s32 s18, s13;
	v3 =	vld [tilespmem:s4+$0x0];
	s15 =	smul.u32 $0x2AAAAAAB, s19;
	s18 =	spop (v2sf);
	(v2sf) =	vpush v4, $0xA  }
0x113: {  	v5 =	vmov s23;
	s8 =	sshrl.u32 s0, $0x1F;
	s31 =	sadd.s32 s24, s25;
	s24 =	sshra.s32 s0, $0x4;
	(v2sf) =	vpush v4, $0xB  }
0x114: {  	s19 =	sshra.s32 s29, $0x1F;
	s25 =	sshra.s32 s0, $0x1F;
	s1 =	sshra.s32 s22, $0x1F;
	v5 =	vsel vm3, s24, v5  }
0x115: {  	s9 =	sadd.s32 s15, s9;
	s15 =	sshra.s32 s13, $0x4;
	s13 =	sshrl.u32 s13, $0x1F;
	v5 =	vsel vm9, s25, v5  }
0x116: {  	v6 =	vmov s8;
	s25 =	sshra.s32 s22, $0x4;
	s12 =	sshra.s32 s16, $0x1F;
	s21 =	smulhi.u32 $0x2AAAAAAB, s16;
	(v2sf) =	vpush v4, $0x6;
	v4 =	vsel vm0, s30, v5  }
0x117: {  	s11 =	sshra.s32 s20, $0x1F;
	s6 =	smulhi.u32 $0x2AAAAAAB, s18;
	s8 =	sshra.s32 s18, $0x1F;
	v5 =	vsel vm10, s28, v4;
	(v2sf) =	vpush v3, $0x2;
	v4 =	vnsel vm3, $0x0, v6  }
.LBB2_8:
0x118: {  	s20 =	smulhi.u32 $0x2AAAAAAB, s20  }
0x119: {  	s23 =	sshrl.u32 s9, $0x1F;
	s2 =	smul.u32 $0x2AAAAAAB, s12  }
0x11a: {  	s0 =	smov.u32 s26;
	s18 =	rddreg [dreg:$0x5];
	s10 =	smul.u32 $0x2AAAAAAB, s10  }
0x11b: {  	s30 =	smov.u32 s4;
	s9 =	sshra.s32 s9, $0x4;
	s11 =	smul.u32 $0x2AAAAAAB, s11  }
0x11c: {  	s29 =	sshra.s32 s29, $0x4;
	s8 =	smul.u32 $0x2AAAAAAB, s8;
	[dreg:$0xc] =	wrdreg s0  }
0x11d: {  	(v2sf) =	vpush v3, $0x1;
	s22 =	sshrl.u32 s22, $0x1F;
	s28 =	smov.u32 s18;
	[dreg:$0x5] =	wrdreg s30  }
0x11e: {  	s30 =	sshrl.u32 s31, $0x1F;
	s3 =	sadd.s32 s17, s3;
	s4 =	sadd.s32 s2, s21  }
0x11f: {  	v5 =	vsel vm1, s25, v5;
	s7 =	sadd.s32 s10, s7;
	s11 =	sadd.s32 s11, s20;
	s2 =	sshra.s32 s31, $0x4  }
0x120: {  	v4 =	vsel vm0, s14, v4;
	v6 =	vmov s15;
	v7 =	vmov s13;
	s6 =	sadd.s32 s8, s6;
	s25 =	sshra.s32 s7, $0x4;
	s7 =	sshrl.u32 s7, $0x1F  }
0x121: {  	v6 =	vsel vm0, s9, v6;
	v5 =	vsel vm11, s1, v5;
	s9 =	sshra.s32 s4, $0x4;
	s4 =	sshrl.u32 s4, $0x1F;
	s24 =	spop (v2sf);
	(v2sf) =	vpush v3, $0x0  }
0x122: {  	v4 =	vsel vm1, s22, v4;
	v5 =	vsel vm2, s29, v5;
	s12 =	spop (v2sf);
	(v2sf) =	vpush v3, $0x7;
	s16 =	sshra.s32 s24, $0x1F;
	s21 =	smulhi.u32 $0x2AAAAAAB, s24  }
0x123: {  	v7 =	vsel vm0, s23, v7;
	v4 =	vsel vm2, s5, v4;
	s20 =	sshrl.u32 s6, $0x1F;
	v5 =	vsel vm12, s19, v5;
	s6 =	sshra.s32 s6, $0x4;
	s0 =	smul.u32 $0x2AAAAAAB, s16  }
0x124: {  	v8 =	vmov s25;
	v6 =	vsel vm1, s9, v6;
	s25 =	sshra.s32 s3, $0x4;
	s18 =	sshra.s32 s12, $0x1F;
	(v2sf) =	vpush v3, $0x3;
	s16 =	smulhi.u32 $0x2AAAAAAB, s12  }
0x125: {  	v9 =	vmov s7;
	v7 =	vsel vm1, s4, v7;
	v8 =	vsel vm0, s2, v8;
	s2 =	sshrl.u32 s3, $0x1F;
	s10 =	smul.u32 $0x2AAAAAAB, s18;
	s18 =	spop (v2sf)  }
0x126: {  	v9 =	vsel vm0, s30, v9;
	v5 =	vsel vm4, s25, v5;
	s12 =	sshrl.u32 s11, $0x1F;
	(v2sf) =	vpush v3, $0x4;
	s23 =	smulhi.u32 $0x2AAAAAAB, s18;
	s7 =	sadd.s32 s0, s21  }
0x127: {  	v7 =	vsel vm2, s20, v7;
	v4 =	vsel vm4, s2, v4;
	(v2sf) =	vpush v3, $0xC;
	s0 =	sshra.s32 s3, $0x1F;
	s1 =	sshra.s32 s18, $0x1F;
	s9 =	sadd.s32 s10, s16  }
0x128: {  	v6 =	vsel vm2, s6, v6;
	v4 =	vsel vm5, s12, v4;
	(v2sf) =	vpush v3, $0x9;
	s13 =	sshra.s32 s7, $0x4;
	s7 =	sshrl.u32 s7, $0x1F;
	s24 =	smul.u32 $0x2AAAAAAB, s1  }
0x129: {  	s14 =	sshra.s32 s11, $0x4;
	v5 =	vsel vm13, s0, v5;
	(v2sf) =	vpush v3, $0xD;
	s0 =	sshrl.u32 s9, $0x1F;
	v9 =	vsel vm1, s7, v9  }
0x12a: {  	s5 =	sshra.s32 s9, $0x4;
	v5 =	vsel vm5, s14, v5;
	s14 =	sshra.s32 s11, $0x1F;
	v8 =	vsel vm1, s13, v8;
	s2 =	sadd.s32 s24, s23;
	v9 =	vsel vm2, s0, v9  }
0x12b: {  	s22 =	rddreg [dreg:$0xb];
	s16 =	spop (v2sf);
	v5 =	vsel vm14, s14, v5;
	v8 =	vsel vm2, s5, v8;
	s0 =	sshra.s32 s2, $0x4;
	v7 =	vcombine.low v9, v7  }
0x12c: {  	(v2sf) =	vpush v3, $0x8;
	s25 =	spop (v2sf);
	s18 =	sshra.s32 s2, $0x1F;
	s2 =	sshrl.u32 s2, $0x1F;
	v6 =	vcombine.low v8, v6;
	v5 =	vsel vm6, s0, v5  }
0x12d: {  	s24 =	rddreg [dreg:$0x8];
	s5 =	sshra.s32 s25, $0x1F;
	v4 =	vsel vm6, s2, v4;
	s23 =	smulhi.u32 $0x2AAAAAAB, s25;
	v5 =	vsel vm15, s18, v5;
	v7 =	vperm.xlane v7, v1  }
0x12e: {  	p1 =	sne.s32 s26, $0x47C0;
	s9 =	smul.u32 $0x2AAAAAAB, s5;
	v4 =	vsel vm7, s24, v4;
	v6 =	vperm.xlane v6, v1;
	v5 =	vsel vm7, s22, v5  }
0x12f: {  	s6 =	rddreg [dreg:$0xc];
	s8 =	smulhi.u32 $0x2AAAAAAB, s16;
	s5 =	sshra.s32 s16, $0x1F;
	v4 =	vperm.xlane v4, v2;
	v5 =	vperm.xlane v5, v2  }
0x130: {  	(v2sf) =	vpush v3, $0xE;
	s0 =	sadd.s32 s9, s23;
	s9 =	smul.u32 $0x2AAAAAAB, s5;
	s1 =	spop (v2sf)  }
0x131: {  	s4 =	sshra.s32 s6, $0x2;
	v4 =	vsel vm8, v4, v7;
	v5 =	vsel vm8, v5, v6;
	(v2sf) =	vpush v3, $0x5;
	s30 =	spop (v2sf);
	s18 =	smulhi.u32 $0x2AAAAAAB, s1  }
0x132: {  	v4 =	vadd.s32 v4, v5;
	(v2sf) =	vpush v3, $0xF;
	s1 =	sshra.s32 s1, $0x1F;
	s17 =	sshra.s32 s30, $0x1F;
	s3 =	smulhi.u32 $0x2AAAAAAB, s30  }
0x133: {  	v4 =	vadd.s32 $0x24000, v4;
	s12 =	spop (v2sf);
	s30 =	sadd.s32 $0x40, s26;
	s1 =	smul.u32 $0x2AAAAAAB, s1  }
0x134: {  	[tilespmem:s28+$0x4800] =	vst v4;
	s26 =	sshra.s32 s0, $0x1F;
	s28 =	sshra.s32 s0, $0x4;
	s20 =	smul.u32 $0x2AAAAAAB, s17  }
0x135: {  	s19 =	sshra.s32 s12, $0x1F;
	s21 =	spop (v2sf);
	s22 =	smulhi.u32 $0x2AAAAAAB, s12  }
0x136: {  	s15 =	spop (v2sf);
	s17 =	sshra.s32 s21, $0x1F;
	s7 =	smul.u32 $0x2AAAAAAB, s19  }
0x137: {  	s18 =	sadd.s32 s1, s18;
	s25 =	sadd.s32 s20, s3;
	s3 =	smulhi.u32 $0x2AAAAAAB, s21  }
0x138: {  	s2 =	sshra.s32 s15, $0x1F;
	s11 =	spop (v2sf);
	s15 =	smulhi.u32 $0x2AAAAAAB, s15  }
0x139: {  	s17 =	smul.u32 $0x2AAAAAAB, s17;
	s14 =	sshra.s32 s11, $0x1F;
	s13 =	spop (v2sf)  }
0x13a: {  	s21 =	smulhi.u32 $0x2AAAAAAB, s11;
	s23 =	sshra.s32 s25, $0x1F;
	s20 =	sshrl.u32 s25, $0x1F  }
0x13b: {  	s5 =	sshra.s32 s25, $0x4;
	s25 =	smul.u32 $0x2AAAAAAB, s2;
	s29 =	sadd.s32 s7, s22  }
0x13c: {  	s22 =	sadd.s32 s9, s8;
	s9 =	sshra.s32 s18, $0x4;
	s19 =	spop (v2sf)  }
0x13d: {  	s16 =	sshra.s32 s13, $0x1F;
	s24 =	smul.u32 $0x2AAAAAAB, s14;
	[dreg:$0x8] =	wrdreg s20  }
0x13e: {  	s14 =	sshrl.u32 s0, $0x1F;
	[dreg:$0xb] =	wrdreg s5;
	s5 =	sshrl.u32 s29, $0x1F  }
0x13f: {  	(v2sf) =	vpush v3, $0xA;
	v4 =	vmov s23;
	s1 =	sshra.s32 s22, $0x1F;
	s23 =	smulhi.u32 $0x2AAAAAAB, s13;
	s0 =	spop (v2sf)  }
0x140: {  	s10 =	sshra.s32 s19, $0x1F;
	(v2sf) =	vpush v3, $0xB;
	s7 =	smulhi.u32 $0x2AAAAAAB, s19;
	s20 =	spop (v2sf)  }
0x141: {  	s19 =	sadd.s32 s25, s15;
	s25 =	sshra.s32 s22, $0x4;
	s2 =	spop (v2sf);
	(v2sf) =	vpush v3, $0x6;
	v3 =	vld [tilespmem:s4+$0x0]  }
.Ltmp6:
0x142: {  	v4 =	vsel vm3, s9, v4;
	s31 =	sadd.s32 s24, s21;
	s24 =	sshra.s32 s18, $0x1F;
	(pc) =	sbr.rel @p1 .LBB2_8-.Ltmp6, $4  }
0x143: {  	s16 =	smul.u32 $0x2AAAAAAB, s16;
	s12 =	sshra.s32 s0, $0x1F;
	s18 =	sshrl.u32 s18, $0x1F;
	v4 =	vsel vm9, s24, v4  }
0x144: {  	s15 =	sshra.s32 s19, $0x4;
	s13 =	sshrl.u32 s19, $0x1F;
	s21 =	smulhi.u32 $0x2AAAAAAB, s0;
	v5 =	vmov s18;
	v6 =	vsel vm0, s28, v4  }
0x145: {  	s19 =	sshra.s32 s29, $0x1F;
	s9 =	sadd.s32 s16, s23;
	v4 =	vnsel vm3, $0x0, v5;
	v5 =	vsel vm10, s26, v6;
	s26 =	smov.u32 s30  }
0x146: {  	s11 =	sshra.s32 s20, $0x1F;
	s6 =	smulhi.u32 $0x2AAAAAAB, s2;
	s8 =	sshra.s32 s2, $0x1F;
	(v2sf) =	vpush v3, $0x2  }
0x147: {  	(v2sf) =	vpush v3, $0x1;
	_ =	sdelay $0x1  }
0x148: {  	(v2sf) =	vpush v3, $0x0  }
0x149: {  	s16 =	smulhi.u32 $0x2AAAAAAB, s20;
	(v2sf) =	vpush v3, $0x7  }
0x14a: {  	s0 =	smul.u32 $0x2AAAAAAB, s12  }
0x14b: {  	s20 =	smul.u32 $0x2AAAAAAB, s11;
	(v2sf) =	vpush v3, $0x3  }
0x14c: {  	s28 =	smul.u32 $0x2AAAAAAB, s8;
	(v2sf) =	vpush v3, $0x4  }
0x14d: {  	[smem:$0x7C5] =	sst s0;
	s2 =	spop (v2sf)  }
0x14e: {  	[smem:$0x7C6] =	sst s20;
	(v2sf) =	vpush v3, $0xC;
	s23 =	sshra.s32 s2, $0x1F;
	s2 =	smulhi.u32 $0x2AAAAAAB, s2  }
0x14f: {  	s28 =	sadd.s32 s28, s6;
	s30 =	spop (v2sf);
	s24 =	smul.u32 $0x2AAAAAAB, s23  }
0x150: {  	[smem:$0x7D8] =	sst s28;
	(v2sf) =	vpush v3, $0x9;
	s26 =	smulhi.u32 $0x2AAAAAAB, s30  }
0x151: {  	s18 =	sshra.s32 s30, $0x1F;
	s30 =	spop (v2sf);
	[smem:$0x7C8] =	sst s2  }
0x152: {  	s8 =	smulhi.u32 $0x2AAAAAAB, s30;
	s12 =	sshra.s32 s30, $0x1F;
	[smem:$0x7C7] =	sst s24  }
0x153: {  	[smem:$0x7C9] =	sst s26;
	s12 =	smul.u32 $0x2AAAAAAB, s12  }
0x154: {  	[smem:$0x7CA] =	sst s8;
	s24 =	spop (v2sf)  }
0x155: {  	s3 =	sadd.s32 s17, s3;
	s17 =	sld [smem:$0x7C9];
	s26 =	spop (v2sf)  }
0x156: {  	s11 =	smul.u32 $0x2AAAAAAB, s18;
	[smem:$0x7CB] =	sst s12;
	s18 =	sshra.s32 s26, $0x1F  }
0x157: {  	s8 =	spop (v2sf);
	s20 =	smul.u32 $0x2AAAAAAB, s18  }
0x158: {  	s23 =	spop (v2sf);
	s18 =	smulhi.u32 $0x2AAAAAAB, s26  }
0x159: {  	(v2sf) =	vpush v3, $0xD;
	s12 =	smulhi.u32 $0x2AAAAAAB, s23;
	[smem:$0x7CD] =	sst s20  }
0x15a: {  	s2 =	spop (v2sf);
	[smem:$0x7CE] =	sst s18  }
0x15b: {  	s30 =	sshra.s32 s23, $0x1F;
	s23 =	spop (v2sf);
	[smem:$0x7CC] =	sst s12  }
0x15c: {  	s20 =	sshra.s32 s2, $0x1F;
	s18 =	smulhi.u32 $0x2AAAAAAB, s24;
	[smem:$0x7D9] =	sst s23  }
0x15d: {  	s24 =	sshra.s32 s24, $0x1F;
	s12 =	smul.u32 $0x2AAAAAAB, s20;
	s26 =	spop (v2sf)  }
0x15e: {  	(v2sf) =	vpush v3, $0x8;
	[smem:$0x7D0] =	sst s18;
	s18 =	smul.u32 $0x2AAAAAAB, s24  }
0x15f: {  	(v2sf) =	vpush v3, $0xE;
	[smem:$0x7CF] =	sst s12;
	s20 =	spop (v2sf)  }
0x160: {  	s12 =	sld [smem:$0x7C5];
	s23 =	smulhi.u32 $0x2AAAAAAB, s20  }
0x161: {  	s0 =	sshra.s32 s20, $0x1F;
	[smem:$0x7D1] =	sst s18;
	s20 =	sshra.s32 s26, $0x1F  }
0x162: {  	s18 =	smul.u32 $0x2AAAAAAB, s20;
	s20 =	sld [smem:$0x7C6]  }
0x163: {  	s10 =	smul.u32 $0x2AAAAAAB, s10;
	[smem:$0x7D3] =	sst s23  }
0x164: {  	s24 =	smulhi.u32 $0x2AAAAAAB, s8;
	s21 =	sadd.s32 s12, s21;
	s12 =	sld [smem:$0x7C8]  }
0x165: {  	s8 =	sshra.s32 s8, $0x1F;
	s0 =	smul.u32 $0x2AAAAAAB, s0;
	[smem:$0x7D2] =	sst s18  }
0x166: {  	s18 =	sadd.s32 s10, s7;
	s10 =	sadd.s32 s20, s16;
	s16 =	smul.u32 $0x2AAAAAAB, s8  }
0x167: {  	s23 =	smulhi.u32 $0x2AAAAAAB, s2;
	[smem:$0x7D4] =	sst s0  }
0x168: {  	(v2sf) =	vpush v3, $0x5;
	s8 =	sld [smem:$0x7C7];
	s2 =	spop (v2sf);
	s16 =	sadd.s32 s16, s24  }
0x169: {  	(v2sf) =	vpush v3, $0xF;
	s24 =	sld [smem:$0x7D1];
	s6 =	sshra.s32 s2, $0x1F;
	s7 =	smulhi.u32 $0x2AAAAAAB, s2  }
0x16a: {  	s20 =	smul.u32 $0x2AAAAAAB, s6;
	s6 =	sld [smem:$0x7CA]  }
0x16b: {  	[smem:$0x7D5] =	sst s7  }
0x16c: {  	s30 =	smul.u32 $0x2AAAAAAB, s30;
	s7 =	sld [smem:$0x7CB]  }
0x16d: {  	s0 =	spop (v2sf);
	s2 =	sadd.s32 s8, s12;
	s8 =	sld [smem:$0x7CC]  }
0x16e: {  	s28 =	spop (v2sf);
	[smem:$0x7D6] =	sst s2  }
0x16f: {  	s2 =	sadd.s32 s11, s17;
	s11 =	sadd.s32 s7, s6;
	s6 =	sld [smem:$0x7CF]  }
0x170: {  	[smem:$0x7D7] =	sst s2;
	s17 =	smulhi.u32 $0x2AAAAAAB, s28;
	s28 =	sshra.s32 s28, $0x1F  }
0x171: {  	s2 =	sadd.s32 s30, s8;
	s8 =	smul.u32 $0x2AAAAAAB, s28;
	s28 =	sld [smem:$0x7CD]  }
0x172: {  	[smem:$0x7DB] =	sst s2;
	s2 =	sadd.s32 s6, s23  }
0x173: {  	[smem:$0x7DC] =	sst s2  }
0x174: {  	s2 =	sld [smem:$0x7D0]  }
0x175: {  	s22 =	sshrl.u32 s22, $0x1F;
	s30 =	sld [smem:$0x7CE]  }
0x176: {  	v4 =	vsel vm0, s14, v4;
	s14 =	sshra.s32 s3, $0x4;
	s12 =	smulhi.u32 $0x2AAAAAAB, s0;
	s0 =	sshra.s32 s0, $0x1F  }
0x177: {  	s7 =	smul.u32 $0x2AAAAAAB, s0;
	s0 =	spop (v2sf);
	s2 =	sadd.s32 s24, s2  }
0x178: {  	s28 =	sadd.s32 s28, s30;
	s30 =	spop (v2sf);
	[smem:$0x7DD] =	sst s2  }
0x179: {  	s23 =	smulhi.u32 $0x2AAAAAAB, s30;
	s2 =	sshra.s32 s30, $0x1F;
	s30 =	sld [smem:$0x7D2]  }
0x17a: {  	v5 =	vsel vm1, s25, v5;
	s25 =	sshra.s32 s3, $0x1F;
	s3 =	sshrl.u32 s3, $0x1F;
	s26 =	smulhi.u32 $0x2AAAAAAB, s26  }
0x17b: {  	v7 =	vmov s13;
	s13 =	sshra.s32 s10, $0x4;
	s8 =	sadd.s32 s8, s17;
	s17 =	sadd.s32 s7, s12  }
0x17c: {  	s7 =	sshra.s32 s9, $0x4;
	s24 =	sld [smem:$0x7D4];
	s26 =	sadd.s32 s30, s26  }
0x17d: {  	s6 =	smulhi.u32 $0x2AAAAAAB, s0;
	s0 =	sshra.s32 s0, $0x1F;
	[smem:$0x7DA] =	sst s26  }
0x17e: {  	s0 =	smul.u32 $0x2AAAAAAB, s0;
	s30 =	sshrl.u32 s9, $0x1F;
	s26 =	sld [smem:$0x7D3]  }
0x17f: {  	v5 =	vsel vm11, s1, v5;
	v4 =	vsel vm1, s22, v4;
	s2 =	smul.u32 $0x2AAAAAAB, s2;
	s9 =	sshra.s32 s29, $0x4;
	v7 =	vsel vm0, s30, v7;
	s30 =	sld [smem:$0x7D7]  }
0x180: {  	v6 =	vmov s15;
	v4 =	vsel vm2, s5, v4;
	s15 =	sshrl.u32 s10, $0x1F;
	s10 =	sshra.s32 s10, $0x1F;
	s6 =	sadd.s32 s0, s6;
	v5 =	vsel vm2, s9, v5  }
0x181: {  	v4 =	vsel vm4, s3, v4;
	(v2sf) =	vpush v3, $0xA;
	s0 =	sadd.s32 s2, s23;
	v5 =	vsel vm12, s19, v5;
	s26 =	sadd.s32 s24, s26;
	s24 =	sld [smem:$0x7D6]  }
0x182: {  	(v2sf) =	vpush v3, $0xB;
	v6 =	vsel vm0, s7, v6;
	v5 =	vsel vm4, s14, v5;
	s23 =	sshra.s32 s30, $0x4;
	s7 =	sshrl.u32 s30, $0x1F;
	s30 =	sld [smem:$0x7D9]  }
0x183: {  	v4 =	vsel vm5, s15, v4;
	s15 =	sshra.s32 s16, $0x1F;
	s22 =	sshra.s32 s11, $0x1F;
	v5 =	vsel vm13, s25, v5;
	s25 =	sld [smem:$0x7DB]  }
0x184: {  	(v2sf) =	vpush v3, $0x6;
	s12 =	sshrl.u32 s31, $0x1F;
	s3 =	sshra.s32 s28, $0x1F;
	[smem:$0x7DE] =	sst s26  }
0x185: {  	s29 =	sshra.s32 s21, $0x4;
	s21 =	sshrl.u32 s21, $0x1F;
	s26 =	sld [smem:$0x7D5]  }
0x186: {  	v6 =	vsel vm1, s29, v6;
	s29 =	sld [smem:$0x7DA];
	s1 =	sshra.s32 s24, $0x4;
	s2 =	sshrl.u32 s24, $0x1F  }
0x187: {  	s24 =	sshra.s32 s11, $0x4;
	s11 =	sshrl.u32 s11, $0x1F;
	s5 =	smulhi.u32 $0x2AAAAAAB, s30  }
0x188: {  	v5 =	vsel vm5, s13, v5;
	s14 =	sshra.s32 s30, $0x1F;
	s30 =	sshra.s32 s25, $0x1F;
	s26 =	sadd.s32 s20, s26  }
0x189: {  	v5 =	vsel vm14, s10, v5;
	s20 =	sshra.s32 s31, $0x4;
	s31 =	sshra.s32 s18, $0x4;
	s18 =	sshrl.u32 s18, $0x1F  }
0x18a: {  	v9 =	vmov s30;
	v5 =	vsel vm6, s24, v5;
	s24 =	sld [smem:$0x7DD];
	s30 =	sshra.s32 s17, $0x4;
	s17 =	sshrl.u32 s17, $0x1F;
	v3 =	vmov s31  }
0x18b: {  	s31 =	sld [smem:$0x7D8];
	v8 =	vmov s18;
	s18 =	sshrl.u32 s28, $0x1F;
	s10 =	sshra.s32 s26, $0x4;
	v3 =	vsel vm0, s20, v3  }
0x18c: {  	v8 =	vsel vm0, s12, v8;
	s12 =	sshra.s32 s28, $0x4;
	s28 =	sshrl.u32 s16, $0x1F;
	v3 =	vsel vm1, s1, v3;
	s1 =	sshrl.u32 s29, $0x1F  }
0x18d: {  	v7 =	vsel vm1, s21, v7;
	v8 =	vsel vm1, s2, v8;
	s2 =	sshrl.u32 s26, $0x1F;
	s13 =	sshra.s32 s24, $0x4;
	v10 =	vmov s28;
	s28 =	rddreg [dreg:$0xb]  }
0x18e: {  	v4 =	vsel vm6, s11, v4;
	v5 =	vsel vm15, s22, v5;
	v13 =	vmov s30;
	s9 =	sshrl.u32 s31, $0x1F;
	s20 =	sshra.s32 s31, $0x4;
	s31 =	sshra.s32 s16, $0x4  }
0x18f: {  	v14 =	vmov s17;
	s16 =	sshra.s32 s29, $0x4;
	v3 =	vsel vm2, s23, v3;
	s29 =	sld [smem:$0x7DE];
	v7 =	vsel vm2, s9, v7;
	s9 =	smul.u32 $0x2AAAAAAB, s14  }
0x190: {  	v8 =	vsel vm2, s7, v8;
	s14 =	spop (v2sf);
	v9 =	vsel vm3, s31, v9;
	s31 =	sld [smem:$0x7DC];
	v11 =	vmov s16;
	s16 =	sshra.s32 s6, $0x4  }
0x191: {  	v5 =	vsel vm7, s28, v5;
	v10 =	vnsel vm3, $0x0, v10;
	s21 =	spop (v2sf);
	v9 =	vsel vm9, s15, v9;
	s26 =	sshra.s32 s14, $0x1F;
	s14 =	smulhi.u32 $0x2AAAAAAB, s14  }
0x192: {  	v12 =	vmov s1;
	v6 =	vsel vm2, s20, v6;
	s23 =	sshra.s32 s21, $0x1F;
	v9 =	vsel vm0, s12, v9;
	s12 =	sshra.s32 s24, $0x1F;
	s15 =	sshrl.u32 s29, $0x1F  }
0x193: {  	v10 =	vsel vm0, s18, v10;
	v11 =	vsel vm0, s10, v11;
	v7 =	vcombine.low v8, v7;
	s28 =	sadd.s32 s9, s5;
	s30 =	smulhi.u32 $0x2AAAAAAB, s21;
	s10 =	spop (v2sf)  }
0x194: {  	v12 =	vsel vm0, s2, v12;
	v5 =	vperm.xlane v5, v2;
	v3 =	vcombine.low v3, v6;
	s21 =	sshrl.u32 s0, $0x1F;
	s19 =	sshrl.u32 s31, $0x1F;
	s20 =	sshra.s32 s31, $0x1F  }
0x195: {  	s7 =	sshra.s32 s31, $0x4;
	v9 =	vsel vm10, s3, v9;
	s3 =	smul.u32 $0x2AAAAAAB, s26;
	s31 =	rddreg [dreg:$0x8];
	v14 =	vsel vm0, s15, v14;
	v7 =	vperm.xlane v7, v1  }
0x196: {  	s26 =	sshra.s32 s29, $0x4;
	s29 =	sshra.s32 s8, $0x4;
	s8 =	sshrl.u32 s8, $0x1F;
	v3 =	vperm.xlane v3, v1;
	v4 =	vsel vm7, s31, v4;
	v9 =	vsel vm1, s13, v9  }
0x197: {  	s0 =	sshra.s32 s0, $0x4;
	s11 =	smul.u32 $0x2AAAAAAB, s23;
	s17 =	sshra.s32 s28, $0x4;
	v13 =	vsel vm0, s26, v13;
	v12 =	vsel vm1, s8, v12;
	v9 =	vsel vm11, s12, v9  }
0x198: {  	s18 =	sshra.s32 s28, $0x1F;
	s1 =	sshrl.u32 s28, $0x1F;
	v11 =	vsel vm1, s29, v11;
	s12 =	sshrl.u32 s24, $0x1F;
	v12 =	vsel vm2, s21, v12;
	v9 =	vsel vm2, s7, v9  }
0x199: {  	s31 =	sadd.s32 s3, s14;
	s14 =	smulhi.u32 $0x2AAAAAAB, s10;
	s3 =	sshra.s32 s10, $0x1F;
	v11 =	vsel vm2, s0, v11;
	v10 =	vsel vm1, s12, v10;
	v9 =	vsel vm12, s20, v9  }
0x19a: {  	s13 =	sadd.s32 s11, s30;
	v4 =	vperm.xlane v4, v2;
	s3 =	smul.u32 $0x2AAAAAAB, s3;
	s2 =	sshrl.u32 s31, $0x1F;
	v10 =	vsel vm2, s19, v10;
	v9 =	vsel vm4, s17, v9  }
0x19b: {  	s22 =	sshra.s32 s13, $0x4;
	s23 =	sshrl.u32 s13, $0x1F;
	s20 =	sshra.s32 s31, $0x4;
	v14 =	vsel vm1, s2, v14;
	v10 =	vsel vm4, s1, v10;
	v9 =	vsel vm13, s18, v9  }
0x19c: {  	s19 =	sshrl.u32 s6, $0x1F;
	s6 =	sshra.s32 s6, $0x1F;
	s3 =	sadd.s32 s3, s14;
	v13 =	vsel vm1, s20, v13;
	v14 =	vsel vm2, s23, v14;
	v9 =	vsel vm5, s16, v9  }
0x19d: {  	v10 =	vsel vm5, s19, v10;
	v13 =	vsel vm2, s22, v13;
	s24 =	sshra.s32 s3, $0x4;
	s28 =	sshrl.u32 s3, $0x1F;
	v9 =	vsel vm14, s6, v9  }
0x19e: {  	s29 =	sshrl.u32 s25, $0x1F;
	s26 =	sshra.s32 s3, $0x1F;
	v60 =	vcombine.low v14, v12;
	v10 =	vsel vm6, s28, v10;
	v59 =	vsel vm6, s24, v9  }
0x19f: {  	s30 =	sshra.s32 s25, $0x4;
	v61 =	vcombine.low v13, v11;
	v10 =	vsel vm7, s29, v10;
	v6 =	vsel vm15, s26, v59  }
0x1a0: {  	v8 =	vperm.xlane v60, v1;
	v10 =	vperm.xlane v10, v2;
	v6 =	vsel vm7, s30, v6  }
0x1a1: {  	v9 =	vperm.xlane v61, v1;
	v6 =	vperm.xlane v6, v2  }
0x1a2: {  	v3 =	vsel vm8, v5, v3;
	v4 =	vsel vm8, v4, v7  }
0x1a3: {  	v3 =	vadd.s32 v4, v3;
	v62 =	vsel vm8, v10, v8;
	v63 =	vsel vm8, v6, v9  }
0x1a4: {  	s31 =	rddreg [dreg:$0x5];
	v3 =	vadd.s32 $0x24000, v3;
	v4 =	vadd.s32 v62, v63  }
0x1a5: {  	[tilespmem:s31+$0x4800] =	vst v3;
	v3 =	vadd.s32 $0x24000, v4  }
0x1a6: {  	[tilespmem:s4+$0x4800] =	vst v3  }
.LBB2_10:
.Ltmp7:
0x1a7: {  	s0 =	rddreg [dreg:$0x19];
	s1 =	simm.s32 $0x80;
	(pc) =	sbr.rel .LBB2_11-.Ltmp7, $4  }
0x1a8: {  	s2 =	simm.s32 $0x400;
	s3 =	simm.s32 $0x1200;
	s30 =	rddreg [dreg:$0x1a]  }
0x1a9: {  	[tilespmem:s3], [sflag:$0x1] =	stream.strided.gather [hbm4b:s0+s1], $0x1200, s2, s1, $0x38;
	[tilespmem:$0x14400] =	vst v63  }
0x1aa: {  	s31 =	simm.s32 $0x3600;
	s8 =	simm.s32 $0x0;
	s7 =	simm.s32 $0x1  }
0x1ab: {  	[tilespmem:s31], [sflag:$0x2] =	stream.strided.gather [hbm4b:s30+s1], $0x1200, s2, s1, $0x38;
	[tilespmem:$0x14400] =	vst v63  }
.LBB2_26:
0x1ac: {  	(v2sf) =	vpush v3, $0x1  }
0x1ad: {  	(v2sf) =	vpush v3, $0x0  }
0x1ae: {  	(v2sf) =	vpush v3, $0x7;
	_ =	sdelay $0x2  }
0x1af: {  	s26 =	smulhi.u32 $0x2AAAAAAB, s7  }
0x1b0: {  	s20 =	smul.u32 $0x2AAAAAAB, s9;
	(v2sf) =	vpush v3, $0x3  }
0x1b1: {  	s0 =	smul.u32 $0x2AAAAAAB, s12;
	(v2sf) =	vpush v3, $0x4  }
0x1b2: {  	s8 =	smul.u32 $0x2AAAAAAB, s8  }
0x1b3: {  	s29 =	spop (v2sf);
	[smem:$0x755] =	sst s0;
	(v2sf) =	vpush v3, $0xC  }
0x1b4: {  	s18 =	spop (v2sf);
	s9 =	sshra.s32 s29, $0x1F;
	s24 =	smulhi.u32 $0x2AAAAAAB, s29  }
0x1b5: {  	[smem:$0x756] =	sst s8;
	s0 =	sshra.s32 s18, $0x1F;
	s12 =	smul.u32 $0x2AAAAAAB, s9  }
0x1b6: {  	s23 =	spop (v2sf);
	s16 =	smul.u32 $0x2AAAAAAB, s0;
	(v2sf) =	vpush v3, $0x9  }
0x1b7: {  	[smem:$0x758] =	sst s24;
	s29 =	smulhi.u32 $0x2AAAAAAB, s23  }
0x1b8: {  	[smem:$0x757] =	sst s12;
	s24 =	spop (v2sf)  }
0x1b9: {  	s12 =	sshra.s32 s23, $0x1F;
	[smem:$0x759] =	sst s29;
	s29 =	spop (v2sf)  }
0x1ba: {  	s23 =	smul.u32 $0x2AAAAAAB, s12;
	s0 =	sshra.s32 s29, $0x1F;
	s9 =	spop (v2sf)  }
0x1bb: {  	s7 =	smul.u32 $0x2AAAAAAB, s0;
	s8 =	spop (v2sf)  }
0x1bc: {  	s12 =	sshra.s32 s8, $0x1F;
	s0 =	smulhi.u32 $0x2AAAAAAB, s8  }
0x1bd: {  	[smem:$0x75C] =	sst s7;
	s7 =	smul.u32 $0x2AAAAAAB, s12  }
0x1be: {  	(v2sf) =	vpush v3, $0xD;
	s8 =	smulhi.u32 $0x2AAAAAAB, s29;
	[smem:$0x75A] =	sst s0  }
0x1bf: {  	[smem:$0x75B] =	sst s7;
	s7 =	spop (v2sf)  }
0x1c0: {  	[smem:$0x75D] =	sst s8;
	s12 =	sshra.s32 s7, $0x1F;
	s29 =	spop (v2sf)  }
0x1c1: {  	[smem:$0x76B] =	sst s29;
	s0 =	smul.u32 $0x2AAAAAAB, s12  }
0x1c2: {  	s8 =	spop (v2sf);
	s12 =	smulhi.u32 $0x2AAAAAAB, s24;
	s24 =	sshra.s32 s24, $0x1F  }
0x1c3: {  	(v2sf) =	vpush v3, $0x8;
	s24 =	smul.u32 $0x2AAAAAAB, s24;
	[smem:$0x75E] =	sst s0  }
0x1c4: {  	s20 =	sadd.s32 s20, s6;
	(v2sf) =	vpush v3, $0xE;
	s6 =	smulhi.u32 $0x2AAAAAAB, s8;
	[smem:$0x761] =	sst s12  }
0x1c5: {  	s0 =	spop (v2sf);
	[smem:$0x762] =	sst s24  }
0x1c6: {  	s12 =	smulhi.u32 $0x2AAAAAAB, s9;
	s24 =	sld [smem:$0x755]  }
0x1c7: {  	s29 =	smulhi.u32 $0x2AAAAAAB, s0;
	s0 =	sshra.s32 s0, $0x1F;
	[smem:$0x764] =	sst s6  }
0x1c8: {  	s0 =	smul.u32 $0x2AAAAAAB, s0;
	[smem:$0x760] =	sst s12  }
0x1c9: {  	s21 =	smul.u32 $0x2AAAAAAB, s21;
	[smem:$0x765] =	sst s29  }
0x1ca: {  	s29 =	smulhi.u32 $0x2AAAAAAB, s7;
	[smem:$0x766] =	sst s0  }
0x1cb: {  	s7 =	sshra.s32 s8, $0x1F;
	s12 =	sadd.s32 s24, s26;
	s24 =	sld [smem:$0x757]  }
0x1cc: {  	(v2sf) =	vpush v3, $0x5;
	[smem:$0x75F] =	sst s29;
	s29 =	sadd.s32 s21, s30;
	s21 =	smul.u32 $0x2AAAAAAB, s7  }
0x1cd: {  	s9 =	sshra.s32 s9, $0x1F;
	s30 =	sld [smem:$0x756];
	s7 =	spop (v2sf)  }
0x1ce: {  	s8 =	sshra.s32 s7, $0x1F;
	[smem:$0x763] =	sst s21;
	s21 =	smul.u32 $0x2AAAAAAB, s9  }
0x1cf: {  	s26 =	smul.u32 $0x2AAAAAAB, s8;
	s8 =	sld [smem:$0x759]  }
0x1d0: {  	(v2sf) =	vpush v3, $0xF;
	s9 =	smulhi.u32 $0x2AAAAAAB, s7;
	s0 =	sadd.s32 s30, s10;
	s30 =	sld [smem:$0x758]  }
0x1d1: {  	s18 =	smulhi.u32 $0x2AAAAAAB, s18;
	[smem:$0x76A] =	sst s0  }
0x1d2: {  	s7 =	sadd.s32 s11, s31;
	[smem:$0x767] =	sst s9;
	s0 =	spop (v2sf)  }
0x1d3: {  	s31 =	sadd.s32 s16, s18;
	s9 =	sld [smem:$0x75A];
	s10 =	spop (v2sf)  }
0x1d4: {  	s18 =	smulhi.u32 $0x2AAAAAAB, s10;
	s11 =	sshra.s32 s10, $0x1F;
	s10 =	sld [smem:$0x75B]  }
0x1d5: {  	s6 =	sadd.s32 s24, s30;
	s24 =	sld [smem:$0x75D]  }
0x1d6: {  	[smem:$0x768] =	sst s6  }
0x1d7: {  	s6 =	sadd.s32 s10, s9;
	s10 =	smul.u32 $0x2AAAAAAB, s11;
	s11 =	sld [smem:$0x75C]  }
0x1d8: {  	s5 =	sshra.s32 s5, $0x4;
	[smem:$0x769] =	sst s31  }
0x1d9: {  	s22 =	sshrl.u32 s22, $0x1F;
	s23 =	sadd.s32 s23, s8;
	s8 =	sld [smem:$0x75E]  }
0x1da: {  	s16 =	smulhi.u32 $0x2AAAAAAB, s0;
	s31 =	sadd.s32 s11, s24;
	s11 =	sld [smem:$0x75F]  }
0x1db: {  	s0 =	sshra.s32 s0, $0x1F;
	s30 =	spop (v2sf);
	[smem:$0x76D] =	sst s6  }
0x1dc: {  	s9 =	smul.u32 $0x2AAAAAAB, s0;
	s0 =	sshra.s32 s30, $0x1F;
	s24 =	sld [smem:$0x760]  }
0x1dd: {  	s0 =	smul.u32 $0x2AAAAAAB, s0;
	s6 =	sadd.s32 s8, s11;
	s11 =	sld [smem:$0x761]  }
0x1de: {  	v7 =	vmov s15;
	s15 =	sshra.s32 s12, $0x4;
	s8 =	smulhi.u32 $0x2AAAAAAB, s30;
	s30 =	sld [smem:$0x762]  }
0x1df: {  	v6 =	vmov s28;
	s28 =	sshrl.u32 s12, $0x1F;
	[smem:$0x76E] =	sst s6;
	s6 =	spop (v2sf)  }
0x1e0: {  	s24 =	sadd.s32 s21, s24;
	s21 =	smulhi.u32 $0x2AAAAAAB, s6;
	s6 =	sshra.s32 s6, $0x1F  }
0x1e1: {  	s11 =	sadd.s32 s30, s11;
	s30 =	sld [smem:$0x764];
	s6 =	smul.u32 $0x2AAAAAAB, s6  }
0x1e2: {  	s18 =	sadd.s32 s10, s18;
	s10 =	sadd.s32 s9, s16;
	[smem:$0x76F] =	sst s11  }
0x1e3: {  	s16 =	sshra.s32 s25, $0x4;
	s11 =	sld [smem:$0x763];
	s21 =	sadd.s32 s6, s21  }
0x1e4: {  	s9 =	sadd.s32 s0, s8;
	s8 =	sshrl.u32 s25, $0x1F;
	[dreg:$0x1e] =	wrdreg s21  }
0x1e5: {  	v5 =	vsel vm1, s13, v5;
	(v2sf) =	vpush v3, $0xA;
	s25 =	sshrl.u32 s29, $0x1F;
	s21 =	sshra.s32 s29, $0x4;
	s29 =	sld [smem:$0x768]  }
0x1e6: {  	v4 =	vsel vm0, s14, v4;
	v5 =	vsel vm11, s1, v5;
	s12 =	sshra.s32 s12, $0x1F;
	(v2sf) =	vpush v3, $0xB;
	s11 =	sadd.s32 s11, s30;
	s30 =	sld [smem:$0x766]  }
0x1e7: {  	v4 =	vsel vm1, s22, v4;
	v5 =	vsel vm2, s5, v5;
	s13 =	sshra.s32 s7, $0x4;
	s14 =	sshra.s32 s7, $0x1F;
	[smem:$0x76C] =	sst s11  }
0x1e8: {  	v4 =	vsel vm2, s3, v4;
	v5 =	vsel vm12, s19, v5;
	s7 =	sshrl.u32 s7, $0x1F;
	s19 =	sshra.s32 s23, $0x4;
	s11 =	sld [smem:$0x765]  }
0x1e9: {  	v4 =	vsel vm4, s7, v4;
	s0 =	sshra.s32 s29, $0x4;
	s1 =	sshrl.u32 s29, $0x1F;
	s29 =	sld [smem:$0x76B]  }
0x1ea: {  	v4 =	vsel vm5, s28, v4;
	s22 =	sshrl.u32 s23, $0x1F;
	s6 =	sshra.s32 s17, $0x4;
	s28 =	sld [smem:$0x76C]  }
0x1eb: {  	s7 =	sshra.s32 s31, $0x1F;
	v6 =	vsel vm0, s6, v6;
	s11 =	sadd.s32 s30, s11;
	s30 =	sld [smem:$0x767]  }
0x1ec: {  	v5 =	vsel vm4, s13, v5;
	v6 =	vsel vm1, s21, v6;
	s21 =	sshra.s32 s23, $0x1F;
	s23 =	sshrl.u32 s24, $0x1F;
	[smem:$0x770] =	sst s11  }
0x1ed: {  	v5 =	vsel vm13, s14, v5;
	(v2sf) =	vpush v3, $0x6;
	s11 =	sshra.s32 s20, $0x4;
	s20 =	sshrl.u32 s20, $0x1F;
	s3 =	smulhi.u32 $0x2AAAAAAB, s29  }
0x1ee: {  	v10 =	vmov s23;
	s13 =	sshra.s32 s29, $0x1F;
	v3 =	vmov s11;
	v8 =	vmov s20;
	s20 =	sshrl.u32 s31, $0x1F;
	s26 =	sadd.s32 s26, s30  }
0x1ef: {  	v10 =	vnsel vm3, $0x0, v10;
	s30 =	sshrl.u32 s17, $0x1F;
	v3 =	vsel vm0, s16, v3;
	s16 =	sld [smem:$0x76A];
	v8 =	vsel vm0, s8, v8;
	s8 =	sshra.s32 s31, $0x4  }
0x1f0: {  	v5 =	vsel vm5, s15, v5;
	s31 =	sshra.s32 s24, $0x1F;
	v10 =	vsel vm0, s20, v10;
	s20 =	sshra.s32 s9, $0x1F;
	v7 =	vsel vm0, s30, v7;
	s30 =	sld [smem:$0x769]  }
0x1f1: {  	v5 =	vsel vm14, s12, v5;
	v3 =	vsel vm1, s0, v3;
	s0 =	sshrl.u32 s28, $0x1F;
	v8 =	vsel vm1, s1, v8;
	s1 =	sshrl.u32 s26, $0x1F;
	s12 =	sshra.s32 s26, $0x4  }
0x1f2: {  	v7 =	vsel vm1, s25, v7;
	s25 =	sld [smem:$0x76D];
	s6 =	sshrl.u32 s16, $0x1F;
	s16 =	sshra.s32 s16, $0x4  }
0x1f3: {  	s17 =	sshra.s32 s30, $0x4;
	s5 =	sshrl.u32 s30, $0x1F;
	s30 =	sshra.s32 s24, $0x4  }
0x1f4: {  	s24 =	sshra.s32 s28, $0x4;
	v7 =	vsel vm2, s6, v7;
	s6 =	smul.u32 $0x2AAAAAAB, s13;
	s13 =	spop (v2sf)  }
0x1f5: {  	v5 =	vsel vm6, s19, v5;
	s29 =	sshra.s32 s25, $0x1F;
	v3 =	vsel vm2, s17, v3;
	s17 =	spop (v2sf);
	s26 =	sshra.s32 s13, $0x1F  }
0x1f6: {  	v5 =	vsel vm15, s21, v5;
	s13 =	smulhi.u32 $0x2AAAAAAB, s13;
	v11 =	vmov s24;
	s24 =	sshra.s32 s18, $0x4;
	v9 =	vmov s29;
	s29 =	sld [smem:$0x770]  }
0x1f7: {  	v4 =	vsel vm6, s22, v4;
	v5 =	vsel vm7, s4, v5;
	s21 =	sshra.s32 s17, $0x1F;
	s28 =	smul.u32 $0x2AAAAAAB, s26;
	v9 =	vsel vm3, s30, v9;
	s30 =	sld [smem:$0x76E]  }
0x1f8: {  	v5 =	vperm.xlane v5, v2;
	v8 =	vsel vm2, s5, v8;
	s23 =	sadd.s32 s6, s3;
	s26 =	smulhi.u32 $0x2AAAAAAB, s17;
	v9 =	vsel vm9, s31, v9;
	s31 =	sld [smem:$0x76F]  }
0x1f9: {  	v12 =	vmov s0;
	v6 =	vsel vm2, s16, v6;
	v7 =	vcombine.low v8, v7;
	s28 =	sadd.s32 s28, s13;
	s13 =	sshrl.u32 s18, $0x1F;
	s18 =	rddreg [dreg:$0x1e]  }
0x1fa: {  	v11 =	vsel vm0, s12, v11;
	v3 =	vcombine.low v3, v6;
	s12 =	sshra.s32 s23, $0x4;
	v9 =	vsel vm0, s8, v9;
	s8 =	smul.u32 $0x2AAAAAAB, s21;
	s19 =	sshrl.u32 s18, $0x1F  }
0x1fb: {  	v12 =	vsel vm0, s1, v12;
	v11 =	vsel vm1, s24, v11;
	v7 =	vperm.xlane v7, v1;
	s14 =	sshrl.u32 s30, $0x1F;
	s16 =	sshra.s32 s30, $0x1F;
	s5 =	sshra.s32 s30, $0x4  }
0x1fc: {  	v3 =	vperm.xlane v3, v1;
	v12 =	vsel vm1, s13, v12;
	v9 =	vsel vm10, s7, v9;
	s30 =	sshra.s32 s10, $0x4;
	s10 =	sshrl.u32 s10, $0x1F;
	s11 =	sshra.s32 s31, $0x4  }
0x1fd: {  	v12 =	vsel vm2, s19, v12;
	s15 =	sshra.s32 s31, $0x1F;
	s22 =	smov.u32 s31;
	s31 =	rddreg [dreg:$0xa];
	v13 =	vmov s30;
	v9 =	vsel vm1, s11, v9  }
0x1fe: {  	s21 =	sshra.s32 s29, $0x4;
	s17 =	sshra.s32 s28, $0x4;
	s7 =	sshrl.u32 s29, $0x1F;
	v14 =	vmov s10;
	v4 =	vsel vm7, s31, v4;
	v9 =	vsel vm11, s15, v9  }
0x1ff: {  	s1 =	sshrl.u32 s28, $0x1F;
	s29 =	spop (v2sf);
	s30 =	sshrl.u32 s22, $0x1F;
	v13 =	vsel vm0, s21, v13;
	v14 =	vsel vm0, s7, v14;
	v9 =	vsel vm2, s5, v9  }
0x200: {  	s6 =	smulhi.u32 $0x2AAAAAAB, s29;
	s4 =	sshra.s32 s29, $0x1F;
	s31 =	sadd.s32 s8, s26;
	v10 =	vsel vm1, s30, v10;
	v13 =	vsel vm1, s17, v13;
	v9 =	vsel vm12, s16, v9  }
0x201: {  	s4 =	smul.u32 $0x2AAAAAAB, s4;
	s15 =	sshra.s32 s23, $0x1F;
	v14 =	vsel vm1, s1, v14;
	s21 =	sshra.s32 s31, $0x4;
	v4 =	vperm.xlane v4, v2;
	v9 =	vsel vm4, s12, v9  }
0x202: {  	s0 =	sshrl.u32 s23, $0x1F;
	s11 =	sshra.s32 s9, $0x4;
	s23 =	sshra.s32 s18, $0x4;
	v10 =	vsel vm2, s14, v10;
	v13 =	vsel vm2, s21, v13;
	v9 =	vsel vm13, s15, v9  }
0x203: {  	s22 =	sshrl.u32 s31, $0x1F;
	s4 =	sadd.s32 s4, s6;
	v11 =	vsel vm2, s23, v11;
	v10 =	vsel vm4, s0, v10;
	s16 =	sshrl.u32 s9, $0x1F;
	v9 =	vsel vm5, s11, v9  }
0x204: {  	v14 =	vsel vm2, s22, v14;
	s24 =	sshra.s32 s4, $0x4;
	s28 =	sshrl.u32 s4, $0x1F;
	v10 =	vsel vm5, s16, v10;
	v9 =	vsel vm14, s20, v9  }
0x205: {  	s29 =	sshrl.u32 s25, $0x1F;
	s26 =	sshra.s32 s4, $0x1F;
	v60 =	vcombine.low v14, v12;
	v10 =	vsel vm6, s28, v10;
	v59 =	vsel vm6, s24, v9  }
0x206: {  	s30 =	sshra.s32 s25, $0x4;
	v61 =	vcombine.low v13, v11;
	v10 =	vsel vm7, s29, v10;
	v6 =	vsel vm15, s26, v59  }
0x207: {  	v8 =	vperm.xlane v60, v1;
	v10 =	vperm.xlane v10, v2;
	v6 =	vsel vm7, s30, v6  }
0x208: {  	v9 =	vperm.xlane v61, v1;
	v6 =	vperm.xlane v6, v2  }
0x209: {  	v3 =	vsel vm8, v5, v3;
	v4 =	vsel vm8, v4, v7  }
0x20a: {  	v3 =	vadd.s32 v4, v3;
	v62 =	vsel vm8, v10, v8;
	v63 =	vsel vm8, v6, v9  }
0x20b: {  	s31 =	rddreg [dreg:$0x7];
	v3 =	vadd.s32 $0x24000, v3;
	v4 =	vadd.s32 v62, v63  }
0x20c: {  	[tilespmem:s31+$0x4800] =	vst v3;
	v3 =	vadd.s32 $0x24000, v4  }
0x20d: {  	[tilespmem:s2+$0x4800] =	vst v3  }
.LBB2_27:
0x20e: {  	s8 =	rddreg [dreg:$0x1d]  }
0x20f: {  	s3 =	rddreg [dreg:$0x12];
	s0 =	sshll.u32 s8, $0x1  }
0x210: {  	s0 =	sor.u32 s3, s0  }
0x211: {  	s1 =	smulhi.u32 $0x2AAAAAAB, s0  }
0x212: {  	s5 =	simm.s32 $0x3  }
0x213: {  	s24 =	stileid.u32;
	s2 =	smulhi.u32 $0xAAAAAAAB, s8;
	s1 =	sshrl.u32 s1, $0x3  }
0x214: {  	s6 =	simm.s32 $0x80;
	_ =	swait.ge [sflag:s5], $0x1200;
	s1 =	smul.u32 $0x30, s1  }
0x215: {  	s7 =	simm.s32 $0x1;
	s4 =	rddreg [dreg:$0x1b];
	s2 =	sshrl.u32 s2, $0x4  }
0x216: {  	[sflag:s5] =	ssyncset.done $0x0;
	s2 =	smul.u32 $0xD80000, s2;
	s0 =	ssub.s32 s0, s1  }
0x217: {  	[sflag:s5] =	ssyncadd.s32 $0xFFFFEE00;
	s1 =	sshrl.u32 s0, $0x2;
	s0 =	sshll.u32 s0, $0x8  }
0x218: {  	s2 =	sadd.s32 s2, s4;
	s1 =	smul.u32 $0x120000, s1;
	s0 =	sand.u32 $0x300, s0  }
0x219: {  	s28 =	simm.s32 $0x10;
	[bflag:$0x0] =	sbarrier.arrive $0xFFFF;
	s0 =	sor.u32 s0, s2  }
0x21a: {  	s29 =	simm.s32 $0x4;
	s25 =	rddreg [dreg:$0x11];
	s0 =	sadd.s32 s1, s0  }
0x21b: {  	s26 =	rddreg [dreg:$0x16];
	s1 =	sshll.u32 s24, $0x6;
	s0 =	sshrl.u32 s0, $0x3  }
0x21c: {  	s2 =	sshrl.u32 s26, $0x3;
	s1 =	sor.u32 $0x1C05, s1;
	s0 =	sadd.s32 s25, s0  }
0x21d: {  	[hbm:s0@s6], [sflag:s1] =	dma.strided [spmem:s2@s28], $0x900, s7, $0x10   }
0x21e: {  	_ =	swait.ge [sflag:s29], $0x900  }
0x21f: {  	s31 =	simm.s32 $0x6C00;
	s0 =	simm.s32 $0x3600;
	[sflag:s29] =	ssyncset.done $0x0  }
0x220: {  	s1 =	simm.s32 $0x1200;
	s30 =	rddreg [dreg:$0x15];
	[sflag:s29] =	ssyncadd.s32 $0xFFFFF700  }
0x221: {  	[spmem:s30] =	stream.linear.scatter [tilespmem:s31], [sflag:$0x6], $0x4800, $0x38;
	[tilespmem:$0x14400] =	vst v63  }
.LBB2_28:
0x222: {  	p1 =	slt.s32 s8, $0x5D;
	s2 =	smov.u32 s8  }
0x223: {  	s2 =	simm.s32 @!p1 $0x5D  }
0x224: {  	s2 =	sshll.u32 s2, $0x1  }
0x225: {  	s2 =	sadd.s32 $0x4, s2  }
0x226: {  	s3 =	sor.u32 s3, s2  }
0x227: {  	s4 =	smulhi.u32 $0x2AAAAAAB, s3;
	_ =	sdelay $0x1  }
0x228: {  	s2 =	smulhi.u32 $0x2AAAAAAB, s2;
	s4 =	sshrl.u32 s4, $0x3  }
0x229: {  	s4 =	smul.u32 $0x30, s4;
	_ =	sdelay $0x1  }
0x22a: {  	s5 =	rddreg [dreg:$0x14];
	s2 =	sshrl.u32 s2, $0x3;
	s3 =	ssub.s32 s3, s4  }
0x22b: {  	s2 =	smul.u32 $0x360000, s2;
	s4 =	sshrl.u32 s3, $0x2;
	s3 =	sshll.u32 s3, $0x1  }
0x22c: {  	s28 =	rddreg [dreg:$0x13];
	s4 =	smul.u32 $0x48000, s4;
	s3 =	sand.u32 $0x6, s3  }
0x22d: {  	s2 =	sadd.s32 s5, s2;
	s3 =	sor.u32 s28, s3  }
0x22e: {  	s8 =	sadd.s32 $0x1, s8;
	s2 =	sadd.s32 s4, s2;
	s3 =	sshll.u32 s3, $0x7  }
0x22f: {  	p1 =	sne.s32 s8, $0x60;
	s2 =	sor.u32 s3, s2  }
.Ltmp8:
0x230: {  	s29 =	rddreg [dreg:$0x0];
	s2 =	sshrl.u32 s2, $0x3;
	(pc) =	sbr.rel @!p1 .LBB2_29-.Ltmp8, $4  }
0x231: {  	s30 =	simm.s32 $0x400;
	s31 =	rddreg [dreg:$0x10];
	s3 =	sadd.s32 s29, s2  }
0x232: {  	[tilespmem:s1], [sflag:$0x1] =	stream.strided.gather [hbm4b:s3+s6], $0x1200, s30, s6, $0x38;
	[tilespmem:$0x14400] =	vst v63  }
0x233: {  	s1 =	sadd.s32 s31, s2  }
0x234: {  	[tilespmem:s0], [sflag:$0x2] =	stream.strided.gather [hbm4b:s1+s6], $0x1200, s30, s6, $0x38;
	[tilespmem:$0x14400] =	vst v63  }
.LBB2_11:
0x235: {  	s0 =	sand.u32 $0x1, s8  }
0x236: {  	p1 =	seq.s32 s0, $0x1  }
.Ltmp9:
0x237: {  	_ = 	snop;
	(pc) =	sbr.rel @p1 .LBB2_20-.Ltmp9, $2  }
0x238: {  	_ =	sdelay $0x2  }
0x239: {  	[dreg:$0x1d] =	wrdreg s8  }
0x23a: {  	s0 =	simm.s32 $0x6  }
0x23b: {  	_ =	swait.ge [sflag:s0], $0x4800  }
0x23c: {  	[sflag:s0] =	ssyncset.done $0x0  }
0x23d: {  	[sflag:s0] =	ssyncadd.s32 $0xFFFFB800  }
0x23e: {  	s1 =	simm.s32 $0x2400;
	[bflag:$0x0] =	sbarrier.arrive $0xFFFF  }
0x23f: {  	s2 =	simm.s32 $0x1200;
	s3 =	simm.s32 $0x4800;
	s30 =	rddreg [dreg:$0x2]  }
0x240: {  	[spmem:s30] =	stream.indirect.scatter.add.f32 [tilespmem:s1], [sflag:$0x3], $0x1, s3, s2, $0xb8;
	[tilespmem:$0x14400] =	vst v63  }
0x241: {  	_ =	swait.ge [sflag:s7], $0x1200  }
.Ltmp10:
0x242: {  	[sflag:s7] =	ssyncset.done $0x0;
	(pc) =	sbr.rel @p0 .LBB2_16-.Ltmp10, $4  }
0x243: {  	s31 =	simm.s32 $0x2;
	[sflag:s7] =	ssyncadd.s32 $0xFFFFEE00  }
0x244: {  	_ =	swait.ge [sflag:s31], $0x1200  }
0x245: {  	[sflag:s31] =	ssyncset.done $0x0  }
0x246: {  	[sflag:s31] =	ssyncadd.s32 $0xFFFFEE00  }
0x247: {  	s18 =	simm.s32 $0x0  }
0x248: {  	v3 =	vld [tilespmem:s18+$0x1200];
	_ =	sdelay $0x4  }
0x249: {  	(v2sf) =	vpush v3, $0xE  }
0x24a: {  	(v2sf) =	vpush v3, $0x1;
	_ =	sdelay $0x4  }
0x24b: {  	(v2sf) =	vpush v3, $0x0  }
0x24c: {  	(v2sf) =	vpush v3, $0x7  }
0x24d: {  	(v2sf) =	vpush v3, $0xD  }
0x24e: {  	(v2sf) =	vpush v3, $0x3  }
0x24f: {  	(v2sf) =	vpush v3, $0x2  }
0x250: {  	(v2sf) =	vpush v3, $0x8  }
0x251: {  	(v2sf) =	vpush v3, $0xC  }
0x252: {  	(v2sf) =	vpush v3, $0x4  }
0x253: {  	(v2sf) =	vpush v3, $0x9  }
0x254: {  	s0 =	spop (v2sf);
	(v2sf) =	vpush v3, $0xA  }
0x255: {  	s1 =	spop (v2sf);
	(v2sf) =	vpush v3, $0x5;
	_ =	sdelay $0x4  }
0x256: {  	s3 =	spop (v2sf)  }
0x257: {  	s2 =	sshra.s32 s0, $0x1F;
	s0 =	smulhi.u32 $0x2AAAAAAB, s0;
	s4 =	spop (v2sf)  }
0x258: {  	s2 =	smul.u32 $0x2AAAAAAB, s2;
	s6 =	spop (v2sf)  }
0x259: {  	s13 =	sshra.s32 s1, $0x1F;
	s24 =	smulhi.u32 $0x2AAAAAAB, s1;
	s8 =	spop (v2sf)  }
0x25a: {  	s19 =	simm.s32 $0x80;
	s13 =	smul.u32 $0x2AAAAAAB, s13;
	s12 =	spop (v2sf)  }
0x25b: {  	s5 =	sshra.s32 s3, $0x1F;
	s3 =	smulhi.u32 $0x2AAAAAAB, s3;
	s22 =	spop (v2sf)  }
0x25c: {  	(v2sf) =	vpush v3, $0xF;
	s7 =	sshra.s32 s4, $0x1F;
	s4 =	smulhi.u32 $0x2AAAAAAB, s4;
	s17 =	spop (v2sf)  }
0x25d: {  	s29 =	sadd.s32 s2, s0;
	s25 =	smul.u32 $0x2AAAAAAB, s7;
	s10 =	spop (v2sf)  }
0x25e: {  	s5 =	smul.u32 $0x2AAAAAAB, s5;
	s9 =	sshra.s32 s6, $0x1F;
	s20 =	spop (v2sf)  }
0x25f: {  	s15 =	smulhi.u32 $0x2AAAAAAB, s6;
	s4 =	sadd.s32 s25, s4;
	s25 =	spop (v2sf)  }
0x260: {  	s11 =	sshra.s32 s8, $0x1F;
	s7 =	smulhi.u32 $0x2AAAAAAB, s8;
	s8 =	spop (v2sf);
	(v2sf) =	vpush v3, $0xB  }
0x261: {  	s0 =	simm.s32 $0x10;
	s24 =	sadd.s32 s13, s24;
	s21 =	smul.u32 $0x2AAAAAAB, s9  }
0x262: {  	s1 =	sadd.s32 s5, s3;
	s3 =	sshra.s32 s29, $0x4;
	s13 =	smul.u32 $0x2AAAAAAB, s11  }
0x263: {  	s16 =	sshra.s32 s12, $0x1F;
	s31 =	smulhi.u32 $0x2AAAAAAB, s12;
	s12 =	sshra.s32 s1, $0x4  }
0x264: {  	s14 =	sshra.s32 s22, $0x1F;
	s26 =	sadd.s32 s21, s15;
	s6 =	smul.u32 $0x2AAAAAAB, s16  }
0x265: {  	s30 =	sshra.s32 s4, $0x1F;
	s16 =	sshra.s32 s1, $0x1F;
	s9 =	smulhi.u32 $0x2AAAAAAB, s22  }
0x266: {  	s22 =	sshrl.u32 s24, $0x1F;
	s2 =	sshra.s32 s26, $0x4;
	s15 =	sshra.s32 s17, $0x1F;
	v4 =	vmov s30  }
0x267: {  	s14 =	smul.u32 $0x2AAAAAAB, s14;
	s21 =	sshra.s32 s10, $0x1F;
	v4 =	vsel vm3, s12, v4;
	s5 =	sadd.s32 s6, s31  }
0x268: {  	s6 =	smulhi.u32 $0x2AAAAAAB, s17;
	s17 =	sshra.s32 s24, $0x4;
	s24 =	sshra.s32 s24, $0x1F;
	v4 =	vsel vm9, s16, v4  }
0x269: {  	s23 =	sshra.s32 s20, $0x1F;
	s11 =	smulhi.u32 $0x2AAAAAAB, s20;
	s30 =	sshra.s32 s5, $0x1F;
	v4 =	vsel vm0, s17, v4;
	(v2sf) =	vpush v3, $0x6  }
0x26a: {  	s31 =	sshra.s32 s5, $0x4;
	s9 =	sadd.s32 s14, s9;
	s17 =	smul.u32 $0x2AAAAAAB, s21;
	v4 =	vsel vm10, s24, v4;
	v3 =	vld [tilespmem:s0+$0x1200]  }
0x26b: {  	s14 =	sshrl.u32 s5, $0x1F;
	s12 =	smul.u32 $0x2AAAAAAB, s23;
	v4 =	vsel vm1, s31, v4;
	s23 =	spop (v2sf)  }
0x26c: {  	v4 =	vsel vm11, s30, v4;
	s20 =	sshra.s32 s25, $0x1F;
	s28 =	smulhi.u32 $0x2AAAAAAB, s25;
	s21 =	sshra.s32 s23, $0x1F  }
.LBB2_14:
0x26d: {  	s24 =	smul.u32 $0x2AAAAAAB, s15;
	s30 =	sshrl.u32 s9, $0x1F;
	s25 =	smov.u32 s18  }
0x26e: {  	s18 =	smov.u32 s0;
	s0 =	sadd.s32 s13, s7;
	s13 =	smulhi.u32 $0x2AAAAAAB, s8  }
0x26f: {  	(v2sf) =	vpush v3, $0xE;
	s31 =	spop (v2sf);
	s5 =	smov.u32 s19;
	s7 =	smulhi.u32 $0x2AAAAAAB, s10  }
0x270: {  	s15 =	sshrl.u32 s26, $0x1F;
	s20 =	smul.u32 $0x2AAAAAAB, s20;
	(v2sf) =	vpush v3, $0x1;
	v5 =	vmov s30  }
0x271: {  	s11 =	sadd.s32 s12, s11;
	s23 =	smulhi.u32 $0x2AAAAAAB, s23;
	s10 =	sshra.s32 s0, $0x1F;
	(v2sf) =	vpush v3, $0x0  }
0x272: {  	s12 =	smulhi.u32 $0x2AAAAAAB, s31;
	s26 =	sshra.s32 s31, $0x1F;
	s30 =	sshra.s32 s9, $0x4;
	(v2sf) =	vpush v3, $0x7  }
0x273: {  	s31 =	sshra.s32 s8, $0x1F;
	s17 =	sadd.s32 s17, s7;
	s7 =	sshra.s32 s0, $0x4;
	(v2sf) =	vpush v3, $0xD  }
0x274: {  	s1 =	sshrl.u32 s1, $0x1F;
	s8 =	sshrl.u32 s29, $0x1F;
	v4 =	vsel vm2, s7, v4;
	s29 =	sshra.s32 s17, $0x1F;
	(v2sf) =	vpush v3, $0x3  }
0x275: {  	s9 =	sshrl.u32 s0, $0x1F;
	v6 =	vmov s1;
	s0 =	smul.u32 $0x2AAAAAAB, s21;
	s7 =	sshrl.u32 s17, $0x1F;
	v4 =	vsel vm12, s10, v4;
	(v2sf) =	vpush v3, $0x2  }
0x276: {  	s6 =	sadd.s32 s24, s6;
	v6 =	vnsel vm3, $0x0, v6;
	s21 =	smul.u32 $0x2AAAAAAB, s31;
	s10 =	sadd.s32 s20, s28  }
0x277: {  	v7 =	vmov s30;
	s1 =	sshra.s32 s17, $0x4;
	s17 =	sshrl.u32 s11, $0x1F;
	v6 =	vsel vm0, s22, v6;
	s20 =	smul.u32 $0x2AAAAAAB, s26  }
0x278: {  	s11 =	sshra.s32 s11, $0x4;
	s23 =	sadd.s32 s0, s23;
	v5 =	vsel vm0, s17, v5;
	v4 =	vsel vm4, s1, v4;
	(v2sf) =	vpush v3, $0x8;
	s24 =	spop (v2sf)  }
0x279: {  	s0 =	sshrl.u32 s4, $0x1F;
	s17 =	sshra.s32 s6, $0x4;
	v7 =	vsel vm0, s11, v7;
	v6 =	vsel vm1, s14, v6;
	s1 =	sadd.s32 s20, s12;
	(v2sf) =	vpush v3, $0xC  }
0x27a: {  	s6 =	sshrl.u32 s6, $0x1F;
	s13 =	sadd.s32 s21, s13;
	v8 =	vmov s17;
	s12 =	sshrl.u32 s10, $0x1F;
	v4 =	vsel vm13, s29, v4;
	(v2sf) =	vpush v3, $0x4  }
0x27b: {  	v9 =	vmov s6;
	s6 =	sshrl.u32 s13, $0x1F;
	s10 =	sshra.s32 s10, $0x4;
	v8 =	vsel vm0, s2, v8;
	s2 =	sshra.s32 s23, $0x4;
	(v2sf) =	vpush v3, $0x9  }
0x27c: {  	v6 =	vsel vm2, s9, v6;
	v9 =	vsel vm0, s15, v9;
	v7 =	vsel vm1, s10, v7;
	s10 =	sshra.s32 s1, $0x4;
	s11 =	sshrl.u32 s1, $0x1F;
	s1 =	sshra.s32 s4, $0x4  }
0x27d: {  	v8 =	vsel vm1, s3, v8;
	s4 =	sshrl.u32 s23, $0x1F;
	v5 =	vsel vm1, s12, v5;
	v7 =	vsel vm2, s10, v7;
	s15 =	smulhi.u32 $0x2AAAAAAB, s24;
	s12 =	sshra.s32 s24, $0x1F  }
0x27e: {  	v6 =	vsel vm4, s7, v6;
	v9 =	vsel vm1, s8, v9;
	v8 =	vsel vm2, s2, v8;
	s2 =	sshra.s32 s13, $0x1F;
	s9 =	smul.u32 $0x2AAAAAAB, s12;
	s3 =	spop (v2sf)  }
0x27f: {  	v9 =	vsel vm2, s4, v9;
	v5 =	vsel vm2, s11, v5;
	s4 =	sshra.s32 s13, $0x4;
	v7 =	vcombine.low v7, v8;
	s8 =	sshra.s32 s3, $0x1F;
	s10 =	spop (v2sf)  }
0x280: {  	v6 =	vsel vm5, s6, v6;
	v5 =	vcombine.low v5, v9;
	v4 =	vsel vm5, s4, v4;
	s6 =	sadd.s32 s9, s15;
	s11 =	smulhi.u32 $0x2AAAAAAB, s3;
	s3 =	spop (v2sf)  }
0x281: {  	v4 =	vsel vm14, s2, v4;
	s15 =	sshra.s32 s6, $0x1F;
	s4 =	sshra.s32 s3, $0x1F;
	s13 =	spop (v2sf)  }
0x282: {  	s2 =	smul.u32 $0x2AAAAAAB, s8;
	s12 =	sshra.s32 s13, $0x1F;
	s8 =	spop (v2sf);
	(v2sf) =	vpush v3, $0xA  }
0x283: {  	s3 =	smulhi.u32 $0x2AAAAAAB, s3;
	s7 =	sshra.s32 s8, $0x1F;
	s14 =	spop (v2sf)  }
0x284: {  	s13 =	smulhi.u32 $0x2AAAAAAB, s13;
	s9 =	sshra.s32 s14, $0x1F;
	s17 =	spop (v2sf)  }
0x285: {  	s29 =	sadd.s32 s2, s11;
	s22 =	smul.u32 $0x2AAAAAAB, s4;
	s11 =	sshra.s32 s17, $0x1F  }
0x286: {  	s20 =	sshra.s32 s10, $0x1F;
	s2 =	smulhi.u32 $0x2AAAAAAB, s8;
	s8 =	sshra.s32 s6, $0x4;
	(v2sf) =	vpush v3, $0x5  }
0x287: {  	v7 =	vperm.xlane v7, v1;
	s6 =	sshrl.u32 s6, $0x1F;
	s7 =	smul.u32 $0x2AAAAAAB, s7;
	v4 =	vsel vm6, s8, v4;
	(v2sf) =	vpush v3, $0xF;
	s21 =	spop (v2sf)  }
0x288: {  	v5 =	vperm.xlane v5, v1;
	v6 =	vsel vm6, s6, v6;
	s6 =	smulhi.u32 $0x2AAAAAAB, s10;
	v4 =	vsel vm15, s15, v4;
	s8 =	sshra.s32 s21, $0x1F;
	s23 =	spop (v2sf)  }
0x289: {  	v6 =	vsel vm7, s0, v6;
	s0 =	smul.u32 $0x2AAAAAAB, s12;
	s26 =	sadd.s32 s7, s2;
	v4 =	vsel vm7, s1, v4;
	(v2sf) =	vpush v3, $0xB;
	s10 =	spop (v2sf)  }
0x28a: {  	v6 =	vperm.xlane v6, v2;
	s1 =	smul.u32 $0x2AAAAAAB, s20;
	s2 =	sshra.s32 s26, $0x4;
	v4 =	vperm.xlane v4, v2;
	s12 =	spop (v2sf)  }
0x28b: {  	s24 =	sadd.s32 $0x40, s19;
	s7 =	smulhi.u32 $0x2AAAAAAB, s14;
	s15 =	sshra.s32 s23, $0x1F  }
0x28c: {  	s4 =	sadd.s32 s0, s13;
	s13 =	smul.u32 $0x2AAAAAAB, s9;
	v5 =	vsel vm8, v6, v5;
	v4 =	vsel vm8, v4, v7;
	s28 =	sshra.s32 s10, $0x1F  }
0x28d: {  	s9 =	smul.u32 $0x2AAAAAAB, s11;
	s0 =	sshra.s32 s4, $0x1F;
	v4 =	vadd.s32 v5, v4;
	s30 =	sshra.s32 s12, $0x1F  }
0x28e: {  	p1 =	seq.s32 s19, $0x47C0;
	s14 =	sadd.s32 s1, s6;
	s6 =	smulhi.u32 $0x2AAAAAAB, s17;
	v5 =	vmov s0;
	[tilespmem:s25+$0x5A00] =	vst v4  }
0x28f: {  	s1 =	sadd.s32 s22, s3;
	s3 =	sshra.s32 s29, $0x4;
	s19 =	smulhi.u32 $0x2AAAAAAB, s21  }
0x290: {  	s17 =	sshra.s32 s1, $0x1F;
	s21 =	smul.u32 $0x2AAAAAAB, s8;
	s0 =	sshra.s32 s1, $0x4  }
0x291: {  	s22 =	sshrl.u32 s14, $0x1F;
	s11 =	smulhi.u32 $0x2AAAAAAB, s12;
	v4 =	vsel vm3, s0, v5;
	s25 =	spop (v2sf)  }
0x292: {  	s0 =	sshra.s32 s5, $0x2;
	s5 =	sadd.s32 s9, s6;
	s6 =	smulhi.u32 $0x2AAAAAAB, s23;
	v4 =	vsel vm9, s17, v4;
	(v2sf) =	vpush v3, $0x6  }
.Ltmp11:
0x293: {  	s9 =	sshra.s32 s14, $0x4;
	s20 =	sshra.s32 s25, $0x1F;
	v3 =	vld [tilespmem:s0+$0x1200];
	(pc) =	sbr.rel @!p1 .LBB2_14-.Ltmp11, $4  }
0x294: {  	s8 =	sshra.s32 s14, $0x1F;
	s12 =	smul.u32 $0x2AAAAAAB, s30;
	s31 =	sshra.s32 s5, $0x1F;
	v4 =	vsel vm0, s9, v4  }
0x295: {  	s17 =	smul.u32 $0x2AAAAAAB, s28;
	s14 =	sshra.s32 s5, $0x4;
	v4 =	vsel vm10, s8, v4;
	s8 =	spop (v2sf)  }
0x296: {  	s9 =	sadd.s32 s21, s19;
	s19 =	smov.u32 s24;
	v4 =	vsel vm1, s14, v4;
	s23 =	spop (v2sf)  }
0x297: {  	s28 =	smulhi.u32 $0x2AAAAAAB, s25;
	s14 =	sshrl.u32 s5, $0x1F;
	v4 =	vsel vm11, s31, v4;
	s21 =	sshra.s32 s23, $0x1F  }
0x298: {  	(v2sf) =	vpush v3, $0xE;
	_ =	sdelay $0x1  }
0x299: {  	(v2sf) =	vpush v3, $0x1  }
0x29a: {  	(v2sf) =	vpush v3, $0x0  }
0x29b: {  	(v2sf) =	vpush v3, $0x7  }
0x29c: {  	s31 =	smul.u32 $0x2AAAAAAB, s15;
	(v2sf) =	vpush v3, $0xD  }
0x29d: {  	s5 =	smulhi.u32 $0x2AAAAAAB, s10  }
0x29e: {  	s24 =	smul.u32 $0x2AAAAAAB, s20  }
0x29f: {  	s25 =	smulhi.u32 $0x2AAAAAAB, s23  }
0x2a0: {  	s30 =	smul.u32 $0x2AAAAAAB, s21  }
0x2a1: {  	s19 =	spop (v2sf);
	s10 =	smulhi.u32 $0x2AAAAAAB, s8  }
0x2a2: {  	s16 =	sshra.s32 s8, $0x1F;
	s15 =	smulhi.u32 $0x2AAAAAAB, s19;
	[smem:$0x7A8] =	sst s5  }
0x2a3: {  	s20 =	smul.u32 $0x2AAAAAAB, s16;
	[smem:$0x7A9] =	sst s25  }
0x2a4: {  	[smem:$0x7AA] =	sst s30;
	s25 =	spop (v2sf)  }
0x2a5: {  	[smem:$0x7AB] =	sst s10;
	(v2sf) =	vpush v3, $0x3;
	s21 =	smulhi.u32 $0x2AAAAAAB, s25  }
0x2a6: {  	[smem:$0x7AC] =	sst s20;
	s30 =	spop (v2sf)  }
0x2a7: {  	[smem:$0x7AD] =	sst s21;
	s23 =	smulhi.u32 $0x2AAAAAAB, s30;
	s30 =	sshra.s32 s30, $0x1F  }
0x2a8: {  	(v2sf) =	vpush v3, $0x2;
	s25 =	sshra.s32 s25, $0x1F;
	s16 =	spop (v2sf);
	s8 =	smul.u32 $0x2AAAAAAB, s30  }
0x2a9: {  	(v2sf) =	vpush v3, $0x8;
	s21 =	smul.u32 $0x2AAAAAAB, s25;
	s10 =	spop (v2sf)  }
0x2aa: {  	s25 =	spop (v2sf);
	[smem:$0x7AF] =	sst s8  }
0x2ab: {  	s20 =	spop (v2sf);
	s8 =	sshra.s32 s10, $0x1F;
	s10 =	smulhi.u32 $0x2AAAAAAB, s10  }
0x2ac: {  	(v2sf) =	vpush v3, $0xC;
	[smem:$0x7AE] =	sst s23;
	s5 =	smulhi.u32 $0x2AAAAAAB, s20  }
0x2ad: {  	(v2sf) =	vpush v3, $0x4;
	s23 =	sshra.s32 s20, $0x1F;
	s20 =	smul.u32 $0x2AAAAAAB, s8;
	[smem:$0x7B6] =	sst s10  }
0x2ae: {  	s30 =	smul.u32 $0x2AAAAAAB, s23;
	[smem:$0x7B0] =	sst s5  }
0x2af: {  	s23 =	smulhi.u32 $0x2AAAAAAB, s25;
	[smem:$0x7B5] =	sst s20  }
0x2b0: {  	s19 =	sshra.s32 s19, $0x1F;
	(v2sf) =	vpush v3, $0x9;
	[smem:$0x7B1] =	sst s30;
	s30 =	smulhi.u32 $0x2AAAAAAB, s16  }
0x2b1: {  	s19 =	smul.u32 $0x2AAAAAAB, s19;
	[smem:$0x7B2] =	sst s23;
	s16 =	sshra.s32 s16, $0x1F  }
0x2b2: {  	s25 =	sshra.s32 s25, $0x1F;
	s8 =	smul.u32 $0x2AAAAAAB, s16;
	[smem:$0x7B3] =	sst s30  }
0x2b3: {  	s23 =	smul.u32 $0x2AAAAAAB, s25;
	s30 =	sadd.s32 s12, s11;
	s12 =	sld [smem:$0x7AA]  }
0x2b4: {  	s16 =	spop (v2sf);
	[smem:$0x7B4] =	sst s8  }
0x2b5: {  	s20 =	sshra.s32 s16, $0x1F;
	s25 =	smulhi.u32 $0x2AAAAAAB, s16;
	[smem:$0x7BB] =	sst s30  }
0x2b6: {  	s10 =	sadd.s32 s13, s7;
	s7 =	smul.u32 $0x2AAAAAAB, s20;
	s20 =	sld [smem:$0x7A8]  }
0x2b7: {  	s8 =	spop (v2sf);
	[smem:$0x7B9] =	sst s25  }
0x2b8: {  	s13 =	smulhi.u32 $0x2AAAAAAB, s8;
	s16 =	spop (v2sf)  }
0x2b9: {  	s11 =	sshra.s32 s8, $0x1F;
	s25 =	sld [smem:$0x7AC];
	s5 =	smulhi.u32 $0x2AAAAAAB, s16  }
0x2ba: {  	[smem:$0x7BA] =	sst s7;
	s17 =	sadd.s32 s17, s20;
	s20 =	smul.u32 $0x2AAAAAAB, s11  }
0x2bb: {  	s24 =	sadd.s32 s24, s28;
	s11 =	sld [smem:$0x7A9];
	s7 =	spop (v2sf)  }
0x2bc: {  	s19 =	sadd.s32 s19, s15;
	[smem:$0x7B7] =	sst s13;
	s8 =	spop (v2sf)  }
0x2bd: {  	s13 =	sadd.s32 s31, s6;
	[smem:$0x7B8] =	sst s5;
	s5 =	sshra.s32 s8, $0x1F  }
0x2be: {  	s31 =	smul.u32 $0x2AAAAAAB, s5;
	s5 =	sadd.s32 s12, s11;
	s11 =	sld [smem:$0x7AD]  }
0x2bf: {  	s30 =	sshra.s32 s16, $0x1F;
	s16 =	sld [smem:$0x7AB];
	s28 =	spop (v2sf)  }
0x2c0: {  	s15 =	smulhi.u32 $0x2AAAAAAB, s28;
	s28 =	sshra.s32 s28, $0x1F;
	s12 =	sld [smem:$0x7AE]  }
0x2c1: {  	s21 =	sadd.s32 s21, s11;
	s11 =	smul.u32 $0x2AAAAAAB, s28;
	s28 =	sld [smem:$0x7AF]  }
0x2c2: {  	(v2sf) =	vpush v3, $0xA;
	s25 =	sadd.s32 s25, s16  }
0x2c3: {  	s16 =	smulhi.u32 $0x2AAAAAAB, s7;
	s7 =	sshra.s32 s7, $0x1F;
	[smem:$0x7BC] =	sst s5  }
0x2c4: {  	s5 =	sadd.s32 s28, s12;
	s12 =	smul.u32 $0x2AAAAAAB, s7;
	s7 =	sld [smem:$0x7B0]  }
0x2c5: {  	s28 =	sld [smem:$0x7B1];
	_ =	sdelay $0x2  }
0x2c6: {  	s6 =	sadd.s32 s28, s7;
	s7 =	sld [smem:$0x7B2]  }
0x2c7: {  	s28 =	sld [smem:$0x7B4]  }
0x2c8: {  	(v2sf) =	vpush v3, $0x5;
	[smem:$0x7BE] =	sst s6  }
0x2c9: {  	s6 =	sadd.s32 s23, s7;
	s23 =	sld [smem:$0x7B3]  }
0x2ca: {  	[smem:$0x7BD] =	sst s6  }
0x2cb: {  	s1 =	sshrl.u32 s1, $0x1F;
	s6 =	smulhi.u32 $0x2AAAAAAB, s8;
	s8 =	sld [smem:$0x7B5]  }
0x2cc: {  	v6 =	vmov s1;
	s23 =	sadd.s32 s28, s23;
	s28 =	sld [smem:$0x7B6]  }
0x2cd: {  	s1 =	sshra.s32 s4, $0x4;
	v6 =	vnsel vm3, $0x0, v6;
	s30 =	smul.u32 $0x2AAAAAAB, s30  }
0x2ce: {  	v57 =	vsel vm0, s22, v6;
	s22 =	sshra.s32 s21, $0x1F;
	s11 =	sadd.s32 s11, s15;
	[smem:$0x7C0] =	sst s5  }
0x2cf: {  	s5 =	spop (v2sf);
	s8 =	sadd.s32 s8, s28;
	s28 =	sld [smem:$0x7B7]  }
0x2d0: {  	s15 =	sshra.s32 s9, $0x4;
	s7 =	smulhi.u32 $0x2AAAAAAB, s5;
	s5 =	sshra.s32 s5, $0x1F  }
0x2d1: {  	[smem:$0x7C2] =	sst s11;
	s11 =	sshrl.u32 s9, $0x1F;
	s5 =	smul.u32 $0x2AAAAAAB, s5  }
0x2d2: {  	s9 =	sshrl.u32 s10, $0x1F;
	s20 =	sadd.s32 s20, s28;
	s28 =	sld [smem:$0x7B8]  }
0x2d3: {  	(v2sf) =	vpush v3, $0xF;
	v7 =	vmov s15;
	s15 =	sshrl.u32 s4, $0x1F;
	s5 =	sadd.s32 s5, s7;
	s7 =	sld [smem:$0x7BB]  }
0x2d4: {  	(v2sf) =	vpush v3, $0xB;
	v5 =	vmov s11;
	s11 =	sshra.s32 s19, $0x4;
	s19 =	sshrl.u32 s19, $0x1F;
	[smem:$0x7C4] =	sst s5  }
0x2d5: {  	s31 =	sadd.s32 s31, s6;
	s28 =	sadd.s32 s30, s28;
	s30 =	sld [smem:$0x7BA]  }
0x2d6: {  	s6 =	sshra.s32 s13, $0x4;
	s13 =	sshrl.u32 s13, $0x1F;
	[smem:$0x7BF] =	sst s28  }
0x2d7: {  	v58 =	vmov s6;
	v8 =	vmov s13;
	s6 =	sshra.s32 s21, $0x4;
	s13 =	spop (v2sf);
	s28 =	sld [smem:$0x7B9]  }
0x2d8: {  	(v2sf) =	vpush v3, $0x6;
	v6 =	vsel vm0, s2, v58;
	s2 =	sshrl.u32 s23, $0x1F;
	s5 =	sshrl.u32 s7, $0x1F;
	s7 =	sshra.s32 s7, $0x4  }
0x2d9: {  	v3 =	vsel vm0, s5, v5;
	s5 =	sshra.s32 s25, $0x1F;
	v7 =	vsel vm0, s7, v7;
	s7 =	sshrl.u32 s21, $0x1F;
	v5 =	vsel vm1, s14, v57;
	s14 =	sshra.s32 s20, $0x1F  }
0x2da: {  	v6 =	vsel vm1, s3, v6;
	s3 =	sshrl.u32 s20, $0x1F;
	s21 =	sld [smem:$0x7BF];
	s28 =	sadd.s32 s30, s28  }
0x2db: {  	s30 =	sshra.s32 s10, $0x4;
	[smem:$0x7C1] =	sst s28;
	s28 =	sadd.s32 s12, s16  }
0x2dc: {  	s12 =	sshrl.u32 s26, $0x1F;
	s16 =	sshrl.u32 s29, $0x1F;
	s26 =	sshra.s32 s10, $0x1F  }
0x2dd: {  	s10 =	sshra.s32 s17, $0x1F;
	v4 =	vsel vm2, s30, v4;
	s29 =	sshrl.u32 s24, $0x1F;
	s30 =	sld [smem:$0x7BC]  }
0x2de: {  	s24 =	sshra.s32 s24, $0x4;
	[smem:$0x7C3] =	sst s28;
	s28 =	sshrl.u32 s17, $0x1F  }
0x2df: {  	s17 =	sshra.s32 s17, $0x4;
	v4 =	vsel vm12, s26, v4;
	s26 =	sshrl.u32 s25, $0x1F;
	v7 =	vsel vm1, s24, v7;
	v8 =	vsel vm0, s12, v8;
	s12 =	sshra.s32 s23, $0x4  }
0x2e0: {  	v5 =	vsel vm2, s9, v5;
	s24 =	sld [smem:$0x7BD];
	v7 =	vsel vm2, s11, v7;
	s11 =	sshra.s32 s23, $0x1F;
	s23 =	sshra.s32 s8, $0x4  }
0x2e1: {  	v4 =	vsel vm4, s17, v4;
	v5 =	vsel vm4, s28, v5;
	s28 =	sld [smem:$0x7C0];
	s4 =	sshra.s32 s30, $0x4;
	s17 =	sshrl.u32 s30, $0x1F  }
0x2e2: {  	v4 =	vsel vm13, s10, v4;
	s10 =	sshra.s32 s25, $0x4;
	s25 =	spop (v2sf);
	v5 =	vsel vm5, s26, v5;
	s26 =	sshra.s32 s13, $0x1F  }
0x2e3: {  	v3 =	vsel vm1, s29, v3;
	v8 =	vsel vm1, s16, v8;
	s30 =	sshra.s32 s24, $0x1F;
	v6 =	vsel vm2, s4, v6;
	s4 =	smulhi.u32 $0x2AAAAAAB, s25;
	s29 =	spop (v2sf)  }
0x2e4: {  	v3 =	vsel vm2, s19, v3;
	s16 =	sshra.s32 s25, $0x1F;
	s25 =	sshra.s32 s8, $0x1F;
	v4 =	vsel vm5, s10, v4;
	v9 =	vmov s30;
	s19 =	smulhi.u32 $0x2AAAAAAB, s29  }
0x2e5: {  	v8 =	vsel vm2, s17, v8;
	s17 =	sshra.s32 s20, $0x4;
	s30 =	sld [smem:$0x7BE];
	s16 =	smul.u32 $0x2AAAAAAB, s16;
	v4 =	vsel vm14, s5, v4;
	v9 =	vsel vm3, s23, v9  }
0x2e6: {  	v5 =	vsel vm6, s7, v5;
	s20 =	sshra.s32 s29, $0x1F;
	s7 =	sshra.s32 s28, $0x4;
	v4 =	vsel vm6, s6, v4;
	s6 =	smul.u32 $0x2AAAAAAB, s26;
	v9 =	vsel vm9, s25, v9  }
0x2e7: {  	v5 =	vsel vm7, s15, v5;
	v6 =	vcombine.low v7, v6;
	s23 =	sshrl.u32 s21, $0x1F;
	s26 =	spop (v2sf);
	s25 =	smulhi.u32 $0x2AAAAAAB, s13;
	v9 =	vsel vm0, s12, v9  }
0x2e8: {  	s15 =	sshrl.u32 s8, $0x1F;
	v3 =	vcombine.low v3, v8;
	v10 =	vmov s23;
	s23 =	sld [smem:$0x7C3];
	s12 =	smul.u32 $0x2AAAAAAB, s20;
	v9 =	vsel vm10, s11, v9  }
0x2e9: {  	v11 =	vmov s15;
	v5 =	vperm.xlane v5, v2;
	s4 =	sadd.s32 s16, s4;
	s16 =	sshra.s32 s31, $0x4;
	v9 =	vsel vm1, s17, v9;
	s17 =	sld [smem:$0x7C1]  }
0x2ea: {  	v4 =	vsel vm15, s22, v4;
	s22 =	sshra.s32 s31, $0x1F;
	v11 =	vnsel vm3, $0x0, v11;
	v6 =	vperm.xlane v6, v1;
	s8 =	sadd.s32 s12, s19;
	s19 =	sld [smem:$0x7C2]  }
0x2eb: {  	v3 =	vperm.xlane v3, v1;
	s9 =	sshra.s32 s30, $0x4;
	v4 =	vsel vm7, s1, v4;
	v11 =	vsel vm0, s2, v11;
	s6 =	sadd.s32 s6, s25;
	s25 =	sshra.s32 s23, $0x4  }
0x2ec: {  	s10 =	sshrl.u32 s30, $0x1F;
	s1 =	sshrl.u32 s28, $0x1F;
	s11 =	sshra.s32 s21, $0x4;
	v11 =	vsel vm1, s3, v11;
	v4 =	vperm.xlane v4, v2;
	v13 =	vmov s25  }
0x2ed: {  	v12 =	vmov s11;
	v9 =	vsel vm11, s14, v9;
	v13 =	vsel vm0, s9, v13;
	s29 =	sshra.s32 s17, $0x1F;
	s30 =	sshra.s32 s17, $0x4;
	s21 =	sshrl.u32 s19, $0x1F  }
0x2ee: {  	s28 =	sshra.s32 s19, $0x4;
	v13 =	vsel vm1, s7, v13;
	s19 =	sshra.s32 s4, $0x4;
	v9 =	vsel vm2, s30, v9;
	v10 =	vsel vm0, s21, v10;
	s30 =	sld [smem:$0x7C4]  }
0x2ef: {  	s13 =	smulhi.u32 $0x2AAAAAAB, s26;
	s14 =	sshrl.u32 s17, $0x1F;
	v12 =	vsel vm0, s28, v12;
	v13 =	vsel vm2, s19, v13;
	v9 =	vsel vm12, s29, v9;
	s29 =	sshrl.u32 s23, $0x1F  }
0x2f0: {  	s2 =	sshra.s32 s26, $0x1F;
	s20 =	sshrl.u32 s4, $0x1F;
	v11 =	vsel vm2, s14, v11;
	v9 =	vsel vm4, s16, v9;
	v14 =	vmov s29;
	s16 =	sshrl.u32 s31, $0x1F  }
0x2f1: {  	s2 =	smul.u32 $0x2AAAAAAB, s2;
	v9 =	vsel vm13, s22, v9;
	s12 =	sshra.s32 s30, $0x4;
	v14 =	vsel vm0, s10, v14;
	s17 =	sshrl.u32 s30, $0x1F;
	v11 =	vsel vm4, s16, v11  }
0x2f2: {  	s15 =	sshra.s32 s8, $0x4;
	s21 =	sshra.s32 s6, $0x4;
	s22 =	sshrl.u32 s6, $0x1F;
	v12 =	vsel vm1, s12, v12;
	v14 =	vsel vm1, s1, v14;
	v10 =	vsel vm1, s17, v10  }
0x2f3: {  	s2 =	sadd.s32 s2, s13;
	s25 =	sshra.s32 s6, $0x1F;
	s23 =	sshrl.u32 s8, $0x1F;
	v9 =	vsel vm5, s21, v9;
	v11 =	vsel vm5, s22, v11;
	v12 =	vsel vm2, s15, v12  }
0x2f4: {  	s26 =	sshra.s32 s2, $0x4;
	s28 =	sshrl.u32 s2, $0x1F;
	v14 =	vsel vm2, s20, v14;
	v10 =	vsel vm2, s23, v10;
	v9 =	vsel vm14, s25, v9  }
0x2f5: {  	s29 =	sshra.s32 s2, $0x1F;
	s30 =	sshrl.u32 s24, $0x1F;
	v60 =	vsel vm6, s28, v11;
	v59 =	vsel vm6, s26, v9;
	v61 =	vcombine.low v12, v13  }
0x2f6: {  	s31 =	sshra.s32 s24, $0x4;
	v10 =	vcombine.low v10, v14;
	v8 =	vsel vm7, s30, v60;
	v7 =	vsel vm15, s29, v59  }
0x2f7: {  	v8 =	vperm.xlane v8, v2;
	v7 =	vsel vm7, s31, v7;
	v9 =	vperm.xlane v61, v1  }
.Ltmp12:
0x2f8: {  	v10 =	vperm.xlane v10, v1;
	v7 =	vperm.xlane v7, v2;
	(pc) =	sbr.rel .LBB2_19-.Ltmp12, $4  }
0x2f9: {  	v3 =	vsel vm8, v5, v3;
	v4 =	vsel vm8, v4, v6  }
0x2fa: {  	v3 =	vadd.s32 v3, v4;
	v62 =	vsel vm8, v8, v10;
	v63 =	vsel vm8, v7, v9  }
0x2fb: {  	[tilespmem:s18+$0x5A00] =	vst v3;
	v3 =	vadd.s32 v62, v63  }
0x2fc: {  	[tilespmem:s0+$0x5A00] =	vst v3  }
.LBB2_20:
0x2fd: {  	s0 =	simm.s32 $0x7  }
0x2fe: {  	_ =	swait.ge [sflag:s0], $0x4800  }
0x2ff: {  	[sflag:s0] =	ssyncset.done $0x0  }
0x300: {  	[sflag:s0] =	ssyncadd.s32 $0xFFFFB800  }
0x301: {  	s1 =	simm.s32 $0x1200;
	[bflag:$0x0] =	sbarrier.arrive $0xFFFF  }
0x302: {  	s2 =	simm.s32 $0x3600;
	s3 =	simm.s32 $0x5A00;
	s30 =	rddreg [dreg:$0x3]  }
0x303: {  	[spmem:s30] =	stream.indirect.scatter.add.f32 [tilespmem:s2], [sflag:$0x3], $0x1, s3, s1, $0xb8;
	[tilespmem:$0x14400] =	vst v63  }
0x304: {  	_ =	swait.ge [sflag:s7], $0x1200  }
.Ltmp13:
0x305: {  	[sflag:s7] =	ssyncset.done $0x0;
	(pc) =	sbr.rel @p0 .LBB2_24-.Ltmp13, $4  }
0x306: {  	s31 =	simm.s32 $0x2;
	[sflag:s7] =	ssyncadd.s32 $0xFFFFEE00  }
0x307: {  	_ =	swait.ge [sflag:s31], $0x1200  }
0x308: {  	[sflag:s31] =	ssyncset.done $0x0  }
0x309: {  	[sflag:s31] =	ssyncadd.s32 $0xFFFFEE00  }
0x30a: {  	s18 =	simm.s32 $0x0  }
0x30b: {  	v3 =	vld [tilespmem:s18+$0x0];
	_ =	sdelay $0x4  }
0x30c: {  	(v2sf) =	vpush v3, $0xE  }
0x30d: {  	(v2sf) =	vpush v3, $0x1;
	_ =	sdelay $0x4  }
0x30e: {  	(v2sf) =	vpush v3, $0x0  }
0x30f: {  	(v2sf) =	vpush v3, $0x7  }
0x310: {  	(v2sf) =	vpush v3, $0xD  }
0x311: {  	(v2sf) =	vpush v3, $0x3  }
0x312: {  	(v2sf) =	vpush v3, $0x2  }
0x313: {  	(v2sf) =	vpush v3, $0x8  }
0x314: {  	(v2sf) =	vpush v3, $0xC  }
0x315: {  	(v2sf) =	vpush v3, $0x4  }
0x316: {  	(v2sf) =	vpush v3, $0x9  }
0x317: {  	s0 =	spop (v2sf);
	(v2sf) =	vpush v3, $0xA  }
0x318: {  	s1 =	spop (v2sf);
	(v2sf) =	vpush v3, $0x5;
	_ =	sdelay $0x4  }
0x319: {  	s2 =	sshra.s32 s0, $0x1F;
	s0 =	smulhi.u32 $0x2AAAAAAB, s0;
	s3 =	spop (v2sf)  }
0x31a: {  	s2 =	smul.u32 $0x2AAAAAAB, s2;
	s4 =	spop (v2sf)  }
0x31b: {  	s22 =	smulhi.u32 $0x2AAAAAAB, s1;
	s6 =	spop (v2sf)  }
0x31c: {  	s5 =	sshra.s32 s3, $0x1F;
	s3 =	smulhi.u32 $0x2AAAAAAB, s3;
	s8 =	spop (v2sf)  }
0x31d: {  	s7 =	sshra.s32 s4, $0x1F;
	s4 =	smulhi.u32 $0x2AAAAAAB, s4;
	s12 =	spop (v2sf)  }
0x31e: {  	s24 =	smul.u32 $0x2AAAAAAB, s7;
	s13 =	spop (v2sf)  }
0x31f: {  	(v2sf) =	vpush v3, $0xF;
	s21 =	sshra.s32 s1, $0x1F;
	s5 =	smul.u32 $0x2AAAAAAB, s5;
	s16 =	spop (v2sf)  }
0x320: {  	s9 =	sshra.s32 s6, $0x1F;
	s4 =	sadd.s32 s24, s4;
	s10 =	spop (v2sf)  }
0x321: {  	s20 =	smul.u32 $0x2AAAAAAB, s9;
	s25 =	sshra.s32 s4, $0x1F;
	s17 =	spop (v2sf)  }
0x322: {  	s19 =	simm.s32 $0x80;
	s9 =	smul.u32 $0x2AAAAAAB, s21;
	v4 =	vmov s25;
	s25 =	spop (v2sf)  }
0x323: {  	s11 =	sshra.s32 s8, $0x1F;
	s7 =	smulhi.u32 $0x2AAAAAAB, s8;
	s8 =	spop (v2sf);
	(v2sf) =	vpush v3, $0xB  }
0x324: {  	s29 =	sadd.s32 s2, s0;
	s0 =	simm.s32 $0x10;
	s30 =	smulhi.u32 $0x2AAAAAAB, s6  }
0x325: {  	s1 =	sadd.s32 s5, s3;
	s24 =	sadd.s32 s9, s22;
	s9 =	smul.u32 $0x2AAAAAAB, s11  }
0x326: {  	s31 =	sshra.s32 s12, $0x1F;
	s26 =	sadd.s32 s20, s30;
	s20 =	smulhi.u32 $0x2AAAAAAB, s12  }
0x327: {  	s3 =	sshra.s32 s29, $0x4;
	s14 =	sshra.s32 s13, $0x1F;
	s6 =	smul.u32 $0x2AAAAAAB, s31  }
0x328: {  	s30 =	sshra.s32 s1, $0x4;
	s31 =	sshra.s32 s1, $0x1F;
	s13 =	smulhi.u32 $0x2AAAAAAB, s13  }
0x329: {  	s2 =	sshra.s32 s26, $0x4;
	s15 =	sshra.s32 s16, $0x1F;
	s22 =	sshrl.u32 s24, $0x1F  }
0x32a: {  	s14 =	smul.u32 $0x2AAAAAAB, s14;
	s21 =	sshra.s32 s10, $0x1F;
	v4 =	vsel vm3, s30, v4;
	s5 =	sadd.s32 s6, s20  }
0x32b: {  	s23 =	sshra.s32 s17, $0x1F;
	s11 =	smulhi.u32 $0x2AAAAAAB, s17;
	v4 =	vsel vm9, s31, v4;
	s17 =	sshra.s32 s24, $0x4  }
0x32c: {  	s6 =	smulhi.u32 $0x2AAAAAAB, s16;
	s24 =	sshra.s32 s24, $0x1F;
	s30 =	sshra.s32 s5, $0x1F;
	v4 =	vsel vm0, s17, v4;
	(v2sf) =	vpush v3, $0x6  }
0x32d: {  	s31 =	sshra.s32 s5, $0x4;
	s13 =	sadd.s32 s14, s13;
	s17 =	smul.u32 $0x2AAAAAAB, s21;
	v4 =	vsel vm10, s24, v4;
	v3 =	vld [tilespmem:s0+$0x0]  }
0x32e: {  	s14 =	sshrl.u32 s5, $0x1F;
	s12 =	smul.u32 $0x2AAAAAAB, s23;
	v4 =	vsel vm1, s31, v4;
	s23 =	spop (v2sf)  }
0x32f: {  	v4 =	vsel vm11, s30, v4;
	s20 =	sshra.s32 s25, $0x1F;
	s28 =	smulhi.u32 $0x2AAAAAAB, s25;
	s21 =	sshra.s32 s23, $0x1F  }
.LBB2_22:
0x330: {  	s16 =	smul.u32 $0x2AAAAAAB, s15;
	s24 =	sshrl.u32 s13, $0x1F;
	s25 =	smov.u32 s18  }
0x331: {  	s18 =	smov.u32 s0;
	s0 =	sadd.s32 s9, s7;
	s7 =	smulhi.u32 $0x2AAAAAAB, s10  }
0x332: {  	(v2sf) =	vpush v3, $0xE;
	s30 =	spop (v2sf);
	s5 =	smov.u32 s19;
	s20 =	smul.u32 $0x2AAAAAAB, s20  }
0x333: {  	s15 =	sshrl.u32 s26, $0x1F;
	s11 =	sadd.s32 s12, s11;
	(v2sf) =	vpush v3, $0x1;
	v5 =	vmov s24;
	s24 =	smulhi.u32 $0x2AAAAAAB, s8  }
0x334: {  	s13 =	sshra.s32 s13, $0x4;
	s23 =	smulhi.u32 $0x2AAAAAAB, s23;
	s10 =	sshra.s32 s0, $0x1F;
	(v2sf) =	vpush v3, $0x0  }
0x335: {  	s1 =	sshrl.u32 s1, $0x1F;
	s12 =	smulhi.u32 $0x2AAAAAAB, s30;
	s26 =	sshra.s32 s30, $0x1F;
	(v2sf) =	vpush v3, $0x7  }
0x336: {  	s30 =	sshra.s32 s8, $0x1F;
	s17 =	sadd.s32 s17, s7;
	s7 =	sshra.s32 s0, $0x4;
	(v2sf) =	vpush v3, $0xD  }
0x337: {  	s8 =	sshrl.u32 s29, $0x1F;
	s9 =	sshrl.u32 s0, $0x1F;
	v4 =	vsel vm2, s7, v4;
	s29 =	sshra.s32 s17, $0x1F;
	(v2sf) =	vpush v3, $0x3  }
0x338: {  	v7 =	vmov s13;
	s13 =	sshrl.u32 s11, $0x1F;
	s0 =	smul.u32 $0x2AAAAAAB, s21;
	s7 =	sshrl.u32 s17, $0x1F;
	v4 =	vsel vm12, s10, v4;
	(v2sf) =	vpush v3, $0x2  }
0x339: {  	v6 =	vmov s1;
	s6 =	sadd.s32 s16, s6;
	s16 =	smul.u32 $0x2AAAAAAB, s26;
	s10 =	sadd.s32 s20, s28  }
0x33a: {  	s11 =	sshra.s32 s11, $0x4;
	v6 =	vnsel vm3, $0x0, v6;
	v5 =	vsel vm0, s13, v5;
	s1 =	sshra.s32 s17, $0x4;
	s17 =	smul.u32 $0x2AAAAAAB, s30  }
0x33b: {  	v7 =	vsel vm0, s11, v7;
	s13 =	sshra.s32 s6, $0x4;
	s6 =	sshrl.u32 s6, $0x1F;
	v4 =	vsel vm4, s1, v4;
	(v2sf) =	vpush v3, $0x8;
	s20 =	spop (v2sf)  }
0x33c: {  	v6 =	vsel vm0, s22, v6;
	s21 =	sadd.s32 s0, s23;
	s0 =	sshrl.u32 s4, $0x1F;
	v8 =	vmov s13;
	s1 =	sadd.s32 s16, s12;
	(v2sf) =	vpush v3, $0xC  }
0x33d: {  	v9 =	vmov s6;
	s12 =	sshrl.u32 s10, $0x1F;
	s16 =	sadd.s32 s17, s24;
	s10 =	sshra.s32 s10, $0x4;
	v4 =	vsel vm13, s29, v4;
	(v2sf) =	vpush v3, $0x4  }
0x33e: {  	v6 =	vsel vm1, s14, v6;
	v8 =	vsel vm0, s2, v8;
	s2 =	sshra.s32 s21, $0x4;
	s24 =	sadd.s32 $0x40, s19;
	s6 =	sshrl.u32 s16, $0x1F;
	(v2sf) =	vpush v3, $0x9  }
0x33f: {  	v9 =	vsel vm0, s15, v9;
	v6 =	vsel vm2, s9, v6;
	v7 =	vsel vm1, s10, v7;
	s10 =	sshra.s32 s1, $0x4;
	s11 =	sshrl.u32 s1, $0x1F;
	s1 =	sshra.s32 s4, $0x4  }
0x340: {  	v8 =	vsel vm1, s3, v8;
	s4 =	sshrl.u32 s21, $0x1F;
	v5 =	vsel vm1, s12, v5;
	v7 =	vsel vm2, s10, v7;
	s13 =	smulhi.u32 $0x2AAAAAAB, s20;
	s12 =	sshra.s32 s20, $0x1F  }
0x341: {  	v9 =	vsel vm1, s8, v9;
	v6 =	vsel vm4, s7, v6;
	v8 =	vsel vm2, s2, v8;
	s2 =	sshra.s32 s16, $0x1F;
	s9 =	smul.u32 $0x2AAAAAAB, s12;
	s3 =	spop (v2sf)  }
0x342: {  	v9 =	vsel vm2, s4, v9;
	v5 =	vsel vm2, s11, v5;
	s4 =	sshra.s32 s16, $0x4;
	v7 =	vcombine.low v7, v8;
	s8 =	sshra.s32 s3, $0x1F;
	s10 =	spop (v2sf)  }
0x343: {  	v6 =	vsel vm5, s6, v6;
	v5 =	vcombine.low v5, v9;
	v4 =	vsel vm5, s4, v4;
	s6 =	sadd.s32 s9, s13;
	s11 =	smulhi.u32 $0x2AAAAAAB, s3;
	s3 =	spop (v2sf)  }
0x344: {  	v4 =	vsel vm14, s2, v4;
	s15 =	sshra.s32 s6, $0x1F;
	s4 =	sshra.s32 s3, $0x1F;
	s14 =	spop (v2sf)  }
0x345: {  	s2 =	smul.u32 $0x2AAAAAAB, s8;
	s12 =	sshra.s32 s14, $0x1F;
	s8 =	spop (v2sf);
	(v2sf) =	vpush v3, $0xA  }
0x346: {  	s3 =	smulhi.u32 $0x2AAAAAAB, s3;
	s7 =	sshra.s32 s8, $0x1F;
	s16 =	spop (v2sf)  }
0x347: {  	s14 =	smulhi.u32 $0x2AAAAAAB, s14;
	s9 =	sshra.s32 s16, $0x1F;
	s13 =	spop (v2sf)  }
0x348: {  	s29 =	sadd.s32 s2, s11;
	s21 =	smul.u32 $0x2AAAAAAB, s4;
	s11 =	sshra.s32 s13, $0x1F  }
0x349: {  	s17 =	sshra.s32 s10, $0x1F;
	s2 =	smulhi.u32 $0x2AAAAAAB, s8;
	s8 =	sshra.s32 s6, $0x4;
	(v2sf) =	vpush v3, $0x5  }
0x34a: {  	v7 =	vperm.xlane v7, v1;
	s6 =	sshrl.u32 s6, $0x1F;
	s7 =	smul.u32 $0x2AAAAAAB, s7;
	v4 =	vsel vm6, s8, v4;
	(v2sf) =	vpush v3, $0xF;
	s20 =	spop (v2sf)  }
0x34b: {  	v5 =	vperm.xlane v5, v1;
	v6 =	vsel vm6, s6, v6;
	s6 =	smulhi.u32 $0x2AAAAAAB, s10;
	v4 =	vsel vm15, s15, v4;
	s8 =	sshra.s32 s20, $0x1F;
	s23 =	spop (v2sf)  }
0x34c: {  	v6 =	vsel vm7, s0, v6;
	s0 =	smul.u32 $0x2AAAAAAB, s12;
	s26 =	sadd.s32 s7, s2;
	v4 =	vsel vm7, s1, v4;
	(v2sf) =	vpush v3, $0xB;
	s10 =	spop (v2sf)  }
0x34d: {  	s9 =	smul.u32 $0x2AAAAAAB, s9;
	v6 =	vperm.xlane v6, v2;
	s2 =	sshra.s32 s26, $0x4;
	v4 =	vperm.xlane v4, v2;
	s12 =	spop (v2sf)  }
0x34e: {  	s1 =	smul.u32 $0x2AAAAAAB, s17;
	s4 =	sadd.s32 s0, s14;
	s15 =	sshra.s32 s23, $0x1F  }
0x34f: {  	s7 =	smulhi.u32 $0x2AAAAAAB, s16;
	v5 =	vsel vm8, v6, v5;
	s0 =	sshra.s32 s4, $0x1F;
	v4 =	vsel vm8, v4, v7;
	s17 =	sshra.s32 s10, $0x1F  }
0x350: {  	s16 =	sadd.s32 s1, s6;
	s6 =	smulhi.u32 $0x2AAAAAAB, s13;
	v4 =	vadd.s32 v5, v4;
	s14 =	sshra.s32 s12, $0x1F  }
0x351: {  	p1 =	seq.s32 s19, $0x47C0;
	s13 =	smul.u32 $0x2AAAAAAB, s11;
	v5 =	vmov s0;
	[tilespmem:s25+$0x4800] =	vst v4  }
0x352: {  	s1 =	sadd.s32 s21, s3;
	s3 =	sshra.s32 s29, $0x4;
	s21 =	smulhi.u32 $0x2AAAAAAB, s20  }
0x353: {  	s19 =	sshra.s32 s1, $0x1F;
	s0 =	sshra.s32 s1, $0x4;
	s11 =	smulhi.u32 $0x2AAAAAAB, s12  }
0x354: {  	s22 =	sshrl.u32 s16, $0x1F;
	s17 =	smul.u32 $0x2AAAAAAB, s17;
	v4 =	vsel vm3, s0, v5;
	s25 =	spop (v2sf)  }
0x355: {  	s0 =	sshra.s32 s5, $0x2;
	s5 =	sadd.s32 s13, s6;
	s6 =	smulhi.u32 $0x2AAAAAAB, s23;
	v4 =	vsel vm9, s19, v4;
	(v2sf) =	vpush v3, $0x6  }
.Ltmp14:
0x356: {  	s12 =	sshra.s32 s16, $0x4;
	s20 =	sshra.s32 s25, $0x1F;
	v3 =	vld [tilespmem:s0+$0x0];
	(pc) =	sbr.rel @!p1 .LBB2_22-.Ltmp14, $4  }
0x357: {  	s13 =	smul.u32 $0x2AAAAAAB, s8;
	s8 =	sshra.s32 s16, $0x1F;
	s16 =	sshra.s32 s5, $0x1F;
	v4 =	vsel vm0, s12, v4  }
0x358: {  	s19 =	sshra.s32 s5, $0x4;
	s12 =	smul.u32 $0x2AAAAAAB, s14;
	v4 =	vsel vm10, s8, v4;
	s8 =	spop (v2sf)  }
0x359: {  	s13 =	sadd.s32 s13, s21;
	s14 =	sshrl.u32 s5, $0x1F;
	v4 =	vsel vm1, s19, v4;
	s23 =	spop (v2sf)  }
0x35a: {  	s28 =	smulhi.u32 $0x2AAAAAAB, s25;
	s19 =	smov.u32 s24;
	v4 =	vsel vm11, s16, v4;
	s21 =	sshra.s32 s23, $0x1F  }
0x35b: {  	(v2sf) =	vpush v3, $0xE;
	_ =	sdelay $0x1  }
0x35c: {  	(v2sf) =	vpush v3, $0x1  }
0x35d: {  	(v2sf) =	vpush v3, $0x0  }
0x35e: {  	(v2sf) =	vpush v3, $0x7  }
0x35f: {  	(v2sf) =	vpush v3, $0xD  }
0x360: {  	s30 =	smul.u32 $0x2AAAAAAB, s15  }
0x361: {  	s5 =	smulhi.u32 $0x2AAAAAAB, s10  }
0x362: {  	s19 =	smul.u32 $0x2AAAAAAB, s20  }
0x363: {  	s20 =	smulhi.u32 $0x2AAAAAAB, s23  }
0x364: {  	s16 =	spop (v2sf);
	s23 =	smul.u32 $0x2AAAAAAB, s21  }
0x365: {  	s24 =	smulhi.u32 $0x2AAAAAAB, s8;
	s25 =	sshra.s32 s8, $0x1F;
	[smem:$0x771] =	sst s5  }
0x366: {  	s31 =	smul.u32 $0x2AAAAAAB, s25;
	[smem:$0x772] =	sst s20  }
0x367: {  	[smem:$0x774] =	sst s24;
	(v2sf) =	vpush v3, $0x3;
	s24 =	spop (v2sf)  }
0x368: {  	[smem:$0x773] =	sst s23;
	s8 =	smulhi.u32 $0x2AAAAAAB, s24;
	s24 =	sshra.s32 s24, $0x1F  }
0x369: {  	(v2sf) =	vpush v3, $0x2;
	s21 =	smul.u32 $0x2AAAAAAB, s24;
	s25 =	spop (v2sf)  }
0x36a: {  	[smem:$0x775] =	sst s31;
	s10 =	smulhi.u32 $0x2AAAAAAB, s25;
	s25 =	sshra.s32 s25, $0x1F  }
0x36b: {  	(v2sf) =	vpush v3, $0x8;
	s31 =	spop (v2sf);
	s20 =	smul.u32 $0x2AAAAAAB, s25  }
0x36c: {  	[smem:$0x777] =	sst s10;
	s10 =	spop (v2sf)  }
0x36d: {  	s5 =	spop (v2sf);
	[smem:$0x778] =	sst s20  }
0x36e: {  	(v2sf) =	vpush v3, $0xC;
	s23 =	spop (v2sf);
	s20 =	smulhi.u32 $0x2AAAAAAB, s5  }
0x36f: {  	(v2sf) =	vpush v3, $0x4;
	s24 =	sshra.s32 s23, $0x1F;
	s23 =	smulhi.u32 $0x2AAAAAAB, s23  }
0x370: {  	[smem:$0x776] =	sst s8;
	s8 =	smul.u32 $0x2AAAAAAB, s24;
	s24 =	sshra.s32 s10, $0x1F  }
0x371: {  	[smem:$0x77B] =	sst s20;
	s25 =	smul.u32 $0x2AAAAAAB, s24  }
0x372: {  	(v2sf) =	vpush v3, $0x9;
	[smem:$0x779] =	sst s23;
	s23 =	smulhi.u32 $0x2AAAAAAB, s31  }
0x373: {  	s24 =	sshra.s32 s31, $0x1F;
	s31 =	smulhi.u32 $0x2AAAAAAB, s10;
	[smem:$0x77A] =	sst s8  }
0x374: {  	s5 =	sshra.s32 s5, $0x1F;
	s20 =	smul.u32 $0x2AAAAAAB, s24;
	[smem:$0x77D] =	sst s25  }
0x375: {  	[smem:$0x77C] =	sst s23;
	s23 =	smul.u32 $0x2AAAAAAB, s5  }
0x376: {  	[smem:$0x77E] =	sst s31;
	s5 =	spop (v2sf);
	s25 =	sadd.s32 s12, s11  }
0x377: {  	s12 =	sld [smem:$0x771];
	s10 =	sshra.s32 s5, $0x1F;
	s24 =	smulhi.u32 $0x2AAAAAAB, s5  }
0x378: {  	s8 =	sadd.s32 s9, s7;
	s7 =	spop (v2sf);
	s31 =	smul.u32 $0x2AAAAAAB, s10  }
0x379: {  	s10 =	smulhi.u32 $0x2AAAAAAB, s7;
	[smem:$0x781] =	sst s24  }
0x37a: {  	s9 =	sshra.s32 s7, $0x1F;
	s11 =	spop (v2sf);
	[smem:$0x782] =	sst s31  }
0x37b: {  	s7 =	sadd.s32 s17, s12;
	s17 =	smul.u32 $0x2AAAAAAB, s9;
	[smem:$0x77F] =	sst s10  }
0x37c: {  	s31 =	smulhi.u32 $0x2AAAAAAB, s11;
	s10 =	sld [smem:$0x772]  }
0x37d: {  	[smem:$0x780] =	sst s17;
	s17 =	spop (v2sf)  }
0x37e: {  	s24 =	sshra.s32 s11, $0x1F;
	s11 =	sld [smem:$0x773];
	s5 =	spop (v2sf)  }
0x37f: {  	s9 =	sshra.s32 s5, $0x1F  }
0x380: {  	s12 =	sadd.s32 s30, s6;
	s30 =	smul.u32 $0x2AAAAAAB, s9;
	s9 =	sld [smem:$0x776]  }
0x381: {  	s19 =	sadd.s32 s19, s28;
	s6 =	sadd.s32 s11, s10;
	s28 =	spop (v2sf)  }
0x382: {  	s10 =	sld [smem:$0x777];
	s11 =	smulhi.u32 $0x2AAAAAAB, s28;
	s28 =	sshra.s32 s28, $0x1F  }
0x383: {  	s21 =	sadd.s32 s21, s9;
	s9 =	smul.u32 $0x2AAAAAAB, s28;
	s28 =	sld [smem:$0x778]  }
0x384: {  	_ = 	snop  }
0x385: {  	s15 =	smulhi.u32 $0x2AAAAAAB, s16;
	[smem:$0x784] =	sst s6  }
0x386: {  	s16 =	sshra.s32 s16, $0x1F;
	s6 =	sadd.s32 s28, s10;
	s28 =	sld [smem:$0x77A]  }
0x387: {  	s16 =	smul.u32 $0x2AAAAAAB, s16;
	(v2sf) =	vpush v3, $0xA;
	[smem:$0x788] =	sst s6  }
0x388: {  	s6 =	sld [smem:$0x779]  }
0x389: {  	s16 =	sadd.s32 s16, s15;
	s15 =	sld [smem:$0x774]  }
0x38a: {  	[smem:$0x783] =	sst s25  }
0x38b: {  	s6 =	sadd.s32 s28, s6;
	s28 =	sld [smem:$0x77B]  }
0x38c: {  	s25 =	sld [smem:$0x775]  }
0x38d: {  	[smem:$0x787] =	sst s6  }
0x38e: {  	s6 =	sadd.s32 s23, s28;
	s23 =	sld [smem:$0x77C]  }
0x38f: {  	[smem:$0x785] =	sst s6  }
0x390: {  	s6 =	smulhi.u32 $0x2AAAAAAB, s5;
	s5 =	sld [smem:$0x77D]  }
0x391: {  	s23 =	sadd.s32 s20, s23;
	s20 =	sld [smem:$0x77E]  }
0x392: {  	s1 =	sshrl.u32 s1, $0x1F;
	s24 =	smul.u32 $0x2AAAAAAB, s24  }
0x393: {  	v6 =	vmov s1;
	s1 =	sshra.s32 s4, $0x4;
	(v2sf) =	vpush v3, $0x5;
	s25 =	sadd.s32 s25, s15;
	s15 =	smulhi.u32 $0x2AAAAAAB, s17  }
0x394: {  	v6 =	vnsel vm3, $0x0, v6;
	s17 =	sshra.s32 s17, $0x1F;
	s5 =	sadd.s32 s5, s20;
	s20 =	sld [smem:$0x780]  }
0x395: {  	v57 =	vsel vm0, s22, v6;
	s22 =	sshra.s32 s25, $0x1F;
	s10 =	smul.u32 $0x2AAAAAAB, s17;
	[smem:$0x786] =	sst s5  }
0x396: {  	s9 =	sadd.s32 s9, s11;
	s17 =	spop (v2sf);
	s5 =	sld [smem:$0x77F]  }
0x397: {  	s11 =	sshrl.u32 s8, $0x1F;
	[smem:$0x789] =	sst s9;
	s28 =	smulhi.u32 $0x2AAAAAAB, s17  }
0x398: {  	(v2sf) =	vpush v3, $0xF;
	s17 =	sshra.s32 s17, $0x1F;
	s9 =	sadd.s32 s30, s6;
	s6 =	sadd.s32 s10, s15  }
0x399: {  	s10 =	sshrl.u32 s13, $0x1F;
	[smem:$0x78A] =	sst s6;
	s20 =	sadd.s32 s20, s5  }
0x39a: {  	s5 =	smul.u32 $0x2AAAAAAB, s17;
	s17 =	sadd.s32 s24, s31;
	s24 =	sld [smem:$0x781]  }
0x39b: {  	s15 =	sshra.s32 s13, $0x4;
	s13 =	sshrl.u32 s7, $0x1F;
	s31 =	sld [smem:$0x782]  }
0x39c: {  	s6 =	sshrl.u32 s26, $0x1F;
	s26 =	sshra.s32 s8, $0x1F;
	v5 =	vmov s10;
	s10 =	sshra.s32 s16, $0x4  }
0x39d: {  	(v2sf) =	vpush v3, $0xB;
	v7 =	vmov s15;
	s16 =	sshrl.u32 s16, $0x1F;
	s15 =	sshrl.u32 s4, $0x1F;
	s5 =	sadd.s32 s5, s28  }
0x39e: {  	s28 =	sshra.s32 s8, $0x4;
	s8 =	sld [smem:$0x783];
	s31 =	sadd.s32 s31, s24  }
0x39f: {  	[smem:$0x78B] =	sst s5;
	s24 =	sshrl.u32 s29, $0x1F;
	s29 =	sshra.s32 s7, $0x1F  }
0x3a0: {  	s7 =	sshra.s32 s7, $0x4;
	s5 =	sshra.s32 s12, $0x4;
	s12 =	sshrl.u32 s12, $0x1F;
	v4 =	vsel vm2, s28, v4  }
0x3a1: {  	s28 =	sshrl.u32 s19, $0x1F;
	s19 =	sshra.s32 s19, $0x4;
	v4 =	vsel vm12, s26, v4;
	s26 =	sld [smem:$0x784]  }
0x3a2: {  	(v2sf) =	vpush v3, $0x6;
	v58 =	vmov s5;
	v8 =	vmov s12;
	s5 =	sshra.s32 s21, $0x4;
	s12 =	spop (v2sf);
	s30 =	sshrl.u32 s8, $0x1F  }
0x3a3: {  	s8 =	sshra.s32 s8, $0x4;
	v4 =	vsel vm4, s7, v4;
	v6 =	vsel vm0, s2, v58;
	v8 =	vsel vm0, s6, v8;
	s2 =	sshrl.u32 s23, $0x1F;
	s6 =	sshra.s32 s23, $0x4  }
0x3a4: {  	v4 =	vsel vm13, s29, v4;
	s29 =	sshra.s32 s21, $0x1F;
	v7 =	vsel vm0, s8, v7;
	s8 =	sshrl.u32 s21, $0x1F;
	v8 =	vsel vm1, s24, v8;
	s24 =	sld [smem:$0x785]  }
0x3a5: {  	v3 =	vsel vm0, s30, v5;
	v6 =	vsel vm1, s3, v6;
	v5 =	vsel vm1, s14, v57;
	s14 =	sshra.s32 s20, $0x4;
	s3 =	sshrl.u32 s20, $0x1F;
	s4 =	sshra.s32 s26, $0x4  }
0x3a6: {  	s7 =	sshrl.u32 s26, $0x1F;
	s26 =	sshrl.u32 s25, $0x1F;
	s25 =	sshra.s32 s25, $0x4;
	v7 =	vsel vm1, s19, v7  }
0x3a7: {  	s19 =	spop (v2sf);
	v3 =	vsel vm1, s28, v3;
	s28 =	sld [smem:$0x786];
	v7 =	vsel vm2, s10, v7;
	s10 =	sshra.s32 s23, $0x1F  }
0x3a8: {  	s21 =	sshra.s32 s19, $0x1F;
	v6 =	vsel vm2, s4, v6;
	s4 =	smulhi.u32 $0x2AAAAAAB, s19;
	v8 =	vsel vm2, s7, v8;
	s7 =	sshra.s32 s20, $0x1F  }
0x3a9: {  	v5 =	vsel vm2, s11, v5;
	v4 =	vsel vm5, s25, v4;
	s25 =	sld [smem:$0x788];
	s30 =	sshra.s32 s24, $0x1F;
	s20 =	smul.u32 $0x2AAAAAAB, s21  }
0x3aa: {  	v3 =	vsel vm2, s16, v3;
	v5 =	vsel vm4, s13, v5;
	s21 =	sshrl.u32 s17, $0x1F;
	s17 =	sshra.s32 s17, $0x4;
	v9 =	vmov s30;
	s23 =	sshra.s32 s28, $0x4  }
0x3ab: {  	v4 =	vsel vm14, s22, v4;
	s22 =	smulhi.u32 $0x2AAAAAAB, s12;
	s30 =	sshra.s32 s28, $0x1F;
	v12 =	vmov s17;
	s17 =	sld [smem:$0x789];
	v9 =	vsel vm3, s23, v9  }
0x3ac: {  	v5 =	vsel vm5, s26, v5;
	s26 =	sshra.s32 s31, $0x1F;
	v6 =	vcombine.low v7, v6;
	s23 =	spop (v2sf);
	v9 =	vsel vm9, s30, v9;
	s30 =	sld [smem:$0x787]  }
0x3ad: {  	v3 =	vcombine.low v3, v8;
	v4 =	vsel vm6, s5, v4;
	s16 =	smulhi.u32 $0x2AAAAAAB, s23;
	s13 =	sshra.s32 s23, $0x1F;
	s23 =	sshra.s32 s12, $0x1F;
	v9 =	vsel vm0, s6, v9  }
0x3ae: {  	v5 =	vsel vm6, s8, v5;
	v10 =	vmov s21;
	s21 =	sshra.s32 s9, $0x1F;
	s8 =	sshra.s32 s25, $0x4;
	s5 =	smul.u32 $0x2AAAAAAB, s23;
	v9 =	vsel vm10, s10, v9  }
0x3af: {  	v4 =	vsel vm15, s29, v4;
	v5 =	vsel vm7, s15, v5;
	s11 =	sshra.s32 s30, $0x4;
	s6 =	sshrl.u32 s30, $0x1F;
	v9 =	vsel vm1, s14, v9;
	s30 =	sshra.s32 s31, $0x4  }
0x3b0: {  	v6 =	vperm.xlane v6, v1;
	v3 =	vperm.xlane v3, v1;
	s14 =	sshrl.u32 s28, $0x1F;
	s5 =	sadd.s32 s5, s22;
	s22 =	sld [smem:$0x78A];
	v9 =	vsel vm11, s7, v9  }
0x3b1: {  	s4 =	sadd.s32 s20, s4;
	s15 =	sshra.s32 s9, $0x4;
	s29 =	sld [smem:$0x78B];
	v4 =	vsel vm7, s1, v4;
	v11 =	vmov s14;
	v9 =	vsel vm2, s30, v9  }
0x3b2: {  	s1 =	sshrl.u32 s25, $0x1F;
	v5 =	vperm.xlane v5, v2;
	s13 =	smul.u32 $0x2AAAAAAB, s13;
	s19 =	sshrl.u32 s17, $0x1F;
	v11 =	vnsel vm3, $0x0, v11;
	v9 =	vsel vm12, s26, v9  }
0x3b3: {  	v10 =	vsel vm0, s19, v10;
	s23 =	sshra.s32 s22, $0x4;
	v11 =	vsel vm0, s2, v11;
	s26 =	sshra.s32 s17, $0x4;
	s28 =	sshrl.u32 s22, $0x1F;
	v9 =	vsel vm4, s15, v9  }
0x3b4: {  	s25 =	spop (v2sf);
	s10 =	sadd.s32 s13, s16;
	s17 =	sshrl.u32 s29, $0x1F;
	v13 =	vmov s23;
	v12 =	vsel vm0, s26, v12;
	v14 =	vmov s28  }
0x3b5: {  	s13 =	smulhi.u32 $0x2AAAAAAB, s25;
	s30 =	sshra.s32 s29, $0x4;
	s2 =	sshra.s32 s25, $0x1F;
	v11 =	vsel vm1, s3, v11;
	v10 =	vsel vm1, s17, v10;
	v9 =	vsel vm13, s21, v9  }
0x3b6: {  	s14 =	sshrl.u32 s31, $0x1F;
	s2 =	smul.u32 $0x2AAAAAAB, s2;
	s23 =	sshrl.u32 s10, $0x1F;
	v13 =	vsel vm0, s11, v13;
	v12 =	vsel vm1, s30, v12;
	v14 =	vsel vm0, s6, v14  }
0x3b7: {  	s19 =	sshra.s32 s4, $0x4;
	s15 =	sshra.s32 s10, $0x4;
	v11 =	vsel vm2, s14, v11;
	s21 =	sshra.s32 s5, $0x4;
	v10 =	vsel vm2, s23, v10;
	v13 =	vsel vm1, s8, v13  }
0x3b8: {  	s16 =	sshrl.u32 s9, $0x1F;
	s25 =	sshra.s32 s5, $0x1F;
	v12 =	vsel vm2, s15, v12;
	v14 =	vsel vm1, s1, v14;
	s2 =	sadd.s32 s2, s13;
	v9 =	vsel vm5, s21, v9  }
0x3b9: {  	s20 =	sshrl.u32 s4, $0x1F;
	s22 =	sshrl.u32 s5, $0x1F;
	v11 =	vsel vm4, s16, v11;
	v13 =	vsel vm2, s19, v13;
	v9 =	vsel vm14, s25, v9;
	s26 =	sshra.s32 s2, $0x4  }
0x3ba: {  	v14 =	vsel vm2, s20, v14;
	v11 =	vsel vm5, s22, v11;
	s28 =	sshrl.u32 s2, $0x1F;
	v59 =	vsel vm6, s26, v9  }
0x3bb: {  	s30 =	sshrl.u32 s24, $0x1F;
	s29 =	sshra.s32 s2, $0x1F;
	v60 =	vsel vm6, s28, v11;
	v61 =	vcombine.low v12, v13;
	v10 =	vcombine.low v10, v14  }
0x3bc: {  	v4 =	vperm.xlane v4, v2;
	s31 =	sshra.s32 s24, $0x4;
	v7 =	vsel vm15, s29, v59;
	v8 =	vsel vm7, s30, v60  }
0x3bd: {  	v7 =	vsel vm7, s31, v7;
	v9 =	vperm.xlane v61, v1;
	v10 =	vperm.xlane v10, v1  }
.Ltmp15:
0x3be: {  	v8 =	vperm.xlane v8, v2;
	v7 =	vperm.xlane v7, v2;
	(pc) =	sbr.rel .LBB2_27-.Ltmp15, $4  }
0x3bf: {  	v3 =	vsel vm8, v5, v3;
	v4 =	vsel vm8, v4, v6  }
0x3c0: {  	v3 =	vadd.s32 v3, v4;
	v62 =	vsel vm8, v8, v10;
	v63 =	vsel vm8, v7, v9  }
0x3c1: {  	[tilespmem:s18+$0x4800] =	vst v3;
	v3 =	vadd.s32 v62, v63  }
0x3c2: {  	[tilespmem:s0+$0x4800] =	vst v3  }
.LBB2_16:
0x3c3: {  	s1 =	simm.s32 $0x0  }
0x3c4: {  	v4 =	vld [tilespmem:s1+$0x1200];
	_ =	sdelay $0x4  }
0x3c5: {  	(v2sf) =	vpush v4, $0x2  }
0x3c6: {  	(v2sf) =	vpush v4, $0x1;
	_ =	sdelay $0x1  }
0x3c7: {  	(v2sf) =	vpush v4, $0x0  }
0x3c8: {  	(v2sf) =	vpush v4, $0x7;
	_ =	sdelay $0x2  }
0x3c9: {  	(v2sf) =	vpush v4, $0x3  }
0x3ca: {  	(v2sf) =	vpush v4, $0x4;
	_ =	sdelay $0x1  }
0x3cb: {  	(v2sf) =	vpush v4, $0xC;
	_ =	sdelay $0x2  }
0x3cc: {  	(v2sf) =	vpush v4, $0x9  }
0x3cd: {  	(v2sf) =	vpush v4, $0xD  }
0x3ce: {  	s23 =	spop (v2sf)  }
0x3cf: {  	(v2sf) =	vpush v4, $0x8;
	s24 =	spop (v2sf);
	s13 =	smulhi.u32 $0x2AAAAAAB, s23  }
0x3d0: {  	(v2sf) =	vpush v4, $0xE;
	s7 =	sshra.s32 s23, $0x1F;
	s1 =	smulhi.u32 $0x2AAAAAAB, s24  }
0x3d1: {  	s2 =	sshra.s32 s24, $0x1F;
	s3 =	spop (v2sf);
	(v2sf) =	vpush v4, $0x5;
	s18 =	smul.u32 $0x2AAAAAAB, s7  }
0x3d2: {  	s0 =	simm.s32 $0x0;
	s2 =	smul.u32 $0x2AAAAAAB, s2;
	s4 =	spop (v2sf);
	(v2sf) =	vpush v4, $0xF  }
0x3d3: {  	[dreg:$0x6] =	wrdreg s0;
	s17 =	smulhi.u32 $0x2AAAAAAB, s3  }
0x3d4: {  	s3 =	sshra.s32 s3, $0x1F;
	s5 =	sshra.s32 s4, $0x1F;
	s4 =	smulhi.u32 $0x2AAAAAAB, s4  }
0x3d5: {  	s6 =	spop (v2sf);
	s3 =	smul.u32 $0x2AAAAAAB, s3  }
0x3d6: {  	s26 =	simm.s32 $0x80;
	s5 =	smul.u32 $0x2AAAAAAB, s5;
	s8 =	spop (v2sf)  }
0x3d7: {  	s9 =	sshra.s32 s6, $0x1F;
	s1 =	sadd.s32 s2, s1;
	s6 =	smulhi.u32 $0x2AAAAAAB, s6  }
0x3d8: {  	s2 =	simm.s32 $0x10;
	s10 =	spop (v2sf);
	s31 =	smulhi.u32 $0x2AAAAAAB, s8  }
0x3d9: {  	s16 =	sshra.s32 s8, $0x1F;
	s29 =	smul.u32 $0x2AAAAAAB, s9;
	s14 =	sshrl.u32 s1, $0x1F  }
0x3da: {  	s0 =	sshra.s32 s1, $0x1F;
	s28 =	sshra.s32 s1, $0x4;
	s11 =	sshra.s32 s10, $0x1F  }
0x3db: {  	s4 =	sadd.s32 s5, s4;
	s25 =	spop (v2sf);
	s10 =	smulhi.u32 $0x2AAAAAAB, s10  }
0x3dc: {  	s8 =	spop (v2sf);
	s12 =	sshra.s32 s25, $0x1F;
	s20 =	smulhi.u32 $0x2AAAAAAB, s25  }
0x3dd: {  	s23 =	sshra.s32 s4, $0x1F;
	s22 =	sshrl.u32 s4, $0x1F;
	s25 =	smul.u32 $0x2AAAAAAB, s11  }
0x3de: {  	s4 =	sshra.s32 s4, $0x4;
	s11 =	smul.u32 $0x2AAAAAAB, s16;
	s19 =	spop (v2sf)  }
0x3df: {  	s5 =	sadd.s32 s29, s6;
	s24 =	smul.u32 $0x2AAAAAAB, s12;
	s30 =	spop (v2sf)  }
0x3e0: {  	s15 =	sshra.s32 s8, $0x1F;
	[dreg:$0x9] =	wrdreg s22;
	s7 =	spop (v2sf)  }
0x3e1: {  	s22 =	sadd.s32 s18, s13;
	s8 =	smulhi.u32 $0x2AAAAAAB, s8;
	s18 =	spop (v2sf);
	(v2sf) =	vpush v4, $0xA  }
0x3e2: {  	s29 =	sadd.s32 s3, s17;
	s3 =	sshrl.u32 s5, $0x1F;
	s6 =	smulhi.u32 $0x2AAAAAAB, s19;
	(v2sf) =	vpush v4, $0xB  }
0x3e3: {  	v3 =	vld [tilespmem:s2+$0x1200];
	s9 =	sshra.s32 s19, $0x1F;
	s19 =	sadd.s32 s25, s10;
	s17 =	smul.u32 $0x2AAAAAAB, s15  }
0x3e4: {  	v5 =	vmov s23;
	s13 =	sshra.s32 s22, $0x4;
	s25 =	sadd.s32 s24, s20;
	s20 =	sshra.s32 s29, $0x4  }
0x3e5: {  	s1 =	sshra.s32 s22, $0x1F;
	s24 =	sshra.s32 s29, $0x1F;
	s29 =	sshrl.u32 s29, $0x1F;
	v5 =	vsel vm3, s20, v5  }
0x3e6: {  	s15 =	sshrl.u32 s19, $0x1F;
	v5 =	vsel vm9, s24, v5;
	s21 =	sshra.s32 s30, $0x1F;
	s30 =	smulhi.u32 $0x2AAAAAAB, s30;
	(v2sf) =	vpush v4, $0x6  }
0x3e7: {  	s17 =	sadd.s32 s17, s8;
	v6 =	vmov s29;
	s12 =	sshra.s32 s7, $0x1F;
	s10 =	smulhi.u32 $0x2AAAAAAB, s18;
	v4 =	vsel vm0, s28, v5  }
0x3e8: {  	s8 =	sshra.s32 s18, $0x1F;
	s28 =	sshra.s32 s19, $0x4;
	s19 =	sshra.s32 s5, $0x1F;
	v5 =	vsel vm10, s0, v4;
	(v2sf) =	vpush v3, $0x2;
	v4 =	vnsel vm3, $0x0, v6  }
.LBB2_17:
0x3e9: {  	s16 =	sshrl.u32 s17, $0x1F;
	s20 =	smulhi.u32 $0x2AAAAAAB, s7  }
0x3ea: {  	s0 =	smov.u32 s26;
	s24 =	rddreg [dreg:$0x6];
	s9 =	smul.u32 $0x2AAAAAAB, s9  }
0x3eb: {  	s29 =	smov.u32 s2;
	s17 =	sshra.s32 s17, $0x4;
	s12 =	smul.u32 $0x2AAAAAAB, s12  }
0x3ec: {  	(v2sf) =	vpush v3, $0x1;
	s5 =	sshra.s32 s5, $0x4;
	s8 =	smul.u32 $0x2AAAAAAB, s8;
	[dreg:$0xe] =	wrdreg s0  }
0x3ed: {  	p1 =	sne.s32 s26, $0x47C0;
	s7 =	smov.u32 s24;
	[dreg:$0x6] =	wrdreg s29  }
0x3ee: {  	s0 =	smul.u32 $0x2AAAAAAB, s21;
	s24 =	sshrl.u32 s25, $0x1F;
	s11 =	sadd.s32 s11, s31  }
0x3ef: {  	s6 =	sadd.s32 s9, s6;
	s9 =	sadd.s32 s12, s20;
	s8 =	sadd.s32 s8, s10  }
0x3f0: {  	v5 =	vsel vm1, s13, v5;
	s2 =	sadd.s32 s0, s30;
	s20 =	sshra.s32 s6, $0x4;
	s23 =	spop (v2sf);
	(v2sf) =	vpush v3, $0x0  }
0x3f1: {  	v5 =	vsel vm11, s1, v5;
	s12 =	sshra.s32 s9, $0x4;
	s6 =	sshrl.u32 s6, $0x1F;
	s21 =	spop (v2sf);
	(v2sf) =	vpush v3, $0x7  }
0x3f2: {  	v7 =	vmov s15;
	v5 =	vsel vm2, s5, v5;
	s5 =	sshrl.u32 s9, $0x1F;
	s9 =	sshra.s32 s9, $0x1F;
	s15 =	sshra.s32 s2, $0x4  }
0x3f3: {  	v8 =	vmov s20;
	s2 =	sshrl.u32 s2, $0x1F;
	v9 =	vmov s6;
	s18 =	sshra.s32 s23, $0x1F;
	s20 =	smulhi.u32 $0x2AAAAAAB, s23;
	(v2sf) =	vpush v3, $0x3  }
0x3f4: {  	v6 =	vmov s28;
	v9 =	vsel vm0, s24, v9;
	s24 =	sshra.s32 s11, $0x1F;
	s23 =	sshra.s32 s11, $0x4;
	s13 =	smul.u32 $0x2AAAAAAB, s18;
	(v2sf) =	vpush v3, $0x4  }
0x3f5: {  	v7 =	vsel vm0, s16, v7;
	v6 =	vsel vm0, s17, v6;
	s29 =	sshra.s32 s21, $0x1F;
	s16 =	smulhi.u32 $0x2AAAAAAB, s21;
	s17 =	spop (v2sf)  }
0x3f6: {  	s18 =	sshrl.u32 s8, $0x1F;
	s21 =	sshrl.u32 s22, $0x1F;
	s0 =	smul.u32 $0x2AAAAAAB, s29;
	(v2sf) =	vpush v3, $0xC  }
0x3f7: {  	s8 =	sshra.s32 s8, $0x4;
	s29 =	sshra.s32 s25, $0x4;
	s22 =	smulhi.u32 $0x2AAAAAAB, s17  }
0x3f8: {  	v4 =	vsel vm0, s14, v4;
	v5 =	vsel vm12, s19, v5;
	v6 =	vsel vm1, s15, v6;
	s25 =	sshrl.u32 s11, $0x1F;
	s1 =	sshra.s32 s17, $0x1F;
	s6 =	sadd.s32 s13, s20  }
0x3f9: {  	v7 =	vsel vm1, s2, v7;
	v5 =	vsel vm4, s23, v5;
	(v2sf) =	vpush v3, $0x9;
	s0 =	sadd.s32 s0, s16;
	s11 =	sshra.s32 s6, $0x4;
	s16 =	smul.u32 $0x2AAAAAAB, s1  }
0x3fa: {  	v5 =	vsel vm13, s24, v5;
	v8 =	vsel vm0, s29, v8;
	s6 =	sshrl.u32 s6, $0x1F;
	(v2sf) =	vpush v3, $0xD;
	s29 =	sshra.s32 s0, $0x4;
	s13 =	spop (v2sf)  }
0x3fb: {  	v4 =	vsel vm1, s21, v4;
	v6 =	vsel vm2, s8, v6;
	v5 =	vsel vm5, s12, v5;
	s2 =	sadd.s32 s16, s22;
	s17 =	spop (v2sf);
	s8 =	smulhi.u32 $0x2AAAAAAB, s13  }
0x3fc: {  	v7 =	vsel vm2, s18, v7;
	v5 =	vsel vm14, s9, v5;
	(v2sf) =	vpush v3, $0x8;
	s20 =	sshra.s32 s2, $0x4;
	s18 =	sshra.s32 s17, $0x1F;
	s14 =	smulhi.u32 $0x2AAAAAAB, s17  }
0x3fd: {  	v4 =	vsel vm2, s3, v4;
	s10 =	sshra.s32 s13, $0x1F;
	s22 =	sshra.s32 s2, $0x1F;
	v5 =	vsel vm6, s20, v5;
	s3 =	smul.u32 $0x2AAAAAAB, s18  }
0x3fe: {  	v4 =	vsel vm4, s25, v4;
	s0 =	sshrl.u32 s0, $0x1F;
	s2 =	sshrl.u32 s2, $0x1F;
	v5 =	vsel vm15, s22, v5;
	s22 =	smul.u32 $0x2AAAAAAB, s10  }
0x3ff: {  	v4 =	vsel vm5, s5, v4;
	(v2sf) =	vpush v3, $0xE;
	s20 =	sadd.s32 $0x40, s26;
	s10 =	rddreg [dreg:$0xe];
	s1 =	spop (v2sf)  }
0x400: {  	v4 =	vsel vm6, s2, v4;
	s2 =	sadd.s32 s3, s14;
	(v2sf) =	vpush v3, $0x5;
	s19 =	spop (v2sf);
	s18 =	smulhi.u32 $0x2AAAAAAB, s1  }
0x401: {  	v9 =	vsel vm1, s6, v9;
	s22 =	sadd.s32 s22, s8;
	(v2sf) =	vpush v3, $0xF;
	s1 =	sshra.s32 s1, $0x1F;
	s6 =	smulhi.u32 $0x2AAAAAAB, s19  }
0x402: {  	v8 =	vsel vm1, s11, v8;
	s21 =	sshra.s32 s19, $0x1F;
	s12 =	spop (v2sf);
	s1 =	smul.u32 $0x2AAAAAAB, s1  }
0x403: {  	v8 =	vsel vm2, s29, v8;
	s14 =	sshrl.u32 s2, $0x1F;
	s25 =	smul.u32 $0x2AAAAAAB, s21;
	s29 =	spop (v2sf)  }
0x404: {  	s19 =	rddreg [dreg:$0x9];
	s23 =	sshra.s32 s12, $0x1F;
	s31 =	smulhi.u32 $0x2AAAAAAB, s29  }
0x405: {  	v9 =	vsel vm2, s0, v9;
	s26 =	sshra.s32 s2, $0x1F;
	s15 =	spop (v2sf);
	s0 =	smul.u32 $0x2AAAAAAB, s23  }
0x406: {  	v7 =	vcombine.low v9, v7;
	s11 =	sshra.s32 s29, $0x1F;
	s21 =	sadd.s32 s25, s6;
	s6 =	smulhi.u32 $0x2AAAAAAB, s12  }
0x407: {  	v6 =	vcombine.low v8, v6;
	s18 =	sadd.s32 s1, s18;
	s5 =	sshra.s32 s15, $0x1F;
	s15 =	smulhi.u32 $0x2AAAAAAB, s15  }
0x408: {  	v7 =	vperm.xlane v7, v1;
	s1 =	sshra.s32 s22, $0x1F;
	s24 =	spop (v2sf);
	s11 =	smul.u32 $0x2AAAAAAB, s11  }
0x409: {  	v6 =	vperm.xlane v6, v1;
	v5 =	vsel vm7, s4, v5;
	v4 =	vsel vm7, s19, v4;
	s25 =	sshra.s32 s24, $0x1F;
	s16 =	spop (v2sf);
	s23 =	smulhi.u32 $0x2AAAAAAB, s24  }
0x40a: {  	v5 =	vperm.xlane v5, v2;
	v4 =	vperm.xlane v4, v2;
	s24 =	sshra.s32 s21, $0x1F;
	s29 =	sshrl.u32 s21, $0x1F;
	s4 =	sshra.s32 s21, $0x4  }
0x40b: {  	s13 =	smul.u32 $0x2AAAAAAB, s5;
	s17 =	sshra.s32 s16, $0x1F;
	s19 =	spop (v2sf)  }
0x40c: {  	v5 =	vsel vm8, v5, v6;
	v4 =	vsel vm8, v4, v7;
	s25 =	smul.u32 $0x2AAAAAAB, s25;
	[dreg:$0x9] =	wrdreg s29;
	s29 =	sshra.s32 s2, $0x4  }
0x40d: {  	v4 =	vadd.s32 v4, v5;
	s5 =	sadd.s32 s0, s6;
	s2 =	sshra.s32 s10, $0x2;
	s16 =	smulhi.u32 $0x2AAAAAAB, s16  }
0x40e: {  	(v2sf) =	vpush v3, $0xA;
	s9 =	sshra.s32 s19, $0x1F;
	v4 =	vadd.s32 $0x24000, v4;
	s30 =	spop (v2sf);
	s6 =	smulhi.u32 $0x2AAAAAAB, s19  }
0x40f: {  	(v2sf) =	vpush v3, $0xB;
	s3 =	sshrl.u32 s5, $0x1F;
	s19 =	sshra.s32 s18, $0x4;
	[tilespmem:s7+$0x5A00] =	vst v4;
	s7 =	spop (v2sf)  }
0x410: {  	s15 =	sadd.s32 s13, s15;
	s17 =	smul.u32 $0x2AAAAAAB, s17;
	v4 =	vmov s24;
	s0 =	spop (v2sf);
	(v2sf) =	vpush v3, $0x6;
	v3 =	vld [tilespmem:s2+$0x1200]  }
.Ltmp16:
0x411: {  	s13 =	sshra.s32 s22, $0x4;
	s24 =	sshra.s32 s18, $0x1F;
	v4 =	vsel vm3, s19, v4;
	(pc) =	sbr.rel @p1 .LBB2_17-.Ltmp16, $4  }
0x412: {  	s21 =	sshra.s32 s30, $0x1F;
	s25 =	sadd.s32 s25, s23;
	s18 =	sshrl.u32 s18, $0x1F;
	v4 =	vsel vm9, s24, v4  }
0x413: {  	s28 =	sshra.s32 s15, $0x4;
	s15 =	sshrl.u32 s15, $0x1F;
	s30 =	smulhi.u32 $0x2AAAAAAB, s30;
	v5 =	vmov s18;
	v6 =	vsel vm0, s29, v4  }
0x414: {  	s19 =	sshra.s32 s5, $0x1F;
	s17 =	sadd.s32 s17, s16;
	v4 =	vnsel vm3, $0x0, v5;
	v5 =	vsel vm10, s26, v6;
	s26 =	smov.u32 s20  }
0x415: {  	s12 =	sshra.s32 s7, $0x1F;
	s10 =	smulhi.u32 $0x2AAAAAAB, s0;
	s8 =	sshra.s32 s0, $0x1F;
	(v2sf) =	vpush v3, $0x2  }
0x416: {  	(v2sf) =	vpush v3, $0x1  }
0x417: {  	(v2sf) =	vpush v3, $0x0  }
0x418: {  	(v2sf) =	vpush v3, $0x7;
	_ =	sdelay $0x1  }
0x419: {  	s26 =	smulhi.u32 $0x2AAAAAAB, s7  }
0x41a: {  	s21 =	smul.u32 $0x2AAAAAAB, s21  }
0x41b: {  	s20 =	smul.u32 $0x2AAAAAAB, s9;
	(v2sf) =	vpush v3, $0x3  }
0x41c: {  	s0 =	smul.u32 $0x2AAAAAAB, s12  }
0x41d: {  	s8 =	smul.u32 $0x2AAAAAAB, s8;
	(v2sf) =	vpush v3, $0x4;
	s29 =	spop (v2sf)  }
0x41e: {  	[smem:$0x78C] =	sst s0;
	(v2sf) =	vpush v3, $0xC;
	s9 =	sshra.s32 s29, $0x1F;
	s24 =	smulhi.u32 $0x2AAAAAAB, s29  }
0x41f: {  	(v2sf) =	vpush v3, $0x9;
	s18 =	spop (v2sf);
	s12 =	smul.u32 $0x2AAAAAAB, s9  }
0x420: {  	[smem:$0x78D] =	sst s8;
	s0 =	sshra.s32 s18, $0x1F;
	s18 =	smulhi.u32 $0x2AAAAAAB, s18  }
0x421: {  	s23 =	spop (v2sf);
	s16 =	smul.u32 $0x2AAAAAAB, s0  }
0x422: {  	[smem:$0x78F] =	sst s24;
	s29 =	smulhi.u32 $0x2AAAAAAB, s23  }
0x423: {  	[smem:$0x78E] =	sst s12;
	s24 =	spop (v2sf)  }
0x424: {  	s12 =	sshra.s32 s23, $0x1F;
	[smem:$0x790] =	sst s29;
	s29 =	spop (v2sf)  }
0x425: {  	s23 =	smul.u32 $0x2AAAAAAB, s12;
	s0 =	sshra.s32 s29, $0x1F;
	s9 =	spop (v2sf)  }
0x426: {  	s18 =	sadd.s32 s16, s18;
	s7 =	smul.u32 $0x2AAAAAAB, s0;
	s8 =	spop (v2sf)  }
0x427: {  	[smem:$0x7A0] =	sst s18;
	s12 =	sshra.s32 s8, $0x1F;
	s0 =	smulhi.u32 $0x2AAAAAAB, s8  }
0x428: {  	(v2sf) =	vpush v3, $0xD;
	[smem:$0x793] =	sst s7;
	s7 =	smul.u32 $0x2AAAAAAB, s12  }
0x429: {  	s8 =	smulhi.u32 $0x2AAAAAAB, s29;
	[smem:$0x791] =	sst s0  }
0x42a: {  	[smem:$0x792] =	sst s7;
	s7 =	spop (v2sf)  }
0x42b: {  	[smem:$0x794] =	sst s8;
	s12 =	sshra.s32 s7, $0x1F;
	s7 =	smulhi.u32 $0x2AAAAAAB, s7  }
0x42c: {  	s29 =	spop (v2sf);
	s0 =	smul.u32 $0x2AAAAAAB, s12  }
0x42d: {  	[smem:$0x7A2] =	sst s29;
	s8 =	spop (v2sf)  }
0x42e: {  	[smem:$0x795] =	sst s0;
	s0 =	spop (v2sf)  }
0x42f: {  	(v2sf) =	vpush v3, $0x8;
	[smem:$0x796] =	sst s7;
	s29 =	smulhi.u32 $0x2AAAAAAB, s0  }
0x430: {  	(v2sf) =	vpush v3, $0xE;
	s12 =	smulhi.u32 $0x2AAAAAAB, s24;
	s24 =	sshra.s32 s24, $0x1F;
	s7 =	sld [smem:$0x78C]  }
0x431: {  	s0 =	sshra.s32 s0, $0x1F;
	[smem:$0x79C] =	sst s29;
	s29 =	smul.u32 $0x2AAAAAAB, s24  }
0x432: {  	[smem:$0x798] =	sst s12;
	s0 =	smul.u32 $0x2AAAAAAB, s0  }
0x433: {  	[smem:$0x799] =	sst s29;
	s29 =	smulhi.u32 $0x2AAAAAAB, s9  }
0x434: {  	s12 =	sshra.s32 s8, $0x1F;
	[smem:$0x79D] =	sst s0;
	s9 =	sshra.s32 s9, $0x1F  }
0x435: {  	[smem:$0x797] =	sst s29;
	s29 =	sadd.s32 s21, s30;
	s30 =	smul.u32 $0x2AAAAAAB, s12  }
0x436: {  	s21 =	smul.u32 $0x2AAAAAAB, s9;
	s9 =	sld [smem:$0x78D]  }
0x437: {  	s24 =	spop (v2sf);
	s12 =	sadd.s32 s7, s26;
	[smem:$0x79A] =	sst s30  }
0x438: {  	(v2sf) =	vpush v3, $0x5;
	s26 =	sshra.s32 s24, $0x1F;
	s30 =	smulhi.u32 $0x2AAAAAAB, s24;
	s24 =	sld [smem:$0x790]  }
0x439: {  	s0 =	sadd.s32 s9, s10;
	s9 =	sld [smem:$0x78E]  }
0x43a: {  	(v2sf) =	vpush v3, $0xF;
	s10 =	smulhi.u32 $0x2AAAAAAB, s8;
	s8 =	sld [smem:$0x793]  }
0x43b: {  	[smem:$0x7A1] =	sst s0  }
0x43c: {  	s5 =	sshra.s32 s5, $0x4;
	s22 =	sshrl.u32 s22, $0x1F;
	[smem:$0x79E] =	sst s30  }
0x43d: {  	s20 =	sadd.s32 s20, s6;
	s26 =	smul.u32 $0x2AAAAAAB, s26;
	[smem:$0x79B] =	sst s10  }
0x43e: {  	s7 =	sadd.s32 s11, s31;
	s0 =	spop (v2sf);
	s10 =	sld [smem:$0x78F]  }
0x43f: {  	v5 =	vsel vm1, s13, v5;
	s13 =	sshra.s32 s7, $0x4;
	s30 =	sld [smem:$0x791];
	s31 =	spop (v2sf)  }
0x440: {  	s18 =	smulhi.u32 $0x2AAAAAAB, s31;
	s11 =	sshra.s32 s31, $0x1F;
	s31 =	sld [smem:$0x792]  }
0x441: {  	v4 =	vsel vm0, s14, v4;
	s14 =	sshra.s32 s7, $0x1F;
	s6 =	sadd.s32 s9, s10;
	s9 =	sld [smem:$0x794]  }
0x442: {  	s7 =	sshrl.u32 s7, $0x1F;
	s10 =	smul.u32 $0x2AAAAAAB, s11;
	s11 =	sld [smem:$0x795]  }
0x443: {  	v6 =	vmov s28;
	v7 =	vmov s15;
	s15 =	sshra.s32 s12, $0x4;
	s28 =	sshrl.u32 s12, $0x1F;
	[smem:$0x79F] =	sst s6  }
0x444: {  	s23 =	sadd.s32 s23, s24;
	s6 =	sadd.s32 s31, s30;
	s30 =	sld [smem:$0x796]  }
0x445: {  	s16 =	smulhi.u32 $0x2AAAAAAB, s0;
	s0 =	sshra.s32 s0, $0x1F;
	s31 =	sld [smem:$0x797]  }
0x446: {  	[smem:$0x7A4] =	sst s6;
	s24 =	sadd.s32 s8, s9;
	s9 =	smul.u32 $0x2AAAAAAB, s0  }
0x447: {  	s0 =	spop (v2sf);
	s6 =	sadd.s32 s11, s30;
	s11 =	sld [smem:$0x798]  }
0x448: {  	s18 =	sadd.s32 s10, s18;
	s8 =	smulhi.u32 $0x2AAAAAAB, s0;
	s30 =	sld [smem:$0x799]  }
0x449: {  	s31 =	sadd.s32 s21, s31;
	[smem:$0x7A5] =	sst s6;
	s6 =	spop (v2sf)  }
0x44a: {  	s0 =	sshra.s32 s0, $0x1F;
	s21 =	smulhi.u32 $0x2AAAAAAB, s6;
	s6 =	sshra.s32 s6, $0x1F  }
0x44b: {  	s11 =	sadd.s32 s30, s11;
	s30 =	sld [smem:$0x79B];
	s6 =	smul.u32 $0x2AAAAAAB, s6  }
0x44c: {  	s0 =	smul.u32 $0x2AAAAAAB, s0;
	s10 =	sadd.s32 s9, s16;
	[smem:$0x7A6] =	sst s11  }
0x44d: {  	s16 =	sshra.s32 s25, $0x4;
	s11 =	sld [smem:$0x79A];
	s21 =	sadd.s32 s6, s21  }
0x44e: {  	(v2sf) =	vpush v3, $0xA;
	s9 =	sadd.s32 s0, s8;
	s8 =	sshrl.u32 s25, $0x1F;
	[dreg:$0x1f] =	wrdreg s21  }
0x44f: {  	v5 =	vsel vm11, s1, v5;
	(v2sf) =	vpush v3, $0xB;
	s25 =	sshrl.u32 s29, $0x1F;
	s21 =	sshra.s32 s29, $0x4;
	s29 =	sld [smem:$0x79F]  }
0x450: {  	v4 =	vsel vm1, s22, v4;
	v5 =	vsel vm2, s5, v5;
	s12 =	sshra.s32 s12, $0x1F;
	s11 =	sadd.s32 s11, s30;
	s30 =	sld [smem:$0x79D]  }
0x451: {  	v4 =	vsel vm2, s3, v4;
	v5 =	vsel vm12, s19, v5;
	s19 =	sshra.s32 s23, $0x4;
	s22 =	sshrl.u32 s23, $0x1F;
	[smem:$0x7A3] =	sst s11  }
0x452: {  	v5 =	vsel vm4, s13, v5;
	v4 =	vsel vm4, s7, v4;
	s7 =	sshra.s32 s24, $0x1F;
	s6 =	sshra.s32 s17, $0x4;
	s11 =	sld [smem:$0x79C]  }
0x453: {  	v5 =	vsel vm13, s14, v5;
	v6 =	vsel vm0, s6, v6;
	s0 =	sshra.s32 s29, $0x4;
	s1 =	sshrl.u32 s29, $0x1F;
	s29 =	sld [smem:$0x7A2]  }
0x454: {  	v4 =	vsel vm5, s28, v4;
	v5 =	vsel vm5, s15, v5;
	s15 =	sshra.s32 s31, $0x1F;
	v6 =	vsel vm1, s21, v6;
	s21 =	sshra.s32 s23, $0x1F;
	s28 =	sld [smem:$0x7A3]  }
0x455: {  	s23 =	sshrl.u32 s31, $0x1F;
	s11 =	sadd.s32 s30, s11;
	s30 =	sld [smem:$0x79E]  }
0x456: {  	[smem:$0x7A7] =	sst s11;
	s11 =	sshra.s32 s20, $0x4;
	s20 =	sshrl.u32 s20, $0x1F  }
0x457: {  	(v2sf) =	vpush v3, $0x6;
	s3 =	smulhi.u32 $0x2AAAAAAB, s29;
	s13 =	sshra.s32 s29, $0x1F;
	v3 =	vmov s11;
	v8 =	vmov s20;
	s20 =	sshrl.u32 s24, $0x1F  }
0x458: {  	s26 =	sadd.s32 s26, s30;
	s30 =	sshrl.u32 s17, $0x1F;
	v3 =	vsel vm0, s16, v3;
	s16 =	sld [smem:$0x7A1]  }
0x459: {  	v8 =	vsel vm0, s8, v8;
	s8 =	sshra.s32 s24, $0x4;
	s24 =	sshra.s32 s28, $0x4;
	v7 =	vsel vm0, s30, v7;
	s30 =	sld [smem:$0x7A0]  }
0x45a: {  	v5 =	vsel vm14, s12, v5;
	v3 =	vsel vm1, s0, v3;
	s0 =	sshrl.u32 s28, $0x1F;
	v8 =	vsel vm1, s1, v8;
	s1 =	sshrl.u32 s26, $0x1F;
	s12 =	sshra.s32 s26, $0x4  }
0x45b: {  	v11 =	vmov s24;
	s24 =	sshra.s32 s18, $0x4;
	v7 =	vsel vm1, s25, v7;
	s25 =	sld [smem:$0x7A4];
	s6 =	sshrl.u32 s16, $0x1F  }
0x45c: {  	s16 =	sshra.s32 s16, $0x4;
	s17 =	sshra.s32 s30, $0x4;
	s5 =	sshrl.u32 s30, $0x1F  }
0x45d: {  	v5 =	vsel vm6, s19, v5;
	s30 =	sshra.s32 s31, $0x4;
	v7 =	vsel vm2, s6, v7;
	s6 =	smul.u32 $0x2AAAAAAB, s13;
	s13 =	spop (v2sf)  }
0x45e: {  	v5 =	vsel vm15, s21, v5;
	v10 =	vmov s23;
	s31 =	sld [smem:$0x7A6];
	s29 =	sshra.s32 s25, $0x1F;
	v3 =	vsel vm2, s17, v3;
	s17 =	spop (v2sf)  }
0x45f: {  	v4 =	vsel vm6, s22, v4;
	v5 =	vsel vm7, s4, v5;
	v10 =	vnsel vm3, $0x0, v10;
	s26 =	sshra.s32 s13, $0x1F;
	s13 =	smulhi.u32 $0x2AAAAAAB, s13;
	s21 =	sshra.s32 s17, $0x1F  }
0x460: {  	v5 =	vperm.xlane v5, v2;
	v10 =	vsel vm0, s20, v10;
	v9 =	vmov s29;
	s28 =	smul.u32 $0x2AAAAAAB, s26;
	s29 =	sld [smem:$0x7A7];
	s23 =	sadd.s32 s6, s3  }
0x461: {  	v12 =	vmov s0;
	v8 =	vsel vm2, s5, v8;
	s26 =	smulhi.u32 $0x2AAAAAAB, s17;
	v9 =	vsel vm3, s30, v9;
	s30 =	sld [smem:$0x7A5];
	s11 =	sshra.s32 s31, $0x4  }
0x462: {  	v11 =	vsel vm0, s12, v11;
	v6 =	vsel vm2, s16, v6;
	v7 =	vcombine.low v8, v7;
	s22 =	smov.u32 s31;
	s12 =	sshra.s32 s23, $0x4;
	s0 =	sshrl.u32 s23, $0x1F  }
0x463: {  	v12 =	vsel vm0, s1, v12;
	v3 =	vcombine.low v3, v6;
	v9 =	vsel vm9, s15, v9;
	s15 =	sshra.s32 s31, $0x1F;
	s31 =	rddreg [dreg:$0x9];
	s28 =	sadd.s32 s28, s13  }
0x464: {  	v11 =	vsel vm1, s24, v11;
	s13 =	sshrl.u32 s18, $0x1F;
	s18 =	rddreg [dreg:$0x1f];
	v7 =	vperm.xlane v7, v1;
	v9 =	vsel vm0, s8, v9;
	s8 =	smul.u32 $0x2AAAAAAB, s21  }
0x465: {  	v3 =	vperm.xlane v3, v1;
	s21 =	sshra.s32 s29, $0x4;
	v12 =	vsel vm1, s13, v12;
	s19 =	sshrl.u32 s18, $0x1F;
	s14 =	sshrl.u32 s30, $0x1F;
	v9 =	vsel vm10, s7, v9  }
0x466: {  	v4 =	vsel vm7, s31, v4;
	s16 =	sshra.s32 s30, $0x1F;
	s5 =	sshra.s32 s30, $0x4;
	s30 =	sshra.s32 s10, $0x4;
	v12 =	vsel vm2, s19, v12;
	v9 =	vsel vm1, s11, v9  }
0x467: {  	s17 =	sshra.s32 s28, $0x4;
	s1 =	sshrl.u32 s28, $0x1F;
	s10 =	sshrl.u32 s10, $0x1F;
	v4 =	vperm.xlane v4, v2;
	v13 =	vmov s30;
	v9 =	vsel vm11, s15, v9  }
0x468: {  	s7 =	sshrl.u32 s29, $0x1F;
	s29 =	spop (v2sf);
	s30 =	sshrl.u32 s22, $0x1F;
	v14 =	vmov s10;
	v13 =	vsel vm0, s21, v13;
	v9 =	vsel vm2, s5, v9  }
0x469: {  	s31 =	sadd.s32 s8, s26;
	s6 =	smulhi.u32 $0x2AAAAAAB, s29;
	s4 =	sshra.s32 s29, $0x1F;
	v10 =	vsel vm1, s30, v10;
	v14 =	vsel vm0, s7, v14;
	v9 =	vsel vm12, s16, v9  }
0x46a: {  	s4 =	smul.u32 $0x2AAAAAAB, s4;
	s15 =	sshra.s32 s23, $0x1F;
	s23 =	sshra.s32 s18, $0x4;
	v10 =	vsel vm2, s14, v10;
	v13 =	vsel vm1, s17, v13;
	v9 =	vsel vm4, s12, v9  }
0x46b: {  	s20 =	sshra.s32 s9, $0x1F;
	s11 =	sshra.s32 s9, $0x4;
	s21 =	sshra.s32 s31, $0x4;
	v14 =	vsel vm1, s1, v14;
	v11 =	vsel vm2, s23, v11;
	v9 =	vsel vm13, s15, v9  }
0x46c: {  	s22 =	sshrl.u32 s31, $0x1F;
	v10 =	vsel vm4, s0, v10;
	s16 =	sshrl.u32 s9, $0x1F;
	s4 =	sadd.s32 s4, s6;
	v13 =	vsel vm2, s21, v13;
	v9 =	vsel vm5, s11, v9  }
0x46d: {  	v14 =	vsel vm2, s22, v14;
	v10 =	vsel vm5, s16, v10;
	s24 =	sshra.s32 s4, $0x4;
	s28 =	sshrl.u32 s4, $0x1F;
	v9 =	vsel vm14, s20, v9  }
0x46e: {  	s29 =	sshrl.u32 s25, $0x1F;
	s26 =	sshra.s32 s4, $0x1F;
	v60 =	vcombine.low v14, v12;
	v10 =	vsel vm6, s28, v10;
	v59 =	vsel vm6, s24, v9  }
0x46f: {  	s30 =	sshra.s32 s25, $0x4;
	v61 =	vcombine.low v13, v11;
	v10 =	vsel vm7, s29, v10;
	v6 =	vsel vm15, s26, v59  }
0x470: {  	v8 =	vperm.xlane v60, v1;
	v10 =	vperm.xlane v10, v2;
	v6 =	vsel vm7, s30, v6  }
0x471: {  	v9 =	vperm.xlane v61, v1;
	v6 =	vperm.xlane v6, v2  }
0x472: {  	v3 =	vsel vm8, v5, v3;
	v4 =	vsel vm8, v4, v7  }
0x473: {  	v3 =	vadd.s32 v4, v3;
	v62 =	vsel vm8, v10, v8;
	v63 =	vsel vm8, v6, v9  }
0x474: {  	s31 =	rddreg [dreg:$0x6];
	v3 =	vadd.s32 $0x24000, v3;
	v4 =	vadd.s32 v62, v63  }
0x475: {  	[tilespmem:s31+$0x5A00] =	vst v3;
	v3 =	vadd.s32 $0x24000, v4  }
0x476: {  	[tilespmem:s2+$0x5A00] =	vst v3  }
.LBB2_19:
0x477: {  	s8 =	rddreg [dreg:$0x1d]  }
0x478: {  	s3 =	rddreg [dreg:$0x12];
	s0 =	sshll.u32 s8, $0x1  }
0x479: {  	s0 =	sor.u32 s3, s0  }
0x47a: {  	s1 =	smulhi.u32 $0x2AAAAAAB, s0  }
0x47b: {  	s5 =	simm.s32 $0x3  }
0x47c: {  	s28 =	stileid.u32;
	s2 =	smulhi.u32 $0xAAAAAAAB, s8;
	s1 =	sshrl.u32 s1, $0x3  }
0x47d: {  	s6 =	simm.s32 $0x80;
	_ =	swait.ge [sflag:s5], $0x1200;
	s1 =	smul.u32 $0x30, s1  }
0x47e: {  	s7 =	simm.s32 $0x1;
	s4 =	rddreg [dreg:$0x1b];
	s2 =	sshrl.u32 s2, $0x4  }
0x47f: {  	[sflag:s5] =	ssyncset.done $0x0;
	s2 =	smul.u32 $0xD80000, s2;
	s0 =	ssub.s32 s0, s1  }
0x480: {  	[sflag:s5] =	ssyncadd.s32 $0xFFFFEE00;
	s1 =	sshrl.u32 s0, $0x2;
	s0 =	sshll.u32 s0, $0x8  }
0x481: {  	s2 =	sadd.s32 s2, s4;
	s1 =	smul.u32 $0x120000, s1;
	s0 =	sand.u32 $0x100, s0  }
0x482: {  	s31 =	simm.s32 $0x10;
	[bflag:$0x0] =	sbarrier.arrive $0xFFFF;
	s0 =	sor.u32 s0, s2  }
0x483: {  	p1 =	seq.s32 s8, $0x0;
	s29 =	rddreg [dreg:$0x11];
	s0 =	sadd.s32 s1, s0  }
0x484: {  	s30 =	rddreg [dreg:$0x15];
	s1 =	sshll.u32 s28, $0x6;
	s0 =	sshrl.u32 s0, $0x3  }
0x485: {  	s2 =	sshrl.u32 s30, $0x3;
	s1 =	sor.u32 $0x1C04, s1;
	s0 =	sadd.s32 s29, s0  }
0x486: {  	[hbm:s0@s6], [sflag:s1] =	dma.strided [spmem:s2@s31], $0x900, s7, $0x10   }
0x487: {  	s0 =	simm.s32 @!p1 $0x5  }
0x488: {  	_ =	swait.ge @!p1 [sflag:s0], $0x900  }
.Ltmp17:
0x489: {  	[sflag:s0] =	ssyncset.done @!p1 $0x0;
	(pc) =	sbr.rel .LBB2_28-.Ltmp17, $4  }
0x48a: {  	s1 =	rddreg [dreg:$0x16];
	[sflag:s0] =	ssyncadd.s32 @!p1 $0xFFFFF700;
	s0 =	simm.s32 @!p1 $0x6C00  }
0x48b: {  	[spmem:s1] =	stream.linear.scatter @!p1 [tilespmem:s0], [sflag:$0x7], $0x4800, $0x38;
	[tilespmem:$0x14400] =	vst v63  }
0x48c: {  	s0 =	simm.s32 @!p1 $0x2400;
	s1 =	simm.s32 @!p1 $0x0  }
0x48d: {  	s1 =	simm.s32 @p1 $0x0;
	s0 =	simm.s32 @p1 $0x2400  }
.LBB2_24:
0x48e: {  	s1 =	simm.s32 $0x0  }
0x48f: {  	v4 =	vld [tilespmem:s1+$0x0];
	_ =	sdelay $0x4  }
0x490: {  	(v2sf) =	vpush v4, $0x2  }
0x491: {  	(v2sf) =	vpush v4, $0x1  }
0x492: {  	(v2sf) =	vpush v4, $0x0  }
0x493: {  	(v2sf) =	vpush v4, $0x7;
	_ =	sdelay $0x3  }
0x494: {  	(v2sf) =	vpush v4, $0x3  }
0x495: {  	(v2sf) =	vpush v4, $0x4;
	_ =	sdelay $0x1  }
0x496: {  	(v2sf) =	vpush v4, $0xC;
	_ =	sdelay $0x2  }
0x497: {  	(v2sf) =	vpush v4, $0x9  }
0x498: {  	(v2sf) =	vpush v4, $0xD  }
0x499: {  	(v2sf) =	vpush v4, $0x8;
	s23 =	spop (v2sf)  }
0x49a: {  	(v2sf) =	vpush v4, $0xE;
	s24 =	spop (v2sf);
	s13 =	smulhi.u32 $0x2AAAAAAB, s23  }
0x49b: {  	s7 =	sshra.s32 s23, $0x1F;
	s3 =	spop (v2sf);
	(v2sf) =	vpush v4, $0x5;
	s1 =	smulhi.u32 $0x2AAAAAAB, s24  }
0x49c: {  	s2 =	sshra.s32 s24, $0x1F;
	s18 =	smul.u32 $0x2AAAAAAB, s7;
	s4 =	spop (v2sf);
	(v2sf) =	vpush v4, $0xF  }
0x49d: {  	s0 =	simm.s32 $0x0;
	s2 =	smul.u32 $0x2AAAAAAB, s2  }
0x49e: {  	[dreg:$0x7] =	wrdreg s0;
	s17 =	smulhi.u32 $0x2AAAAAAB, s3  }
0x49f: {  	s3 =	sshra.s32 s3, $0x1F;
	s5 =	sshra.s32 s4, $0x1F;
	s4 =	smulhi.u32 $0x2AAAAAAB, s4  }
0x4a0: {  	s6 =	spop (v2sf);
	s3 =	smul.u32 $0x2AAAAAAB, s3  }
0x4a1: {  	s26 =	simm.s32 $0x80;
	s5 =	smul.u32 $0x2AAAAAAB, s5;
	s8 =	spop (v2sf)  }
0x4a2: {  	s9 =	sshra.s32 s6, $0x1F;
	s1 =	sadd.s32 s2, s1;
	s6 =	smulhi.u32 $0x2AAAAAAB, s6  }
0x4a3: {  	s2 =	simm.s32 $0x10;
	s10 =	spop (v2sf);
	s31 =	smulhi.u32 $0x2AAAAAAB, s8  }
0x4a4: {  	s16 =	sshra.s32 s8, $0x1F;
	s29 =	smul.u32 $0x2AAAAAAB, s9;
	s14 =	sshrl.u32 s1, $0x1F  }
0x4a5: {  	s0 =	sshra.s32 s1, $0x1F;
	s28 =	sshra.s32 s1, $0x4;
	s11 =	sshra.s32 s10, $0x1F  }
0x4a6: {  	s4 =	sadd.s32 s5, s4;
	s25 =	spop (v2sf);
	s10 =	smulhi.u32 $0x2AAAAAAB, s10  }
0x4a7: {  	s8 =	spop (v2sf);
	s12 =	sshra.s32 s25, $0x1F;
	s20 =	smulhi.u32 $0x2AAAAAAB, s25  }
0x4a8: {  	s23 =	sshra.s32 s4, $0x1F;
	s25 =	smul.u32 $0x2AAAAAAB, s11;
	s19 =	spop (v2sf)  }
0x4a9: {  	s22 =	sshrl.u32 s4, $0x1F;
	s11 =	smul.u32 $0x2AAAAAAB, s16;
	s30 =	spop (v2sf)  }
0x4aa: {  	s4 =	sshra.s32 s4, $0x4;
	s24 =	smul.u32 $0x2AAAAAAB, s12;
	s7 =	spop (v2sf)  }
0x4ab: {  	[dreg:$0xa] =	wrdreg s22;
	s22 =	sadd.s32 s18, s13;
	s18 =	spop (v2sf);
	(v2sf) =	vpush v4, $0xA  }
0x4ac: {  	s5 =	sadd.s32 s29, s6;
	s15 =	sshra.s32 s8, $0x1F;
	s8 =	smulhi.u32 $0x2AAAAAAB, s8;
	(v2sf) =	vpush v4, $0xB  }
0x4ad: {  	s29 =	sadd.s32 s3, s17;
	s3 =	sshrl.u32 s5, $0x1F;
	s6 =	smulhi.u32 $0x2AAAAAAB, s19  }
0x4ae: {  	v3 =	vld [tilespmem:s2+$0x0];
	s9 =	sshra.s32 s19, $0x1F;
	s19 =	sadd.s32 s25, s10;
	s17 =	smul.u32 $0x2AAAAAAB, s15  }
0x4af: {  	v5 =	vmov s23;
	s13 =	sshra.s32 s22, $0x4;
	s25 =	sadd.s32 s24, s20;
	s20 =	sshra.s32 s29, $0x4  }
0x4b0: {  	s1 =	sshra.s32 s22, $0x1F;
	s24 =	sshra.s32 s29, $0x1F;
	s29 =	sshrl.u32 s29, $0x1F;
	v5 =	vsel vm3, s20, v5;
	(v2sf) =	vpush v4, $0x6  }
0x4b1: {  	s15 =	sshrl.u32 s19, $0x1F;
	v5 =	vsel vm9, s24, v5;
	s21 =	sshra.s32 s30, $0x1F;
	s30 =	smulhi.u32 $0x2AAAAAAB, s30  }
0x4b2: {  	s17 =	sadd.s32 s17, s8;
	v6 =	vmov s29;
	s12 =	sshra.s32 s7, $0x1F;
	s10 =	smulhi.u32 $0x2AAAAAAB, s18;
	v4 =	vsel vm0, s28, v5  }
0x4b3: {  	s8 =	sshra.s32 s18, $0x1F;
	s28 =	sshra.s32 s19, $0x4;
	s19 =	sshra.s32 s5, $0x1F;
	v5 =	vsel vm10, s0, v4;
	(v2sf) =	vpush v3, $0x2;
	v4 =	vnsel vm3, $0x0, v6  }
.LBB2_25:
0x4b4: {  	s16 =	sshrl.u32 s17, $0x1F;
	s20 =	smulhi.u32 $0x2AAAAAAB, s7  }
0x4b5: {  	s0 =	smov.u32 s26;
	s24 =	rddreg [dreg:$0x7];
	s9 =	smul.u32 $0x2AAAAAAB, s9  }
0x4b6: {  	s29 =	smov.u32 s2;
	s17 =	sshra.s32 s17, $0x4;
	s12 =	smul.u32 $0x2AAAAAAB, s12  }
0x4b7: {  	s5 =	sshra.s32 s5, $0x4;
	s8 =	smul.u32 $0x2AAAAAAB, s8;
	s11 =	sadd.s32 s11, s31  }
0x4b8: {  	p1 =	sne.s32 s26, $0x47C0;
	[dreg:$0xd] =	wrdreg s0;
	s7 =	smov.u32 s24  }
0x4b9: {  	(v2sf) =	vpush v3, $0x1;
	[dreg:$0x7] =	wrdreg s29;
	s0 =	smul.u32 $0x2AAAAAAB, s21;
	s24 =	sshrl.u32 s25, $0x1F  }
0x4ba: {  	s23 =	spop (v2sf);
	s6 =	sadd.s32 s9, s6;
	s9 =	sadd.s32 s12, s20  }
0x4bb: {  	v5 =	vsel vm1, s13, v5;
	(v2sf) =	vpush v3, $0x0;
	s8 =	sadd.s32 s8, s10;
	s21 =	spop (v2sf);
	s18 =	sshra.s32 s23, $0x1F  }
0x4bc: {  	v5 =	vsel vm11, s1, v5;
	(v2sf) =	vpush v3, $0x7;
	s2 =	sadd.s32 s0, s30;
	s20 =	sshra.s32 s6, $0x4;
	s12 =	sshra.s32 s9, $0x4  }
0x4bd: {  	v5 =	vsel vm2, s5, v5;
	s6 =	sshrl.u32 s6, $0x1F;
	s5 =	sshrl.u32 s9, $0x1F;
	s9 =	sshra.s32 s9, $0x1F;
	(v2sf) =	vpush v3, $0x3  }
0x4be: {  	v6 =	vmov s28;
	v7 =	vmov s15;
	s29 =	sshra.s32 s21, $0x1F;
	s13 =	smul.u32 $0x2AAAAAAB, s18;
	s15 =	sshra.s32 s2, $0x4  }
0x4bf: {  	v7 =	vsel vm0, s16, v7;
	v6 =	vsel vm0, s17, v6;
	s2 =	sshrl.u32 s2, $0x1F;
	s16 =	smulhi.u32 $0x2AAAAAAB, s21;
	s17 =	spop (v2sf);
	(v2sf) =	vpush v3, $0x4  }
0x4c0: {  	v8 =	vmov s20;
	s18 =	sshrl.u32 s8, $0x1F;
	s20 =	smulhi.u32 $0x2AAAAAAB, s23;
	s21 =	sshrl.u32 s22, $0x1F  }
0x4c1: {  	v9 =	vmov s6;
	s23 =	sshra.s32 s11, $0x4;
	s8 =	sshra.s32 s8, $0x4;
	s0 =	smul.u32 $0x2AAAAAAB, s29;
	(v2sf) =	vpush v3, $0xC  }
0x4c2: {  	v5 =	vsel vm12, s19, v5;
	s22 =	smulhi.u32 $0x2AAAAAAB, s17;
	v9 =	vsel vm0, s24, v9;
	s24 =	sshra.s32 s11, $0x1F;
	s1 =	sshra.s32 s17, $0x1F  }
0x4c3: {  	v5 =	vsel vm4, s23, v5;
	s6 =	sadd.s32 s13, s20;
	s0 =	sadd.s32 s0, s16;
	s16 =	smul.u32 $0x2AAAAAAB, s1  }
0x4c4: {  	s29 =	sshra.s32 s25, $0x4;
	v7 =	vsel vm1, s2, v7;
	s25 =	sshrl.u32 s11, $0x1F;
	v5 =	vsel vm13, s24, v5;
	(v2sf) =	vpush v3, $0x9;
	s11 =	sshra.s32 s6, $0x4  }
0x4c5: {  	v8 =	vsel vm0, s29, v8;
	v5 =	vsel vm5, s12, v5;
	s6 =	sshrl.u32 s6, $0x1F;
	(v2sf) =	vpush v3, $0xD;
	s29 =	sshra.s32 s0, $0x4;
	s2 =	sadd.s32 s16, s22  }
0x4c6: {  	v6 =	vsel vm1, s15, v6;
	v5 =	vsel vm14, s9, v5;
	s0 =	sshrl.u32 s0, $0x1F;
	s13 =	spop (v2sf);
	s20 =	sshra.s32 s2, $0x4  }
0x4c7: {  	v6 =	vsel vm2, s8, v6;
	(v2sf) =	vpush v3, $0x8;
	s10 =	sshra.s32 s13, $0x1F;
	s22 =	sshra.s32 s2, $0x1F;
	s8 =	smulhi.u32 $0x2AAAAAAB, s13;
	v5 =	vsel vm6, s20, v5  }
0x4c8: {  	v4 =	vsel vm0, s14, v4;
	s2 =	sshrl.u32 s2, $0x1F;
	v5 =	vsel vm15, s22, v5;
	s22 =	smul.u32 $0x2AAAAAAB, s10;
	s17 =	spop (v2sf)  }
0x4c9: {  	v4 =	vsel vm1, s21, v4;
	v7 =	vsel vm2, s18, v7;
	s10 =	rddreg [dreg:$0xd];
	s18 =	sshra.s32 s17, $0x1F;
	s14 =	smulhi.u32 $0x2AAAAAAB, s17  }
0x4ca: {  	v4 =	vsel vm2, s3, v4;
	(v2sf) =	vpush v3, $0xE;
	s20 =	sadd.s32 $0x40, s26;
	s1 =	spop (v2sf);
	s3 =	smul.u32 $0x2AAAAAAB, s18  }
0x4cb: {  	s22 =	sadd.s32 s22, s8;
	(v2sf) =	vpush v3, $0x5;
	s19 =	spop (v2sf);
	s18 =	smulhi.u32 $0x2AAAAAAB, s1  }
0x4cc: {  	v4 =	vsel vm4, s25, v4;
	v9 =	vsel vm1, s6, v9;
	(v2sf) =	vpush v3, $0xF;
	s1 =	sshra.s32 s1, $0x1F;
	s6 =	smulhi.u32 $0x2AAAAAAB, s19;
	s12 =	spop (v2sf)  }
0x4cd: {  	v4 =	vsel vm5, s5, v4;
	v8 =	vsel vm1, s11, v8;
	s21 =	sshra.s32 s19, $0x1F;
	s19 =	rddreg [dreg:$0xa];
	s1 =	smul.u32 $0x2AAAAAAB, s1  }
0x4ce: {  	v8 =	vsel vm2, s29, v8;
	v4 =	vsel vm6, s2, v4;
	s2 =	sadd.s32 s3, s14;
	s25 =	smul.u32 $0x2AAAAAAB, s21;
	s29 =	spop (v2sf)  }
0x4cf: {  	s23 =	sshra.s32 s12, $0x1F;
	s14 =	sshrl.u32 s2, $0x1F;
	s31 =	smulhi.u32 $0x2AAAAAAB, s29  }
0x4d0: {  	v9 =	vsel vm2, s0, v9;
	s26 =	sshra.s32 s2, $0x1F;
	s15 =	spop (v2sf);
	s0 =	smul.u32 $0x2AAAAAAB, s23  }
0x4d1: {  	v7 =	vcombine.low v9, v7;
	s11 =	sshra.s32 s29, $0x1F;
	s21 =	sadd.s32 s25, s6;
	s6 =	smulhi.u32 $0x2AAAAAAB, s12  }
0x4d2: {  	v6 =	vcombine.low v8, v6;
	s18 =	sadd.s32 s1, s18;
	s5 =	sshra.s32 s15, $0x1F;
	s15 =	smulhi.u32 $0x2AAAAAAB, s15  }
0x4d3: {  	v7 =	vperm.xlane v7, v1;
	s1 =	sshra.s32 s22, $0x1F;
	s24 =	spop (v2sf);
	s11 =	smul.u32 $0x2AAAAAAB, s11  }
0x4d4: {  	v6 =	vperm.xlane v6, v1;
	v5 =	vsel vm7, s4, v5;
	v4 =	vsel vm7, s19, v4;
	s25 =	sshra.s32 s24, $0x1F;
	s16 =	spop (v2sf);
	s23 =	smulhi.u32 $0x2AAAAAAB, s24  }
0x4d5: {  	v5 =	vperm.xlane v5, v2;
	v4 =	vperm.xlane v4, v2;
	s24 =	sshra.s32 s21, $0x1F;
	s29 =	sshrl.u32 s21, $0x1F;
	s4 =	sshra.s32 s21, $0x4  }
0x4d6: {  	s13 =	smul.u32 $0x2AAAAAAB, s5;
	s17 =	sshra.s32 s16, $0x1F;
	s19 =	spop (v2sf)  }
0x4d7: {  	v5 =	vsel vm8, v5, v6;
	v4 =	vsel vm8, v4, v7;
	s25 =	smul.u32 $0x2AAAAAAB, s25;
	[dreg:$0xa] =	wrdreg s29;
	s29 =	sshra.s32 s2, $0x4  }
0x4d8: {  	v4 =	vadd.s32 v4, v5;
	s5 =	sadd.s32 s0, s6;
	s2 =	sshra.s32 s10, $0x2;
	s16 =	smulhi.u32 $0x2AAAAAAB, s16  }
0x4d9: {  	(v2sf) =	vpush v3, $0xA;
	s9 =	sshra.s32 s19, $0x1F;
	v4 =	vadd.s32 $0x24000, v4;
	s30 =	spop (v2sf);
	s6 =	smulhi.u32 $0x2AAAAAAB, s19  }
0x4da: {  	(v2sf) =	vpush v3, $0xB;
	s3 =	sshrl.u32 s5, $0x1F;
	s19 =	sshra.s32 s18, $0x4;
	[tilespmem:s7+$0x4800] =	vst v4;
	s7 =	spop (v2sf)  }
0x4db: {  	s15 =	sadd.s32 s13, s15;
	s17 =	smul.u32 $0x2AAAAAAB, s17;
	v4 =	vmov s24;
	s0 =	spop (v2sf);
	(v2sf) =	vpush v3, $0x6;
	v3 =	vld [tilespmem:s2+$0x0]  }
.Ltmp18:
0x4dc: {  	s13 =	sshra.s32 s22, $0x4;
	s24 =	sshra.s32 s18, $0x1F;
	v4 =	vsel vm3, s19, v4;
	(pc) =	sbr.rel @p1 .LBB2_25-.Ltmp18, $4  }
0x4dd: {  	s21 =	sshra.s32 s30, $0x1F;
	s25 =	sadd.s32 s25, s23;
	s18 =	sshrl.u32 s18, $0x1F;
	v4 =	vsel vm9, s24, v4  }
0x4de: {  	s28 =	sshra.s32 s15, $0x4;
	s15 =	sshrl.u32 s15, $0x1F;
	s30 =	smulhi.u32 $0x2AAAAAAB, s30;
	v5 =	vmov s18;
	v6 =	vsel vm0, s29, v4  }
0x4df: {  	s19 =	sshra.s32 s5, $0x1F;
	s17 =	sadd.s32 s17, s16;
	v4 =	vnsel vm3, $0x0, v5;
	v5 =	vsel vm10, s26, v6;
	s26 =	smov.u32 s20  }
0x4e0: {  	s12 =	sshra.s32 s7, $0x1F;
	s10 =	smulhi.u32 $0x2AAAAAAB, s0;
	s8 =	sshra.s32 s0, $0x1F;
	(v2sf) =	vpush v3, $0x2  }
.Ltmp19:
0x4e1: {  	_ = 	snop;
	(pc) =	sbr.rel .LBB2_26-.Ltmp19, $1  }
0x4e2: {  	_ =	sdelay $0x3  }
.LBB2_30:
0x4e3: {  	_ =	sfence.sel $0x180000  }
0x4e4: {  	[bflag:$0x0] =	sbarrier.arrive $0xFFFF  }
0x4e5: {  	_ =	strace $0x9000004D  }
0x4e6: {  	s0 =	stileid.u32;
	[bflag:$0x2] =	sbarrier.arrive $0xFFFF  }
0x4e7: {  	p0 =	sne.s32 s0, $0x0;
	s0 =	rddreg [dreg:$0x4]  }
0x4e8: {  	s0 =	sadd.s32 @!p0 $0x100000, s0  }
0x4e9: {  	[sflag:s0] =	ssyncadd.tile.s32 @!p0 $0x1;
	_ =	shalt  }
.Lfunc_end2:
_tile_overlayer_lowered:
.L_overlay_start_2:
0x4ea: {  	(tag) =	ssettag $0x2  }
0x4eb: {  	s0 =	rddreg [dreg:$0x0];
	s2 =	stileid.u32  }
0x4ec: {  	s1 =	rddreg [dreg:$0x1];
	p0 =	sne.s32 s2, $0x0  }
0x4ed: {  	s3 =	rddreg [dreg:$0x2];
	[bflag:$0x3] =	sbarrier.arrive $0xFFFF;
	s2 =	simm.s32 @!p0 $0x1C08  }
0x4ee: {  	[timem:s3], [sflag:s2] =	dma.local @!p0 [hbm:s0], s1  }
0x4ef: {  	s0 =	simm.s32 @!p0 $0x8  }
0x4f0: {  	_ =	swait.ge @!p0 [sflag:s0], s1  }
0x4f1: {  	s1 =	ssub.s32 @!p0 $0x0, s1;
	[sflag:s0] =	ssyncset.done @!p0 $0x0  }
0x4f2: {  	[sflag:s0] =	ssyncadd.s32 @!p0 s1  }
0x4f3: {  	[bflag:$0x3] =	sbarrier.arrive $0xFFFF  }
0x4f4: {  	_ =	shalt  }

// kernel: sparse-core-data-format-call.1.cloned.1.call-start
scs
called_computation.1_lowered:
.L_overlay_start_0:
0x0: {  	s2 =	sld [smem:$0x3FD9]  }
0x1: {  	s3 =	sld [smem:$0x3FFE];
	_ =	sdelay $0x1  }
0x2: {  	s1 =	srdreg.scid  }
0x3: {  	s0 =	sand.u32 $0x1, s1  }
0x4: {  	s18 =	sshll.u32 s0, $0xA;
	s2 =	sadd.s32 s3, s2  }
0x5: {  	s2 =	sadd.s32 s2, s18  }
0x6: {  	[smem:$0x3FC6] =	sst s2  }
0x7: {  	_ = 	snop  }
0x8: {  	s2 =	sld [smem:$0x3FC9];
	(tm) =	ssettm $0x1  }
0x9: {  	s19 =	sld [smem:$0x3FFB];
	_ =	sdelay $0x3  }
0xa: {  	_ =	strace s19  }
0xb: {  	s3 =	sld [smem:$0x3FFC];
	_ =	sdelay $0x3  }
0xc: {  	_ =	strace s3  }
0xd: {  	s3 =	sld [smem:$0x3FFD];
	_ =	sdelay $0x3  }
0xe: {  	_ =	strace s3  }
0xf: {  	_ =	strace $0x8FFFFFFF  }
0x10: {  	s20 =	sld [smem:$0x3FDB];
	_ =	sdelay $0x1  }
0x11: {  	s4 =	simm.s32 $_scs_section_size  }
0x12: {  	s5 =	simm.s32 $_size__tile_overlayer_lowered;
	s6 =	simm.s32 $_tile_overlayer_lowered  }
0x13: {  	s23 =	simm.s32 $0x1BFF;
	s22 =	sshll.u32 s6, $0x1;
	s3 =	sadd.s32 s4, s20  }
0x14: {  	s7 =	simm.s32 $0x0;
	s21 =	sshll.u32 s5, $0x1;
	s5 =	sadd.s32 s22, s3  }
0x15: {  	[timem:s7], [sflag:s23] =	dma.local [hbm:s5], s21  }
0x16: {  	_ =	swait.ge [sflag:s23], s21  }
0x17: {  	s4 =	ssub.s32 $0x0, s21;
	[sflag:s23] =	ssyncset.done $0x0  }
0x18: {  	[sflag:s23] =	ssyncadd.s32 s4;
	_ =	sdelay $0x1  }
0x19: {  	s24 =	simm.s32 $0x1B8B  }
0x1a: {  	_ =	swait.ge [sflag:s24], $0x1  }
0x1b: {  	[sflag:s24] =	ssyncset.done $0x0  }
0x1c: {  	s26 =	simm.s32 $0x1B8E;
	s25 =	sld [smem:$0x3FFE];
	[sflag:s24] =	ssyncadd.s32 $0xFFFFFFFF  }
0x1d: {  	s27 =	simm.s32 $execute0_lowered;
	[smem:$0x3FD2] =	sst s26  }
0x1e: {  	s5 =	sshll.u32 s27, $0x1;
	_ =	strace $0x80000046;
	[dreg:$0x1] =	wrdreg $0xFFFFFFFF  }
0x1f: {  	s28 =	simm.s32 $_size_execute0_lowered;
	s3 =	sadd.s32 s3, s5;
	[dreg:$0x0] =	wrdreg $0x0  }
0x20: {  	s5 =	sshll.u32 s28, $0x1;
	[dreg:$0x2] =	wrdreg s3  }
0x21: {  	[dreg:$0x3] =	wrdreg s5  }
0x22: {  	[dreg:$0x4] =	wrdreg $0xC0  }
0x23: {  	_ =	task [dreg:s7], $0x5FFFF  }
0x24: {  	[dreg:$0x1] =	wrdreg $0xFFFFFFFF  }
0x25: {  	[dreg:$0x0] =	wrdreg $0x60  }
0x26: {  	[dreg:$0x2] =	wrdreg s2  }
0x27: {  	[dreg:$0x3] =	wrdreg s25  }
0x28: {  	[dreg:$0x4] =	wrdreg $0x9  }
0x29: {  	_ =	task.clear_ibuf [dreg:s7], $0x5FFFF;
	_ =	strace $0x90000046  }
0x2a: {  	s29 =	simm.s32 $0x9;
	_ =	strace $0x80000048  }
0x2b: {  	_ =	swait.ge [sflag:s29], $0x1  }
0x2c: {  	[sflag:s29] =	ssyncadd.s32 $0xFFFFFFFF  }
0x2d: {  	_ =	strace $0x90000048  }
0x2e: {  	_ =	sfence  }
0x2f: {  	s30 =	sld [smem:$0x0];
	_ =	sdelay $0x2  }
0x30: {  	s31 =	sshll.u32 s1, $0xD;
	s1 =	sshrl.u32 s1, $0x2  }
0x31: {  	s3 =	sand.u32 $0x4000, s31;
	s1 =	sadd.s32 s1, s30  }
0x32: {  	s0 =	sor.u32 s3, s0;
	s1 =	sshll.u32 s1, $0x11  }
0x33: {  	s0 =	sor.u32 s1, s0  }
0x34: {  	s0 =	sadd.s32 $0x8F2B, s0  }
0x35: {  	[sflag:s0] =	ssyncadd.remote.s32 $0x1  }
0x36: {  	_ =	sfence.sel $0xFFFF  }
0x37: {  	[dreg:$0x0] =	wrdreg $0xFFFFFFFF;
	(pc) =	sbr.abs _section_cstart, $3  }
0x38: {  	[dreg:$0x1] =	wrdreg $0xFFFFFFFF  }
0x39: {  	_ =	task.clear_ibuf [dreg:s7], $0x2FFFF;
	_ =	strace $0x9FFFFFFF  }
0x3a: {  	(tm) =	ssettm $0x7FFFFFFF  }
0x3b: {  	_ =	shalt  }
tec
execute0_lowered:
.L_overlay_start_1:
0x0: {  	(tag) =	ssettag $0x1  }
0x1: {  	s0 =	stileid.u32;
	s2 =	rddreg [dreg:$0x0]  }
0x2: {  	s1 =	srdreg.scid;
	s4 =	rddreg [dreg:$0x1]  }
0x3: {  	s8 =	simm.s32 $0x1;
	s9 =	simm.s32 $0x2;
	s15 =	simm.s32 $0x0  }
0x4: {  	s16 =	simm.s32 $0x0;
	s3 =	sshll.u32 s0, $0x5;
	s1 =	sshll.u32 s1, $0x9  }
0x5: {  	s10 =	simm.s32 $0x0;
	s11 =	simm.s32 $0x0;
	s1 =	sor.u32 s3, s1  }
0x6: {  	s14 =	simm.s32 $0x0;
	s5 =	sand.u32 $0x3, s0;
	s3 =	sand.u32 $0x380, s1  }
0x7: {  	s4 =	sadd.s32 $0x1000, s4;
	s13 =	smov.u32 s5;
	s7 =	ssub.s32 $0x9000, s3  }
.Ltmp0:
0x8: {  	s1 =	rddreg [dreg:$0x2];
	s6 =	sand.u32 $0x380, s7;
	(pc) =	sbr.rel .LBB1_1-.Ltmp0, $4  }
0x9: {  	_ =	strace $0x80000047;
	s12 =	smov.u32 s3;
	p0 =	sne.s32 s6, $0x0  }
0xa: {  	s7 =	sshrl.u32 s7, $0xA;
	s6 =	simm.s32 $0x1;
	s8 =	simm.s32 @!p0 $0x0  }
0xb: {  	[sflag:s6] =	ssyncpa.u1 $0x0;
	p0 =	por $0x0, $0x0;
	s7 =	sadd.s32 s8, s7  }
0xc: {  	[sflag:s9] =	ssyncpa.u1 $0x0;
	s9 =	simm.s32 $0x48000;
	s8 =	sadd.s32 $0x1, s7  }
.LBB1_4:
0xd: {  	s22 =	sshll.u32 s10, $0x3;
	s23 =	sand.u32 $0x7F, s10  }
0xe: {  	s21 =	sshra.s32 s21, $0x2;
	p1 =	sgt.s32 s11, $0x3;
	s25 =	smov.u32 s11  }
0xf: {  	s26 =	sshra.s32 s11, $0x1F;
	s31 =	sshra.s32 s10, $0x1F;
	s24 =	sand.u32 $0xFFFFFC00, s22  }
0x10: {  	s22 =	smulhi.u32 $0x38E38E39, s22;
	s25 =	simm.s32 @!p1 $0x3;
	s26 =	sand.u32 s26, s11  }
0x11: {  	v5 =	vld [tilespmem:s18+$0xFFFFFFD0];
	[tilespmem:s19+$0x2040 ss:$0x81] =	vst.msk $0xffff, v4;
	s20 =	sadd.s32 s21, s20;
	p1 =	sgt.s32 s10, $0x8F80;
	s23 =	sor.u32 s23, s24  }
0x12: {  	v58 =	vld [tilespmem:s18+$0xFFFFFFE0];
	[tilespmem:s19+$0x2850 ss:$0x81] =	vst.msk $0xffff, v3;
	s28 =	ssub.s32 s25, s26;
	s24 =	smulhi.u32 $0x38E38E39, s23;
	s22 =	sshrl.u32 s22, $0xD  }
0x13: {  	v59 =	vld [tilespmem:s18+$0xFFFFFFF0];
	[tilespmem:s19+$0x3060 ss:$0x81] =	vst.msk $0xffff, v2;
	s21 =	smov.u32 s10;
	s30 =	ssub.s32 $0x4, s28;
	s27 =	smulhi.u32 $0x2AAAAAB, s22  }
0x14: {  	v60 =	vld [tilespmem:s18+$0x0];
	[tilespmem:s19+$0x0 ss:$0x81] =	vst.msk $0xffff, v1;
	s21 =	simm.s32 @!p1 $0x8F80;
	s26 =	sadd.s32 $0xFFFFFFFD, s28;
	s19 =	smul.u32 $0x60, s30  }
0x15: {  	v61 =	vld [tilespmem:s18+$0x10];
	[tilespmem:s20+$0x3870 ss:$0x81] =	vst.msk $0xffff, v0;
	s24 =	sshrl.u32 s24, $0xD;
	s29 =	smul.u32 $0x60, s27;
	s27 =	sand.u32 s31, s10  }
0x16: {  	v62 =	vld [tilespmem:s18+$0x20];
	p1 =	sgt.s32 s26, $0x0;
	[tilespmem:s20+$0x810 ss:$0x81] =	vst.msk $0xffff, v5;
	s24 =	smul.u32 $0x9000, s24;
	s21 =	ssub.s32 s21, s27  }
0x17: {  	v63 =	vld [tilespmem:s18+$0xFFFFFFC0];
	[tilespmem:s20+$0x1020 ss:$0x81] =	vst.msk $0xffff, v58;
	s19 =	simm.s32 @p1 $0x0;
	s27 =	smul.u32 $0x6C000, s11;
	s26 =	sadd.s32 $0xFFFF7080, s21  }
0x18: {  	[tilespmem:s20+$0x1830 ss:$0x81] =	vst.msk $0xffff, v59;
	s25 =	ssub.s32 s22, s29;
	s21 =	ssub.s32 $0x9000, s21;
	p1 =	sgt.s32 s26, $0x7F  }
0x19: {  	[tilespmem:s20+$0x2040 ss:$0x81] =	vst.msk $0xffff, v60;
	s23 =	ssub.s32 s23, s24;
	s18 =	smul.u32 $0x1200, s25;
	s21 =	simm.s32 @p1 $0x0  }
0x1a: {  	[tilespmem:s20+$0x2850 ss:$0x81] =	vst.msk $0xffff, v61;
	s28 =	sadd.s32 s4, s27;
	s29 =	sand.u32 $0x7, s23;
	s19 =	smul.u32 s21, s19  }
0x1b: {  	[tilespmem:s20+$0x3060 ss:$0x81] =	vst.msk $0xffff, v62;
	s30 =	sshrl.u32 s23, $0x3;
	s22 =	sshll.u32 s29, $0x12;
	s18 =	sadd.s32 s18, s28  }
0x1c: {  	[tilespmem:s20+$0x0 ss:$0x81] =	vst.msk $0xffff, v63;
	s31 =	sor.u32 $0x400, s22;
	s18 =	sadd.s32 s30, s18;
	s19 =	sand.u32 $0x3FFFFFE0, s19  }
0x1d: {  	[hbm4b:s18+s31] =	stream.strided.scatter [tilespmem:s17], [sflag:$0x2], s19, s9, s31, $0x20;
	[tilespmem:$0x10100] =	vst v63  }
.LBB1_5:
0x1e: {  	p1 =	slt.u32 s14, $0x2  }
0x1f: {  	s18 =	smov.u32 s16;
	p2 =	sgt.s32 @!p1 s16, $0x3;
	s17 =	sshra.s32 @!p1 s16, $0x1F  }
0x20: {  	p3 =	sgt.s32 @!p1 s15, $0x8F80;
	s19 =	sshra.s32 @!p1 s15, $0x1F;
	p2 =	por !p2, p1  }
0x21: {  	s16 =	sand.u32 @!p1 s17, s16;
	p3 =	por !p3, p1;
	s17 =	smov.u32 s15  }
0x22: {  	s15 =	sand.u32 @!p1 s19, s15;
	s18 =	simm.s32 @p2 $0x3;
	s17 =	simm.s32 @p3 $0x8F80  }
0x23: {  	s19 =	smov.u32 s13;
	s16 =	ssub.s32 @!p1 s18, s16;
	s15 =	ssub.s32 @!p1 s17, s15  }
0x24: {  	s17 =	sadd.s32 @!p1 $0xFFFFFFFD, s16;
	s16 =	ssub.s32 @!p1 $0x4, s16;
	s18 =	sadd.s32 @!p1 $0xFFFF7080, s15  }
0x25: {  	p2 =	sgt.s32 @!p1 s17, $0x0;
	s16 =	smul.u32 @!p1 $0x60, s16;
	p3 =	sgt.s32 @!p1 s18, $0x7F  }
0x26: {  	s15 =	ssub.s32 @!p1 $0x9000, s15;
	p2 =	por !p2, p1;
	p3 =	por !p3, p1  }
0x27: {  	s17 =	sadd.s32 $0x400, s12;
	s16 =	simm.s32 @!p2 $0x0;
	s15 =	simm.s32 @!p3 $0x0  }
0x28: {  	p2 =	sgt.s32 s17, $0x8FFF;
	s15 =	smul.u32 @!p1 s15, s16;
	s16 =	sadd.s32 $0x4, s13  }
0x29: {  	s19 =	smov.u32 @p2 s16  }
0x2a: {  	s17 =	smov.u32 @p2 s3;
	p2 =	sgt.s32 s19, $0x3  }
0x2b: {  	s19 =	smov.u32 @p2 s5;
	p2 =	sne.s32 s14, s8  }
.Ltmp1:
0x2c: {  	p0 =	por !p0, !p0;
	s18 =	simm.s32 @!p1 $0x2;
	(pc) =	sbr.rel @!p2 .LBB1_6-.Ltmp1, $4  }
0x2d: {  	s16 =	smov.u32 s11;
	s11 =	smov.u32 s13;
	s15 =	sand.u32 @!p1 $0x3FFFFFE0, s15  }
0x2e: {  	_ =	swait.ge @!p1 [sflag:s18], s15;
	s20 =	ssub.s32 @!p1 $0x0, s15;
	s15 =	smov.u32 s10  }
0x2f: {  	s14 =	sadd.s32 $0x1, s14;
	s10 =	smov.u32 s12;
	[sflag:s18] =	ssyncset.done @!p1 $0x0  }
0x30: {  	s12 =	smov.u32 s17;
	s13 =	smov.u32 s19;
	[sflag:s18] =	ssyncadd.s32 @!p1 s20  }
.LBB1_1:
0x31: {  	p1 =	sge.u32 s14, s7  }
0x32: {  	s17 =	sand.u32 @!p1 $0x1FFFFFF, s12  }
0x33: {  	s18 =	smulhi.u32 @!p1 $0xE38E39, s17;
	_ =	sdelay $0x1  }
0x34: {  	s18 =	sshrl.u32 @!p1 s18, $0x7  }
0x35: {  	s18 =	smul.u32 @!p1 $0x9000, s18  }
0x36: {  	s19 =	smul.u32 @!p1 $0x90000, s13  }
0x37: {  	s31 =	sadd.s32 $0xFFFFFFFF, s14;
	s17 =	ssub.s32 @!p1 s17, s18;
	s18 =	sxor.u32 @!p1 $0xFFFFFFFF, s14  }
0x38: {  	s19 =	sadd.s32 @!p1 s2, s19;
	s18 =	sshll.u32 @!p1 s18, $0xE;
	s17 =	sshll.u32 @!p1 s17, $0x4  }
0x39: {  	s18 =	sand.u32 @!p1 $0x4000, s18;
	s17 =	sadd.s32 @!p1 s17, s19;
	s19 =	simm.s32 @!p1 $0x0  }
0x3a: {  	[tilespmem:s18], [sflag:$0x1] =	stream.linear.gather @!p1 [hbm4b:s17+s19], $0x4000, $0x38;
	[tilespmem:$0x10100] =	vst v63  }
0x3b: {  	p1 =	sge.u32 s31, s7  }
.Ltmp2:
0x3c: {  	_ = 	snop;
	(pc) =	sbr.rel @p1 .LBB1_5-.Ltmp2, $1  }
0x3d: {  	_ =	sdelay $0x3  }
0x3e: {  	s17 =	simm.s32 $0x1  }
0x3f: {  	_ =	swait.ge [sflag:s6], $0x4000;
	s17 =	simm.s32 @!p0 $0x0  }
0x40: {  	[sflag:s6] =	ssyncset.done $0x0;
	s18 =	sshll.u32 s17, $0xE  }
0x41: {  	[sflag:s6] =	ssyncadd.s32 $0xFFFFC000;
	s18 =	sor.u32 $0x40, s18  }
0x42: {  	s17 =	smul.u32 $0x10200, s17;
	v0 =	vld [tilespmem:s18+$0x30]  }
0x43: {  	v1 =	vld [tilespmem:s18+$0xFFFFFFD0]  }
0x44: {  	s17 =	sshrl.u32 s17, $0x2;
	v5 =	vld [tilespmem:s18+$0xFFFFFFE0]  }
0x45: {  	v6 =	vld [tilespmem:s18+$0xFFFFFFF0];
	s20 =	sor.u32 $0x8000, s17  }
0x46: {  	s31 =	sand.u32 $0x1, s14;
	v4 =	vld [tilespmem:s18+$0x0];
	s19 =	sadd.s32 $0x0, s20  }
0x47: {  	v3 =	vld [tilespmem:s18+$0x10];
	s17 =	smul.u32 $0x10200, s31;
	[tilespmem:s19+$0x3870 ss:$0x81] =	vst.msk $0xffff, v0  }
0x48: {  	v2 =	vld [tilespmem:s18+$0x20];
	[tilespmem:s19+$0x810 ss:$0x81] =	vst.msk $0xffff, v1  }
0x49: {  	s17 =	sshrl.u32 s17, $0x2;
	v1 =	vld [tilespmem:s18+$0xFFFFFFC0];
	[tilespmem:s19+$0x1020 ss:$0x81] =	vst.msk $0xffff, v5;
	s18 =	sadd.s32 $0x80, s18  }
0x4a: {  	s21 =	simm.s32 $0x4;
	s22 =	simm.s32 $0x8;
	s17 =	sor.u32 $0x8000, s17;
	[tilespmem:s19+$0x1830 ss:$0x81] =	vst.msk $0xffff, v6;
	v0 =	vld [tilespmem:s18+$0x30]  }
.LBB1_3:
0x4b: {  	p1 =	sne.s32 s22, $0x1FC;
	v5 =	vld [tilespmem:s18+$0xFFFFFFD0];
	[tilespmem:s19+$0x2040 ss:$0x81] =	vst.msk $0xffff, v4  }
0x4c: {  	v6 =	vld [tilespmem:s18+$0xFFFFFFE0];
	[tilespmem:s19+$0x2850 ss:$0x81] =	vst.msk $0xffff, v3  }
0x4d: {  	s23 =	sshra.s32 s21, $0x2;
	s21 =	smov.u32 s22;
	v7 =	vld [tilespmem:s18+$0xFFFFFFF0];
	[tilespmem:s19+$0x3060 ss:$0x81] =	vst.msk $0xffff, v2  }
.Ltmp3:
0x4e: {  	v4 =	vld [tilespmem:s18+$0x0];
	[tilespmem:s19+$0x0 ss:$0x81] =	vst.msk $0xffff, v1;
	s19 =	sadd.s32 s23, s20;
	(pc) =	sbr.rel @p1 .LBB1_3-.Ltmp3, $4  }
0x4f: {  	v3 =	vld [tilespmem:s18+$0x10];
	[tilespmem:s19+$0x3870 ss:$0x81] =	vst.msk $0xffff, v0  }
0x50: {  	[tilespmem:s19+$0x810 ss:$0x81] =	vst.msk $0xffff, v5;
	v2 =	vld [tilespmem:s18+$0x20]  }
0x51: {  	v1 =	vld [tilespmem:s18+$0xFFFFFFC0];
	[tilespmem:s19+$0x1020 ss:$0x81] =	vst.msk $0xffff, v6;
	s18 =	sadd.s32 $0x80, s18  }
0x52: {  	s22 =	sadd.s32 $0x4, s22;
	v0 =	vld [tilespmem:s18+$0x30];
	[tilespmem:s19+$0x1830 ss:$0x81] =	vst.msk $0xffff, v7  }
.Ltmp4:
0x53: {  	_ = 	snop;
	(pc) =	sbr.rel .LBB1_4-.Ltmp4, $1  }
0x54: {  	_ =	sdelay $0x3  }
.LBB1_6:
0x55: {  	_ =	sfence.sel $0x180000  }
0x56: {  	s2 =	simm.s32 $0x1;
	[bflag:$0x0] =	sbarrier.arrive $0xFFFF  }
0x57: {  	s31 =	simm.s32 $0x2;
	[sflag:s2] =	ssyncpa.u1 $0x1  }
0x58: {  	[sflag:s31] =	ssyncpa.u1 $0x1  }
0x59: {  	p0 =	sne.s32 s0, $0x0;
	_ =	strace $0x90000047  }
0x5a: {  	s0 =	sadd.s32 @!p0 $0x100000, s1;
	[bflag:$0x2] =	sbarrier.arrive $0xFFFF  }
0x5b: {  	[sflag:s0] =	ssyncadd.tile.s32 @!p0 $0x1;
	_ =	shalt  }
.Lfunc_end1:
_tile_overlayer_lowered:
.L_overlay_start_2:
0x5c: {  	(tag) =	ssettag $0x2  }
0x5d: {  	s0 =	rddreg [dreg:$0x0];
	s2 =	stileid.u32  }
0x5e: {  	s1 =	rddreg [dreg:$0x1];
	p0 =	sne.s32 s2, $0x0  }
0x5f: {  	s3 =	rddreg [dreg:$0x2];
	[bflag:$0x3] =	sbarrier.arrive $0xFFFF;
	s2 =	simm.s32 @!p0 $0x1C01  }
0x60: {  	[timem:s3], [sflag:s2] =	dma.local @!p0 [hbm:s0], s1  }
0x61: {  	s0 =	simm.s32 @!p0 $0x1  }
0x62: {  	_ =	swait.ge @!p0 [sflag:s0], s1  }
0x63: {  	s1 =	ssub.s32 @!p0 $0x0, s1;
	[sflag:s0] =	ssyncset.done @!p0 $0x0  }
0x64: {  	[sflag:s0] =	ssyncadd.s32 @!p0 s1  }
0x65: {  	[bflag:$0x3] =	sbarrier.arrive $0xFFFF  }
0x66: {  	_ =	shalt  }

// kernel: sparse-core-data-format-call.2.cloned.1.call-start
scs
called_computation.2_lowered:
.L_overlay_start_0:
0x0: {  	s2 =	sld [smem:$0x3FD9]  }
0x1: {  	s3 =	sld [smem:$0x3FFE];
	_ =	sdelay $0x1  }
0x2: {  	s1 =	srdreg.scid  }
0x3: {  	s0 =	sand.u32 $0x1, s1  }
0x4: {  	s19 =	sshll.u32 s0, $0xA;
	s2 =	sadd.s32 s3, s2  }
0x5: {  	s2 =	sadd.s32 s2, s19  }
0x6: {  	[smem:$0x3FC6] =	sst s2  }
0x7: {  	_ = 	snop  }
0x8: {  	s20 =	sld [smem:$0x3FC8]  }
0x9: {  	s4 =	sld [smem:$0x3FD0];
	(tm) =	ssettm $0x1  }
0xa: {  	s21 =	sld [smem:$0x3FFB];
	_ =	sdelay $0x3  }
0xb: {  	_ =	strace s21  }
0xc: {  	s2 =	sld [smem:$0x3FFC];
	_ =	sdelay $0x3  }
0xd: {  	_ =	strace s2  }
0xe: {  	s2 =	sld [smem:$0x3FFD];
	_ =	sdelay $0x3  }
0xf: {  	_ =	strace s2  }
0x10: {  	_ =	strace $0x8FFFFFFF  }
0x11: {  	s22 =	sld [smem:$0x3FDB];
	_ =	sdelay $0x1  }
0x12: {  	s5 =	simm.s32 $_scs_section_size  }
0x13: {  	s6 =	simm.s32 $_size__tile_overlayer_lowered;
	s7 =	simm.s32 $_tile_overlayer_lowered  }
0x14: {  	s8 =	simm.s32 $0x1BFF;
	s23 =	sshll.u32 s7, $0x1;
	s5 =	sadd.s32 s5, s22  }
0x15: {  	s24 =	simm.s32 $0x0;
	s6 =	sshll.u32 s6, $0x1;
	s7 =	sadd.s32 s23, s5  }
0x16: {  	[timem:s24], [sflag:s8] =	dma.local [hbm:s7], s6  }
0x17: {  	_ =	swait.ge [sflag:s8], s6  }
0x18: {  	s6 =	ssub.s32 $0x0, s6;
	[sflag:s8] =	ssyncset.done $0x0  }
0x19: {  	[sflag:s8] =	ssyncadd.s32 s6;
	_ =	sdelay $0x1  }
0x1a: {  	s25 =	simm.s32 $0x1B8B  }
0x1b: {  	_ =	swait.ge [sflag:s25], $0x1  }
0x1c: {  	[sflag:s25] =	ssyncset.done $0x0  }
0x1d: {  	[sflag:s25] =	ssyncadd.s32 $0xFFFFFFFF  }
0x1e: {  	s6 =	sld [smem:$0x0]  }
0x1f: {  	s7 =	sand.u32 $0xFFFFFFFE, s1  }
0x20: {  	p0 =	sne.s32 s1, s7  }
0x21: {  	s7 =	sshll.u32 @p0 s7, $0xE  }
0x22: {  	s7 =	sadd.s32 @p0 $0x11B8D, s7;
	s8 =	sshll.u32 @p0 s6, $0x11  }
0x23: {  	s7 =	sor.u32 @p0 s8, s7  }
0x24: {  	[sflag:s7] =	ssyncadd.remote.s32 @p0 $0x1;
	_ =	sdelay $0x1  }
0x25: {  	s7 =	simm.s32 @p0 $0x1B8D  }
0x26: {  	_ =	swait.eq @p0 [sflag:s7], $0x1  }
0x27: {  	[sflag:s7] =	ssyncadd.s32 @p0 $0xFFFFFFFF  }
0x28: {  	s8 =	sshll.u32 @!p0 s1, $0xE  }
0x29: {  	s8 =	sor.u32 @!p0 $0x4000, s8;
	s7 =	simm.s32 @!p0 $0x1B8D  }
0x2a: {  	s6 =	sshll.u32 @!p0 s6, $0x11;
	s8 =	sadd.s32 @!p0 $0x11B8D, s8;
	_ =	swait.eq @!p0 [sflag:s7], $0x1  }
0x2b: {  	s6 =	sor.u32 @!p0 s6, s8;
	[sflag:s7] =	ssyncadd.s32 @!p0 $0xFFFFFFFF  }
0x2c: {  	s26 =	simm.s32 $0x1B8E;
	[sflag:s6] =	ssyncadd.remote.s32 @!p0 $0x1  }
0x2d: {  	s27 =	simm.s32 $execute0_lowered;
	[smem:$0x3FD2] =	sst s26  }
0x2e: {  	s6 =	sshll.u32 s27, $0x1;
	_ =	strace $0x80000049;
	[dreg:$0x1] =	wrdreg $0xFFFFFFFF  }
0x2f: {  	s28 =	simm.s32 $_size_execute0_lowered;
	s5 =	sadd.s32 s5, s6;
	[dreg:$0x0] =	wrdreg $0x0  }
0x30: {  	s6 =	sshll.u32 s28, $0x1;
	[dreg:$0x2] =	wrdreg s5  }
0x31: {  	[dreg:$0x3] =	wrdreg s6  }
0x32: {  	[dreg:$0x4] =	wrdreg $0xC0  }
0x33: {  	_ =	task [dreg:s24], $0x5FFFF  }
0x34: {  	[dreg:$0x1] =	wrdreg $0xFFFFFFFF  }
0x35: {  	[dreg:$0x0] =	wrdreg $0x60  }
0x36: {  	[dreg:$0x2] =	wrdreg s20  }
0x37: {  	[dreg:$0x3] =	wrdreg s4  }
0x38: {  	[dreg:$0x4] =	wrdreg $0xA  }
0x39: {  	_ =	task.clear_ibuf [dreg:s24], $0x5FFFF;
	_ =	strace $0x90000049  }
0x3a: {  	s29 =	simm.s32 $0xA;
	_ =	strace $0x8000004B  }
0x3b: {  	_ =	swait.ge [sflag:s29], $0x1  }
0x3c: {  	[sflag:s29] =	ssyncadd.s32 $0xFFFFFFFF  }
0x3d: {  	_ =	strace $0x9000004B  }
0x3e: {  	_ =	sfence  }
0x3f: {  	s30 =	sld [smem:$0x0];
	_ =	sdelay $0x2  }
0x40: {  	s31 =	sshll.u32 s1, $0xD;
	s1 =	sshrl.u32 s1, $0x2  }
0x41: {  	s4 =	sand.u32 $0x4000, s31;
	s1 =	sadd.s32 s1, s30  }
0x42: {  	s0 =	sor.u32 s4, s0;
	s1 =	sshll.u32 s1, $0x11  }
0x43: {  	s0 =	sor.u32 s1, s0  }
0x44: {  	s0 =	sadd.s32 $0x8F2B, s0  }
0x45: {  	[sflag:s0] =	ssyncadd.remote.s32 $0x1  }
0x46: {  	_ =	sfence.sel $0xFFFF  }
0x47: {  	[dreg:$0x0] =	wrdreg $0xFFFFFFFF;
	(pc) =	sbr.abs _section_cstart, $3  }
0x48: {  	[dreg:$0x1] =	wrdreg $0xFFFFFFFF  }
0x49: {  	_ =	task.clear_ibuf [dreg:s24], $0x2FFFF;
	_ =	strace $0x9FFFFFFF  }
0x4a: {  	(tm) =	ssettm $0x7FFFFFFF  }
0x4b: {  	_ =	shalt  }
tec
execute0_lowered:
.L_overlay_start_1:
0x0: {  	(tag) =	ssettag $0x1  }
0x1: {  	s0 =	stileid.u32  }
0x2: {  	s1 =	srdreg.scid;
	s2 =	rddreg [dreg:$0x0]  }
0x3: {  	s8 =	simm.s32 $0x1;
	s9 =	simm.s32 $0x2;
	s15 =	simm.s32 $0x0  }
0x4: {  	s16 =	simm.s32 $0x0;
	s3 =	sshll.u32 s0, $0x5;
	s1 =	sshll.u32 s1, $0x9  }
0x5: {  	s10 =	simm.s32 $0x0;
	s11 =	simm.s32 $0x0;
	s1 =	sor.u32 s3, s1  }
0x6: {  	s14 =	simm.s32 $0x0;
	s5 =	sand.u32 $0x3, s0;
	s4 =	sand.u32 $0x380, s1  }
0x7: {  	s3 =	rddreg [dreg:$0x1];
	s13 =	smov.u32 s5;
	s7 =	ssub.s32 $0x9000, s4  }
.Ltmp0:
0x8: {  	s1 =	rddreg [dreg:$0x2];
	s6 =	sand.u32 $0x380, s7;
	(pc) =	sbr.rel .LBB1_1-.Ltmp0, $4  }
0x9: {  	_ =	strace $0x8000004A;
	s12 =	smov.u32 s4;
	p0 =	sne.s32 s6, $0x0  }
0xa: {  	s7 =	sshrl.u32 s7, $0xA;
	s6 =	simm.s32 $0x1;
	s8 =	simm.s32 @!p0 $0x0  }
0xb: {  	[sflag:s6] =	ssyncpa.u1 $0x0;
	p0 =	por $0x0, $0x0;
	s7 =	sadd.s32 s8, s7  }
0xc: {  	[sflag:s9] =	ssyncpa.u1 $0x0;
	s9 =	simm.s32 $0x48000;
	s8 =	sadd.s32 $0x1, s7  }
.LBB1_4:
0xd: {  	s22 =	sshll.u32 s10, $0x3;
	s23 =	sand.u32 $0x7F, s10  }
0xe: {  	s21 =	sshra.s32 s21, $0x2;
	p1 =	sgt.s32 s11, $0x3;
	s25 =	smov.u32 s11  }
0xf: {  	s26 =	sshra.s32 s11, $0x1F;
	s31 =	sshra.s32 s10, $0x1F;
	s24 =	sand.u32 $0xFFFFFC00, s22  }
0x10: {  	s22 =	smulhi.u32 $0x38E38E39, s22;
	s25 =	simm.s32 @!p1 $0x3;
	s26 =	sand.u32 s26, s11  }
0x11: {  	v5 =	vld [tilespmem:s18+$0xFFFFFFD0];
	[tilespmem:s19+$0x2040 ss:$0x81] =	vst.msk $0xffff, v4;
	s20 =	sadd.s32 s21, s20;
	p1 =	sgt.s32 s10, $0x8F80;
	s23 =	sor.u32 s23, s24  }
0x12: {  	v58 =	vld [tilespmem:s18+$0xFFFFFFE0];
	[tilespmem:s19+$0x2850 ss:$0x81] =	vst.msk $0xffff, v3;
	s28 =	ssub.s32 s25, s26;
	s24 =	smulhi.u32 $0x38E38E39, s23;
	s22 =	sshrl.u32 s22, $0xD  }
0x13: {  	v59 =	vld [tilespmem:s18+$0xFFFFFFF0];
	[tilespmem:s19+$0x3060 ss:$0x81] =	vst.msk $0xffff, v2;
	s21 =	smov.u32 s10;
	s30 =	ssub.s32 $0x4, s28;
	s27 =	smulhi.u32 $0x2AAAAAB, s22  }
0x14: {  	v60 =	vld [tilespmem:s18+$0x0];
	[tilespmem:s19+$0x0 ss:$0x81] =	vst.msk $0xffff, v1;
	s21 =	simm.s32 @!p1 $0x8F80;
	s26 =	sadd.s32 $0xFFFFFFFD, s28;
	s19 =	smul.u32 $0x60, s30  }
0x15: {  	v61 =	vld [tilespmem:s18+$0x10];
	[tilespmem:s20+$0x3870 ss:$0x81] =	vst.msk $0xffff, v0;
	s24 =	sshrl.u32 s24, $0xD;
	s29 =	smul.u32 $0x60, s27;
	s27 =	sand.u32 s31, s10  }
0x16: {  	v62 =	vld [tilespmem:s18+$0x20];
	p1 =	sgt.s32 s26, $0x0;
	[tilespmem:s20+$0x810 ss:$0x81] =	vst.msk $0xffff, v5;
	s24 =	smul.u32 $0x9000, s24;
	s21 =	ssub.s32 s21, s27  }
0x17: {  	v63 =	vld [tilespmem:s18+$0xFFFFFFC0];
	[tilespmem:s20+$0x1020 ss:$0x81] =	vst.msk $0xffff, v58;
	s19 =	simm.s32 @p1 $0x0;
	s27 =	smul.u32 $0x6C000, s11;
	s26 =	sadd.s32 $0xFFFF7080, s21  }
0x18: {  	[tilespmem:s20+$0x1830 ss:$0x81] =	vst.msk $0xffff, v59;
	s25 =	ssub.s32 s22, s29;
	s21 =	ssub.s32 $0x9000, s21;
	p1 =	sgt.s32 s26, $0x7F  }
0x19: {  	[tilespmem:s20+$0x2040 ss:$0x81] =	vst.msk $0xffff, v60;
	s23 =	ssub.s32 s23, s24;
	s18 =	smul.u32 $0x1200, s25;
	s21 =	simm.s32 @p1 $0x0  }
0x1a: {  	[tilespmem:s20+$0x2850 ss:$0x81] =	vst.msk $0xffff, v61;
	s28 =	sadd.s32 s3, s27;
	s29 =	sand.u32 $0x7, s23;
	s19 =	smul.u32 s21, s19  }
0x1b: {  	[tilespmem:s20+$0x3060 ss:$0x81] =	vst.msk $0xffff, v62;
	s30 =	sshrl.u32 s23, $0x3;
	s22 =	sshll.u32 s29, $0x12;
	s18 =	sadd.s32 s18, s28  }
0x1c: {  	[tilespmem:s20+$0x0 ss:$0x81] =	vst.msk $0xffff, v63;
	s31 =	sor.u32 $0x400, s22;
	s18 =	sadd.s32 s30, s18;
	s19 =	sand.u32 $0x3FFFFFE0, s19  }
0x1d: {  	[hbm4b:s18+s31] =	stream.strided.scatter [tilespmem:s17], [sflag:$0x2], s19, s9, s31, $0x20;
	[tilespmem:$0x10100] =	vst v63  }
.LBB1_5:
0x1e: {  	p1 =	slt.u32 s14, $0x2  }
0x1f: {  	s18 =	smov.u32 s16;
	p2 =	sgt.s32 @!p1 s16, $0x3;
	s17 =	sshra.s32 @!p1 s16, $0x1F  }
0x20: {  	p3 =	sgt.s32 @!p1 s15, $0x8F80;
	s19 =	sshra.s32 @!p1 s15, $0x1F;
	p2 =	por !p2, p1  }
0x21: {  	s16 =	sand.u32 @!p1 s17, s16;
	p3 =	por !p3, p1;
	s17 =	smov.u32 s15  }
0x22: {  	s15 =	sand.u32 @!p1 s19, s15;
	s18 =	simm.s32 @p2 $0x3;
	s17 =	simm.s32 @p3 $0x8F80  }
0x23: {  	s19 =	smov.u32 s13;
	s16 =	ssub.s32 @!p1 s18, s16;
	s15 =	ssub.s32 @!p1 s17, s15  }
0x24: {  	s17 =	sadd.s32 @!p1 $0xFFFFFFFD, s16;
	s16 =	ssub.s32 @!p1 $0x4, s16;
	s18 =	sadd.s32 @!p1 $0xFFFF7080, s15  }
0x25: {  	p2 =	sgt.s32 @!p1 s17, $0x0;
	s16 =	smul.u32 @!p1 $0x60, s16;
	p3 =	sgt.s32 @!p1 s18, $0x7F  }
0x26: {  	s15 =	ssub.s32 @!p1 $0x9000, s15;
	p2 =	por !p2, p1;
	p3 =	por !p3, p1  }
0x27: {  	s17 =	sadd.s32 $0x400, s12;
	s16 =	simm.s32 @!p2 $0x0;
	s15 =	simm.s32 @!p3 $0x0  }
0x28: {  	p2 =	sgt.s32 s17, $0x8FFF;
	s15 =	smul.u32 @!p1 s15, s16;
	s16 =	sadd.s32 $0x4, s13  }
0x29: {  	s19 =	smov.u32 @p2 s16  }
0x2a: {  	s17 =	smov.u32 @p2 s4;
	p2 =	sgt.s32 s19, $0x3  }
0x2b: {  	s19 =	smov.u32 @p2 s5;
	p2 =	sne.s32 s14, s8  }
.Ltmp1:
0x2c: {  	p0 =	por !p0, !p0;
	s18 =	simm.s32 @!p1 $0x2;
	(pc) =	sbr.rel @!p2 .LBB1_6-.Ltmp1, $4  }
0x2d: {  	s16 =	smov.u32 s11;
	s11 =	smov.u32 s13;
	s15 =	sand.u32 @!p1 $0x3FFFFFE0, s15  }
0x2e: {  	_ =	swait.ge @!p1 [sflag:s18], s15;
	s20 =	ssub.s32 @!p1 $0x0, s15;
	s15 =	smov.u32 s10  }
0x2f: {  	s14 =	sadd.s32 $0x1, s14;
	s10 =	smov.u32 s12;
	[sflag:s18] =	ssyncset.done @!p1 $0x0  }
0x30: {  	s12 =	smov.u32 s17;
	s13 =	smov.u32 s19;
	[sflag:s18] =	ssyncadd.s32 @!p1 s20  }
.LBB1_1:
0x31: {  	p1 =	sge.u32 s14, s7  }
0x32: {  	s17 =	sand.u32 @!p1 $0x1FFFFFF, s12  }
0x33: {  	s18 =	smulhi.u32 @!p1 $0xE38E39, s17;
	_ =	sdelay $0x1  }
0x34: {  	s18 =	sshrl.u32 @!p1 s18, $0x7  }
0x35: {  	s18 =	smul.u32 @!p1 $0x9000, s18  }
0x36: {  	s19 =	smul.u32 @!p1 $0x90000, s13  }
0x37: {  	s31 =	sadd.s32 $0xFFFFFFFF, s14;
	s17 =	ssub.s32 @!p1 s17, s18;
	s18 =	sxor.u32 @!p1 $0xFFFFFFFF, s14  }
0x38: {  	s19 =	sadd.s32 @!p1 s2, s19;
	s18 =	sshll.u32 @!p1 s18, $0xE;
	s17 =	sshll.u32 @!p1 s17, $0x4  }
0x39: {  	s18 =	sand.u32 @!p1 $0x4000, s18;
	s17 =	sadd.s32 @!p1 s17, s19;
	s19 =	simm.s32 @!p1 $0x0  }
0x3a: {  	[tilespmem:s18], [sflag:$0x1] =	stream.linear.gather @!p1 [hbm4b:s17+s19], $0x4000, $0x38;
	[tilespmem:$0x10100] =	vst v63  }
0x3b: {  	p1 =	sge.u32 s31, s7  }
.Ltmp2:
0x3c: {  	_ = 	snop;
	(pc) =	sbr.rel @p1 .LBB1_5-.Ltmp2, $1  }
0x3d: {  	_ =	sdelay $0x3  }
0x3e: {  	s17 =	simm.s32 $0x1  }
0x3f: {  	_ =	swait.ge [sflag:s6], $0x4000;
	s17 =	simm.s32 @!p0 $0x0  }
0x40: {  	[sflag:s6] =	ssyncset.done $0x0;
	s18 =	sshll.u32 s17, $0xE  }
0x41: {  	[sflag:s6] =	ssyncadd.s32 $0xFFFFC000;
	s18 =	sor.u32 $0x40, s18  }
0x42: {  	s17 =	smul.u32 $0x10200, s17;
	v0 =	vld [tilespmem:s18+$0x30]  }
0x43: {  	v1 =	vld [tilespmem:s18+$0xFFFFFFD0]  }
0x44: {  	s17 =	sshrl.u32 s17, $0x2;
	v5 =	vld [tilespmem:s18+$0xFFFFFFE0]  }
0x45: {  	v6 =	vld [tilespmem:s18+$0xFFFFFFF0];
	s20 =	sor.u32 $0x8000, s17  }
0x46: {  	s31 =	sand.u32 $0x1, s14;
	v4 =	vld [tilespmem:s18+$0x0];
	s19 =	sadd.s32 $0x0, s20  }
0x47: {  	v3 =	vld [tilespmem:s18+$0x10];
	s17 =	smul.u32 $0x10200, s31;
	[tilespmem:s19+$0x3870 ss:$0x81] =	vst.msk $0xffff, v0  }
0x48: {  	v2 =	vld [tilespmem:s18+$0x20];
	[tilespmem:s19+$0x810 ss:$0x81] =	vst.msk $0xffff, v1  }
0x49: {  	s17 =	sshrl.u32 s17, $0x2;
	v1 =	vld [tilespmem:s18+$0xFFFFFFC0];
	[tilespmem:s19+$0x1020 ss:$0x81] =	vst.msk $0xffff, v5;
	s18 =	sadd.s32 $0x80, s18  }
0x4a: {  	s21 =	simm.s32 $0x4;
	s22 =	simm.s32 $0x8;
	s17 =	sor.u32 $0x8000, s17;
	[tilespmem:s19+$0x1830 ss:$0x81] =	vst.msk $0xffff, v6;
	v0 =	vld [tilespmem:s18+$0x30]  }
.LBB1_3:
0x4b: {  	p1 =	sne.s32 s22, $0x1FC;
	v5 =	vld [tilespmem:s18+$0xFFFFFFD0];
	[tilespmem:s19+$0x2040 ss:$0x81] =	vst.msk $0xffff, v4  }
0x4c: {  	v6 =	vld [tilespmem:s18+$0xFFFFFFE0];
	[tilespmem:s19+$0x2850 ss:$0x81] =	vst.msk $0xffff, v3  }
0x4d: {  	s23 =	sshra.s32 s21, $0x2;
	s21 =	smov.u32 s22;
	v7 =	vld [tilespmem:s18+$0xFFFFFFF0];
	[tilespmem:s19+$0x3060 ss:$0x81] =	vst.msk $0xffff, v2  }
.Ltmp3:
0x4e: {  	v4 =	vld [tilespmem:s18+$0x0];
	[tilespmem:s19+$0x0 ss:$0x81] =	vst.msk $0xffff, v1;
	s19 =	sadd.s32 s23, s20;
	(pc) =	sbr.rel @p1 .LBB1_3-.Ltmp3, $4  }
0x4f: {  	v3 =	vld [tilespmem:s18+$0x10];
	[tilespmem:s19+$0x3870 ss:$0x81] =	vst.msk $0xffff, v0  }
0x50: {  	[tilespmem:s19+$0x810 ss:$0x81] =	vst.msk $0xffff, v5;
	v2 =	vld [tilespmem:s18+$0x20]  }
0x51: {  	v1 =	vld [tilespmem:s18+$0xFFFFFFC0];
	[tilespmem:s19+$0x1020 ss:$0x81] =	vst.msk $0xffff, v6;
	s18 =	sadd.s32 $0x80, s18  }
0x52: {  	s22 =	sadd.s32 $0x4, s22;
	v0 =	vld [tilespmem:s18+$0x30];
	[tilespmem:s19+$0x1830 ss:$0x81] =	vst.msk $0xffff, v7  }
.Ltmp4:
0x53: {  	_ = 	snop;
	(pc) =	sbr.rel .LBB1_4-.Ltmp4, $1  }
0x54: {  	_ =	sdelay $0x3  }
.LBB1_6:
0x55: {  	_ =	sfence.sel $0x180000  }
0x56: {  	s2 =	simm.s32 $0x1;
	[bflag:$0x0] =	sbarrier.arrive $0xFFFF  }
0x57: {  	s31 =	simm.s32 $0x2;
	[sflag:s2] =	ssyncpa.u1 $0x1  }
0x58: {  	[sflag:s31] =	ssyncpa.u1 $0x1  }
0x59: {  	p0 =	sne.s32 s0, $0x0;
	_ =	strace $0x9000004A  }
0x5a: {  	s0 =	sadd.s32 @!p0 $0x100000, s1;
	[bflag:$0x2] =	sbarrier.arrive $0xFFFF  }
0x5b: {  	[sflag:s0] =	ssyncadd.tile.s32 @!p0 $0x1;
	_ =	shalt  }
.Lfunc_end1:
_tile_overlayer_lowered:
.L_overlay_start_2:
0x5c: {  	(tag) =	ssettag $0x2  }
0x5d: {  	s0 =	rddreg [dreg:$0x0];
	s2 =	stileid.u32  }
0x5e: {  	s1 =	rddreg [dreg:$0x1];
	p0 =	sne.s32 s2, $0x0  }
0x5f: {  	s3 =	rddreg [dreg:$0x2];
	[bflag:$0x3] =	sbarrier.arrive $0xFFFF;
	s2 =	simm.s32 @!p0 $0x1C01  }
0x60: {  	[timem:s3], [sflag:s2] =	dma.local @!p0 [hbm:s0], s1  }
0x61: {  	s0 =	simm.s32 @!p0 $0x1  }
0x62: {  	_ =	swait.ge @!p0 [sflag:s0], s1  }
0x63: {  	s1 =	ssub.s32 @!p0 $0x0, s1;
	[sflag:s0] =	ssyncset.done @!p0 $0x0  }
0x64: {  	[sflag:s0] =	ssyncadd.s32 @!p0 s1  }
0x65: {  	[bflag:$0x3] =	sbarrier.arrive $0xFFFF  }
0x66: {  	_ =	shalt  }

// kernel: sparse-core-data-format-call.cloned.1.call-start
scs
called_computation_lowered:
.L_overlay_start_0:
0x0: {  	s2 =	sld [smem:$0x3FD9]  }
0x1: {  	s3 =	sld [smem:$0x3FFE];
	_ =	sdelay $0x1  }
0x2: {  	s1 =	srdreg.scid  }
0x3: {  	s0 =	sand.u32 $0x1, s1  }
0x4: {  	s18 =	sshll.u32 s0, $0xA;
	s2 =	sadd.s32 s3, s2  }
0x5: {  	s2 =	sadd.s32 s2, s18  }
0x6: {  	[smem:$0x3FC6] =	sst s2  }
0x7: {  	_ = 	snop  }
0x8: {  	s2 =	sld [smem:$0x3FD0];
	(tm) =	ssettm $0x1  }
0x9: {  	s19 =	sld [smem:$0x3FFB];
	_ =	sdelay $0x3  }
0xa: {  	_ =	strace s19  }
0xb: {  	s3 =	sld [smem:$0x3FFC];
	_ =	sdelay $0x3  }
0xc: {  	_ =	strace s3  }
0xd: {  	s3 =	sld [smem:$0x3FFD];
	_ =	sdelay $0x3  }
0xe: {  	_ =	strace s3  }
0xf: {  	_ =	strace $0x8FFFFFFF  }
0x10: {  	s20 =	sld [smem:$0x3FDB];
	_ =	sdelay $0x1  }
0x11: {  	s4 =	simm.s32 $_scs_section_size  }
0x12: {  	s5 =	simm.s32 $_size__tile_overlayer_lowered;
	s6 =	simm.s32 $_tile_overlayer_lowered  }
0x13: {  	s23 =	simm.s32 $0x1BFF;
	s22 =	sshll.u32 s6, $0x1;
	s3 =	sadd.s32 s4, s20  }
0x14: {  	s7 =	simm.s32 $0x0;
	s21 =	sshll.u32 s5, $0x1;
	s5 =	sadd.s32 s22, s3  }
0x15: {  	[timem:s7], [sflag:s23] =	dma.local [hbm:s5], s21  }
0x16: {  	_ =	swait.ge [sflag:s23], s21  }
0x17: {  	s4 =	ssub.s32 $0x0, s21;
	[sflag:s23] =	ssyncset.done $0x0  }
0x18: {  	[sflag:s23] =	ssyncadd.s32 s4;
	_ =	sdelay $0x1  }
0x19: {  	s24 =	simm.s32 $0x1B8B  }
0x1a: {  	_ =	swait.ge [sflag:s24], $0x1  }
0x1b: {  	[sflag:s24] =	ssyncset.done $0x0  }
0x1c: {  	s26 =	simm.s32 $0x1B8E;
	s25 =	sld [smem:$0x3FFE];
	[sflag:s24] =	ssyncadd.s32 $0xFFFFFFFF  }
0x1d: {  	s27 =	simm.s32 $execute0_lowered;
	[smem:$0x3FD2] =	sst s26  }
0x1e: {  	s5 =	sshll.u32 s27, $0x1;
	_ =	strace $0x8000004F;
	[dreg:$0x1] =	wrdreg $0xFFFFFFFF  }
0x1f: {  	s28 =	simm.s32 $_size_execute0_lowered;
	s3 =	sadd.s32 s3, s5;
	[dreg:$0x0] =	wrdreg $0x0  }
0x20: {  	s5 =	sshll.u32 s28, $0x1;
	[dreg:$0x2] =	wrdreg s3  }
0x21: {  	[dreg:$0x3] =	wrdreg s5  }
0x22: {  	[dreg:$0x4] =	wrdreg $0xC0  }
0x23: {  	_ =	task [dreg:s7], $0x5FFFF  }
0x24: {  	[dreg:$0x1] =	wrdreg $0xFFFFFFFF  }
0x25: {  	[dreg:$0x0] =	wrdreg $0x60  }
0x26: {  	[dreg:$0x2] =	wrdreg s25  }
0x27: {  	[dreg:$0x3] =	wrdreg s2  }
0x28: {  	[dreg:$0x4] =	wrdreg $0x9  }
0x29: {  	_ =	task.clear_ibuf [dreg:s7], $0x5FFFF;
	_ =	strace $0x9000004F  }
0x2a: {  	s29 =	simm.s32 $0x9;
	_ =	strace $0x80000051  }
0x2b: {  	_ =	swait.ge [sflag:s29], $0x1  }
0x2c: {  	[sflag:s29] =	ssyncadd.s32 $0xFFFFFFFF  }
0x2d: {  	_ =	strace $0x90000051  }
0x2e: {  	_ =	sfence  }
0x2f: {  	s30 =	sld [smem:$0x0];
	_ =	sdelay $0x2  }
0x30: {  	s31 =	sshll.u32 s1, $0xD;
	s1 =	sshrl.u32 s1, $0x2  }
0x31: {  	s3 =	sand.u32 $0x4000, s31;
	s1 =	sadd.s32 s1, s30  }
0x32: {  	s0 =	sor.u32 s3, s0;
	s1 =	sshll.u32 s1, $0x11  }
0x33: {  	s0 =	sor.u32 s1, s0  }
0x34: {  	s0 =	sadd.s32 $0x8F2B, s0  }
0x35: {  	[sflag:s0] =	ssyncadd.remote.s32 $0x1  }
0x36: {  	_ =	sfence.sel $0xFFFF  }
0x37: {  	[dreg:$0x0] =	wrdreg $0xFFFFFFFF;
	(pc) =	sbr.abs _section_cstart, $3  }
0x38: {  	[dreg:$0x1] =	wrdreg $0xFFFFFFFF  }
0x39: {  	_ =	task.clear_ibuf [dreg:s7], $0x2FFFF;
	_ =	strace $0x9FFFFFFF  }
0x3a: {  	(tm) =	ssettm $0x7FFFFFFF  }
0x3b: {  	_ =	shalt  }
tec
execute0_lowered:
.L_overlay_start_1:
0x0: {  	(tag) =	ssettag $0x1  }
0x1: {  	s6 =	rddreg [dreg:$0x0]  }
0x2: {  	s0 =	srdreg.scid;
	s2 =	rddreg [dreg:$0x1];
	s4 =	simm.s32 $0x1  }
0x3: {  	s8 =	simm.s32 $0x2;
	s18 =	simm.s32 $0x0;
	p0 =	por $0x0, $0x0  }
0x4: {  	s9 =	simm.s32 $0x9000;
	s20 =	simm.s32 $0x0;
	s1 =	sshll.u32 s0, $0x4  }
0x5: {  	s16 =	simm.s32 $0x0;
	s0 =	stileid.u32;
	s1 =	sand.u32 $0x10, s1  }
0x6: {  	s17 =	simm.s32 $0x0;
	s19 =	simm.s32 $0x0;
	s1 =	sor.u32 s0, s1  }
0x7: {  	s10 =	simm.s32 $0x0;
	s11 =	simm.s32 $0x0;
	s3 =	sshrl.u32 s1, $0x2  }
.Ltmp0:
0x8: {  	s12 =	simm.s32 $0x0;
	s5 =	ssub.s32 $0x13, s3;
	(pc) =	sbr.rel .LBB1_1-.Ltmp0, $4  }
0x9: {  	s15 =	simm.s32 $0x0;
	s7 =	sand.u32 $0x3, s0;
	s5 =	sshrl.u32 s5, $0x3  }
0xa: {  	s1 =	rddreg [dreg:$0x2];
	_ =	strace $0x80000050;
	s5 =	smul.u32 $0x48, s5  }
0xb: {  	s6 =	sadd.s32 $0x1B1000, s6;
	s14 =	smov.u32 s7;
	[sflag:s4] =	ssyncpa.u1 $0x0  }
0xc: {  	s13 =	smov.u32 s3;
	[sflag:s8] =	ssyncpa.u1 $0x0;
	s8 =	sor.u32 $0x1, s5  }
.LBB1_7:
0xd: {  	s21 =	sadd.s32 $0x80, s10  }
0xe: {  	s16 =	sadd.s32 $0x8, s11;
	s22 =	smov.u32 s11;
	p2 =	sgt.s32 s21, $0x17F  }
0xf: {  	s22 =	smov.u32 @p2 s16  }
0x10: {  	s23 =	smov.u32 s12;
	s16 =	sadd.s32 $0x10, s12;
	p3 =	sgt.s32 s22, $0x7  }
0x11: {  	s23 =	smov.u32 @p3 s16  }
0x12: {  	s24 =	smov.u32 s13;
	s16 =	sadd.s32 $0x8, s13;
	p4 =	sgt.s32 s23, $0x17F  }
0x13: {  	p1 =	slt.u32 s15, $0x2;
	s25 =	smov.u32 s14;
	s24 =	smov.u32 @p4 s16  }
0x14: {  	s18 =	smov.u32 s10;
	s16 =	sadd.s32 $0x4, s14;
	p5 =	sgt.s32 s24, $0xB  }
0x15: {  	s20 =	smov.u32 s11;
	s17 =	smov.u32 s13;
	s25 =	smov.u32 @p5 s16  }
0x16: {  	s19 =	smov.u32 s14;
	s21 =	simm.s32 @p2 $0x0;
	p2 =	sgt.s32 s25, $0x3  }
0x17: {  	s26 =	simm.s32 @!p1 $0x2;
	s25 =	smov.u32 @p2 s7;
	p2 =	sne.s32 s15, s8  }
.Ltmp1:
0x18: {  	p0 =	por !p0, !p0;
	_ =	swait.ge @!p1 [sflag:s26], $0x4000;
	(pc) =	sbr.rel @!p2 .LBB1_8-.Ltmp1, $4  }
0x19: {  	[sflag:s26] =	ssyncset.done @!p1 $0x0;
	s10 =	smov.u32 s21;
	s22 =	simm.s32 @p3 $0x0  }
0x1a: {  	[sflag:s26] =	ssyncadd.s32 @!p1 $0xFFFFC000;
	s11 =	smov.u32 s22;
	s23 =	simm.s32 @p4 $0x0  }
0x1b: {  	s24 =	smov.u32 @p5 s3;
	s16 =	smov.u32 s12;
	s12 =	smov.u32 s23  }
0x1c: {  	s13 =	smov.u32 s24;
	s15 =	sadd.s32 $0x1, s15;
	s14 =	smov.u32 s25  }
.LBB1_1:
0x1d: {  	p1 =	sge.u32 s15, s5  }
0x1e: {  	s21 =	sshrl.u32 @!p1 s11, $0x3  }
0x1f: {  	s22 =	sshll.u32 @!p1 s10, $0x3;
	s21 =	smul.u32 @!p1 $0xC00, s21  }
0x20: {  	s23 =	sshll.u32 @!p1 s11, $0x7;
	s22 =	sand.u32 @!p1 $0xFFFFFC00, s22  }
0x21: {  	s21 =	sadd.s32 @!p1 s21, s22;
	s22 =	sand.u32 @!p1 $0x380, s23  }
0x22: {  	s25 =	smul.u32 @!p1 $0x1B0000, s14;
	s23 =	sand.u32 @!p1 $0x7F, s10;
	s21 =	sor.u32 @!p1 s22, s21  }
0x23: {  	s26 =	smul.u32 @!p1 $0x24000, s13;
	s22 =	sor.u32 @!p1 s23, s21  }
0x24: {  	s23 =	smulhi.u32 @!p1 $0xAAAAAAAB, s22  }
0x25: {  	s21 =	smulhi.u32 @!p1 $0xAAAAAAAB, s21  }
0x26: {  	s31 =	sadd.s32 $0xFFFFFFFF, s15;
	s27 =	smul.u32 @!p1 $0x180, s12;
	s23 =	sshrl.u32 @!p1 s23, $0x8  }
0x27: {  	s24 =	sxor.u32 @!p1 $0xFFFFFFFF, s15;
	s21 =	sshrl.u32 @!p1 s21, $0x8;
	s23 =	smul.u32 @!p1 $0x180, s23  }
0x28: {  	s24 =	sshll.u32 @!p1 s24, $0xE;
	s25 =	sadd.s32 @!p1 s6, s25;
	s21 =	sand.u32 @!p1 $0x7, s21  }
0x29: {  	s21 =	smul.u32 @!p1 $0x30, s21;
	s22 =	ssub.s32 @!p1 s22, s23;
	s23 =	sadd.s32 @!p1 s26, s25  }
0x2a: {  	s24 =	sand.u32 @!p1 $0x4000, s24;
	s23 =	sadd.s32 @!p1 s27, s23;
	s25 =	sand.u32 @!p1 $0x7, s22  }
0x2b: {  	s22 =	sshrl.u32 @!p1 s22, $0x3;
	s21 =	sadd.s32 @!p1 s21, s23;
	s23 =	sshll.u32 @!p1 s25, $0x12  }
0x2c: {  	s21 =	sadd.s32 @!p1 s22, s21;
	s22 =	sor.u32 @!p1 $0x400, s23;
	s23 =	simm.s32 @!p1 $0xC00  }
0x2d: {  	[tilespmem:s24], [sflag:$0x1] =	stream.strided.gather @!p1 [hbm4b:s21+s22], $0x4000, s23, s22, $0x38;
	[tilespmem:$0x10000] =	vst v63  }
0x2e: {  	p1 =	sge.u32 s31, s5  }
.Ltmp2:
0x2f: {  	_ = 	snop;
	(pc) =	sbr.rel @p1 .LBB1_7-.Ltmp2, $1  }
0x30: {  	_ =	sdelay $0x3  }
0x31: {  	s21 =	simm.s32 $0x1;
	_ =	swait.ge [sflag:s4], $0x4000;
	s24 =	sshll.u32 s15, $0xE  }
0x32: {  	s21 =	simm.s32 @!p0 $0x0;
	[sflag:s4] =	ssyncset.done $0x0;
	s31 =	sand.u32 $0x4000, s24  }
0x33: {  	s24 =	simm.s32 $0x0;
	s21 =	sshll.u32 s21, $0xE;
	[sflag:s4] =	ssyncadd.s32 $0xFFFFC000  }
0x34: {  	s22 =	sor.u32 $0x8040, s21;
	s23 =	sor.u32 $0x40, s21;
	s21 =	sor.u32 $0x8000, s31  }
.LBB1_3:
0x35: {  	v1 =	vmov s23;
	_ =	sdelay $0x3  }
0x36: {  	s25 =	simm.s32 $0x0  }
0x37: {  	v7 =	vld.idx.msk [tilespmem:v1+s25+$0x30 ss:$0x1], $0xffff  }
0x38: {  	v0 =	vmov s22;
	v8 =	vld.idx.msk [tilespmem:v1+s25+$0xFFFFFFC0 ss:$0x1], $0xffff  }
0x39: {  	v6 =	vld.idx.msk [tilespmem:v1+s25+$0xFFFFFFD0 ss:$0x1], $0xffff  }
0x3a: {  	v5 =	vld.idx.msk [tilespmem:v1+s25+$0xFFFFFFE0 ss:$0x1], $0xffff  }
0x3b: {  	v4 =	vld.idx.msk [tilespmem:v1+s25+$0xFFFFFFF0 ss:$0x1], $0xffff  }
0x3c: {  	v2 =	vld.idx.msk [tilespmem:v1+s25+$0x0 ss:$0x1], $0xffff  }
0x3d: {  	v3 =	vld.idx.msk [tilespmem:v1+s25+$0x10 ss:$0x1], $0xffff;
	[tilespmem:v0+s25+$0x30 ss:$0x1] =	vst.idx.msk $0xffff, v7  }
0x3e: {  	s26 =	simm.s32 $0x80;
	s27 =	simm.s32 $0x400;
	[tilespmem:v0+s25+$0xFFFFFFC0 ss:$0x1] =	vst.idx.msk $0xffff, v8;
	v7 =	vld.idx.msk [tilespmem:v1+s25+$0x20 ss:$0x1], $0xffff  }
.LBB1_4:
0x3f: {  	p1 =	sne.s32 s27, $0xE00;
	v8 =	vld.idx.msk [tilespmem:v1+s26+$0x30 ss:$0x1], $0xffff;
	[tilespmem:v0+s25+$0xFFFFFFD0 ss:$0x1] =	vst.idx.msk $0xffff, v6  }
0x40: {  	v9 =	vld.idx.msk [tilespmem:v1+s26+$0xFFFFFFC0 ss:$0x1], $0xffff;
	[tilespmem:v0+s25+$0xFFFFFFE0 ss:$0x1] =	vst.idx.msk $0xffff, v5  }
0x41: {  	v6 =	vld.idx.msk [tilespmem:v1+s26+$0xFFFFFFD0 ss:$0x1], $0xffff;
	[tilespmem:v0+s25+$0xFFFFFFF0 ss:$0x1] =	vst.idx.msk $0xffff, v4  }
.Ltmp3:
0x42: {  	v5 =	vld.idx.msk [tilespmem:v1+s26+$0xFFFFFFE0 ss:$0x1], $0xffff;
	[tilespmem:v0+s25+$0x0 ss:$0x1] =	vst.idx.msk $0xffff, v2;
	(pc) =	sbr.rel @p1 .LBB1_4-.Ltmp3, $4  }
0x43: {  	v4 =	vld.idx.msk [tilespmem:v1+s26+$0xFFFFFFF0 ss:$0x1], $0xffff;
	[tilespmem:v0+s25+$0x10 ss:$0x1] =	vst.idx.msk $0xffff, v3  }
0x44: {  	v2 =	vld.idx.msk [tilespmem:v1+s26+$0x0 ss:$0x1], $0xffff;
	[tilespmem:v0+s25+$0x20 ss:$0x1] =	vst.idx.msk $0xffff, v7;
	s25 =	smov.u32 s26  }
0x45: {  	v3 =	vld.idx.msk [tilespmem:v1+s25+$0x10 ss:$0x1], $0xffff;
	[tilespmem:v0+s25+$0x30 ss:$0x1] =	vst.idx.msk $0xffff, v8  }
0x46: {  	s26 =	sshra.s32 s27, $0x2;
	s27 =	sadd.s32 $0x200, s27;
	[tilespmem:v0+s25+$0xFFFFFFC0 ss:$0x1] =	vst.idx.msk $0xffff, v9;
	v7 =	vld.idx.msk [tilespmem:v1+s25+$0x20 ss:$0x1], $0xffff  }
0x47: {  	_ =	sdelay $0x3  }
0x48: {  	[tilespmem:v0+s25+$0xFFFFFFD0 ss:$0x1] =	vst.idx.msk $0xffff, v6  }
0x49: {  	v56 =	vld.idx.msk [tilespmem:v1+s26+$0x30 ss:$0x1], $0xffff;
	[tilespmem:v0+s25+$0xFFFFFFE0 ss:$0x1] =	vst.idx.msk $0xffff, v5  }
0x4a: {  	v57 =	vld.idx.msk [tilespmem:v1+s26+$0xFFFFFFC0 ss:$0x1], $0xffff;
	[tilespmem:v0+s25+$0xFFFFFFF0 ss:$0x1] =	vst.idx.msk $0xffff, v4  }
0x4b: {  	v58 =	vld.idx.msk [tilespmem:v1+s26+$0xFFFFFFD0 ss:$0x1], $0xffff;
	[tilespmem:v0+s25+$0x0 ss:$0x1] =	vst.idx.msk $0xffff, v2  }
0x4c: {  	v59 =	vld.idx.msk [tilespmem:v1+s26+$0xFFFFFFE0 ss:$0x1], $0xffff;
	[tilespmem:v0+s25+$0x10 ss:$0x1] =	vst.idx.msk $0xffff, v3  }
0x4d: {  	v60 =	vld.idx.msk [tilespmem:v1+s26+$0xFFFFFFF0 ss:$0x1], $0xffff;
	[tilespmem:v0+s25+$0x20 ss:$0x1] =	vst.idx.msk $0xffff, v7  }
0x4e: {  	v61 =	vld.idx.msk [tilespmem:v1+s26+$0x0 ss:$0x1], $0xffff;
	[tilespmem:v0+s26+$0x30 ss:$0x1] =	vst.idx.msk $0xffff, v56  }
0x4f: {  	v62 =	vld.idx.msk [tilespmem:v1+s26+$0x10 ss:$0x1], $0xffff;
	s24 =	sadd.s32 $0x1, s24;
	[tilespmem:v0+s26+$0xFFFFFFC0 ss:$0x1] =	vst.idx.msk $0xffff, v57  }
0x50: {  	v63 =	vld.idx.msk [tilespmem:v1+s26+$0x20 ss:$0x1], $0xffff;
	p1 =	sne.s32 s24, $0x10;
	[tilespmem:v0+s26+$0xFFFFFFD0 ss:$0x1] =	vst.idx.msk $0xffff, v58  }
.Ltmp4:
0x51: {  	[tilespmem:v0+s26+$0xFFFFFFE0 ss:$0x1] =	vst.idx.msk $0xffff, v59;
	(pc) =	sbr.rel @p1 .LBB1_3-.Ltmp4, $4  }
0x52: {  	[tilespmem:v0+s26+$0xFFFFFFF0 ss:$0x1] =	vst.idx.msk $0xffff, v60  }
0x53: {  	[tilespmem:v0+s26+$0x0 ss:$0x1] =	vst.idx.msk $0xffff, v61  }
0x54: {  	[tilespmem:v0+s26+$0x10 ss:$0x1] =	vst.idx.msk $0xffff, v62  }
0x55: {  	s22 =	sadd.s32 $0x400, s22;
	s23 =	sadd.s32 $0x400, s23;
	[tilespmem:v0+s26+$0x20 ss:$0x1] =	vst.idx.msk $0xffff, v63  }
0x56: {  	s22 =	sshrl.u32 s20, $0x3  }
0x57: {  	s23 =	sshll.u32 s18, $0x3;
	s22 =	smul.u32 $0xC00, s22  }
0x58: {  	s28 =	sshll.u32 s20, $0x7;
	s23 =	sand.u32 $0xFFFFFC00, s23  }
0x59: {  	s20 =	sand.u32 $0x380, s28;
	s22 =	sadd.s32 s22, s23  }
0x5a: {  	s29 =	sand.u32 $0x7F, s18;
	s19 =	smul.u32 $0x1B0000, s19;
	s20 =	sor.u32 s20, s22  }
0x5b: {  	s18 =	sor.u32 s29, s20;
	s20 =	smulhi.u32 $0xAAAAAAAB, s20  }
0x5c: {  	s30 =	smulhi.u32 $0xAAAAAAAB, s18  }
0x5d: {  	s17 =	smul.u32 $0x180, s17  }
0x5e: {  	s16 =	smul.u32 $0x1200, s16;
	s20 =	sshrl.u32 s20, $0x8;
	s22 =	sshrl.u32 s30, $0x8  }
0x5f: {  	s20 =	sand.u32 $0x7, s20;
	s22 =	smul.u32 $0x180, s22  }
0x60: {  	s19 =	sadd.s32 s2, s19;
	s20 =	smul.u32 $0x30, s20  }
.Ltmp5:
0x61: {  	s17 =	sadd.s32 s17, s19;
	s18 =	ssub.s32 s18, s22;
	(pc) =	sbr.rel .LBB1_7-.Ltmp5, $4  }
0x62: {  	s16 =	sadd.s32 s16, s17;
	s31 =	sand.u32 $0x7, s18  }
0x63: {  	s16 =	sadd.s32 s20, s16;
	s18 =	sshrl.u32 s18, $0x3;
	s17 =	sshll.u32 s31, $0x12  }
0x64: {  	s16 =	sadd.s32 s18, s16;
	s17 =	sor.u32 $0x400, s17  }
0x65: {  	[hbm4b:s16+s17] =	stream.strided.scatter [tilespmem:s21], [sflag:$0x2], $0x4000, s9, s17, $0x38;
	[tilespmem:$0x10000] =	vst v63  }
.LBB1_8:
0x66: {  	_ =	sfence.sel $0x180000  }
0x67: {  	s2 =	simm.s32 $0x1;
	[bflag:$0x0] =	sbarrier.arrive $0xFFFF  }
0x68: {  	s31 =	simm.s32 $0x2;
	[sflag:s2] =	ssyncpa.u1 $0x1  }
0x69: {  	[sflag:s31] =	ssyncpa.u1 $0x1  }
0x6a: {  	p0 =	sne.s32 s0, $0x0;
	_ =	strace $0x90000050  }
0x6b: {  	s0 =	sadd.s32 @!p0 $0x100000, s1;
	[bflag:$0x2] =	sbarrier.arrive $0xFFFF  }
0x6c: {  	[sflag:s0] =	ssyncadd.tile.s32 @!p0 $0x1;
	_ =	shalt  }
.Lfunc_end1:
_tile_overlayer_lowered:
.L_overlay_start_2:
0x6d: {  	(tag) =	ssettag $0x2  }
0x6e: {  	s0 =	rddreg [dreg:$0x0];
	s2 =	stileid.u32  }
0x6f: {  	s1 =	rddreg [dreg:$0x1];
	p0 =	sne.s32 s2, $0x0  }
0x70: {  	s3 =	rddreg [dreg:$0x2];
	[bflag:$0x3] =	sbarrier.arrive $0xFFFF;
	s2 =	simm.s32 @!p0 $0x1C01  }
0x71: {  	[timem:s3], [sflag:s2] =	dma.local @!p0 [hbm:s0], s1  }
0x72: {  	s0 =	simm.s32 @!p0 $0x1  }
0x73: {  	_ =	swait.ge @!p0 [sflag:s0], s1  }
0x74: {  	s1 =	ssub.s32 @!p0 $0x0, s1;
	[sflag:s0] =	ssyncset.done @!p0 $0x0  }
0x75: {  	[sflag:s0] =	ssyncadd.s32 @!p0 s1  }
0x76: {  	[bflag:$0x3] =	sbarrier.arrive $0xFFFF  }
0x77: {  	_ =	shalt  }

</sc_bundles>
